<compile_context>
chip_gen: v7x
topology: tpu7x:2x2x1
jax: 0.10.2.dev20260603
libtpu: 0.0.44.dev20260713+nightly
codegen_flags: <defaults>
</compile_context>

<pallas_src>
import functools

import jax
import jax.numpy as jnp
from jax import lax
from jax.experimental import pallas as pl
from jax.experimental.pallas import tpu as pltpu
from jax.experimental.pallas import tpu_sc as plsc

_NC = 2
_NS = 16
_L = 16
_NW = _NC * _NS


@functools.lru_cache(maxsize=None)
def _build(P, H, W, C):
    PW = P // _NW
    n_chunks = PW // C
    mesh = plsc.VectorSubcoreMesh(
        core_axis_name="c", subcore_axis_name="s",
        num_cores=_NC, num_subcores=_NS)

    vmem_f = lambda n: pltpu.VMEM((n,), jnp.float32)
    vmem_i = lambda n: pltpu.VMEM((n,), jnp.int32)

    @functools.partial(
        pl.kernel,
        out_type=jax.ShapeDtypeStruct((P,), jnp.float32),
        mesh=mesh,
        scratch_types=[
            [[vmem_f(C), vmem_f(C)]] * 2,
            [vmem_i(4 * C)] * 2,
            [vmem_f(4 * C)] * 2,
            [vmem_f(C)] * 2,
            [vmem_f(C)] * 2,
            [vmem_f(C)] * 2,
            [pltpu.SemaphoreType.DMA] * 2,
            [pltpu.SemaphoreType.DMA] * 2,
            [pltpu.SemaphoreType.DMA] * 2,
        ],
    )
    def grid_sample(xy_hbm, g_hbm, out_hbm, xyv, idxv, valv, wxv, wyv,
                    outv, sx, sg, so):
        wid = lax.axis_index("s") * _NC + lax.axis_index("c")
        base0 = wid * PW
        fw = jnp.float32(W - 1)
        fh = jnp.float32(H - 1)
        lane = lax.iota(jnp.int32, _L)

        def _vperm(v, idx):
            dn = lax.GatherDimensionNumbers(
                offset_dims=(), collapsed_slice_dims=(0,),
                start_index_map=(0,))
            return lax.gather(v, idx[:, None], dn, slice_sizes=(1,),
                              mode=lax.GatherScatterMode.PROMISE_IN_BOUNDS)

        def start_load(k, b):
            base = base0 + k * C
            a = pltpu.async_copy(xy_hbm.at[0, pl.ds(base, C)], xyv[b][0],
                                 sx[b])
            c = pltpu.async_copy(xy_hbm.at[1, pl.ds(base, C)], xyv[b][1],
                                 sx[b])
            return (a, c)

        def compute_idx(b):
            @pl.loop(0, C // _L)
            def _indices(j):
                o = j * _L
                xf = xyv[b][0][pl.ds(o, _L)] * fw
                yf = xyv[b][1][pl.ds(o, _L)] * fh
                x0 = jnp.clip(xf.astype(jnp.int32), 0, W - 1)
                y0 = jnp.clip(yf.astype(jnp.int32), 0, H - 1)
                wxv[b][pl.ds(o, _L)] = xf - x0.astype(jnp.float32)
                wyv[b][pl.ds(o, _L)] = yf - y0.astype(jnp.float32)
                x1 = jnp.minimum(x0 + 1, W - 1)
                r0 = y0 * W
                r1 = jnp.minimum(y0 + 1, H - 1) * W
                corner = [r0 + x0, r0 + x1, r1 + x0, r1 + x1]
                psel = lane >> 2
                csel = lane & 3
                for q in range(4):
                    g = [_vperm(cv, psel + 4 * q) for cv in corner]
                    quad = jnp.where(
                        csel == 0, g[0],
                        jnp.where(csel == 1, g[1],
                                  jnp.where(csel == 2, g[2], g[3])))
                    idxv[b][pl.ds(4 * o + q * _L, _L)] = quad

        def start_gather(b):
            return pltpu.async_copy(g_hbm.at[idxv[b]], valv[b], sg[b])

        def blend(b):
            @pl.loop(0, C // _L)
            def _blend(j):
                o = j * _L
                quads = [valv[b][pl.ds(4 * o + q * _L, _L)] for q in range(4)]
                csel = lane & 3
                v = []
                for c in range(4):
                    g = [_vperm(qv, csel * 4 + c) for qv in quads]
                    v.append(jnp.where(
                        lane < 4, g[0],
                        jnp.where(lane < 8, g[1],
                                  jnp.where(lane < 12, g[2], g[3]))))
                wx = wxv[b][pl.ds(o, _L)]
                wy = wyv[b][pl.ds(o, _L)]
                top = v[0] + wx * (v[1] - v[0])
                bot = v[2] + wx * (v[3] - v[2])
                outv[b][pl.ds(o, _L)] = top + wy * (bot - top)

        def start_store(k, b):
            base = base0 + k * C
            return pltpu.async_copy(outv[b], out_hbm.at[pl.ds(base, C)],
                                    so[b])

        loads = [None] * n_chunks
        gathers = [None] * n_chunks
        store_desc = [None, None]
        loads[0] = start_load(0, 0)
        for k in range(n_chunks):
            b = k % 2
            for d in loads[k]:
                d.wait()
            if k + 1 < n_chunks:
                loads[k + 1] = start_load(k + 1, 1 - b)
            compute_idx(b)
            if k >= 1:
                gathers[k - 1].wait()
            gathers[k] = start_gather(b)
            if k >= 1:
                if store_desc[1 - b] is not None:
                    store_desc[1 - b].wait()
                blend(1 - b)
                store_desc[1 - b] = start_store(k - 1, 1 - b)
        bl = (n_chunks - 1) % 2
        gathers[n_chunks - 1].wait()
        if store_desc[bl] is not None:
            store_desc[bl].wait()
        blend(bl)
        start_store(n_chunks - 1, bl).wait()
        if store_desc[1 - bl] is not None:
            store_desc[1 - bl].wait()

    return grid_sample


def kernel(xy, grid):
    P = xy.shape[0]
    H, W = grid.shape[-2], grid.shape[-1]
    return _build(P, H, W, 4096)(xy.T, grid.reshape(-1))

# --- scband reference (transcript-rebuilt; emitter-appended) ---
"""Pipeline reference for scband-grid2-d-69423851372723 (READ-ONLY COPY).

The authoritative reference and input builder live on the scoring server;
editing this copy changes nothing except your own understanding.
"""

import jax, jax.numpy as jnp
import numpy as np

H, W = 2048, 2048
XY_MIN = jnp.array([0.0, 0.0], dtype=jnp.float32)
XY_MAX = jnp.array([1.0, 1.0], dtype=jnp.float32)


def setup_inputs(seed: int = 0) -> dict:
    key = jax.random.key(seed)
    k1, k2 = jax.random.split(key)
    xy = jax.random.uniform(k1, (1048576, 2), dtype=jnp.float32)
    grid = jax.random.normal(k2, (1, 1, H, W), dtype=jnp.float32)
    return {"xy": xy, "grid": grid}


def _grid_sample(grid, coords):
    # grid: [1, 1, H, W]; coords: [P, 2] normalized to [-1, 1]
    # bilinear, align_corners=True (DVGO-style grid_sample helper)
    g = grid[0, 0]
    H_, W_ = g.shape
    x = (coords[:, 0] + 1.0) * 0.5 * (W_ - 1)
    y = (coords[:, 1] + 1.0) * 0.5 * (H_ - 1)
    x0 = jnp.floor(x)
    y0 = jnp.floor(y)
    wx = x - x0
    wy = y - y0
    x0i = jnp.clip(x0.astype(jnp.int32), 0, W_ - 1)
    x1i = jnp.clip(x0i + 1, 0, W_ - 1)
    y0i = jnp.clip(y0.astype(jnp.int32), 0, H_ - 1)
    y1i = jnp.clip(y0i + 1, 0, H_ - 1)
    v00 = g[y0i, x0i]
    v01 = g[y0i, x1i]
    v10 = g[y1i, x0i]
    v11 = g[y1i, x1i]
    out = (v00 * (1.0 - wx) * (1.0 - wy)
           + v01 * wx * (1.0 - wy)
           + v10 * (1.0 - wx) * wy
           + v11 * wx * wy)
    return out


def reference(xy, grid):
    shape = xy.shape[:-1]
    xy_f = xy.reshape(-1, 2)
    ind_norm = (xy_f - XY_MIN) / (XY_MAX - XY_MIN) * 2.0 - 1.0
    out = _grid_sample(grid, ind_norm)
    out = out.reshape(*shape)
    return out

if __name__ == "__main__":
    import jax
    _d = setup_inputs()
    print(jax.jit(kernel)(*tuple(_d.values())))

</pallas_src>

<mosaic_0001>
#map = affine_map<(d0, d1) -> (0, 0)>
#map1 = affine_map<(d0, d1) -> (0)>
module attributes {stable_mosaic.version = 14 : i64} {
  func.func @grid_sample(%arg0: i32, %arg1: i32, %arg2: memref<2x1048576xf32, #tpu.memory_space<hbm>>, %arg3: memref<4194304xf32, #tpu.memory_space<hbm>>, %arg4: memref<1048576xf32, #tpu.memory_space<hbm>>, %arg5: memref<4096xf32, #tpu.memory_space<vmem>>, %arg6: memref<4096xf32, #tpu.memory_space<vmem>>, %arg7: memref<4096xf32, #tpu.memory_space<vmem>>, %arg8: memref<4096xf32, #tpu.memory_space<vmem>>, %arg9: memref<16384xi32, #tpu.memory_space<vmem>>, %arg10: memref<16384xi32, #tpu.memory_space<vmem>>, %arg11: memref<16384xf32, #tpu.memory_space<vmem>>, %arg12: memref<16384xf32, #tpu.memory_space<vmem>>, %arg13: memref<4096xf32, #tpu.memory_space<vmem>>, %arg14: memref<4096xf32, #tpu.memory_space<vmem>>, %arg15: memref<4096xf32, #tpu.memory_space<vmem>>, %arg16: memref<4096xf32, #tpu.memory_space<vmem>>, %arg17: memref<4096xf32, #tpu.memory_space<vmem>>, %arg18: memref<4096xf32, #tpu.memory_space<vmem>>, %arg19: memref<!tpu.dma_semaphore, #tpu.memory_space<semaphore_mem>>, %arg20: memref<!tpu.dma_semaphore, #tpu.memory_space<semaphore_mem>>, %arg21: memref<!tpu.dma_semaphore, #tpu.memory_space<semaphore_mem>>, %arg22: memref<!tpu.dma_semaphore, #tpu.memory_space<semaphore_mem>>, %arg23: memref<!tpu.dma_semaphore, #tpu.memory_space<semaphore_mem>>, %arg24: memref<!tpu.dma_semaphore, #tpu.memory_space<semaphore_mem>>) attributes {dimension_semantics = [#tpu.dimension_semantics<core_parallel>, #tpu.dimension_semantics<subcore_parallel>], iteration_bounds = array<i64: 2, 16>, scalar_prefetch = 0 : i64, scratch_operands = 20 : i64, tpu.core_type = #tpu.core_type<sc_vector_subcore>, window_params = [{transform_indices = #map}, {transform_indices = #map1}, {transform_indices = #map1}]} {
    %mul3A = arith.constant 2 : i32
    %mul3A_0 = arith.muli %arg1, %mul3A : i32
    %add3A = arith.addi %mul3A_0, %arg0 : i32
    %mul3A_1 = arith.constant 32768 : i32
    %mul3A_2 = arith.muli %add3A, %mul3A_1 : i32
    %iota3A = tpu.iota {dimensions = array<i32: 0>} : vector<16xi32>
    %add3A_3 = arith.constant 0 : i32
    %add3A_4 = arith.addi %mul3A_2, %add3A_3 : i32
    %dma_start3A = arith.constant 0 : i32
    %dma_start3A_5 = tpu.memref_slice %arg2[%dma_start3A, %add3A_4] : memref<2x1048576xf32, #tpu.memory_space<hbm>> -> memref<1x4096xf32, #tpu.memory_space<hbm>>
    %dma_start3A_6 = tpu.memref_squeeze %dma_start3A_5 : memref<1x4096xf32, #tpu.memory_space<hbm>> -> memref<4096xf32, #tpu.memory_space<hbm>>
    %dma_start3A_7 = tpu.memref_slice %arg2[%dma_start3A, %add3A_4] : memref<2x1048576xf32, #tpu.memory_space<hbm>> -> memref<1x4096xf32, #tpu.memory_space<hbm>>
    %dma_start3A_8 = tpu.memref_squeeze %dma_start3A_7 : memref<1x4096xf32, #tpu.memory_space<hbm>> -> memref<4096xf32, #tpu.memory_space<hbm>>
    tpu.enqueue_dma source(%dma_start3A_8 : memref<4096xf32, #tpu.memory_space<hbm>>) target(%arg5 : memref<4096xf32, #tpu.memory_space<vmem>>) target_semaphore(%arg19 : memref<!tpu.dma_semaphore, #tpu.memory_space<semaphore_mem>>)
    %dma_start3A_9 = arith.constant 1 : i32
    %dma_start3A_10 = tpu.memref_slice %arg2[%dma_start3A_9, %add3A_4] : memref<2x1048576xf32, #tpu.memory_space<hbm>> -> memref<1x4096xf32, #tpu.memory_space<hbm>>
    %dma_start3A_11 = tpu.memref_squeeze %dma_start3A_10 : memref<1x4096xf32, #tpu.memory_space<hbm>> -> memref<4096xf32, #tpu.memory_space<hbm>>
    %dma_start3A_12 = tpu.memref_slice %arg2[%dma_start3A_9, %add3A_4] : memref<2x1048576xf32, #tpu.memory_space<hbm>> -> memref<1x4096xf32, #tpu.memory_space<hbm>>
    %dma_start3A_13 = tpu.memref_squeeze %dma_start3A_12 : memref<1x4096xf32, #tpu.memory_space<hbm>> -> memref<4096xf32, #tpu.memory_space<hbm>>
    tpu.enqueue_dma source(%dma_start3A_13 : memref<4096xf32, #tpu.memory_space<hbm>>) target(%arg6 : memref<4096xf32, #tpu.memory_space<vmem>>) target_semaphore(%arg19 : memref<!tpu.dma_semaphore, #tpu.memory_space<semaphore_mem>>)
    %dma_wait3A = arith.constant 0 : i32
    %dma_wait3A_14 = tpu.memref_slice %arg2[%dma_wait3A, %add3A_4] : memref<2x1048576xf32, #tpu.memory_space<hbm>> -> memref<1x4096xf32, #tpu.memory_space<hbm>>
    %dma_wait3A_15 = tpu.memref_squeeze %dma_wait3A_14 : memref<1x4096xf32, #tpu.memory_space<hbm>> -> memref<4096xf32, #tpu.memory_space<hbm>>
    %dma_wait3A_16 = tpu.memref_slice %arg2[%dma_wait3A, %add3A_4] : memref<2x1048576xf32, #tpu.memory_space<hbm>> -> memref<1x4096xf32, #tpu.memory_space<hbm>>
    %dma_wait3A_17 = tpu.memref_squeeze %dma_wait3A_16 : memref<1x4096xf32, #tpu.memory_space<hbm>> -> memref<4096xf32, #tpu.memory_space<hbm>>
    tpu.wait_dma2 semaphore(%arg19 : memref<!tpu.dma_semaphore, #tpu.memory_space<semaphore_mem>>) src(%dma_wait3A_17 : memref<4096xf32, #tpu.memory_space<hbm>>) dst(%arg5 : memref<4096xf32, #tpu.memory_space<vmem>>)
    %dma_wait3A_18 = arith.constant 1 : i32
    %dma_wait3A_19 = tpu.memref_slice %arg2[%dma_wait3A_18, %add3A_4] : memref<2x1048576xf32, #tpu.memory_space<hbm>> -> memref<1x4096xf32, #tpu.memory_space<hbm>>
    %dma_wait3A_20 = tpu.memref_squeeze %dma_wait3A_19 : memref<1x4096xf32, #tpu.memory_space<hbm>> -> memref<4096xf32, #tpu.memory_space<hbm>>
    %dma_wait3A_21 = tpu.memref_slice %arg2[%dma_wait3A_18, %add3A_4] : memref<2x1048576xf32, #tpu.memory_space<hbm>> -> memref<1x4096xf32, #tpu.memory_space<hbm>>
    %dma_wait3A_22 = tpu.memref_squeeze %dma_wait3A_21 : memref<1x4096xf32, #tpu.memory_space<hbm>> -> memref<4096xf32, #tpu.memory_space<hbm>>
    tpu.wait_dma2 semaphore(%arg19 : memref<!tpu.dma_semaphore, #tpu.memory_space<semaphore_mem>>) src(%dma_wait3A_22 : memref<4096xf32, #tpu.memory_space<hbm>>) dst(%arg6 : memref<4096xf32, #tpu.memory_space<vmem>>)
    %add3A_23 = arith.constant 4096 : i32
    %add3A_24 = arith.addi %mul3A_2, %add3A_23 : i32
    %dma_start3A_25 = arith.constant 0 : i32
    %dma_start3A_26 = tpu.memref_slice %arg2[%dma_start3A_25, %add3A_24] : memref<2x1048576xf32, #tpu.memory_space<hbm>> -> memref<1x4096xf32, #tpu.memory_space<hbm>>
    %dma_start3A_27 = tpu.memref_squeeze %dma_start3A_26 : memref<1x4096xf32, #tpu.memory_space<hbm>> -> memref<4096xf32, #tpu.memory_space<hbm>>
    %dma_start3A_28 = tpu.memref_slice %arg2[%dma_start3A_25, %add3A_24] : memref<2x1048576xf32, #tpu.memory_space<hbm>> -> memref<1x4096xf32, #tpu.memory_space<hbm>>
    %dma_start3A_29 = tpu.memref_squeeze %dma_start3A_28 : memref<1x4096xf32, #tpu.memory_space<hbm>> -> memref<4096xf32, #tpu.memory_space<hbm>>
    tpu.enqueue_dma source(%dma_start3A_29 : memref<4096xf32, #tpu.memory_space<hbm>>) target(%arg7 : memref<4096xf32, #tpu.memory_space<vmem>>) target_semaphore(%arg20 : memref<!tpu.dma_semaphore, #tpu.memory_space<semaphore_mem>>)
    %dma_start3A_30 = arith.constant 1 : i32
    %dma_start3A_31 = tpu.memref_slice %arg2[%dma_start3A_30, %add3A_24] : memref<2x1048576xf32, #tpu.memory_space<hbm>> -> memref<1x4096xf32, #tpu.memory_space<hbm>>
    %dma_start3A_32 = tpu.memref_squeeze %dma_start3A_31 : memref<1x4096xf32, #tpu.memory_space<hbm>> -> memref<4096xf32, #tpu.memory_space<hbm>>
    %dma_start3A_33 = tpu.memref_slice %arg2[%dma_start3A_30, %add3A_24] : memref<2x1048576xf32, #tpu.memory_space<hbm>> -> memref<1x4096xf32, #tpu.memory_space<hbm>>
    %dma_start3A_34 = tpu.memref_squeeze %dma_start3A_33 : memref<1x4096xf32, #tpu.memory_space<hbm>> -> memref<4096xf32, #tpu.memory_space<hbm>>
    tpu.enqueue_dma source(%dma_start3A_34 : memref<4096xf32, #tpu.memory_space<hbm>>) target(%arg8 : memref<4096xf32, #tpu.memory_space<vmem>>) target_semaphore(%arg20 : memref<!tpu.dma_semaphore, #tpu.memory_space<semaphore_mem>>)
    %scan3A = arith.constant 2.047000e+03 : f32
    %scan3A_35 = arith.constant 2.047000e+03 : f32
    %scan3A_36 = arith.constant 0 : i32
    %scan3A_37 = arith.constant 256 : i32
    %scan3A_38 = arith.addi %scan3A_36, %scan3A_37 : i32
    %scan3A_39 = arith.constant 1 : i32
    scf.for %scan3A_352 = %scan3A_36 to %scan3A_38 step %scan3A_39  : i32 {
      %mul3A_353 = arith.constant 1 : i32
      %mul3A_354 = arith.muli %scan3A_352, %mul3A_353 : i32
      %add3A_355 = arith.constant 0 : i32
      %add3A_356 = arith.addi %add3A_355, %mul3A_354 : i32
      %mul3A_357 = arith.constant 16 : i32
      %mul3A_358 = arith.muli %add3A_356, %mul3A_357 : i32
      %get3A = arith.index_cast %mul3A_358 : i32 to index
      %get3A_359 = tpu.vector_load %arg5[%get3A] {strides = array<i32>} : memref<4096xf32, #tpu.memory_space<vmem>>, vector<16xf32>,
      %get3A_360 = vector.shape_cast %get3A_359 : vector<16xf32> to vector<16xf32>
      %mul3A_361 = vector.broadcast %scan3A : f32 to vector<16xf32>
      %mul3A_362 = arith.mulf %get3A_360, %mul3A_361 : vector<16xf32>
      %get3A_363 = arith.index_cast %mul3A_358 : i32 to index
      %get3A_364 = tpu.vector_load %arg6[%get3A_363] {strides = array<i32>} : memref<4096xf32, #tpu.memory_space<vmem>>, vector<16xf32>,
      %get3A_365 = vector.shape_cast %get3A_364 : vector<16xf32> to vector<16xf32>
      %mul3A_366 = vector.broadcast %scan3A_35 : f32 to vector<16xf32>
      %mul3A_367 = arith.mulf %get3A_365, %mul3A_366 : vector<16xf32>
      %convert_element_type3A = arith.fptosi %mul3A_362 : vector<16xf32> to vector<16xi32>
      %jit3A = arith.constant 0 : i32
      %jit3A_368 = arith.constant 2047 : i32
      %max3A = vector.broadcast %jit3A : i32 to vector<16xi32>
      %max3A_369 = arith.maxsi %max3A, %convert_element_type3A : vector<16xi32>
      %min3A = vector.broadcast %jit3A_368 : i32 to vector<16xi32>
      %min3A_370 = arith.minsi %min3A, %max3A_369 : vector<16xi32>
      %convert_element_type3A_371 = arith.fptosi %mul3A_367 : vector<16xf32> to vector<16xi32>
      %jit3A_372 = arith.constant 0 : i32
      %jit3A_373 = arith.constant 2047 : i32
      %max3A_374 = vector.broadcast %jit3A_372 : i32 to vector<16xi32>
      %max3A_375 = arith.maxsi %max3A_374, %convert_element_type3A_371 : vector<16xi32>
      %min3A_376 = vector.broadcast %jit3A_373 : i32 to vector<16xi32>
      %min3A_377 = arith.minsi %min3A_376, %max3A_375 : vector<16xi32>
      %convert_element_type3A_378 = arith.sitofp %min3A_370 : vector<16xi32> to vector<16xf32>
      %sub3A = arith.subf %mul3A_362, %convert_element_type3A_378 : vector<16xf32>
      %swap3A = arith.index_cast %mul3A_358 : i32 to index
      %swap3A_379 = tpu.vector_load %arg13[%swap3A] {strides = array<i32>} : memref<4096xf32, #tpu.memory_space<vmem>>, vector<16xf32>,
      %swap3A_380 = vector.shape_cast %swap3A_379 : vector<16xf32> to vector<16xf32>
      %swap3A_381 = vector.shape_cast %sub3A : vector<16xf32> to vector<16xf32>
      tpu.vector_store %arg13[%swap3A], %swap3A_381 {strides = array<i32>} : memref<4096xf32, #tpu.memory_space<vmem>>, vector<16xf32>,
      %convert_element_type3A_382 = arith.sitofp %min3A_377 : vector<16xi32> to vector<16xf32>
      %sub3A_383 = arith.subf %mul3A_367, %convert_element_type3A_382 : vector<16xf32>
      %swap3A_384 = arith.index_cast %mul3A_358 : i32 to index
      %swap3A_385 = tpu.vector_load %arg15[%swap3A_384] {strides = array<i32>} : memref<4096xf32, #tpu.memory_space<vmem>>, vector<16xf32>,
      %swap3A_386 = vector.shape_cast %swap3A_385 : vector<16xf32> to vector<16xf32>
      %swap3A_387 = vector.shape_cast %sub3A_383 : vector<16xf32> to vector<16xf32>
      tpu.vector_store %arg15[%swap3A_384], %swap3A_387 {strides = array<i32>} : memref<4096xf32, #tpu.memory_space<vmem>>, vector<16xf32>,
      %add3A_388 = arith.constant 1 : i32
      %add3A_389 = vector.broadcast %add3A_388 : i32 to vector<16xi32>
      %add3A_390 = arith.addi %min3A_370, %add3A_389 : vector<16xi32>
      %min3A_391 = arith.constant 2047 : i32
      %min3A_392 = vector.broadcast %min3A_391 : i32 to vector<16xi32>
      %min3A_393 = arith.minsi %add3A_390, %min3A_392 : vector<16xi32>
      %mul3A_394 = arith.constant 2048 : i32
      %mul3A_395 = vector.broadcast %mul3A_394 : i32 to vector<16xi32>
      %mul3A_396 = arith.muli %min3A_377, %mul3A_395 : vector<16xi32>
      %add3A_397 = arith.constant 1 : i32
      %add3A_398 = vector.broadcast %add3A_397 : i32 to vector<16xi32>
      %add3A_399 = arith.addi %min3A_377, %add3A_398 : vector<16xi32>
      %min3A_400 = arith.constant 2047 : i32
      %min3A_401 = vector.broadcast %min3A_400 : i32 to vector<16xi32>
      %min3A_402 = arith.minsi %add3A_399, %min3A_401 : vector<16xi32>
      %mul3A_403 = arith.constant 2048 : i32
      %mul3A_404 = vector.broadcast %mul3A_403 : i32 to vector<16xi32>
      %mul3A_405 = arith.muli %min3A_402, %mul3A_404 : vector<16xi32>
      %add3A_406 = arith.addi %mul3A_396, %min3A_370 : vector<16xi32>
      %add3A_407 = arith.addi %mul3A_396, %min3A_393 : vector<16xi32>
      %add3A_408 = arith.addi %mul3A_405, %min3A_370 : vector<16xi32>
      %add3A_409 = arith.addi %mul3A_405, %min3A_393 : vector<16xi32>
      %shift_right_arithmetic3A = arith.constant 2 : i32
      %shift_right_arithmetic3A_410 = vector.broadcast %shift_right_arithmetic3A : i32 to vector<16xi32>
      %shift_right_arithmetic3A_411 = arith.shrsi %iota3A, %shift_right_arithmetic3A_410 : vector<16xi32>
      %and3A = arith.constant 3 : i32
      %and3A_412 = vector.broadcast %and3A : i32 to vector<16xi32>
      %and3A_413 = arith.andi %iota3A, %and3A_412 : vector<16xi32>
      %add3A_414 = arith.constant 0 : i32
      %add3A_415 = vector.broadcast %add3A_414 : i32 to vector<16xi32>
      %add3A_416 = arith.addi %shift_right_arithmetic3A_411, %add3A_415 : vector<16xi32>
      %broadcast_in_dim3A = vector.shape_cast %add3A_416 : vector<16xi32> to vector<16x1xi32>
      %gather3A = vector.shape_cast %broadcast_in_dim3A : vector<16x1xi32> to vector<16xi32>
      %gather3A_417 = tpu.dynamic_gather %add3A_406[%gather3A] in [0] : vector<16xi32>, vector<16xi32> -> vector<16xi32>
      %add3A_418 = arith.constant 0 : i32
      %add3A_419 = vector.broadcast %add3A_418 : i32 to vector<16xi32>
      %add3A_420 = arith.addi %shift_right_arithmetic3A_411, %add3A_419 : vector<16xi32>
      %broadcast_in_dim3A_421 = vector.shape_cast %add3A_420 : vector<16xi32> to vector<16x1xi32>
      %gather3A_422 = vector.shape_cast %broadcast_in_dim3A_421 : vector<16x1xi32> to vector<16xi32>
      %gather3A_423 = tpu.dynamic_gather %add3A_407[%gather3A_422] in [0] : vector<16xi32>, vector<16xi32> -> vector<16xi32>
      %add3A_424 = arith.constant 0 : i32
      %add3A_425 = vector.broadcast %add3A_424 : i32 to vector<16xi32>
      %add3A_426 = arith.addi %shift_right_arithmetic3A_411, %add3A_425 : vector<16xi32>
      %broadcast_in_dim3A_427 = vector.shape_cast %add3A_426 : vector<16xi32> to vector<16x1xi32>
      %gather3A_428 = vector.shape_cast %broadcast_in_dim3A_427 : vector<16x1xi32> to vector<16xi32>
      %gather3A_429 = tpu.dynamic_gather %add3A_408[%gather3A_428] in [0] : vector<16xi32>, vector<16xi32> -> vector<16xi32>
      %add3A_430 = arith.constant 0 : i32
      %add3A_431 = vector.broadcast %add3A_430 : i32 to vector<16xi32>
      %add3A_432 = arith.addi %shift_right_arithmetic3A_411, %add3A_431 : vector<16xi32>
      %broadcast_in_dim3A_433 = vector.shape_cast %add3A_432 : vector<16xi32> to vector<16x1xi32>
      %gather3A_434 = vector.shape_cast %broadcast_in_dim3A_433 : vector<16x1xi32> to vector<16xi32>
      %gather3A_435 = tpu.dynamic_gather %add3A_409[%gather3A_434] in [0] : vector<16xi32>, vector<16xi32> -> vector<16xi32>
      %eq3A = arith.constant 0 : i32
      %eq3A_436 = vector.broadcast %eq3A : i32 to vector<16xi32>
      %eq3A_437 = arith.cmpi eq, %and3A_413, %eq3A_436 : vector<16xi32>
      %eq3A_438 = arith.constant 1 : i32
      %eq3A_439 = vector.broadcast %eq3A_438 : i32 to vector<16xi32>
      %eq3A_440 = arith.cmpi eq, %and3A_413, %eq3A_439 : vector<16xi32>
      %eq3A_441 = arith.constant 2 : i32
      %eq3A_442 = vector.broadcast %eq3A_441 : i32 to vector<16xi32>
      %eq3A_443 = arith.cmpi eq, %and3A_413, %eq3A_442 : vector<16xi32>
      %select_n3A = arith.select %eq3A_443, %gather3A_429, %gather3A_435 : vector<16xi1>, vector<16xi32>
      %select_n3A_444 = arith.select %eq3A_440, %gather3A_423, %select_n3A : vector<16xi1>, vector<16xi32>
      %select_n3A_445 = arith.select %eq3A_437, %gather3A_417, %select_n3A_444 : vector<16xi1>, vector<16xi32>
      %mul3A_446 = arith.constant 4 : i32
      %mul3A_447 = arith.muli %mul3A_446, %mul3A_358 : i32
      %add3A_448 = arith.constant 0 : i32
      %add3A_449 = arith.addi %mul3A_447, %add3A_448 : i32
      %swap3A_450 = arith.index_cast %add3A_449 : i32 to index
      %swap3A_451 = tpu.vector_load %arg9[%swap3A_450] {strides = array<i32>} : memref<16384xi32, #tpu.memory_space<vmem>>, vector<16xi32>,
      %swap3A_452 = vector.shape_cast %swap3A_451 : vector<16xi32> to vector<16xi32>
      %swap3A_453 = vector.shape_cast %select_n3A_445 : vector<16xi32> to vector<16xi32>
      tpu.vector_store %arg9[%swap3A_450], %swap3A_453 {strides = array<i32>} : memref<16384xi32, #tpu.memory_space<vmem>>, vector<16xi32>,
      %add3A_454 = arith.constant 4 : i32
      %add3A_455 = vector.broadcast %add3A_454 : i32 to vector<16xi32>
      %add3A_456 = arith.addi %shift_right_arithmetic3A_411, %add3A_455 : vector<16xi32>
      %broadcast_in_dim3A_457 = vector.shape_cast %add3A_456 : vector<16xi32> to vector<16x1xi32>
      %gather3A_458 = vector.shape_cast %broadcast_in_dim3A_457 : vector<16x1xi32> to vector<16xi32>
      %gather3A_459 = tpu.dynamic_gather %add3A_406[%gather3A_458] in [0] : vector<16xi32>, vector<16xi32> -> vector<16xi32>
      %add3A_460 = arith.constant 4 : i32
      %add3A_461 = vector.broadcast %add3A_460 : i32 to vector<16xi32>
      %add3A_462 = arith.addi %shift_right_arithmetic3A_411, %add3A_461 : vector<16xi32>
      %broadcast_in_dim3A_463 = vector.shape_cast %add3A_462 : vector<16xi32> to vector<16x1xi32>
      %gather3A_464 = vector.shape_cast %broadcast_in_dim3A_463 : vector<16x1xi32> to vector<16xi32>
      %gather3A_465 = tpu.dynamic_gather %add3A_407[%gather3A_464] in [0] : vector<16xi32>, vector<16xi32> -> vector<16xi32>
      %add3A_466 = arith.constant 4 : i32
      %add3A_467 = vector.broadcast %add3A_466 : i32 to vector<16xi32>
      %add3A_468 = arith.addi %shift_right_arithmetic3A_411, %add3A_467 : vector<16xi32>
      %broadcast_in_dim3A_469 = vector.shape_cast %add3A_468 : vector<16xi32> to vector<16x1xi32>
      %gather3A_470 = vector.shape_cast %broadcast_in_dim3A_469 : vector<16x1xi32> to vector<16xi32>
      %gather3A_471 = tpu.dynamic_gather %add3A_408[%gather3A_470] in [0] : vector<16xi32>, vector<16xi32> -> vector<16xi32>
      %add3A_472 = arith.constant 4 : i32
      %add3A_473 = vector.broadcast %add3A_472 : i32 to vector<16xi32>
      %add3A_474 = arith.addi %shift_right_arithmetic3A_411, %add3A_473 : vector<16xi32>
      %broadcast_in_dim3A_475 = vector.shape_cast %add3A_474 : vector<16xi32> to vector<16x1xi32>
      %gather3A_476 = vector.shape_cast %broadcast_in_dim3A_475 : vector<16x1xi32> to vector<16xi32>
      %gather3A_477 = tpu.dynamic_gather %add3A_409[%gather3A_476] in [0] : vector<16xi32>, vector<16xi32> -> vector<16xi32>
      %eq3A_478 = arith.constant 0 : i32
      %eq3A_479 = vector.broadcast %eq3A_478 : i32 to vector<16xi32>
      %eq3A_480 = arith.cmpi eq, %and3A_413, %eq3A_479 : vector<16xi32>
      %eq3A_481 = arith.constant 1 : i32
      %eq3A_482 = vector.broadcast %eq3A_481 : i32 to vector<16xi32>
      %eq3A_483 = arith.cmpi eq, %and3A_413, %eq3A_482 : vector<16xi32>
      %eq3A_484 = arith.constant 2 : i32
      %eq3A_485 = vector.broadcast %eq3A_484 : i32 to vector<16xi32>
      %eq3A_486 = arith.cmpi eq, %and3A_413, %eq3A_485 : vector<16xi32>
      %select_n3A_487 = arith.select %eq3A_486, %gather3A_471, %gather3A_477 : vector<16xi1>, vector<16xi32>
      %select_n3A_488 = arith.select %eq3A_483, %gather3A_465, %select_n3A_487 : vector<16xi1>, vector<16xi32>
      %select_n3A_489 = arith.select %eq3A_480, %gather3A_459, %select_n3A_488 : vector<16xi1>, vector<16xi32>
      %mul3A_490 = arith.constant 4 : i32
      %mul3A_491 = arith.muli %mul3A_490, %mul3A_358 : i32
      %add3A_492 = arith.constant 16 : i32
      %add3A_493 = arith.addi %mul3A_491, %add3A_492 : i32
      %swap3A_494 = arith.index_cast %add3A_493 : i32 to index
      %swap3A_495 = tpu.vector_load %arg9[%swap3A_494] {strides = array<i32>} : memref<16384xi32, #tpu.memory_space<vmem>>, vector<16xi32>,
      %swap3A_496 = vector.shape_cast %swap3A_495 : vector<16xi32> to vector<16xi32>
      %swap3A_497 = vector.shape_cast %select_n3A_489 : vector<16xi32> to vector<16xi32>
      tpu.vector_store %arg9[%swap3A_494], %swap3A_497 {strides = array<i32>} : memref<16384xi32, #tpu.memory_space<vmem>>, vector<16xi32>,
      %add3A_498 = arith.constant 8 : i32
      %add3A_499 = vector.broadcast %add3A_498 : i32 to vector<16xi32>
      %add3A_500 = arith.addi %shift_right_arithmetic3A_411, %add3A_499 : vector<16xi32>
      %broadcast_in_dim3A_501 = vector.shape_cast %add3A_500 : vector<16xi32> to vector<16x1xi32>
      %gather3A_502 = vector.shape_cast %broadcast_in_dim3A_501 : vector<16x1xi32> to vector<16xi32>
      %gather3A_503 = tpu.dynamic_gather %add3A_406[%gather3A_502] in [0] : vector<16xi32>, vector<16xi32> -> vector<16xi32>
      %add3A_504 = arith.constant 8 : i32
      %add3A_505 = vector.broadcast %add3A_504 : i32 to vector<16xi32>
      %add3A_506 = arith.addi %shift_right_arithmetic3A_411, %add3A_505 : vector<16xi32>
      %broadcast_in_dim3A_507 = vector.shape_cast %add3A_506 : vector<16xi32> to vector<16x1xi32>
      %gather3A_508 = vector.shape_cast %broadcast_in_dim3A_507 : vector<16x1xi32> to vector<16xi32>
      %gather3A_509 = tpu.dynamic_gather %add3A_407[%gather3A_508] in [0] : vector<16xi32>, vector<16xi32> -> vector<16xi32>
      %add3A_510 = arith.constant 8 : i32
      %add3A_511 = vector.broadcast %add3A_510 : i32 to vector<16xi32>
      %add3A_512 = arith.addi %shift_right_arithmetic3A_411, %add3A_511 : vector<16xi32>
      %broadcast_in_dim3A_513 = vector.shape_cast %add3A_512 : vector<16xi32> to vector<16x1xi32>
      %gather3A_514 = vector.shape_cast %broadcast_in_dim3A_513 : vector<16x1xi32> to vector<16xi32>
      %gather3A_515 = tpu.dynamic_gather %add3A_408[%gather3A_514] in [0] : vector<16xi32>, vector<16xi32> -> vector<16xi32>
      %add3A_516 = arith.constant 8 : i32
      %add3A_517 = vector.broadcast %add3A_516 : i32 to vector<16xi32>
      %add3A_518 = arith.addi %shift_right_arithmetic3A_411, %add3A_517 : vector<16xi32>
      %broadcast_in_dim3A_519 = vector.shape_cast %add3A_518 : vector<16xi32> to vector<16x1xi32>
      %gather3A_520 = vector.shape_cast %broadcast_in_dim3A_519 : vector<16x1xi32> to vector<16xi32>
      %gather3A_521 = tpu.dynamic_gather %add3A_409[%gather3A_520] in [0] : vector<16xi32>, vector<16xi32> -> vector<16xi32>
      %eq3A_522 = arith.constant 0 : i32
      %eq3A_523 = vector.broadcast %eq3A_522 : i32 to vector<16xi32>
      %eq3A_524 = arith.cmpi eq, %and3A_413, %eq3A_523 : vector<16xi32>
      %eq3A_525 = arith.constant 1 : i32
      %eq3A_526 = vector.broadcast %eq3A_525 : i32 to vector<16xi32>
      %eq3A_527 = arith.cmpi eq, %and3A_413, %eq3A_526 : vector<16xi32>
      %eq3A_528 = arith.constant 2 : i32
      %eq3A_529 = vector.broadcast %eq3A_528 : i32 to vector<16xi32>
      %eq3A_530 = arith.cmpi eq, %and3A_413, %eq3A_529 : vector<16xi32>
      %select_n3A_531 = arith.select %eq3A_530, %gather3A_515, %gather3A_521 : vector<16xi1>, vector<16xi32>
      %select_n3A_532 = arith.select %eq3A_527, %gather3A_509, %select_n3A_531 : vector<16xi1>, vector<16xi32>
      %select_n3A_533 = arith.select %eq3A_524, %gather3A_503, %select_n3A_532 : vector<16xi1>, vector<16xi32>
      %mul3A_534 = arith.constant 4 : i32
      %mul3A_535 = arith.muli %mul3A_534, %mul3A_358 : i32
      %add3A_536 = arith.constant 32 : i32
      %add3A_537 = arith.addi %mul3A_535, %add3A_536 : i32
      %swap3A_538 = arith.index_cast %add3A_537 : i32 to index
      %swap3A_539 = tpu.vector_load %arg9[%swap3A_538] {strides = array<i32>} : memref<16384xi32, #tpu.memory_space<vmem>>, vector<16xi32>,
      %swap3A_540 = vector.shape_cast %swap3A_539 : vector<16xi32> to vector<16xi32>
      %swap3A_541 = vector.shape_cast %select_n3A_533 : vector<16xi32> to vector<16xi32>
      tpu.vector_store %arg9[%swap3A_538], %swap3A_541 {strides = array<i32>} : memref<16384xi32, #tpu.memory_space<vmem>>, vector<16xi32>,
      %add3A_542 = arith.constant 12 : i32
      %add3A_543 = vector.broadcast %add3A_542 : i32 to vector<16xi32>
      %add3A_544 = arith.addi %shift_right_arithmetic3A_411, %add3A_543 : vector<16xi32>
      %broadcast_in_dim3A_545 = vector.shape_cast %add3A_544 : vector<16xi32> to vector<16x1xi32>
      %gather3A_546 = vector.shape_cast %broadcast_in_dim3A_545 : vector<16x1xi32> to vector<16xi32>
      %gather3A_547 = tpu.dynamic_gather %add3A_406[%gather3A_546] in [0] : vector<16xi32>, vector<16xi32> -> vector<16xi32>
      %add3A_548 = arith.constant 12 : i32
      %add3A_549 = vector.broadcast %add3A_548 : i32 to vector<16xi32>
      %add3A_550 = arith.addi %shift_right_arithmetic3A_411, %add3A_549 : vector<16xi32>
      %broadcast_in_dim3A_551 = vector.shape_cast %add3A_550 : vector<16xi32> to vector<16x1xi32>
      %gather3A_552 = vector.shape_cast %broadcast_in_dim3A_551 : vector<16x1xi32> to vector<16xi32>
      %gather3A_553 = tpu.dynamic_gather %add3A_407[%gather3A_552] in [0] : vector<16xi32>, vector<16xi32> -> vector<16xi32>
      %add3A_554 = arith.constant 12 : i32
      %add3A_555 = vector.broadcast %add3A_554 : i32 to vector<16xi32>
      %add3A_556 = arith.addi %shift_right_arithmetic3A_411, %add3A_555 : vector<16xi32>
      %broadcast_in_dim3A_557 = vector.shape_cast %add3A_556 : vector<16xi32> to vector<16x1xi32>
      %gather3A_558 = vector.shape_cast %broadcast_in_dim3A_557 : vector<16x1xi32> to vector<16xi32>
      %gather3A_559 = tpu.dynamic_gather %add3A_408[%gather3A_558] in [0] : vector<16xi32>, vector<16xi32> -> vector<16xi32>
      %add3A_560 = arith.constant 12 : i32
      %add3A_561 = vector.broadcast %add3A_560 : i32 to vector<16xi32>
      %add3A_562 = arith.addi %shift_right_arithmetic3A_411, %add3A_561 : vector<16xi32>
      %broadcast_in_dim3A_563 = vector.shape_cast %add3A_562 : vector<16xi32> to vector<16x1xi32>
      %gather3A_564 = vector.shape_cast %broadcast_in_dim3A_563 : vector<16x1xi32> to vector<16xi32>
      %gather3A_565 = tpu.dynamic_gather %add3A_409[%gather3A_564] in [0] : vector<16xi32>, vector<16xi32> -> vector<16xi32>
      %eq3A_566 = arith.constant 0 : i32
      %eq3A_567 = vector.broadcast %eq3A_566 : i32 to vector<16xi32>
      %eq3A_568 = arith.cmpi eq, %and3A_413, %eq3A_567 : vector<16xi32>
      %eq3A_569 = arith.constant 1 : i32
      %eq3A_570 = vector.broadcast %eq3A_569 : i32 to vector<16xi32>
      %eq3A_571 = arith.cmpi eq, %and3A_413, %eq3A_570 : vector<16xi32>
      %eq3A_572 = arith.constant 2 : i32
      %eq3A_573 = vector.broadcast %eq3A_572 : i32 to vector<16xi32>
      %eq3A_574 = arith.cmpi eq, %and3A_413, %eq3A_573 : vector<16xi32>
      %select_n3A_575 = arith.select %eq3A_574, %gather3A_559, %gather3A_565 : vector<16xi1>, vector<16xi32>
      %select_n3A_576 = arith.select %eq3A_571, %gather3A_553, %select_n3A_575 : vector<16xi1>, vector<16xi32>
      %select_n3A_577 = arith.select %eq3A_568, %gather3A_547, %select_n3A_576 : vector<16xi1>, vector<16xi32>
      %mul3A_578 = arith.constant 4 : i32
      %mul3A_579 = arith.muli %mul3A_578, %mul3A_358 : i32
      %add3A_580 = arith.constant 48 : i32
      %add3A_581 = arith.addi %mul3A_579, %add3A_580 : i32
      %swap3A_582 = arith.index_cast %add3A_581 : i32 to index
      %swap3A_583 = tpu.vector_load %arg9[%swap3A_582] {strides = array<i32>} : memref<16384xi32, #tpu.memory_space<vmem>>, vector<16xi32>,
      %swap3A_584 = vector.shape_cast %swap3A_583 : vector<16xi32> to vector<16xi32>
      %swap3A_585 = vector.shape_cast %select_n3A_577 : vector<16xi32> to vector<16xi32>
      tpu.vector_store %arg9[%swap3A_582], %swap3A_585 {strides = array<i32>} : memref<16384xi32, #tpu.memory_space<vmem>>, vector<16xi32>,
    }
    %scan3A_40 = arith.constant 256 : i32
    %dma_start3A_41 = arith.constant 0 : i32
    %dma_start3A_42 = tpu.memref_slice %arg3[%dma_start3A_41] : memref<4194304xf32, #tpu.memory_space<hbm>> -> memref<4194304xf32, #tpu.memory_space<hbm>>
    tpu.enqueue_indirect_dma source(%dma_start3A_42 : memref<4194304xf32, #tpu.memory_space<hbm>>) target(%arg11 : memref<16384xf32, #tpu.memory_space<vmem>>) offsets(%arg9 : memref<16384xi32, #tpu.memory_space<vmem>>) semaphore(%arg21 : memref<!tpu.dma_semaphore, #tpu.memory_space<semaphore_mem>>)
    %dma_wait3A_43 = arith.constant 0 : i32
    %dma_wait3A_44 = tpu.memref_slice %arg2[%dma_wait3A_43, %add3A_24] : memref<2x1048576xf32, #tpu.memory_space<hbm>> -> memref<1x4096xf32, #tpu.memory_space<hbm>>
    %dma_wait3A_45 = tpu.memref_squeeze %dma_wait3A_44 : memref<1x4096xf32, #tpu.memory_space<hbm>> -> memref<4096xf32, #tpu.memory_space<hbm>>
    %dma_wait3A_46 = tpu.memref_slice %arg2[%dma_wait3A_43, %add3A_24] : memref<2x1048576xf32, #tpu.memory_space<hbm>> -> memref<1x4096xf32, #tpu.memory_space<hbm>>
    %dma_wait3A_47 = tpu.memref_squeeze %dma_wait3A_46 : memref<1x4096xf32, #tpu.memory_space<hbm>> -> memref<4096xf32, #tpu.memory_space<hbm>>
    tpu.wait_dma2 semaphore(%arg20 : memref<!tpu.dma_semaphore, #tpu.memory_space<semaphore_mem>>) src(%dma_wait3A_47 : memref<4096xf32, #tpu.memory_space<hbm>>) dst(%arg7 : memref<4096xf32, #tpu.memory_space<vmem>>)
    %dma_wait3A_48 = arith.constant 1 : i32
    %dma_wait3A_49 = tpu.memref_slice %arg2[%dma_wait3A_48, %add3A_24] : memref<2x1048576xf32, #tpu.memory_space<hbm>> -> memref<1x4096xf32, #tpu.memory_space<hbm>>
    %dma_wait3A_50 = tpu.memref_squeeze %dma_wait3A_49 : memref<1x4096xf32, #tpu.memory_space<hbm>> -> memref<4096xf32, #tpu.memory_space<hbm>>
    %dma_wait3A_51 = tpu.memref_slice %arg2[%dma_wait3A_48, %add3A_24] : memref<2x1048576xf32, #tpu.memory_space<hbm>> -> memref<1x4096xf32, #tpu.memory_space<hbm>>
    %dma_wait3A_52 = tpu.memref_squeeze %dma_wait3A_51 : memref<1x4096xf32, #tpu.memory_space<hbm>> -> memref<4096xf32, #tpu.memory_space<hbm>>
    tpu.wait_dma2 semaphore(%arg20 : memref<!tpu.dma_semaphore, #tpu.memory_space<semaphore_mem>>) src(%dma_wait3A_52 : memref<4096xf32, #tpu.memory_space<hbm>>) dst(%arg8 : memref<4096xf32, #tpu.memory_space<vmem>>)
    %add3A_53 = arith.constant 8192 : i32
    %add3A_54 = arith.addi %mul3A_2, %add3A_53 : i32
    %dma_start3A_55 = arith.constant 0 : i32
    %dma_start3A_56 = tpu.memref_slice %arg2[%dma_start3A_55, %add3A_54] : memref<2x1048576xf32, #tpu.memory_space<hbm>> -> memref<1x4096xf32, #tpu.memory_space<hbm>>
    %dma_start3A_57 = tpu.memref_squeeze %dma_start3A_56 : memref<1x4096xf32, #tpu.memory_space<hbm>> -> memref<4096xf32, #tpu.memory_space<hbm>>
    %dma_start3A_58 = tpu.memref_slice %arg2[%dma_start3A_55, %add3A_54] : memref<2x1048576xf32, #tpu.memory_space<hbm>> -> memref<1x4096xf32, #tpu.memory_space<hbm>>
    %dma_start3A_59 = tpu.memref_squeeze %dma_start3A_58 : memref<1x4096xf32, #tpu.memory_space<hbm>> -> memref<4096xf32, #tpu.memory_space<hbm>>
    tpu.enqueue_dma source(%dma_start3A_59 : memref<4096xf32, #tpu.memory_space<hbm>>) target(%arg5 : memref<4096xf32, #tpu.memory_space<vmem>>) target_semaphore(%arg19 : memref<!tpu.dma_semaphore, #tpu.memory_space<semaphore_mem>>)
    %dma_start3A_60 = arith.constant 1 : i32
    %dma_start3A_61 = tpu.memref_slice %arg2[%dma_start3A_60, %add3A_54] : memref<2x1048576xf32, #tpu.memory_space<hbm>> -> memref<1x4096xf32, #tpu.memory_space<hbm>>
    %dma_start3A_62 = tpu.memref_squeeze %dma_start3A_61 : memref<1x4096xf32, #tpu.memory_space<hbm>> -> memref<4096xf32, #tpu.memory_space<hbm>>
    %dma_start3A_63 = tpu.memref_slice %arg2[%dma_start3A_60, %add3A_54] : memref<2x1048576xf32, #tpu.memory_space<hbm>> -> memref<1x4096xf32, #tpu.memory_space<hbm>>
    %dma_start3A_64 = tpu.memref_squeeze %dma_start3A_63 : memref<1x4096xf32, #tpu.memory_space<hbm>> -> memref<4096xf32, #tpu.memory_space<hbm>>
    tpu.enqueue_dma source(%dma_start3A_64 : memref<4096xf32, #tpu.memory_space<hbm>>) target(%arg6 : memref<4096xf32, #tpu.memory_space<vmem>>) target_semaphore(%arg19 : memref<!tpu.dma_semaphore, #tpu.memory_space<semaphore_mem>>)
    %scan3A_65 = arith.constant 2.047000e+03 : f32
    %scan3A_66 = arith.constant 2.047000e+03 : f32
    %scan3A_67 = arith.constant 0 : i32
    %scan3A_68 = arith.constant 256 : i32
    %scan3A_69 = arith.addi %scan3A_67, %scan3A_68 : i32
    %scan3A_70 = arith.constant 1 : i32
    scf.for %scan3A_352 = %scan3A_67 to %scan3A_69 step %scan3A_70  : i32 {
      %mul3A_353 = arith.constant 1 : i32
      %mul3A_354 = arith.muli %scan3A_352, %mul3A_353 : i32
      %add3A_355 = arith.constant 0 : i32
      %add3A_356 = arith.addi %add3A_355, %mul3A_354 : i32
      %mul3A_357 = arith.constant 16 : i32
      %mul3A_358 = arith.muli %add3A_356, %mul3A_357 : i32
      %get3A = arith.index_cast %mul3A_358 : i32 to index
      %get3A_359 = tpu.vector_load %arg7[%get3A] {strides = array<i32>} : memref<4096xf32, #tpu.memory_space<vmem>>, vector<16xf32>,
      %get3A_360 = vector.shape_cast %get3A_359 : vector<16xf32> to vector<16xf32>
      %mul3A_361 = vector.broadcast %scan3A_65 : f32 to vector<16xf32>
      %mul3A_362 = arith.mulf %get3A_360, %mul3A_361 : vector<16xf32>
      %get3A_363 = arith.index_cast %mul3A_358 : i32 to index
      %get3A_364 = tpu.vector_load %arg8[%get3A_363] {strides = array<i32>} : memref<4096xf32, #tpu.memory_space<vmem>>, vector<16xf32>,
      %get3A_365 = vector.shape_cast %get3A_364 : vector<16xf32> to vector<16xf32>
      %mul3A_366 = vector.broadcast %scan3A_66 : f32 to vector<16xf32>
      %mul3A_367 = arith.mulf %get3A_365, %mul3A_366 : vector<16xf32>
      %convert_element_type3A = arith.fptosi %mul3A_362 : vector<16xf32> to vector<16xi32>
      %jit3A = arith.constant 0 : i32
      %jit3A_368 = arith.constant 2047 : i32
      %max3A = vector.broadcast %jit3A : i32 to vector<16xi32>
      %max3A_369 = arith.maxsi %max3A, %convert_element_type3A : vector<16xi32>
      %min3A = vector.broadcast %jit3A_368 : i32 to vector<16xi32>
      %min3A_370 = arith.minsi %min3A, %max3A_369 : vector<16xi32>
      %convert_element_type3A_371 = arith.fptosi %mul3A_367 : vector<16xf32> to vector<16xi32>
      %jit3A_372 = arith.constant 0 : i32
      %jit3A_373 = arith.constant 2047 : i32
      %max3A_374 = vector.broadcast %jit3A_372 : i32 to vector<16xi32>
      %max3A_375 = arith.maxsi %max3A_374, %convert_element_type3A_371 : vector<16xi32>
      %min3A_376 = vector.broadcast %jit3A_373 : i32 to vector<16xi32>
      %min3A_377 = arith.minsi %min3A_376, %max3A_375 : vector<16xi32>
      %convert_element_type3A_378 = arith.sitofp %min3A_370 : vector<16xi32> to vector<16xf32>
      %sub3A = arith.subf %mul3A_362, %convert_element_type3A_378 : vector<16xf32>
      %swap3A = arith.index_cast %mul3A_358 : i32 to index
      %swap3A_379 = tpu.vector_load %arg14[%swap3A] {strides = array<i32>} : memref<4096xf32, #tpu.memory_space<vmem>>, vector<16xf32>,
      %swap3A_380 = vector.shape_cast %swap3A_379 : vector<16xf32> to vector<16xf32>
      %swap3A_381 = vector.shape_cast %sub3A : vector<16xf32> to vector<16xf32>
      tpu.vector_store %arg14[%swap3A], %swap3A_381 {strides = array<i32>} : memref<4096xf32, #tpu.memory_space<vmem>>, vector<16xf32>,
      %convert_element_type3A_382 = arith.sitofp %min3A_377 : vector<16xi32> to vector<16xf32>
      %sub3A_383 = arith.subf %mul3A_367, %convert_element_type3A_382 : vector<16xf32>
      %swap3A_384 = arith.index_cast %mul3A_358 : i32 to index
      %swap3A_385 = tpu.vector_load %arg16[%swap3A_384] {strides = array<i32>} : memref<4096xf32, #tpu.memory_space<vmem>>, vector<16xf32>,
      %swap3A_386 = vector.shape_cast %swap3A_385 : vector<16xf32> to vector<16xf32>
      %swap3A_387 = vector.shape_cast %sub3A_383 : vector<16xf32> to vector<16xf32>
      tpu.vector_store %arg16[%swap3A_384], %swap3A_387 {strides = array<i32>} : memref<4096xf32, #tpu.memory_space<vmem>>, vector<16xf32>,
      %add3A_388 = arith.constant 1 : i32
      %add3A_389 = vector.broadcast %add3A_388 : i32 to vector<16xi32>
      %add3A_390 = arith.addi %min3A_370, %add3A_389 : vector<16xi32>
      %min3A_391 = arith.constant 2047 : i32
      %min3A_392 = vector.broadcast %min3A_391 : i32 to vector<16xi32>
      %min3A_393 = arith.minsi %add3A_390, %min3A_392 : vector<16xi32>
      %mul3A_394 = arith.constant 2048 : i32
      %mul3A_395 = vector.broadcast %mul3A_394 : i32 to vector<16xi32>
      %mul3A_396 = arith.muli %min3A_377, %mul3A_395 : vector<16xi32>
      %add3A_397 = arith.constant 1 : i32
      %add3A_398 = vector.broadcast %add3A_397 : i32 to vector<16xi32>
      %add3A_399 = arith.addi %min3A_377, %add3A_398 : vector<16xi32>
      %min3A_400 = arith.constant 2047 : i32
      %min3A_401 = vector.broadcast %min3A_400 : i32 to vector<16xi32>
      %min3A_402 = arith.minsi %add3A_399, %min3A_401 : vector<16xi32>
      %mul3A_403 = arith.constant 2048 : i32
      %mul3A_404 = vector.broadcast %mul3A_403 : i32 to vector<16xi32>
      %mul3A_405 = arith.muli %min3A_402, %mul3A_404 : vector<16xi32>
      %add3A_406 = arith.addi %mul3A_396, %min3A_370 : vector<16xi32>
      %add3A_407 = arith.addi %mul3A_396, %min3A_393 : vector<16xi32>
      %add3A_408 = arith.addi %mul3A_405, %min3A_370 : vector<16xi32>
      %add3A_409 = arith.addi %mul3A_405, %min3A_393 : vector<16xi32>
      %shift_right_arithmetic3A = arith.constant 2 : i32
      %shift_right_arithmetic3A_410 = vector.broadcast %shift_right_arithmetic3A : i32 to vector<16xi32>
      %shift_right_arithmetic3A_411 = arith.shrsi %iota3A, %shift_right_arithmetic3A_410 : vector<16xi32>
      %and3A = arith.constant 3 : i32
      %and3A_412 = vector.broadcast %and3A : i32 to vector<16xi32>
      %and3A_413 = arith.andi %iota3A, %and3A_412 : vector<16xi32>
      %add3A_414 = arith.constant 0 : i32
      %add3A_415 = vector.broadcast %add3A_414 : i32 to vector<16xi32>
      %add3A_416 = arith.addi %shift_right_arithmetic3A_411, %add3A_415 : vector<16xi32>
      %broadcast_in_dim3A = vector.shape_cast %add3A_416 : vector<16xi32> to vector<16x1xi32>
      %gather3A = vector.shape_cast %broadcast_in_dim3A : vector<16x1xi32> to vector<16xi32>
      %gather3A_417 = tpu.dynamic_gather %add3A_406[%gather3A] in [0] : vector<16xi32>, vector<16xi32> -> vector<16xi32>
      %add3A_418 = arith.constant 0 : i32
      %add3A_419 = vector.broadcast %add3A_418 : i32 to vector<16xi32>
      %add3A_420 = arith.addi %shift_right_arithmetic3A_411, %add3A_419 : vector<16xi32>
      %broadcast_in_dim3A_421 = vector.shape_cast %add3A_420 : vector<16xi32> to vector<16x1xi32>
      %gather3A_422 = vector.shape_cast %broadcast_in_dim3A_421 : vector<16x1xi32> to vector<16xi32>
      %gather3A_423 = tpu.dynamic_gather %add3A_407[%gather3A_422] in [0] : vector<16xi32>, vector<16xi32> -> vector<16xi32>
      %add3A_424 = arith.constant 0 : i32
      %add3A_425 = vector.broadcast %add3A_424 : i32 to vector<16xi32>
      %add3A_426 = arith.addi %shift_right_arithmetic3A_411, %add3A_425 : vector<16xi32>
      %broadcast_in_dim3A_427 = vector.shape_cast %add3A_426 : vector<16xi32> to vector<16x1xi32>
      %gather3A_428 = vector.shape_cast %broadcast_in_dim3A_427 : vector<16x1xi32> to vector<16xi32>
      %gather3A_429 = tpu.dynamic_gather %add3A_408[%gather3A_428] in [0] : vector<16xi32>, vector<16xi32> -> vector<16xi32>
      %add3A_430 = arith.constant 0 : i32
      %add3A_431 = vector.broadcast %add3A_430 : i32 to vector<16xi32>
      %add3A_432 = arith.addi %shift_right_arithmetic3A_411, %add3A_431 : vector<16xi32>
      %broadcast_in_dim3A_433 = vector.shape_cast %add3A_432 : vector<16xi32> to vector<16x1xi32>
      %gather3A_434 = vector.shape_cast %broadcast_in_dim3A_433 : vector<16x1xi32> to vector<16xi32>
      %gather3A_435 = tpu.dynamic_gather %add3A_409[%gather3A_434] in [0] : vector<16xi32>, vector<16xi32> -> vector<16xi32>
      %eq3A = arith.constant 0 : i32
      %eq3A_436 = vector.broadcast %eq3A : i32 to vector<16xi32>
      %eq3A_437 = arith.cmpi eq, %and3A_413, %eq3A_436 : vector<16xi32>
      %eq3A_438 = arith.constant 1 : i32
      %eq3A_439 = vector.broadcast %eq3A_438 : i32 to vector<16xi32>
      %eq3A_440 = arith.cmpi eq, %and3A_413, %eq3A_439 : vector<16xi32>
      %eq3A_441 = arith.constant 2 : i32
      %eq3A_442 = vector.broadcast %eq3A_441 : i32 to vector<16xi32>
      %eq3A_443 = arith.cmpi eq, %and3A_413, %eq3A_442 : vector<16xi32>
      %select_n3A = arith.select %eq3A_443, %gather3A_429, %gather3A_435 : vector<16xi1>, vector<16xi32>
      %select_n3A_444 = arith.select %eq3A_440, %gather3A_423, %select_n3A : vector<16xi1>, vector<16xi32>
      %select_n3A_445 = arith.select %eq3A_437, %gather3A_417, %select_n3A_444 : vector<16xi1>, vector<16xi32>
      %mul3A_446 = arith.constant 4 : i32
      %mul3A_447 = arith.muli %mul3A_446, %mul3A_358 : i32
      %add3A_448 = arith.constant 0 : i32
      %add3A_449 = arith.addi %mul3A_447, %add3A_448 : i32
      %swap3A_450 = arith.index_cast %add3A_449 : i32 to index
      %swap3A_451 = tpu.vector_load %arg10[%swap3A_450] {strides = array<i32>} : memref<16384xi32, #tpu.memory_space<vmem>>, vector<16xi32>,
      %swap3A_452 = vector.shape_cast %swap3A_451 : vector<16xi32> to vector<16xi32>
      %swap3A_453 = vector.shape_cast %select_n3A_445 : vector<16xi32> to vector<16xi32>
      tpu.vector_store %arg10[%swap3A_450], %swap3A_453 {strides = array<i32>} : memref<16384xi32, #tpu.memory_space<vmem>>, vector<16xi32>,
      %add3A_454 = arith.constant 4 : i32
      %add3A_455 = vector.broadcast %add3A_454 : i32 to vector<16xi32>
      %add3A_456 = arith.addi %shift_right_arithmetic3A_411, %add3A_455 : vector<16xi32>
      %broadcast_in_dim3A_457 = vector.shape_cast %add3A_456 : vector<16xi32> to vector<16x1xi32>
      %gather3A_458 = vector.shape_cast %broadcast_in_dim3A_457 : vector<16x1xi32> to vector<16xi32>
      %gather3A_459 = tpu.dynamic_gather %add3A_406[%gather3A_458] in [0] : vector<16xi32>, vector<16xi32> -> vector<16xi32>
      %add3A_460 = arith.constant 4 : i32
      %add3A_461 = vector.broadcast %add3A_460 : i32 to vector<16xi32>
      %add3A_462 = arith.addi %shift_right_arithmetic3A_411, %add3A_461 : vector<16xi32>
      %broadcast_in_dim3A_463 = vector.shape_cast %add3A_462 : vector<16xi32> to vector<16x1xi32>
      %gather3A_464 = vector.shape_cast %broadcast_in_dim3A_463 : vector<16x1xi32> to vector<16xi32>
      %gather3A_465 = tpu.dynamic_gather %add3A_407[%gather3A_464] in [0] : vector<16xi32>, vector<16xi32> -> vector<16xi32>
      %add3A_466 = arith.constant 4 : i32
      %add3A_467 = vector.broadcast %add3A_466 : i32 to vector<16xi32>
      %add3A_468 = arith.addi %shift_right_arithmetic3A_411, %add3A_467 : vector<16xi32>
      %broadcast_in_dim3A_469 = vector.shape_cast %add3A_468 : vector<16xi32> to vector<16x1xi32>
      %gather3A_470 = vector.shape_cast %broadcast_in_dim3A_469 : vector<16x1xi32> to vector<16xi32>
      %gather3A_471 = tpu.dynamic_gather %add3A_408[%gather3A_470] in [0] : vector<16xi32>, vector<16xi32> -> vector<16xi32>
      %add3A_472 = arith.constant 4 : i32
      %add3A_473 = vector.broadcast %add3A_472 : i32 to vector<16xi32>
      %add3A_474 = arith.addi %shift_right_arithmetic3A_411, %add3A_473 : vector<16xi32>
      %broadcast_in_dim3A_475 = vector.shape_cast %add3A_474 : vector<16xi32> to vector<16x1xi32>
      %gather3A_476 = vector.shape_cast %broadcast_in_dim3A_475 : vector<16x1xi32> to vector<16xi32>
      %gather3A_477 = tpu.dynamic_gather %add3A_409[%gather3A_476] in [0] : vector<16xi32>, vector<16xi32> -> vector<16xi32>
      %eq3A_478 = arith.constant 0 : i32
      %eq3A_479 = vector.broadcast %eq3A_478 : i32 to vector<16xi32>
      %eq3A_480 = arith.cmpi eq, %and3A_413, %eq3A_479 : vector<16xi32>
      %eq3A_481 = arith.constant 1 : i32
      %eq3A_482 = vector.broadcast %eq3A_481 : i32 to vector<16xi32>
      %eq3A_483 = arith.cmpi eq, %and3A_413, %eq3A_482 : vector<16xi32>
      %eq3A_484 = arith.constant 2 : i32
      %eq3A_485 = vector.broadcast %eq3A_484 : i32 to vector<16xi32>
      %eq3A_486 = arith.cmpi eq, %and3A_413, %eq3A_485 : vector<16xi32>
      %select_n3A_487 = arith.select %eq3A_486, %gather3A_471, %gather3A_477 : vector<16xi1>, vector<16xi32>
      %select_n3A_488 = arith.select %eq3A_483, %gather3A_465, %select_n3A_487 : vector<16xi1>, vector<16xi32>
      %select_n3A_489 = arith.select %eq3A_480, %gather3A_459, %select_n3A_488 : vector<16xi1>, vector<16xi32>
      %mul3A_490 = arith.constant 4 : i32
      %mul3A_491 = arith.muli %mul3A_490, %mul3A_358 : i32
      %add3A_492 = arith.constant 16 : i32
      %add3A_493 = arith.addi %mul3A_491, %add3A_492 : i32
      %swap3A_494 = arith.index_cast %add3A_493 : i32 to index
      %swap3A_495 = tpu.vector_load %arg10[%swap3A_494] {strides = array<i32>} : memref<16384xi32, #tpu.memory_space<vmem>>, vector<16xi32>,
      %swap3A_496 = vector.shape_cast %swap3A_495 : vector<16xi32> to vector<16xi32>
      %swap3A_497 = vector.shape_cast %select_n3A_489 : vector<16xi32> to vector<16xi32>
      tpu.vector_store %arg10[%swap3A_494], %swap3A_497 {strides = array<i32>} : memref<16384xi32, #tpu.memory_space<vmem>>, vector<16xi32>,
      %add3A_498 = arith.constant 8 : i32
      %add3A_499 = vector.broadcast %add3A_498 : i32 to vector<16xi32>
      %add3A_500 = arith.addi %shift_right_arithmetic3A_411, %add3A_499 : vector<16xi32>
      %broadcast_in_dim3A_501 = vector.shape_cast %add3A_500 : vector<16xi32> to vector<16x1xi32>
      %gather3A_502 = vector.shape_cast %broadcast_in_dim3A_501 : vector<16x1xi32> to vector<16xi32>
      %gather3A_503 = tpu.dynamic_gather %add3A_406[%gather3A_502] in [0] : vector<16xi32>, vector<16xi32> -> vector<16xi32>
      %add3A_504 = arith.constant 8 : i32
      %add3A_505 = vector.broadcast %add3A_504 : i32 to vector<16xi32>
      %add3A_506 = arith.addi %shift_right_arithmetic3A_411, %add3A_505 : vector<16xi32>
      %broadcast_in_dim3A_507 = vector.shape_cast %add3A_506 : vector<16xi32> to vector<16x1xi32>
      %gather3A_508 = vector.shape_cast %broadcast_in_dim3A_507 : vector<16x1xi32> to vector<16xi32>
      %gather3A_509 = tpu.dynamic_gather %add3A_407[%gather3A_508] in [0] : vector<16xi32>, vector<16xi32> -> vector<16xi32>
      %add3A_510 = arith.constant 8 : i32
      %add3A_511 = vector.broadcast %add3A_510 : i32 to vector<16xi32>
      %add3A_512 = arith.addi %shift_right_arithmetic3A_411, %add3A_511 : vector<16xi32>
      %broadcast_in_dim3A_513 = vector.shape_cast %add3A_512 : vector<16xi32> to vector<16x1xi32>
      %gather3A_514 = vector.shape_cast %broadcast_in_dim3A_513 : vector<16x1xi32> to vector<16xi32>
      %gather3A_515 = tpu.dynamic_gather %add3A_408[%gather3A_514] in [0] : vector<16xi32>, vector<16xi32> -> vector<16xi32>
      %add3A_516 = arith.constant 8 : i32
      %add3A_517 = vector.broadcast %add3A_516 : i32 to vector<16xi32>
      %add3A_518 = arith.addi %shift_right_arithmetic3A_411, %add3A_517 : vector<16xi32>
      %broadcast_in_dim3A_519 = vector.shape_cast %add3A_518 : vector<16xi32> to vector<16x1xi32>
      %gather3A_520 = vector.shape_cast %broadcast_in_dim3A_519 : vector<16x1xi32> to vector<16xi32>
      %gather3A_521 = tpu.dynamic_gather %add3A_409[%gather3A_520] in [0] : vector<16xi32>, vector<16xi32> -> vector<16xi32>
      %eq3A_522 = arith.constant 0 : i32
      %eq3A_523 = vector.broadcast %eq3A_522 : i32 to vector<16xi32>
      %eq3A_524 = arith.cmpi eq, %and3A_413, %eq3A_523 : vector<16xi32>
      %eq3A_525 = arith.constant 1 : i32
      %eq3A_526 = vector.broadcast %eq3A_525 : i32 to vector<16xi32>
      %eq3A_527 = arith.cmpi eq, %and3A_413, %eq3A_526 : vector<16xi32>
      %eq3A_528 = arith.constant 2 : i32
      %eq3A_529 = vector.broadcast %eq3A_528 : i32 to vector<16xi32>
      %eq3A_530 = arith.cmpi eq, %and3A_413, %eq3A_529 : vector<16xi32>
      %select_n3A_531 = arith.select %eq3A_530, %gather3A_515, %gather3A_521 : vector<16xi1>, vector<16xi32>
      %select_n3A_532 = arith.select %eq3A_527, %gather3A_509, %select_n3A_531 : vector<16xi1>, vector<16xi32>
      %select_n3A_533 = arith.select %eq3A_524, %gather3A_503, %select_n3A_532 : vector<16xi1>, vector<16xi32>
      %mul3A_534 = arith.constant 4 : i32
      %mul3A_535 = arith.muli %mul3A_534, %mul3A_358 : i32
      %add3A_536 = arith.constant 32 : i32
      %add3A_537 = arith.addi %mul3A_535, %add3A_536 : i32
      %swap3A_538 = arith.index_cast %add3A_537 : i32 to index
      %swap3A_539 = tpu.vector_load %arg10[%swap3A_538] {strides = array<i32>} : memref<16384xi32, #tpu.memory_space<vmem>>, vector<16xi32>,
      %swap3A_540 = vector.shape_cast %swap3A_539 : vector<16xi32> to vector<16xi32>
      %swap3A_541 = vector.shape_cast %select_n3A_533 : vector<16xi32> to vector<16xi32>
      tpu.vector_store %arg10[%swap3A_538], %swap3A_541 {strides = array<i32>} : memref<16384xi32, #tpu.memory_space<vmem>>, vector<16xi32>,
      %add3A_542 = arith.constant 12 : i32
      %add3A_543 = vector.broadcast %add3A_542 : i32 to vector<16xi32>
      %add3A_544 = arith.addi %shift_right_arithmetic3A_411, %add3A_543 : vector<16xi32>
      %broadcast_in_dim3A_545 = vector.shape_cast %add3A_544 : vector<16xi32> to vector<16x1xi32>
      %gather3A_546 = vector.shape_cast %broadcast_in_dim3A_545 : vector<16x1xi32> to vector<16xi32>
      %gather3A_547 = tpu.dynamic_gather %add3A_406[%gather3A_546] in [0] : vector<16xi32>, vector<16xi32> -> vector<16xi32>
      %add3A_548 = arith.constant 12 : i32
      %add3A_549 = vector.broadcast %add3A_548 : i32 to vector<16xi32>
      %add3A_550 = arith.addi %shift_right_arithmetic3A_411, %add3A_549 : vector<16xi32>
      %broadcast_in_dim3A_551 = vector.shape_cast %add3A_550 : vector<16xi32> to vector<16x1xi32>
      %gather3A_552 = vector.shape_cast %broadcast_in_dim3A_551 : vector<16x1xi32> to vector<16xi32>
      %gather3A_553 = tpu.dynamic_gather %add3A_407[%gather3A_552] in [0] : vector<16xi32>, vector<16xi32> -> vector<16xi32>
      %add3A_554 = arith.constant 12 : i32
      %add3A_555 = vector.broadcast %add3A_554 : i32 to vector<16xi32>
      %add3A_556 = arith.addi %shift_right_arithmetic3A_411, %add3A_555 : vector<16xi32>
      %broadcast_in_dim3A_557 = vector.shape_cast %add3A_556 : vector<16xi32> to vector<16x1xi32>
      %gather3A_558 = vector.shape_cast %broadcast_in_dim3A_557 : vector<16x1xi32> to vector<16xi32>
      %gather3A_559 = tpu.dynamic_gather %add3A_408[%gather3A_558] in [0] : vector<16xi32>, vector<16xi32> -> vector<16xi32>
      %add3A_560 = arith.constant 12 : i32
      %add3A_561 = vector.broadcast %add3A_560 : i32 to vector<16xi32>
      %add3A_562 = arith.addi %shift_right_arithmetic3A_411, %add3A_561 : vector<16xi32>
      %broadcast_in_dim3A_563 = vector.shape_cast %add3A_562 : vector<16xi32> to vector<16x1xi32>
      %gather3A_564 = vector.shape_cast %broadcast_in_dim3A_563 : vector<16x1xi32> to vector<16xi32>
      %gather3A_565 = tpu.dynamic_gather %add3A_409[%gather3A_564] in [0] : vector<16xi32>, vector<16xi32> -> vector<16xi32>
      %eq3A_566 = arith.constant 0 : i32
      %eq3A_567 = vector.broadcast %eq3A_566 : i32 to vector<16xi32>
      %eq3A_568 = arith.cmpi eq, %and3A_413, %eq3A_567 : vector<16xi32>
      %eq3A_569 = arith.constant 1 : i32
      %eq3A_570 = vector.broadcast %eq3A_569 : i32 to vector<16xi32>
      %eq3A_571 = arith.cmpi eq, %and3A_413, %eq3A_570 : vector<16xi32>
      %eq3A_572 = arith.constant 2 : i32
      %eq3A_573 = vector.broadcast %eq3A_572 : i32 to vector<16xi32>
      %eq3A_574 = arith.cmpi eq, %and3A_413, %eq3A_573 : vector<16xi32>
      %select_n3A_575 = arith.select %eq3A_574, %gather3A_559, %gather3A_565 : vector<16xi1>, vector<16xi32>
      %select_n3A_576 = arith.select %eq3A_571, %gather3A_553, %select_n3A_575 : vector<16xi1>, vector<16xi32>
      %select_n3A_577 = arith.select %eq3A_568, %gather3A_547, %select_n3A_576 : vector<16xi1>, vector<16xi32>
      %mul3A_578 = arith.constant 4 : i32
      %mul3A_579 = arith.muli %mul3A_578, %mul3A_358 : i32
      %add3A_580 = arith.constant 48 : i32
      %add3A_581 = arith.addi %mul3A_579, %add3A_580 : i32
      %swap3A_582 = arith.index_cast %add3A_581 : i32 to index
      %swap3A_583 = tpu.vector_load %arg10[%swap3A_582] {strides = array<i32>} : memref<16384xi32, #tpu.memory_space<vmem>>, vector<16xi32>,
      %swap3A_584 = vector.shape_cast %swap3A_583 : vector<16xi32> to vector<16xi32>
      %swap3A_585 = vector.shape_cast %select_n3A_577 : vector<16xi32> to vector<16xi32>
      tpu.vector_store %arg10[%swap3A_582], %swap3A_585 {strides = array<i32>} : memref<16384xi32, #tpu.memory_space<vmem>>, vector<16xi32>,
    }
    %scan3A_71 = arith.constant 256 : i32
    %dma_wait3A_72 = arith.constant 0 : i32
    %dma_wait3A_73 = tpu.memref_slice %arg3[%dma_wait3A_72] : memref<4194304xf32, #tpu.memory_space<hbm>> -> memref<4194304xf32, #tpu.memory_space<hbm>>
    tpu.wait_indirect_dma semaphore(%arg21 : memref<!tpu.dma_semaphore, #tpu.memory_space<semaphore_mem>>) src(%dma_wait3A_73 : memref<4194304xf32, #tpu.memory_space<hbm>>) dst(%arg11 : memref<16384xf32, #tpu.memory_space<vmem>>)
    %dma_start3A_74 = arith.constant 0 : i32
    %dma_start3A_75 = tpu.memref_slice %arg3[%dma_start3A_74] : memref<4194304xf32, #tpu.memory_space<hbm>> -> memref<4194304xf32, #tpu.memory_space<hbm>>
    tpu.enqueue_indirect_dma source(%dma_start3A_75 : memref<4194304xf32, #tpu.memory_space<hbm>>) target(%arg12 : memref<16384xf32, #tpu.memory_space<vmem>>) offsets(%arg10 : memref<16384xi32, #tpu.memory_space<vmem>>) semaphore(%arg22 : memref<!tpu.dma_semaphore, #tpu.memory_space<semaphore_mem>>)
    %scan3A_76 = arith.constant 0 : i32
    %scan3A_77 = arith.constant 256 : i32
    %scan3A_78 = arith.addi %scan3A_76, %scan3A_77 : i32
    %scan3A_79 = arith.constant 1 : i32
    scf.for %scan3A_352 = %scan3A_76 to %scan3A_78 step %scan3A_79  : i32 {
      %mul3A_353 = arith.constant 1 : i32
      %mul3A_354 = arith.muli %scan3A_352, %mul3A_353 : i32
      %add3A_355 = arith.constant 0 : i32
      %add3A_356 = arith.addi %add3A_355, %mul3A_354 : i32
      %mul3A_357 = arith.constant 16 : i32
      %mul3A_358 = arith.muli %add3A_356, %mul3A_357 : i32
      %mul3A_359 = arith.constant 4 : i32
      %mul3A_360 = arith.muli %mul3A_359, %mul3A_358 : i32
      %add3A_361 = arith.constant 0 : i32
      %add3A_362 = arith.addi %mul3A_360, %add3A_361 : i32
      %get3A = arith.index_cast %add3A_362 : i32 to index
      %get3A_363 = tpu.vector_load %arg11[%get3A] {strides = array<i32>} : memref<16384xf32, #tpu.memory_space<vmem>>, vector<16xf32>,
      %get3A_364 = vector.shape_cast %get3A_363 : vector<16xf32> to vector<16xf32>
      %mul3A_365 = arith.constant 4 : i32
      %mul3A_366 = arith.muli %mul3A_365, %mul3A_358 : i32
      %add3A_367 = arith.constant 16 : i32
      %add3A_368 = arith.addi %mul3A_366, %add3A_367 : i32
      %get3A_369 = arith.index_cast %add3A_368 : i32 to index
      %get3A_370 = tpu.vector_load %arg11[%get3A_369] {strides = array<i32>} : memref<16384xf32, #tpu.memory_space<vmem>>, vector<16xf32>,
      %get3A_371 = vector.shape_cast %get3A_370 : vector<16xf32> to vector<16xf32>
      %mul3A_372 = arith.constant 4 : i32
      %mul3A_373 = arith.muli %mul3A_372, %mul3A_358 : i32
      %add3A_374 = arith.constant 32 : i32
      %add3A_375 = arith.addi %mul3A_373, %add3A_374 : i32
      %get3A_376 = arith.index_cast %add3A_375 : i32 to index
      %get3A_377 = tpu.vector_load %arg11[%get3A_376] {strides = array<i32>} : memref<16384xf32, #tpu.memory_space<vmem>>, vector<16xf32>,
      %get3A_378 = vector.shape_cast %get3A_377 : vector<16xf32> to vector<16xf32>
      %mul3A_379 = arith.constant 4 : i32
      %mul3A_380 = arith.muli %mul3A_379, %mul3A_358 : i32
      %add3A_381 = arith.constant 48 : i32
      %add3A_382 = arith.addi %mul3A_380, %add3A_381 : i32
      %get3A_383 = arith.index_cast %add3A_382 : i32 to index
      %get3A_384 = tpu.vector_load %arg11[%get3A_383] {strides = array<i32>} : memref<16384xf32, #tpu.memory_space<vmem>>, vector<16xf32>,
      %get3A_385 = vector.shape_cast %get3A_384 : vector<16xf32> to vector<16xf32>
      %and3A = arith.constant 3 : i32
      %and3A_386 = vector.broadcast %and3A : i32 to vector<16xi32>
      %and3A_387 = arith.andi %iota3A, %and3A_386 : vector<16xi32>
      %mul3A_388 = arith.constant 4 : i32
      %mul3A_389 = vector.broadcast %mul3A_388 : i32 to vector<16xi32>
      %mul3A_390 = arith.muli %and3A_387, %mul3A_389 : vector<16xi32>
      %add3A_391 = arith.constant 0 : i32
      %add3A_392 = vector.broadcast %add3A_391 : i32 to vector<16xi32>
      %add3A_393 = arith.addi %mul3A_390, %add3A_392 : vector<16xi32>
      %broadcast_in_dim3A = vector.shape_cast %add3A_393 : vector<16xi32> to vector<16x1xi32>
      %gather3A = vector.shape_cast %broadcast_in_dim3A : vector<16x1xi32> to vector<16xi32>
      %gather3A_394 = tpu.dynamic_gather %get3A_364[%gather3A] in [0] : vector<16xf32>, vector<16xi32> -> vector<16xf32>
      %mul3A_395 = arith.constant 4 : i32
      %mul3A_396 = vector.broadcast %mul3A_395 : i32 to vector<16xi32>
      %mul3A_397 = arith.muli %and3A_387, %mul3A_396 : vector<16xi32>
      %add3A_398 = arith.constant 0 : i32
      %add3A_399 = vector.broadcast %add3A_398 : i32 to vector<16xi32>
      %add3A_400 = arith.addi %mul3A_397, %add3A_399 : vector<16xi32>
      %broadcast_in_dim3A_401 = vector.shape_cast %add3A_400 : vector<16xi32> to vector<16x1xi32>
      %gather3A_402 = vector.shape_cast %broadcast_in_dim3A_401 : vector<16x1xi32> to vector<16xi32>
      %gather3A_403 = tpu.dynamic_gather %get3A_371[%gather3A_402] in [0] : vector<16xf32>, vector<16xi32> -> vector<16xf32>
      %mul3A_404 = arith.constant 4 : i32
      %mul3A_405 = vector.broadcast %mul3A_404 : i32 to vector<16xi32>
      %mul3A_406 = arith.muli %and3A_387, %mul3A_405 : vector<16xi32>
      %add3A_407 = arith.constant 0 : i32
      %add3A_408 = vector.broadcast %add3A_407 : i32 to vector<16xi32>
      %add3A_409 = arith.addi %mul3A_406, %add3A_408 : vector<16xi32>
      %broadcast_in_dim3A_410 = vector.shape_cast %add3A_409 : vector<16xi32> to vector<16x1xi32>
      %gather3A_411 = vector.shape_cast %broadcast_in_dim3A_410 : vector<16x1xi32> to vector<16xi32>
      %gather3A_412 = tpu.dynamic_gather %get3A_378[%gather3A_411] in [0] : vector<16xf32>, vector<16xi32> -> vector<16xf32>
      %mul3A_413 = arith.constant 4 : i32
      %mul3A_414 = vector.broadcast %mul3A_413 : i32 to vector<16xi32>
      %mul3A_415 = arith.muli %and3A_387, %mul3A_414 : vector<16xi32>
      %add3A_416 = arith.constant 0 : i32
      %add3A_417 = vector.broadcast %add3A_416 : i32 to vector<16xi32>
      %add3A_418 = arith.addi %mul3A_415, %add3A_417 : vector<16xi32>
      %broadcast_in_dim3A_419 = vector.shape_cast %add3A_418 : vector<16xi32> to vector<16x1xi32>
      %gather3A_420 = vector.shape_cast %broadcast_in_dim3A_419 : vector<16x1xi32> to vector<16xi32>
      %gather3A_421 = tpu.dynamic_gather %get3A_385[%gather3A_420] in [0] : vector<16xf32>, vector<16xi32> -> vector<16xf32>
      %lt3A = arith.constant 4 : i32
      %lt3A_422 = vector.broadcast %lt3A : i32 to vector<16xi32>
      %lt3A_423 = arith.cmpi slt, %iota3A, %lt3A_422 : vector<16xi32>
      %lt3A_424 = arith.constant 8 : i32
      %lt3A_425 = vector.broadcast %lt3A_424 : i32 to vector<16xi32>
      %lt3A_426 = arith.cmpi slt, %iota3A, %lt3A_425 : vector<16xi32>
      %lt3A_427 = arith.constant 12 : i32
      %lt3A_428 = vector.broadcast %lt3A_427 : i32 to vector<16xi32>
      %lt3A_429 = arith.cmpi slt, %iota3A, %lt3A_428 : vector<16xi32>
      %select_n3A = arith.select %lt3A_429, %gather3A_412, %gather3A_421 : vector<16xi1>, vector<16xf32>
      %select_n3A_430 = arith.select %lt3A_426, %gather3A_403, %select_n3A : vector<16xi1>, vector<16xf32>
      %select_n3A_431 = arith.select %lt3A_423, %gather3A_394, %select_n3A_430 : vector<16xi1>, vector<16xf32>
      %mul3A_432 = arith.constant 4 : i32
      %mul3A_433 = vector.broadcast %mul3A_432 : i32 to vector<16xi32>
      %mul3A_434 = arith.muli %and3A_387, %mul3A_433 : vector<16xi32>
      %add3A_435 = arith.constant 1 : i32
      %add3A_436 = vector.broadcast %add3A_435 : i32 to vector<16xi32>
      %add3A_437 = arith.addi %mul3A_434, %add3A_436 : vector<16xi32>
      %broadcast_in_dim3A_438 = vector.shape_cast %add3A_437 : vector<16xi32> to vector<16x1xi32>
      %gather3A_439 = vector.shape_cast %broadcast_in_dim3A_438 : vector<16x1xi32> to vector<16xi32>
      %gather3A_440 = tpu.dynamic_gather %get3A_364[%gather3A_439] in [0] : vector<16xf32>, vector<16xi32> -> vector<16xf32>
      %mul3A_441 = arith.constant 4 : i32
      %mul3A_442 = vector.broadcast %mul3A_441 : i32 to vector<16xi32>
      %mul3A_443 = arith.muli %and3A_387, %mul3A_442 : vector<16xi32>
      %add3A_444 = arith.constant 1 : i32
      %add3A_445 = vector.broadcast %add3A_444 : i32 to vector<16xi32>
      %add3A_446 = arith.addi %mul3A_443, %add3A_445 : vector<16xi32>
      %broadcast_in_dim3A_447 = vector.shape_cast %add3A_446 : vector<16xi32> to vector<16x1xi32>
      %gather3A_448 = vector.shape_cast %broadcast_in_dim3A_447 : vector<16x1xi32> to vector<16xi32>
      %gather3A_449 = tpu.dynamic_gather %get3A_371[%gather3A_448] in [0] : vector<16xf32>, vector<16xi32> -> vector<16xf32>
      %mul3A_450 = arith.constant 4 : i32
      %mul3A_451 = vector.broadcast %mul3A_450 : i32 to vector<16xi32>
      %mul3A_452 = arith.muli %and3A_387, %mul3A_451 : vector<16xi32>
      %add3A_453 = arith.constant 1 : i32
      %add3A_454 = vector.broadcast %add3A_453 : i32 to vector<16xi32>
      %add3A_455 = arith.addi %mul3A_452, %add3A_454 : vector<16xi32>
      %broadcast_in_dim3A_456 = vector.shape_cast %add3A_455 : vector<16xi32> to vector<16x1xi32>
      %gather3A_457 = vector.shape_cast %broadcast_in_dim3A_456 : vector<16x1xi32> to vector<16xi32>
      %gather3A_458 = tpu.dynamic_gather %get3A_378[%gather3A_457] in [0] : vector<16xf32>, vector<16xi32> -> vector<16xf32>
      %mul3A_459 = arith.constant 4 : i32
      %mul3A_460 = vector.broadcast %mul3A_459 : i32 to vector<16xi32>
      %mul3A_461 = arith.muli %and3A_387, %mul3A_460 : vector<16xi32>
      %add3A_462 = arith.constant 1 : i32
      %add3A_463 = vector.broadcast %add3A_462 : i32 to vector<16xi32>
      %add3A_464 = arith.addi %mul3A_461, %add3A_463 : vector<16xi32>
      %broadcast_in_dim3A_465 = vector.shape_cast %add3A_464 : vector<16xi32> to vector<16x1xi32>
      %gather3A_466 = vector.shape_cast %broadcast_in_dim3A_465 : vector<16x1xi32> to vector<16xi32>
      %gather3A_467 = tpu.dynamic_gather %get3A_385[%gather3A_466] in [0] : vector<16xf32>, vector<16xi32> -> vector<16xf32>
      %lt3A_468 = arith.constant 4 : i32
      %lt3A_469 = vector.broadcast %lt3A_468 : i32 to vector<16xi32>
      %lt3A_470 = arith.cmpi slt, %iota3A, %lt3A_469 : vector<16xi32>
      %lt3A_471 = arith.constant 8 : i32
      %lt3A_472 = vector.broadcast %lt3A_471 : i32 to vector<16xi32>
      %lt3A_473 = arith.cmpi slt, %iota3A, %lt3A_472 : vector<16xi32>
      %lt3A_474 = arith.constant 12 : i32
      %lt3A_475 = vector.broadcast %lt3A_474 : i32 to vector<16xi32>
      %lt3A_476 = arith.cmpi slt, %iota3A, %lt3A_475 : vector<16xi32>
      %select_n3A_477 = arith.select %lt3A_476, %gather3A_458, %gather3A_467 : vector<16xi1>, vector<16xf32>
      %select_n3A_478 = arith.select %lt3A_473, %gather3A_449, %select_n3A_477 : vector<16xi1>, vector<16xf32>
      %select_n3A_479 = arith.select %lt3A_470, %gather3A_440, %select_n3A_478 : vector<16xi1>, vector<16xf32>
      %mul3A_480 = arith.constant 4 : i32
      %mul3A_481 = vector.broadcast %mul3A_480 : i32 to vector<16xi32>
      %mul3A_482 = arith.muli %and3A_387, %mul3A_481 : vector<16xi32>
      %add3A_483 = arith.constant 2 : i32
      %add3A_484 = vector.broadcast %add3A_483 : i32 to vector<16xi32>
      %add3A_485 = arith.addi %mul3A_482, %add3A_484 : vector<16xi32>
      %broadcast_in_dim3A_486 = vector.shape_cast %add3A_485 : vector<16xi32> to vector<16x1xi32>
      %gather3A_487 = vector.shape_cast %broadcast_in_dim3A_486 : vector<16x1xi32> to vector<16xi32>
      %gather3A_488 = tpu.dynamic_gather %get3A_364[%gather3A_487] in [0] : vector<16xf32>, vector<16xi32> -> vector<16xf32>
      %mul3A_489 = arith.constant 4 : i32
      %mul3A_490 = vector.broadcast %mul3A_489 : i32 to vector<16xi32>
      %mul3A_491 = arith.muli %and3A_387, %mul3A_490 : vector<16xi32>
      %add3A_492 = arith.constant 2 : i32
      %add3A_493 = vector.broadcast %add3A_492 : i32 to vector<16xi32>
      %add3A_494 = arith.addi %mul3A_491, %add3A_493 : vector<16xi32>
      %broadcast_in_dim3A_495 = vector.shape_cast %add3A_494 : vector<16xi32> to vector<16x1xi32>
      %gather3A_496 = vector.shape_cast %broadcast_in_dim3A_495 : vector<16x1xi32> to vector<16xi32>
      %gather3A_497 = tpu.dynamic_gather %get3A_371[%gather3A_496] in [0] : vector<16xf32>, vector<16xi32> -> vector<16xf32>
      %mul3A_498 = arith.constant 4 : i32
      %mul3A_499 = vector.broadcast %mul3A_498 : i32 to vector<16xi32>
      %mul3A_500 = arith.muli %and3A_387, %mul3A_499 : vector<16xi32>
      %add3A_501 = arith.constant 2 : i32
      %add3A_502 = vector.broadcast %add3A_501 : i32 to vector<16xi32>
      %add3A_503 = arith.addi %mul3A_500, %add3A_502 : vector<16xi32>
      %broadcast_in_dim3A_504 = vector.shape_cast %add3A_503 : vector<16xi32> to vector<16x1xi32>
      %gather3A_505 = vector.shape_cast %broadcast_in_dim3A_504 : vector<16x1xi32> to vector<16xi32>
      %gather3A_506 = tpu.dynamic_gather %get3A_378[%gather3A_505] in [0] : vector<16xf32>, vector<16xi32> -> vector<16xf32>
      %mul3A_507 = arith.constant 4 : i32
      %mul3A_508 = vector.broadcast %mul3A_507 : i32 to vector<16xi32>
      %mul3A_509 = arith.muli %and3A_387, %mul3A_508 : vector<16xi32>
      %add3A_510 = arith.constant 2 : i32
      %add3A_511 = vector.broadcast %add3A_510 : i32 to vector<16xi32>
      %add3A_512 = arith.addi %mul3A_509, %add3A_511 : vector<16xi32>
      %broadcast_in_dim3A_513 = vector.shape_cast %add3A_512 : vector<16xi32> to vector<16x1xi32>
      %gather3A_514 = vector.shape_cast %broadcast_in_dim3A_513 : vector<16x1xi32> to vector<16xi32>
      %gather3A_515 = tpu.dynamic_gather %get3A_385[%gather3A_514] in [0] : vector<16xf32>, vector<16xi32> -> vector<16xf32>
      %lt3A_516 = arith.constant 4 : i32
      %lt3A_517 = vector.broadcast %lt3A_516 : i32 to vector<16xi32>
      %lt3A_518 = arith.cmpi slt, %iota3A, %lt3A_517 : vector<16xi32>
      %lt3A_519 = arith.constant 8 : i32
      %lt3A_520 = vector.broadcast %lt3A_519 : i32 to vector<16xi32>
      %lt3A_521 = arith.cmpi slt, %iota3A, %lt3A_520 : vector<16xi32>
      %lt3A_522 = arith.constant 12 : i32
      %lt3A_523 = vector.broadcast %lt3A_522 : i32 to vector<16xi32>
      %lt3A_524 = arith.cmpi slt, %iota3A, %lt3A_523 : vector<16xi32>
      %select_n3A_525 = arith.select %lt3A_524, %gather3A_506, %gather3A_515 : vector<16xi1>, vector<16xf32>
      %select_n3A_526 = arith.select %lt3A_521, %gather3A_497, %select_n3A_525 : vector<16xi1>, vector<16xf32>
      %select_n3A_527 = arith.select %lt3A_518, %gather3A_488, %select_n3A_526 : vector<16xi1>, vector<16xf32>
      %mul3A_528 = arith.constant 4 : i32
      %mul3A_529 = vector.broadcast %mul3A_528 : i32 to vector<16xi32>
      %mul3A_530 = arith.muli %and3A_387, %mul3A_529 : vector<16xi32>
      %add3A_531 = arith.constant 3 : i32
      %add3A_532 = vector.broadcast %add3A_531 : i32 to vector<16xi32>
      %add3A_533 = arith.addi %mul3A_530, %add3A_532 : vector<16xi32>
      %broadcast_in_dim3A_534 = vector.shape_cast %add3A_533 : vector<16xi32> to vector<16x1xi32>
      %gather3A_535 = vector.shape_cast %broadcast_in_dim3A_534 : vector<16x1xi32> to vector<16xi32>
      %gather3A_536 = tpu.dynamic_gather %get3A_364[%gather3A_535] in [0] : vector<16xf32>, vector<16xi32> -> vector<16xf32>
      %mul3A_537 = arith.constant 4 : i32
      %mul3A_538 = vector.broadcast %mul3A_537 : i32 to vector<16xi32>
      %mul3A_539 = arith.muli %and3A_387, %mul3A_538 : vector<16xi32>
      %add3A_540 = arith.constant 3 : i32
      %add3A_541 = vector.broadcast %add3A_540 : i32 to vector<16xi32>
      %add3A_542 = arith.addi %mul3A_539, %add3A_541 : vector<16xi32>
      %broadcast_in_dim3A_543 = vector.shape_cast %add3A_542 : vector<16xi32> to vector<16x1xi32>
      %gather3A_544 = vector.shape_cast %broadcast_in_dim3A_543 : vector<16x1xi32> to vector<16xi32>
      %gather3A_545 = tpu.dynamic_gather %get3A_371[%gather3A_544] in [0] : vector<16xf32>, vector<16xi32> -> vector<16xf32>
      %mul3A_546 = arith.constant 4 : i32
      %mul3A_547 = vector.broadcast %mul3A_546 : i32 to vector<16xi32>
      %mul3A_548 = arith.muli %and3A_387, %mul3A_547 : vector<16xi32>
      %add3A_549 = arith.constant 3 : i32
      %add3A_550 = vector.broadcast %add3A_549 : i32 to vector<16xi32>
      %add3A_551 = arith.addi %mul3A_548, %add3A_550 : vector<16xi32>
      %broadcast_in_dim3A_552 = vector.shape_cast %add3A_551 : vector<16xi32> to vector<16x1xi32>
      %gather3A_553 = vector.shape_cast %broadcast_in_dim3A_552 : vector<16x1xi32> to vector<16xi32>
      %gather3A_554 = tpu.dynamic_gather %get3A_378[%gather3A_553] in [0] : vector<16xf32>, vector<16xi32> -> vector<16xf32>
      %mul3A_555 = arith.constant 4 : i32
      %mul3A_556 = vector.broadcast %mul3A_555 : i32 to vector<16xi32>
      %mul3A_557 = arith.muli %and3A_387, %mul3A_556 : vector<16xi32>
      %add3A_558 = arith.constant 3 : i32
      %add3A_559 = vector.broadcast %add3A_558 : i32 to vector<16xi32>
      %add3A_560 = arith.addi %mul3A_557, %add3A_559 : vector<16xi32>
      %broadcast_in_dim3A_561 = vector.shape_cast %add3A_560 : vector<16xi32> to vector<16x1xi32>
      %gather3A_562 = vector.shape_cast %broadcast_in_dim3A_561 : vector<16x1xi32> to vector<16xi32>
      %gather3A_563 = tpu.dynamic_gather %get3A_385[%gather3A_562] in [0] : vector<16xf32>, vector<16xi32> -> vector<16xf32>
      %lt3A_564 = arith.constant 4 : i32
      %lt3A_565 = vector.broadcast %lt3A_564 : i32 to vector<16xi32>
      %lt3A_566 = arith.cmpi slt, %iota3A, %lt3A_565 : vector<16xi32>
      %lt3A_567 = arith.constant 8 : i32
      %lt3A_568 = vector.broadcast %lt3A_567 : i32 to vector<16xi32>
      %lt3A_569 = arith.cmpi slt, %iota3A, %lt3A_568 : vector<16xi32>
      %lt3A_570 = arith.constant 12 : i32
      %lt3A_571 = vector.broadcast %lt3A_570 : i32 to vector<16xi32>
      %lt3A_572 = arith.cmpi slt, %iota3A, %lt3A_571 : vector<16xi32>
      %select_n3A_573 = arith.select %lt3A_572, %gather3A_554, %gather3A_563 : vector<16xi1>, vector<16xf32>
      %select_n3A_574 = arith.select %lt3A_569, %gather3A_545, %select_n3A_573 : vector<16xi1>, vector<16xf32>
      %select_n3A_575 = arith.select %lt3A_566, %gather3A_536, %select_n3A_574 : vector<16xi1>, vector<16xf32>
      %get3A_576 = arith.index_cast %mul3A_358 : i32 to index
      %get3A_577 = tpu.vector_load %arg13[%get3A_576] {strides = array<i32>} : memref<4096xf32, #tpu.memory_space<vmem>>, vector<16xf32>,
      %get3A_578 = vector.shape_cast %get3A_577 : vector<16xf32> to vector<16xf32>
      %get3A_579 = arith.index_cast %mul3A_358 : i32 to index
      %get3A_580 = tpu.vector_load %arg15[%get3A_579] {strides = array<i32>} : memref<4096xf32, #tpu.memory_space<vmem>>, vector<16xf32>,
      %get3A_581 = vector.shape_cast %get3A_580 : vector<16xf32> to vector<16xf32>
      %sub3A = arith.subf %select_n3A_479, %select_n3A_431 : vector<16xf32>
      %mul3A_582 = arith.mulf %get3A_578, %sub3A : vector<16xf32>
      %add3A_583 = arith.addf %select_n3A_431, %mul3A_582 : vector<16xf32>
      %sub3A_584 = arith.subf %select_n3A_575, %select_n3A_527 : vector<16xf32>
      %mul3A_585 = arith.mulf %get3A_578, %sub3A_584 : vector<16xf32>
      %add3A_586 = arith.addf %select_n3A_527, %mul3A_585 : vector<16xf32>
      %sub3A_587 = arith.subf %add3A_586, %add3A_583 : vector<16xf32>
      %mul3A_588 = arith.mulf %get3A_581, %sub3A_587 : vector<16xf32>
      %add3A_589 = arith.addf %add3A_583, %mul3A_588 : vector<16xf32>
      %swap3A = arith.index_cast %mul3A_358 : i32 to index
      %swap3A_590 = tpu.vector_load %arg17[%swap3A] {strides = array<i32>} : memref<4096xf32, #tpu.memory_space<vmem>>, vector<16xf32>,
      %swap3A_591 = vector.shape_cast %swap3A_590 : vector<16xf32> to vector<16xf32>
      %swap3A_592 = vector.shape_cast %add3A_589 : vector<16xf32> to vector<16xf32>
      tpu.vector_store %arg17[%swap3A], %swap3A_592 {strides = array<i32>} : memref<4096xf32, #tpu.memory_space<vmem>>, vector<16xf32>,
    }
    %scan3A_80 = arith.constant 256 : i32
    %add3A_81 = arith.constant 0 : i32
    %add3A_82 = arith.addi %mul3A_2, %add3A_81 : i32
    %dma_start3A_83 = tpu.memref_slice %arg4[%add3A_82] : memref<1048576xf32, #tpu.memory_space<hbm>> -> memref<4096xf32, #tpu.memory_space<hbm>>
    %dma_start3A_84 = tpu.memref_slice %arg4[%add3A_82] : memref<1048576xf32, #tpu.memory_space<hbm>> -> memref<4096xf32, #tpu.memory_space<hbm>>
    tpu.enqueue_dma source(%arg17 : memref<4096xf32, #tpu.memory_space<vmem>>) target(%dma_start3A_84 : memref<4096xf32, #tpu.memory_space<hbm>>) target_semaphore(%arg23 : memref<!tpu.dma_semaphore, #tpu.memory_space<semaphore_mem>>)
    %dma_wait3A_85 = arith.constant 0 : i32
    %dma_wait3A_86 = tpu.memref_slice %arg2[%dma_wait3A_85, %add3A_54] : memref<2x1048576xf32, #tpu.memory_space<hbm>> -> memref<1x4096xf32, #tpu.memory_space<hbm>>
    %dma_wait3A_87 = tpu.memref_squeeze %dma_wait3A_86 : memref<1x4096xf32, #tpu.memory_space<hbm>> -> memref<4096xf32, #tpu.memory_space<hbm>>
    %dma_wait3A_88 = tpu.memref_slice %arg2[%dma_wait3A_85, %add3A_54] : memref<2x1048576xf32, #tpu.memory_space<hbm>> -> memref<1x4096xf32, #tpu.memory_space<hbm>>
    %dma_wait3A_89 = tpu.memref_squeeze %dma_wait3A_88 : memref<1x4096xf32, #tpu.memory_space<hbm>> -> memref<4096xf32, #tpu.memory_space<hbm>>
    tpu.wait_dma2 semaphore(%arg19 : memref<!tpu.dma_semaphore, #tpu.memory_space<semaphore_mem>>) src(%dma_wait3A_89 : memref<4096xf32, #tpu.memory_space<hbm>>) dst(%arg5 : memref<4096xf32, #tpu.memory_space<vmem>>)
    %dma_wait3A_90 = arith.constant 1 : i32
    %dma_wait3A_91 = tpu.memref_slice %arg2[%dma_wait3A_90, %add3A_54] : memref<2x1048576xf32, #tpu.memory_space<hbm>> -> memref<1x4096xf32, #tpu.memory_space<hbm>>
    %dma_wait3A_92 = tpu.memref_squeeze %dma_wait3A_91 : memref<1x4096xf32, #tpu.memory_space<hbm>> -> memref<4096xf32, #tpu.memory_space<hbm>>
    %dma_wait3A_93 = tpu.memref_slice %arg2[%dma_wait3A_90, %add3A_54] : memref<2x1048576xf32, #tpu.memory_space<hbm>> -> memref<1x4096xf32, #tpu.memory_space<hbm>>
    %dma_wait3A_94 = tpu.memref_squeeze %dma_wait3A_93 : memref<1x4096xf32, #tpu.memory_space<hbm>> -> memref<4096xf32, #tpu.memory_space<hbm>>
    tpu.wait_dma2 semaphore(%arg19 : memref<!tpu.dma_semaphore, #tpu.memory_space<semaphore_mem>>) src(%dma_wait3A_94 : memref<4096xf32, #tpu.memory_space<hbm>>) dst(%arg6 : memref<4096xf32, #tpu.memory_space<vmem>>)
    %add3A_95 = arith.constant 12288 : i32
    %add3A_96 = arith.addi %mul3A_2, %add3A_95 : i32
    %dma_start3A_97 = arith.constant 0 : i32
    %dma_start3A_98 = tpu.memref_slice %arg2[%dma_start3A_97, %add3A_96] : memref<2x1048576xf32, #tpu.memory_space<hbm>> -> memref<1x4096xf32, #tpu.memory_space<hbm>>
    %dma_start3A_99 = tpu.memref_squeeze %dma_start3A_98 : memref<1x4096xf32, #tpu.memory_space<hbm>> -> memref<4096xf32, #tpu.memory_space<hbm>>
    %dma_start3A_100 = tpu.memref_slice %arg2[%dma_start3A_97, %add3A_96] : memref<2x1048576xf32, #tpu.memory_space<hbm>> -> memref<1x4096xf32, #tpu.memory_space<hbm>>
    %dma_start3A_101 = tpu.memref_squeeze %dma_start3A_100 : memref<1x4096xf32, #tpu.memory_space<hbm>> -> memref<4096xf32, #tpu.memory_space<hbm>>
    tpu.enqueue_dma source(%dma_start3A_101 : memref<4096xf32, #tpu.memory_space<hbm>>) target(%arg7 : memref<4096xf32, #tpu.memory_space<vmem>>) target_semaphore(%arg20 : memref<!tpu.dma_semaphore, #tpu.memory_space<semaphore_mem>>)
    %dma_start3A_102 = arith.constant 1 : i32
    %dma_start3A_103 = tpu.memref_slice %arg2[%dma_start3A_102, %add3A_96] : memref<2x1048576xf32, #tpu.memory_space<hbm>> -> memref<1x4096xf32, #tpu.memory_space<hbm>>
    %dma_start3A_104 = tpu.memref_squeeze %dma_start3A_103 : memref<1x4096xf32, #tpu.memory_space<hbm>> -> memref<4096xf32, #tpu.memory_space<hbm>>
    %dma_start3A_105 = tpu.memref_slice %arg2[%dma_start3A_102, %add3A_96] : memref<2x1048576xf32, #tpu.memory_space<hbm>> -> memref<1x4096xf32, #tpu.memory_space<hbm>>
    %dma_start3A_106 = tpu.memref_squeeze %dma_start3A_105 : memref<1x4096xf32, #tpu.memory_space<hbm>> -> memref<4096xf32, #tpu.memory_space<hbm>>
    tpu.enqueue_dma source(%dma_start3A_106 : memref<4096xf32, #tpu.memory_space<hbm>>) target(%arg8 : memref<4096xf32, #tpu.memory_space<vmem>>) target_semaphore(%arg20 : memref<!tpu.dma_semaphore, #tpu.memory_space<semaphore_mem>>)
    %scan3A_107 = arith.constant 2.047000e+03 : f32
    %scan3A_108 = arith.constant 2.047000e+03 : f32
    %scan3A_109 = arith.constant 0 : i32
    %scan3A_110 = arith.constant 256 : i32
    %scan3A_111 = arith.addi %scan3A_109, %scan3A_110 : i32
    %scan3A_112 = arith.constant 1 : i32
    scf.for %scan3A_352 = %scan3A_109 to %scan3A_111 step %scan3A_112  : i32 {
      %mul3A_353 = arith.constant 1 : i32
      %mul3A_354 = arith.muli %scan3A_352, %mul3A_353 : i32
      %add3A_355 = arith.constant 0 : i32
      %add3A_356 = arith.addi %add3A_355, %mul3A_354 : i32
      %mul3A_357 = arith.constant 16 : i32
      %mul3A_358 = arith.muli %add3A_356, %mul3A_357 : i32
      %get3A = arith.index_cast %mul3A_358 : i32 to index
      %get3A_359 = tpu.vector_load %arg5[%get3A] {strides = array<i32>} : memref<4096xf32, #tpu.memory_space<vmem>>, vector<16xf32>,
      %get3A_360 = vector.shape_cast %get3A_359 : vector<16xf32> to vector<16xf32>
      %mul3A_361 = vector.broadcast %scan3A_107 : f32 to vector<16xf32>
      %mul3A_362 = arith.mulf %get3A_360, %mul3A_361 : vector<16xf32>
      %get3A_363 = arith.index_cast %mul3A_358 : i32 to index
      %get3A_364 = tpu.vector_load %arg6[%get3A_363] {strides = array<i32>} : memref<4096xf32, #tpu.memory_space<vmem>>, vector<16xf32>,
      %get3A_365 = vector.shape_cast %get3A_364 : vector<16xf32> to vector<16xf32>
      %mul3A_366 = vector.broadcast %scan3A_108 : f32 to vector<16xf32>
      %mul3A_367 = arith.mulf %get3A_365, %mul3A_366 : vector<16xf32>
      %convert_element_type3A = arith.fptosi %mul3A_362 : vector<16xf32> to vector<16xi32>
      %jit3A = arith.constant 0 : i32
      %jit3A_368 = arith.constant 2047 : i32
      %max3A = vector.broadcast %jit3A : i32 to vector<16xi32>
      %max3A_369 = arith.maxsi %max3A, %convert_element_type3A : vector<16xi32>
      %min3A = vector.broadcast %jit3A_368 : i32 to vector<16xi32>
      %min3A_370 = arith.minsi %min3A, %max3A_369 : vector<16xi32>
      %convert_element_type3A_371 = arith.fptosi %mul3A_367 : vector<16xf32> to vector<16xi32>
      %jit3A_372 = arith.constant 0 : i32
      %jit3A_373 = arith.constant 2047 : i32
      %max3A_374 = vector.broadcast %jit3A_372 : i32 to vector<16xi32>
      %max3A_375 = arith.maxsi %max3A_374, %convert_element_type3A_371 : vector<16xi32>
      %min3A_376 = vector.broadcast %jit3A_373 : i32 to vector<16xi32>
      %min3A_377 = arith.minsi %min3A_376, %max3A_375 : vector<16xi32>
      %convert_element_type3A_378 = arith.sitofp %min3A_370 : vector<16xi32> to vector<16xf32>
      %sub3A = arith.subf %mul3A_362, %convert_element_type3A_378 : vector<16xf32>
      %swap3A = arith.index_cast %mul3A_358 : i32 to index
      %swap3A_379 = tpu.vector_load %arg13[%swap3A] {strides = array<i32>} : memref<4096xf32, #tpu.memory_space<vmem>>, vector<16xf32>,
      %swap3A_380 = vector.shape_cast %swap3A_379 : vector<16xf32> to vector<16xf32>
      %swap3A_381 = vector.shape_cast %sub3A : vector<16xf32> to vector<16xf32>
      tpu.vector_store %arg13[%swap3A], %swap3A_381 {strides = array<i32>} : memref<4096xf32, #tpu.memory_space<vmem>>, vector<16xf32>,
      %convert_element_type3A_382 = arith.sitofp %min3A_377 : vector<16xi32> to vector<16xf32>
      %sub3A_383 = arith.subf %mul3A_367, %convert_element_type3A_382 : vector<16xf32>
      %swap3A_384 = arith.index_cast %mul3A_358 : i32 to index
      %swap3A_385 = tpu.vector_load %arg15[%swap3A_384] {strides = array<i32>} : memref<4096xf32, #tpu.memory_space<vmem>>, vector<16xf32>,
      %swap3A_386 = vector.shape_cast %swap3A_385 : vector<16xf32> to vector<16xf32>
      %swap3A_387 = vector.shape_cast %sub3A_383 : vector<16xf32> to vector<16xf32>
      tpu.vector_store %arg15[%swap3A_384], %swap3A_387 {strides = array<i32>} : memref<4096xf32, #tpu.memory_space<vmem>>, vector<16xf32>,
      %add3A_388 = arith.constant 1 : i32
      %add3A_389 = vector.broadcast %add3A_388 : i32 to vector<16xi32>
      %add3A_390 = arith.addi %min3A_370, %add3A_389 : vector<16xi32>
      %min3A_391 = arith.constant 2047 : i32
      %min3A_392 = vector.broadcast %min3A_391 : i32 to vector<16xi32>
      %min3A_393 = arith.minsi %add3A_390, %min3A_392 : vector<16xi32>
      %mul3A_394 = arith.constant 2048 : i32
      %mul3A_395 = vector.broadcast %mul3A_394 : i32 to vector<16xi32>
      %mul3A_396 = arith.muli %min3A_377, %mul3A_395 : vector<16xi32>
      %add3A_397 = arith.constant 1 : i32
      %add3A_398 = vector.broadcast %add3A_397 : i32 to vector<16xi32>
      %add3A_399 = arith.addi %min3A_377, %add3A_398 : vector<16xi32>
      %min3A_400 = arith.constant 2047 : i32
      %min3A_401 = vector.broadcast %min3A_400 : i32 to vector<16xi32>
      %min3A_402 = arith.minsi %add3A_399, %min3A_401 : vector<16xi32>
      %mul3A_403 = arith.constant 2048 : i32
      %mul3A_404 = vector.broadcast %mul3A_403 : i32 to vector<16xi32>
      %mul3A_405 = arith.muli %min3A_402, %mul3A_404 : vector<16xi32>
      %add3A_406 = arith.addi %mul3A_396, %min3A_370 : vector<16xi32>
      %add3A_407 = arith.addi %mul3A_396, %min3A_393 : vector<16xi32>
      %add3A_408 = arith.addi %mul3A_405, %min3A_370 : vector<16xi32>
      %add3A_409 = arith.addi %mul3A_405, %min3A_393 : vector<16xi32>
      %shift_right_arithmetic3A = arith.constant 2 : i32
      %shift_right_arithmetic3A_410 = vector.broadcast %shift_right_arithmetic3A : i32 to vector<16xi32>
      %shift_right_arithmetic3A_411 = arith.shrsi %iota3A, %shift_right_arithmetic3A_410 : vector<16xi32>
      %and3A = arith.constant 3 : i32
      %and3A_412 = vector.broadcast %and3A : i32 to vector<16xi32>
      %and3A_413 = arith.andi %iota3A, %and3A_412 : vector<16xi32>
      %add3A_414 = arith.constant 0 : i32
      %add3A_415 = vector.broadcast %add3A_414 : i32 to vector<16xi32>
      %add3A_416 = arith.addi %shift_right_arithmetic3A_411, %add3A_415 : vector<16xi32>
      %broadcast_in_dim3A = vector.shape_cast %add3A_416 : vector<16xi32> to vector<16x1xi32>
      %gather3A = vector.shape_cast %broadcast_in_dim3A : vector<16x1xi32> to vector<16xi32>
      %gather3A_417 = tpu.dynamic_gather %add3A_406[%gather3A] in [0] : vector<16xi32>, vector<16xi32> -> vector<16xi32>
      %add3A_418 = arith.constant 0 : i32
      %add3A_419 = vector.broadcast %add3A_418 : i32 to vector<16xi32>
      %add3A_420 = arith.addi %shift_right_arithmetic3A_411, %add3A_419 : vector<16xi32>
      %broadcast_in_dim3A_421 = vector.shape_cast %add3A_420 : vector<16xi32> to vector<16x1xi32>
      %gather3A_422 = vector.shape_cast %broadcast_in_dim3A_421 : vector<16x1xi32> to vector<16xi32>
      %gather3A_423 = tpu.dynamic_gather %add3A_407[%gather3A_422] in [0] : vector<16xi32>, vector<16xi32> -> vector<16xi32>
      %add3A_424 = arith.constant 0 : i32
      %add3A_425 = vector.broadcast %add3A_424 : i32 to vector<16xi32>
      %add3A_426 = arith.addi %shift_right_arithmetic3A_411, %add3A_425 : vector<16xi32>
      %broadcast_in_dim3A_427 = vector.shape_cast %add3A_426 : vector<16xi32> to vector<16x1xi32>
      %gather3A_428 = vector.shape_cast %broadcast_in_dim3A_427 : vector<16x1xi32> to vector<16xi32>
      %gather3A_429 = tpu.dynamic_gather %add3A_408[%gather3A_428] in [0] : vector<16xi32>, vector<16xi32> -> vector<16xi32>
      %add3A_430 = arith.constant 0 : i32
      %add3A_431 = vector.broadcast %add3A_430 : i32 to vector<16xi32>
      %add3A_432 = arith.addi %shift_right_arithmetic3A_411, %add3A_431 : vector<16xi32>
      %broadcast_in_dim3A_433 = vector.shape_cast %add3A_432 : vector<16xi32> to vector<16x1xi32>
      %gather3A_434 = vector.shape_cast %broadcast_in_dim3A_433 : vector<16x1xi32> to vector<16xi32>
      %gather3A_435 = tpu.dynamic_gather %add3A_409[%gather3A_434] in [0] : vector<16xi32>, vector<16xi32> -> vector<16xi32>
      %eq3A = arith.constant 0 : i32
      %eq3A_436 = vector.broadcast %eq3A : i32 to vector<16xi32>
      %eq3A_437 = arith.cmpi eq, %and3A_413, %eq3A_436 : vector<16xi32>
      %eq3A_438 = arith.constant 1 : i32
      %eq3A_439 = vector.broadcast %eq3A_438 : i32 to vector<16xi32>
      %eq3A_440 = arith.cmpi eq, %and3A_413, %eq3A_439 : vector<16xi32>
      %eq3A_441 = arith.constant 2 : i32
      %eq3A_442 = vector.broadcast %eq3A_441 : i32 to vector<16xi32>
      %eq3A_443 = arith.cmpi eq, %and3A_413, %eq3A_442 : vector<16xi32>
      %select_n3A = arith.select %eq3A_443, %gather3A_429, %gather3A_435 : vector<16xi1>, vector<16xi32>
      %select_n3A_444 = arith.select %eq3A_440, %gather3A_423, %select_n3A : vector<16xi1>, vector<16xi32>
      %select_n3A_445 = arith.select %eq3A_437, %gather3A_417, %select_n3A_444 : vector<16xi1>, vector<16xi32>
      %mul3A_446 = arith.constant 4 : i32
      %mul3A_447 = arith.muli %mul3A_446, %mul3A_358 : i32
      %add3A_448 = arith.constant 0 : i32
      %add3A_449 = arith.addi %mul3A_447, %add3A_448 : i32
      %swap3A_450 = arith.index_cast %add3A_449 : i32 to index
      %swap3A_451 = tpu.vector_load %arg9[%swap3A_450] {strides = array<i32>} : memref<16384xi32, #tpu.memory_space<vmem>>, vector<16xi32>,
      %swap3A_452 = vector.shape_cast %swap3A_451 : vector<16xi32> to vector<16xi32>
      %swap3A_453 = vector.shape_cast %select_n3A_445 : vector<16xi32> to vector<16xi32>
      tpu.vector_store %arg9[%swap3A_450], %swap3A_453 {strides = array<i32>} : memref<16384xi32, #tpu.memory_space<vmem>>, vector<16xi32>,
      %add3A_454 = arith.constant 4 : i32
      %add3A_455 = vector.broadcast %add3A_454 : i32 to vector<16xi32>
      %add3A_456 = arith.addi %shift_right_arithmetic3A_411, %add3A_455 : vector<16xi32>
      %broadcast_in_dim3A_457 = vector.shape_cast %add3A_456 : vector<16xi32> to vector<16x1xi32>
      %gather3A_458 = vector.shape_cast %broadcast_in_dim3A_457 : vector<16x1xi32> to vector<16xi32>
      %gather3A_459 = tpu.dynamic_gather %add3A_406[%gather3A_458] in [0] : vector<16xi32>, vector<16xi32> -> vector<16xi32>
      %add3A_460 = arith.constant 4 : i32
      %add3A_461 = vector.broadcast %add3A_460 : i32 to vector<16xi32>
      %add3A_462 = arith.addi %shift_right_arithmetic3A_411, %add3A_461 : vector<16xi32>
      %broadcast_in_dim3A_463 = vector.shape_cast %add3A_462 : vector<16xi32> to vector<16x1xi32>
      %gather3A_464 = vector.shape_cast %broadcast_in_dim3A_463 : vector<16x1xi32> to vector<16xi32>
      %gather3A_465 = tpu.dynamic_gather %add3A_407[%gather3A_464] in [0] : vector<16xi32>, vector<16xi32> -> vector<16xi32>
      %add3A_466 = arith.constant 4 : i32
      %add3A_467 = vector.broadcast %add3A_466 : i32 to vector<16xi32>
      %add3A_468 = arith.addi %shift_right_arithmetic3A_411, %add3A_467 : vector<16xi32>
      %broadcast_in_dim3A_469 = vector.shape_cast %add3A_468 : vector<16xi32> to vector<16x1xi32>
      %gather3A_470 = vector.shape_cast %broadcast_in_dim3A_469 : vector<16x1xi32> to vector<16xi32>
      %gather3A_471 = tpu.dynamic_gather %add3A_408[%gather3A_470] in [0] : vector<16xi32>, vector<16xi32> -> vector<16xi32>
      %add3A_472 = arith.constant 4 : i32
      %add3A_473 = vector.broadcast %add3A_472 : i32 to vector<16xi32>
      %add3A_474 = arith.addi %shift_right_arithmetic3A_411, %add3A_473 : vector<16xi32>
      %broadcast_in_dim3A_475 = vector.shape_cast %add3A_474 : vector<16xi32> to vector<16x1xi32>
      %gather3A_476 = vector.shape_cast %broadcast_in_dim3A_475 : vector<16x1xi32> to vector<16xi32>
      %gather3A_477 = tpu.dynamic_gather %add3A_409[%gather3A_476] in [0] : vector<16xi32>, vector<16xi32> -> vector<16xi32>
      %eq3A_478 = arith.constant 0 : i32
      %eq3A_479 = vector.broadcast %eq3A_478 : i32 to vector<16xi32>
      %eq3A_480 = arith.cmpi eq, %and3A_413, %eq3A_479 : vector<16xi32>
      %eq3A_481 = arith.constant 1 : i32
      %eq3A_482 = vector.broadcast %eq3A_481 : i32 to vector<16xi32>
      %eq3A_483 = arith.cmpi eq, %and3A_413, %eq3A_482 : vector<16xi32>
      %eq3A_484 = arith.constant 2 : i32
      %eq3A_485 = vector.broadcast %eq3A_484 : i32 to vector<16xi32>
      %eq3A_486 = arith.cmpi eq, %and3A_413, %eq3A_485 : vector<16xi32>
      %select_n3A_487 = arith.select %eq3A_486, %gather3A_471, %gather3A_477 : vector<16xi1>, vector<16xi32>
      %select_n3A_488 = arith.select %eq3A_483, %gather3A_465, %select_n3A_487 : vector<16xi1>, vector<16xi32>
      %select_n3A_489 = arith.select %eq3A_480, %gather3A_459, %select_n3A_488 : vector<16xi1>, vector<16xi32>
      %mul3A_490 = arith.constant 4 : i32
      %mul3A_491 = arith.muli %mul3A_490, %mul3A_358 : i32
      %add3A_492 = arith.constant 16 : i32
      %add3A_493 = arith.addi %mul3A_491, %add3A_492 : i32
      %swap3A_494 = arith.index_cast %add3A_493 : i32 to index
      %swap3A_495 = tpu.vector_load %arg9[%swap3A_494] {strides = array<i32>} : memref<16384xi32, #tpu.memory_space<vmem>>, vector<16xi32>,
      %swap3A_496 = vector.shape_cast %swap3A_495 : vector<16xi32> to vector<16xi32>
      %swap3A_497 = vector.shape_cast %select_n3A_489 : vector<16xi32> to vector<16xi32>
      tpu.vector_store %arg9[%swap3A_494], %swap3A_497 {strides = array<i32>} : memref<16384xi32, #tpu.memory_space<vmem>>, vector<16xi32>,
      %add3A_498 = arith.constant 8 : i32
      %add3A_499 = vector.broadcast %add3A_498 : i32 to vector<16xi32>
      %add3A_500 = arith.addi %shift_right_arithmetic3A_411, %add3A_499 : vector<16xi32>
      %broadcast_in_dim3A_501 = vector.shape_cast %add3A_500 : vector<16xi32> to vector<16x1xi32>
      %gather3A_502 = vector.shape_cast %broadcast_in_dim3A_501 : vector<16x1xi32> to vector<16xi32>
      %gather3A_503 = tpu.dynamic_gather %add3A_406[%gather3A_502] in [0] : vector<16xi32>, vector<16xi32> -> vector<16xi32>
      %add3A_504 = arith.constant 8 : i32
      %add3A_505 = vector.broadcast %add3A_504 : i32 to vector<16xi32>
      %add3A_506 = arith.addi %shift_right_arithmetic3A_411, %add3A_505 : vector<16xi32>
      %broadcast_in_dim3A_507 = vector.shape_cast %add3A_506 : vector<16xi32> to vector<16x1xi32>
      %gather3A_508 = vector.shape_cast %broadcast_in_dim3A_507 : vector<16x1xi32> to vector<16xi32>
      %gather3A_509 = tpu.dynamic_gather %add3A_407[%gather3A_508] in [0] : vector<16xi32>, vector<16xi32> -> vector<16xi32>
      %add3A_510 = arith.constant 8 : i32
      %add3A_511 = vector.broadcast %add3A_510 : i32 to vector<16xi32>
      %add3A_512 = arith.addi %shift_right_arithmetic3A_411, %add3A_511 : vector<16xi32>
      %broadcast_in_dim3A_513 = vector.shape_cast %add3A_512 : vector<16xi32> to vector<16x1xi32>
      %gather3A_514 = vector.shape_cast %broadcast_in_dim3A_513 : vector<16x1xi32> to vector<16xi32>
      %gather3A_515 = tpu.dynamic_gather %add3A_408[%gather3A_514] in [0] : vector<16xi32>, vector<16xi32> -> vector<16xi32>
      %add3A_516 = arith.constant 8 : i32
      %add3A_517 = vector.broadcast %add3A_516 : i32 to vector<16xi32>
      %add3A_518 = arith.addi %shift_right_arithmetic3A_411, %add3A_517 : vector<16xi32>
      %broadcast_in_dim3A_519 = vector.shape_cast %add3A_518 : vector<16xi32> to vector<16x1xi32>
      %gather3A_520 = vector.shape_cast %broadcast_in_dim3A_519 : vector<16x1xi32> to vector<16xi32>
      %gather3A_521 = tpu.dynamic_gather %add3A_409[%gather3A_520] in [0] : vector<16xi32>, vector<16xi32> -> vector<16xi32>
      %eq3A_522 = arith.constant 0 : i32
      %eq3A_523 = vector.broadcast %eq3A_522 : i32 to vector<16xi32>
      %eq3A_524 = arith.cmpi eq, %and3A_413, %eq3A_523 : vector<16xi32>
      %eq3A_525 = arith.constant 1 : i32
      %eq3A_526 = vector.broadcast %eq3A_525 : i32 to vector<16xi32>
      %eq3A_527 = arith.cmpi eq, %and3A_413, %eq3A_526 : vector<16xi32>
      %eq3A_528 = arith.constant 2 : i32
      %eq3A_529 = vector.broadcast %eq3A_528 : i32 to vector<16xi32>
      %eq3A_530 = arith.cmpi eq, %and3A_413, %eq3A_529 : vector<16xi32>
      %select_n3A_531 = arith.select %eq3A_530, %gather3A_515, %gather3A_521 : vector<16xi1>, vector<16xi32>
      %select_n3A_532 = arith.select %eq3A_527, %gather3A_509, %select_n3A_531 : vector<16xi1>, vector<16xi32>
      %select_n3A_533 = arith.select %eq3A_524, %gather3A_503, %select_n3A_532 : vector<16xi1>, vector<16xi32>
      %mul3A_534 = arith.constant 4 : i32
      %mul3A_535 = arith.muli %mul3A_534, %mul3A_358 : i32
      %add3A_536 = arith.constant 32 : i32
      %add3A_537 = arith.addi %mul3A_535, %add3A_536 : i32
      %swap3A_538 = arith.index_cast %add3A_537 : i32 to index
      %swap3A_539 = tpu.vector_load %arg9[%swap3A_538] {strides = array<i32>} : memref<16384xi32, #tpu.memory_space<vmem>>, vector<16xi32>,
      %swap3A_540 = vector.shape_cast %swap3A_539 : vector<16xi32> to vector<16xi32>
      %swap3A_541 = vector.shape_cast %select_n3A_533 : vector<16xi32> to vector<16xi32>
      tpu.vector_store %arg9[%swap3A_538], %swap3A_541 {strides = array<i32>} : memref<16384xi32, #tpu.memory_space<vmem>>, vector<16xi32>,
      %add3A_542 = arith.constant 12 : i32
      %add3A_543 = vector.broadcast %add3A_542 : i32 to vector<16xi32>
      %add3A_544 = arith.addi %shift_right_arithmetic3A_411, %add3A_543 : vector<16xi32>
      %broadcast_in_dim3A_545 = vector.shape_cast %add3A_544 : vector<16xi32> to vector<16x1xi32>
      %gather3A_546 = vector.shape_cast %broadcast_in_dim3A_545 : vector<16x1xi32> to vector<16xi32>
      %gather3A_547 = tpu.dynamic_gather %add3A_406[%gather3A_546] in [0] : vector<16xi32>, vector<16xi32> -> vector<16xi32>
      %add3A_548 = arith.constant 12 : i32
      %add3A_549 = vector.broadcast %add3A_548 : i32 to vector<16xi32>
      %add3A_550 = arith.addi %shift_right_arithmetic3A_411, %add3A_549 : vector<16xi32>
      %broadcast_in_dim3A_551 = vector.shape_cast %add3A_550 : vector<16xi32> to vector<16x1xi32>
      %gather3A_552 = vector.shape_cast %broadcast_in_dim3A_551 : vector<16x1xi32> to vector<16xi32>
      %gather3A_553 = tpu.dynamic_gather %add3A_407[%gather3A_552] in [0] : vector<16xi32>, vector<16xi32> -> vector<16xi32>
      %add3A_554 = arith.constant 12 : i32
      %add3A_555 = vector.broadcast %add3A_554 : i32 to vector<16xi32>
      %add3A_556 = arith.addi %shift_right_arithmetic3A_411, %add3A_555 : vector<16xi32>
      %broadcast_in_dim3A_557 = vector.shape_cast %add3A_556 : vector<16xi32> to vector<16x1xi32>
      %gather3A_558 = vector.shape_cast %broadcast_in_dim3A_557 : vector<16x1xi32> to vector<16xi32>
      %gather3A_559 = tpu.dynamic_gather %add3A_408[%gather3A_558] in [0] : vector<16xi32>, vector<16xi32> -> vector<16xi32>
      %add3A_560 = arith.constant 12 : i32
      %add3A_561 = vector.broadcast %add3A_560 : i32 to vector<16xi32>
      %add3A_562 = arith.addi %shift_right_arithmetic3A_411, %add3A_561 : vector<16xi32>
      %broadcast_in_dim3A_563 = vector.shape_cast %add3A_562 : vector<16xi32> to vector<16x1xi32>
      %gather3A_564 = vector.shape_cast %broadcast_in_dim3A_563 : vector<16x1xi32> to vector<16xi32>
      %gather3A_565 = tpu.dynamic_gather %add3A_409[%gather3A_564] in [0] : vector<16xi32>, vector<16xi32> -> vector<16xi32>
      %eq3A_566 = arith.constant 0 : i32
      %eq3A_567 = vector.broadcast %eq3A_566 : i32 to vector<16xi32>
      %eq3A_568 = arith.cmpi eq, %and3A_413, %eq3A_567 : vector<16xi32>
      %eq3A_569 = arith.constant 1 : i32
      %eq3A_570 = vector.broadcast %eq3A_569 : i32 to vector<16xi32>
      %eq3A_571 = arith.cmpi eq, %and3A_413, %eq3A_570 : vector<16xi32>
      %eq3A_572 = arith.constant 2 : i32
      %eq3A_573 = vector.broadcast %eq3A_572 : i32 to vector<16xi32>
      %eq3A_574 = arith.cmpi eq, %and3A_413, %eq3A_573 : vector<16xi32>
      %select_n3A_575 = arith.select %eq3A_574, %gather3A_559, %gather3A_565 : vector<16xi1>, vector<16xi32>
      %select_n3A_576 = arith.select %eq3A_571, %gather3A_553, %select_n3A_575 : vector<16xi1>, vector<16xi32>
      %select_n3A_577 = arith.select %eq3A_568, %gather3A_547, %select_n3A_576 : vector<16xi1>, vector<16xi32>
      %mul3A_578 = arith.constant 4 : i32
      %mul3A_579 = arith.muli %mul3A_578, %mul3A_358 : i32
      %add3A_580 = arith.constant 48 : i32
      %add3A_581 = arith.addi %mul3A_579, %add3A_580 : i32
      %swap3A_582 = arith.index_cast %add3A_581 : i32 to index
      %swap3A_583 = tpu.vector_load %arg9[%swap3A_582] {strides = array<i32>} : memref<16384xi32, #tpu.memory_space<vmem>>, vector<16xi32>,
      %swap3A_584 = vector.shape_cast %swap3A_583 : vector<16xi32> to vector<16xi32>
      %swap3A_585 = vector.shape_cast %select_n3A_577 : vector<16xi32> to vector<16xi32>
      tpu.vector_store %arg9[%swap3A_582], %swap3A_585 {strides = array<i32>} : memref<16384xi32, #tpu.memory_space<vmem>>, vector<16xi32>,
    }
    %scan3A_113 = arith.constant 256 : i32
    %dma_wait3A_114 = arith.constant 0 : i32
    %dma_wait3A_115 = tpu.memref_slice %arg3[%dma_wait3A_114] : memref<4194304xf32, #tpu.memory_space<hbm>> -> memref<4194304xf32, #tpu.memory_space<hbm>>
    tpu.wait_indirect_dma semaphore(%arg22 : memref<!tpu.dma_semaphore, #tpu.memory_space<semaphore_mem>>) src(%dma_wait3A_115 : memref<4194304xf32, #tpu.memory_space<hbm>>) dst(%arg12 : memref<16384xf32, #tpu.memory_space<vmem>>)
    %dma_start3A_116 = arith.constant 0 : i32
    %dma_start3A_117 = tpu.memref_slice %arg3[%dma_start3A_116] : memref<4194304xf32, #tpu.memory_space<hbm>> -> memref<4194304xf32, #tpu.memory_space<hbm>>
    tpu.enqueue_indirect_dma source(%dma_start3A_117 : memref<4194304xf32, #tpu.memory_space<hbm>>) target(%arg11 : memref<16384xf32, #tpu.memory_space<vmem>>) offsets(%arg9 : memref<16384xi32, #tpu.memory_space<vmem>>) semaphore(%arg21 : memref<!tpu.dma_semaphore, #tpu.memory_space<semaphore_mem>>)
    %scan3A_118 = arith.constant 0 : i32
    %scan3A_119 = arith.constant 256 : i32
    %scan3A_120 = arith.addi %scan3A_118, %scan3A_119 : i32
    %scan3A_121 = arith.constant 1 : i32
    scf.for %scan3A_352 = %scan3A_118 to %scan3A_120 step %scan3A_121  : i32 {
      %mul3A_353 = arith.constant 1 : i32
      %mul3A_354 = arith.muli %scan3A_352, %mul3A_353 : i32
      %add3A_355 = arith.constant 0 : i32
      %add3A_356 = arith.addi %add3A_355, %mul3A_354 : i32
      %mul3A_357 = arith.constant 16 : i32
      %mul3A_358 = arith.muli %add3A_356, %mul3A_357 : i32
      %mul3A_359 = arith.constant 4 : i32
      %mul3A_360 = arith.muli %mul3A_359, %mul3A_358 : i32
      %add3A_361 = arith.constant 0 : i32
      %add3A_362 = arith.addi %mul3A_360, %add3A_361 : i32
      %get3A = arith.index_cast %add3A_362 : i32 to index
      %get3A_363 = tpu.vector_load %arg12[%get3A] {strides = array<i32>} : memref<16384xf32, #tpu.memory_space<vmem>>, vector<16xf32>,
      %get3A_364 = vector.shape_cast %get3A_363 : vector<16xf32> to vector<16xf32>
      %mul3A_365 = arith.constant 4 : i32
      %mul3A_366 = arith.muli %mul3A_365, %mul3A_358 : i32
      %add3A_367 = arith.constant 16 : i32
      %add3A_368 = arith.addi %mul3A_366, %add3A_367 : i32
      %get3A_369 = arith.index_cast %add3A_368 : i32 to index
      %get3A_370 = tpu.vector_load %arg12[%get3A_369] {strides = array<i32>} : memref<16384xf32, #tpu.memory_space<vmem>>, vector<16xf32>,
      %get3A_371 = vector.shape_cast %get3A_370 : vector<16xf32> to vector<16xf32>
      %mul3A_372 = arith.constant 4 : i32
      %mul3A_373 = arith.muli %mul3A_372, %mul3A_358 : i32
      %add3A_374 = arith.constant 32 : i32
      %add3A_375 = arith.addi %mul3A_373, %add3A_374 : i32
      %get3A_376 = arith.index_cast %add3A_375 : i32 to index
      %get3A_377 = tpu.vector_load %arg12[%get3A_376] {strides = array<i32>} : memref<16384xf32, #tpu.memory_space<vmem>>, vector<16xf32>,
      %get3A_378 = vector.shape_cast %get3A_377 : vector<16xf32> to vector<16xf32>
      %mul3A_379 = arith.constant 4 : i32
      %mul3A_380 = arith.muli %mul3A_379, %mul3A_358 : i32
      %add3A_381 = arith.constant 48 : i32
      %add3A_382 = arith.addi %mul3A_380, %add3A_381 : i32
      %get3A_383 = arith.index_cast %add3A_382 : i32 to index
      %get3A_384 = tpu.vector_load %arg12[%get3A_383] {strides = array<i32>} : memref<16384xf32, #tpu.memory_space<vmem>>, vector<16xf32>,
      %get3A_385 = vector.shape_cast %get3A_384 : vector<16xf32> to vector<16xf32>
      %and3A = arith.constant 3 : i32
      %and3A_386 = vector.broadcast %and3A : i32 to vector<16xi32>
      %and3A_387 = arith.andi %iota3A, %and3A_386 : vector<16xi32>
      %mul3A_388 = arith.constant 4 : i32
      %mul3A_389 = vector.broadcast %mul3A_388 : i32 to vector<16xi32>
      %mul3A_390 = arith.muli %and3A_387, %mul3A_389 : vector<16xi32>
      %add3A_391 = arith.constant 0 : i32
      %add3A_392 = vector.broadcast %add3A_391 : i32 to vector<16xi32>
      %add3A_393 = arith.addi %mul3A_390, %add3A_392 : vector<16xi32>
      %broadcast_in_dim3A = vector.shape_cast %add3A_393 : vector<16xi32> to vector<16x1xi32>
      %gather3A = vector.shape_cast %broadcast_in_dim3A : vector<16x1xi32> to vector<16xi32>
      %gather3A_394 = tpu.dynamic_gather %get3A_364[%gather3A] in [0] : vector<16xf32>, vector<16xi32> -> vector<16xf32>
      %mul3A_395 = arith.constant 4 : i32
      %mul3A_396 = vector.broadcast %mul3A_395 : i32 to vector<16xi32>
      %mul3A_397 = arith.muli %and3A_387, %mul3A_396 : vector<16xi32>
      %add3A_398 = arith.constant 0 : i32
      %add3A_399 = vector.broadcast %add3A_398 : i32 to vector<16xi32>
      %add3A_400 = arith.addi %mul3A_397, %add3A_399 : vector<16xi32>
      %broadcast_in_dim3A_401 = vector.shape_cast %add3A_400 : vector<16xi32> to vector<16x1xi32>
      %gather3A_402 = vector.shape_cast %broadcast_in_dim3A_401 : vector<16x1xi32> to vector<16xi32>
      %gather3A_403 = tpu.dynamic_gather %get3A_371[%gather3A_402] in [0] : vector<16xf32>, vector<16xi32> -> vector<16xf32>
      %mul3A_404 = arith.constant 4 : i32
      %mul3A_405 = vector.broadcast %mul3A_404 : i32 to vector<16xi32>
      %mul3A_406 = arith.muli %and3A_387, %mul3A_405 : vector<16xi32>
      %add3A_407 = arith.constant 0 : i32
      %add3A_408 = vector.broadcast %add3A_407 : i32 to vector<16xi32>
      %add3A_409 = arith.addi %mul3A_406, %add3A_408 : vector<16xi32>
      %broadcast_in_dim3A_410 = vector.shape_cast %add3A_409 : vector<16xi32> to vector<16x1xi32>
      %gather3A_411 = vector.shape_cast %broadcast_in_dim3A_410 : vector<16x1xi32> to vector<16xi32>
      %gather3A_412 = tpu.dynamic_gather %get3A_378[%gather3A_411] in [0] : vector<16xf32>, vector<16xi32> -> vector<16xf32>
      %mul3A_413 = arith.constant 4 : i32
      %mul3A_414 = vector.broadcast %mul3A_413 : i32 to vector<16xi32>
      %mul3A_415 = arith.muli %and3A_387, %mul3A_414 : vector<16xi32>
      %add3A_416 = arith.constant 0 : i32
      %add3A_417 = vector.broadcast %add3A_416 : i32 to vector<16xi32>
      %add3A_418 = arith.addi %mul3A_415, %add3A_417 : vector<16xi32>
      %broadcast_in_dim3A_419 = vector.shape_cast %add3A_418 : vector<16xi32> to vector<16x1xi32>
      %gather3A_420 = vector.shape_cast %broadcast_in_dim3A_419 : vector<16x1xi32> to vector<16xi32>
      %gather3A_421 = tpu.dynamic_gather %get3A_385[%gather3A_420] in [0] : vector<16xf32>, vector<16xi32> -> vector<16xf32>
      %lt3A = arith.constant 4 : i32
      %lt3A_422 = vector.broadcast %lt3A : i32 to vector<16xi32>
      %lt3A_423 = arith.cmpi slt, %iota3A, %lt3A_422 : vector<16xi32>
      %lt3A_424 = arith.constant 8 : i32
      %lt3A_425 = vector.broadcast %lt3A_424 : i32 to vector<16xi32>
      %lt3A_426 = arith.cmpi slt, %iota3A, %lt3A_425 : vector<16xi32>
      %lt3A_427 = arith.constant 12 : i32
      %lt3A_428 = vector.broadcast %lt3A_427 : i32 to vector<16xi32>
      %lt3A_429 = arith.cmpi slt, %iota3A, %lt3A_428 : vector<16xi32>
      %select_n3A = arith.select %lt3A_429, %gather3A_412, %gather3A_421 : vector<16xi1>, vector<16xf32>
      %select_n3A_430 = arith.select %lt3A_426, %gather3A_403, %select_n3A : vector<16xi1>, vector<16xf32>
      %select_n3A_431 = arith.select %lt3A_423, %gather3A_394, %select_n3A_430 : vector<16xi1>, vector<16xf32>
      %mul3A_432 = arith.constant 4 : i32
      %mul3A_433 = vector.broadcast %mul3A_432 : i32 to vector<16xi32>
      %mul3A_434 = arith.muli %and3A_387, %mul3A_433 : vector<16xi32>
      %add3A_435 = arith.constant 1 : i32
      %add3A_436 = vector.broadcast %add3A_435 : i32 to vector<16xi32>
      %add3A_437 = arith.addi %mul3A_434, %add3A_436 : vector<16xi32>
      %broadcast_in_dim3A_438 = vector.shape_cast %add3A_437 : vector<16xi32> to vector<16x1xi32>
      %gather3A_439 = vector.shape_cast %broadcast_in_dim3A_438 : vector<16x1xi32> to vector<16xi32>
      %gather3A_440 = tpu.dynamic_gather %get3A_364[%gather3A_439] in [0] : vector<16xf32>, vector<16xi32> -> vector<16xf32>
      %mul3A_441 = arith.constant 4 : i32
      %mul3A_442 = vector.broadcast %mul3A_441 : i32 to vector<16xi32>
      %mul3A_443 = arith.muli %and3A_387, %mul3A_442 : vector<16xi32>
      %add3A_444 = arith.constant 1 : i32
      %add3A_445 = vector.broadcast %add3A_444 : i32 to vector<16xi32>
      %add3A_446 = arith.addi %mul3A_443, %add3A_445 : vector<16xi32>
      %broadcast_in_dim3A_447 = vector.shape_cast %add3A_446 : vector<16xi32> to vector<16x1xi32>
      %gather3A_448 = vector.shape_cast %broadcast_in_dim3A_447 : vector<16x1xi32> to vector<16xi32>
      %gather3A_449 = tpu.dynamic_gather %get3A_371[%gather3A_448] in [0] : vector<16xf32>, vector<16xi32> -> vector<16xf32>
      %mul3A_450 = arith.constant 4 : i32
      %mul3A_451 = vector.broadcast %mul3A_450 : i32 to vector<16xi32>
      %mul3A_452 = arith.muli %and3A_387, %mul3A_451 : vector<16xi32>
      %add3A_453 = arith.constant 1 : i32
      %add3A_454 = vector.broadcast %add3A_453 : i32 to vector<16xi32>
      %add3A_455 = arith.addi %mul3A_452, %add3A_454 : vector<16xi32>
      %broadcast_in_dim3A_456 = vector.shape_cast %add3A_455 : vector<16xi32> to vector<16x1xi32>
      %gather3A_457 = vector.shape_cast %broadcast_in_dim3A_456 : vector<16x1xi32> to vector<16xi32>
      %gather3A_458 = tpu.dynamic_gather %get3A_378[%gather3A_457] in [0] : vector<16xf32>, vector<16xi32> -> vector<16xf32>
      %mul3A_459 = arith.constant 4 : i32
      %mul3A_460 = vector.broadcast %mul3A_459 : i32 to vector<16xi32>
      %mul3A_461 = arith.muli %and3A_387, %mul3A_460 : vector<16xi32>
      %add3A_462 = arith.constant 1 : i32
      %add3A_463 = vector.broadcast %add3A_462 : i32 to vector<16xi32>
      %add3A_464 = arith.addi %mul3A_461, %add3A_463 : vector<16xi32>
      %broadcast_in_dim3A_465 = vector.shape_cast %add3A_464 : vector<16xi32> to vector<16x1xi32>
      %gather3A_466 = vector.shape_cast %broadcast_in_dim3A_465 : vector<16x1xi32> to vector<16xi32>
      %gather3A_467 = tpu.dynamic_gather %get3A_385[%gather3A_466] in [0] : vector<16xf32>, vector<16xi32> -> vector<16xf32>
      %lt3A_468 = arith.constant 4 : i32
      %lt3A_469 = vector.broadcast %lt3A_468 : i32 to vector<16xi32>
      %lt3A_470 = arith.cmpi slt, %iota3A, %lt3A_469 : vector<16xi32>
      %lt3A_471 = arith.constant 8 : i32
      %lt3A_472 = vector.broadcast %lt3A_471 : i32 to vector<16xi32>
      %lt3A_473 = arith.cmpi slt, %iota3A, %lt3A_472 : vector<16xi32>
      %lt3A_474 = arith.constant 12 : i32
      %lt3A_475 = vector.broadcast %lt3A_474 : i32 to vector<16xi32>
      %lt3A_476 = arith.cmpi slt, %iota3A, %lt3A_475 : vector<16xi32>
      %select_n3A_477 = arith.select %lt3A_476, %gather3A_458, %gather3A_467 : vector<16xi1>, vector<16xf32>
      %select_n3A_478 = arith.select %lt3A_473, %gather3A_449, %select_n3A_477 : vector<16xi1>, vector<16xf32>
      %select_n3A_479 = arith.select %lt3A_470, %gather3A_440, %select_n3A_478 : vector<16xi1>, vector<16xf32>
      %mul3A_480 = arith.constant 4 : i32
      %mul3A_481 = vector.broadcast %mul3A_480 : i32 to vector<16xi32>
      %mul3A_482 = arith.muli %and3A_387, %mul3A_481 : vector<16xi32>
      %add3A_483 = arith.constant 2 : i32
      %add3A_484 = vector.broadcast %add3A_483 : i32 to vector<16xi32>
      %add3A_485 = arith.addi %mul3A_482, %add3A_484 : vector<16xi32>
      %broadcast_in_dim3A_486 = vector.shape_cast %add3A_485 : vector<16xi32> to vector<16x1xi32>
      %gather3A_487 = vector.shape_cast %broadcast_in_dim3A_486 : vector<16x1xi32> to vector<16xi32>
      %gather3A_488 = tpu.dynamic_gather %get3A_364[%gather3A_487] in [0] : vector<16xf32>, vector<16xi32> -> vector<16xf32>
      %mul3A_489 = arith.constant 4 : i32
      %mul3A_490 = vector.broadcast %mul3A_489 : i32 to vector<16xi32>
      %mul3A_491 = arith.muli %and3A_387, %mul3A_490 : vector<16xi32>
      %add3A_492 = arith.constant 2 : i32
      %add3A_493 = vector.broadcast %add3A_492 : i32 to vector<16xi32>
      %add3A_494 = arith.addi %mul3A_491, %add3A_493 : vector<16xi32>
      %broadcast_in_dim3A_495 = vector.shape_cast %add3A_494 : vector<16xi32> to vector<16x1xi32>
      %gather3A_496 = vector.shape_cast %broadcast_in_dim3A_495 : vector<16x1xi32> to vector<16xi32>
      %gather3A_497 = tpu.dynamic_gather %get3A_371[%gather3A_496] in [0] : vector<16xf32>, vector<16xi32> -> vector<16xf32>
      %mul3A_498 = arith.constant 4 : i32
      %mul3A_499 = vector.broadcast %mul3A_498 : i32 to vector<16xi32>
      %mul3A_500 = arith.muli %and3A_387, %mul3A_499 : vector<16xi32>
      %add3A_501 = arith.constant 2 : i32
      %add3A_502 = vector.broadcast %add3A_501 : i32 to vector<16xi32>
      %add3A_503 = arith.addi %mul3A_500, %add3A_502 : vector<16xi32>
      %broadcast_in_dim3A_504 = vector.shape_cast %add3A_503 : vector<16xi32> to vector<16x1xi32>
      %gather3A_505 = vector.shape_cast %broadcast_in_dim3A_504 : vector<16x1xi32> to vector<16xi32>
      %gather3A_506 = tpu.dynamic_gather %get3A_378[%gather3A_505] in [0] : vector<16xf32>, vector<16xi32> -> vector<16xf32>
      %mul3A_507 = arith.constant 4 : i32
      %mul3A_508 = vector.broadcast %mul3A_507 : i32 to vector<16xi32>
      %mul3A_509 = arith.muli %and3A_387, %mul3A_508 : vector<16xi32>
      %add3A_510 = arith.constant 2 : i32
      %add3A_511 = vector.broadcast %add3A_510 : i32 to vector<16xi32>
      %add3A_512 = arith.addi %mul3A_509, %add3A_511 : vector<16xi32>
      %broadcast_in_dim3A_513 = vector.shape_cast %add3A_512 : vector<16xi32> to vector<16x1xi32>
      %gather3A_514 = vector.shape_cast %broadcast_in_dim3A_513 : vector<16x1xi32> to vector<16xi32>
      %gather3A_515 = tpu.dynamic_gather %get3A_385[%gather3A_514] in [0] : vector<16xf32>, vector<16xi32> -> vector<16xf32>
      %lt3A_516 = arith.constant 4 : i32
      %lt3A_517 = vector.broadcast %lt3A_516 : i32 to vector<16xi32>
      %lt3A_518 = arith.cmpi slt, %iota3A, %lt3A_517 : vector<16xi32>
      %lt3A_519 = arith.constant 8 : i32
      %lt3A_520 = vector.broadcast %lt3A_519 : i32 to vector<16xi32>
      %lt3A_521 = arith.cmpi slt, %iota3A, %lt3A_520 : vector<16xi32>
      %lt3A_522 = arith.constant 12 : i32
      %lt3A_523 = vector.broadcast %lt3A_522 : i32 to vector<16xi32>
      %lt3A_524 = arith.cmpi slt, %iota3A, %lt3A_523 : vector<16xi32>
      %select_n3A_525 = arith.select %lt3A_524, %gather3A_506, %gather3A_515 : vector<16xi1>, vector<16xf32>
      %select_n3A_526 = arith.select %lt3A_521, %gather3A_497, %select_n3A_525 : vector<16xi1>, vector<16xf32>
      %select_n3A_527 = arith.select %lt3A_518, %gather3A_488, %select_n3A_526 : vector<16xi1>, vector<16xf32>
      %mul3A_528 = arith.constant 4 : i32
      %mul3A_529 = vector.broadcast %mul3A_528 : i32 to vector<16xi32>
      %mul3A_530 = arith.muli %and3A_387, %mul3A_529 : vector<16xi32>
      %add3A_531 = arith.constant 3 : i32
      %add3A_532 = vector.broadcast %add3A_531 : i32 to vector<16xi32>
      %add3A_533 = arith.addi %mul3A_530, %add3A_532 : vector<16xi32>
      %broadcast_in_dim3A_534 = vector.shape_cast %add3A_533 : vector<16xi32> to vector<16x1xi32>
      %gather3A_535 = vector.shape_cast %broadcast_in_dim3A_534 : vector<16x1xi32> to vector<16xi32>
      %gather3A_536 = tpu.dynamic_gather %get3A_364[%gather3A_535] in [0] : vector<16xf32>, vector<16xi32> -> vector<16xf32>
      %mul3A_537 = arith.constant 4 : i32
      %mul3A_538 = vector.broadcast %mul3A_537 : i32 to vector<16xi32>
      %mul3A_539 = arith.muli %and3A_387, %mul3A_538 : vector<16xi32>
      %add3A_540 = arith.constant 3 : i32
      %add3A_541 = vector.broadcast %add3A_540 : i32 to vector<16xi32>
      %add3A_542 = arith.addi %mul3A_539, %add3A_541 : vector<16xi32>
      %broadcast_in_dim3A_543 = vector.shape_cast %add3A_542 : vector<16xi32> to vector<16x1xi32>
      %gather3A_544 = vector.shape_cast %broadcast_in_dim3A_543 : vector<16x1xi32> to vector<16xi32>
      %gather3A_545 = tpu.dynamic_gather %get3A_371[%gather3A_544] in [0] : vector<16xf32>, vector<16xi32> -> vector<16xf32>
      %mul3A_546 = arith.constant 4 : i32
      %mul3A_547 = vector.broadcast %mul3A_546 : i32 to vector<16xi32>
      %mul3A_548 = arith.muli %and3A_387, %mul3A_547 : vector<16xi32>
      %add3A_549 = arith.constant 3 : i32
      %add3A_550 = vector.broadcast %add3A_549 : i32 to vector<16xi32>
      %add3A_551 = arith.addi %mul3A_548, %add3A_550 : vector<16xi32>
      %broadcast_in_dim3A_552 = vector.shape_cast %add3A_551 : vector<16xi32> to vector<16x1xi32>
      %gather3A_553 = vector.shape_cast %broadcast_in_dim3A_552 : vector<16x1xi32> to vector<16xi32>
      %gather3A_554 = tpu.dynamic_gather %get3A_378[%gather3A_553] in [0] : vector<16xf32>, vector<16xi32> -> vector<16xf32>
      %mul3A_555 = arith.constant 4 : i32
      %mul3A_556 = vector.broadcast %mul3A_555 : i32 to vector<16xi32>
      %mul3A_557 = arith.muli %and3A_387, %mul3A_556 : vector<16xi32>
      %add3A_558 = arith.constant 3 : i32
      %add3A_559 = vector.broadcast %add3A_558 : i32 to vector<16xi32>
      %add3A_560 = arith.addi %mul3A_557, %add3A_559 : vector<16xi32>
      %broadcast_in_dim3A_561 = vector.shape_cast %add3A_560 : vector<16xi32> to vector<16x1xi32>
      %gather3A_562 = vector.shape_cast %broadcast_in_dim3A_561 : vector<16x1xi32> to vector<16xi32>
      %gather3A_563 = tpu.dynamic_gather %get3A_385[%gather3A_562] in [0] : vector<16xf32>, vector<16xi32> -> vector<16xf32>
      %lt3A_564 = arith.constant 4 : i32
      %lt3A_565 = vector.broadcast %lt3A_564 : i32 to vector<16xi32>
      %lt3A_566 = arith.cmpi slt, %iota3A, %lt3A_565 : vector<16xi32>
      %lt3A_567 = arith.constant 8 : i32
      %lt3A_568 = vector.broadcast %lt3A_567 : i32 to vector<16xi32>
      %lt3A_569 = arith.cmpi slt, %iota3A, %lt3A_568 : vector<16xi32>
      %lt3A_570 = arith.constant 12 : i32
      %lt3A_571 = vector.broadcast %lt3A_570 : i32 to vector<16xi32>
      %lt3A_572 = arith.cmpi slt, %iota3A, %lt3A_571 : vector<16xi32>
      %select_n3A_573 = arith.select %lt3A_572, %gather3A_554, %gather3A_563 : vector<16xi1>, vector<16xf32>
      %select_n3A_574 = arith.select %lt3A_569, %gather3A_545, %select_n3A_573 : vector<16xi1>, vector<16xf32>
      %select_n3A_575 = arith.select %lt3A_566, %gather3A_536, %select_n3A_574 : vector<16xi1>, vector<16xf32>
      %get3A_576 = arith.index_cast %mul3A_358 : i32 to index
      %get3A_577 = tpu.vector_load %arg14[%get3A_576] {strides = array<i32>} : memref<4096xf32, #tpu.memory_space<vmem>>, vector<16xf32>,
      %get3A_578 = vector.shape_cast %get3A_577 : vector<16xf32> to vector<16xf32>
      %get3A_579 = arith.index_cast %mul3A_358 : i32 to index
      %get3A_580 = tpu.vector_load %arg16[%get3A_579] {strides = array<i32>} : memref<4096xf32, #tpu.memory_space<vmem>>, vector<16xf32>,
      %get3A_581 = vector.shape_cast %get3A_580 : vector<16xf32> to vector<16xf32>
      %sub3A = arith.subf %select_n3A_479, %select_n3A_431 : vector<16xf32>
      %mul3A_582 = arith.mulf %get3A_578, %sub3A : vector<16xf32>
      %add3A_583 = arith.addf %select_n3A_431, %mul3A_582 : vector<16xf32>
      %sub3A_584 = arith.subf %select_n3A_575, %select_n3A_527 : vector<16xf32>
      %mul3A_585 = arith.mulf %get3A_578, %sub3A_584 : vector<16xf32>
      %add3A_586 = arith.addf %select_n3A_527, %mul3A_585 : vector<16xf32>
      %sub3A_587 = arith.subf %add3A_586, %add3A_583 : vector<16xf32>
      %mul3A_588 = arith.mulf %get3A_581, %sub3A_587 : vector<16xf32>
      %add3A_589 = arith.addf %add3A_583, %mul3A_588 : vector<16xf32>
      %swap3A = arith.index_cast %mul3A_358 : i32 to index
      %swap3A_590 = tpu.vector_load %arg18[%swap3A] {strides = array<i32>} : memref<4096xf32, #tpu.memory_space<vmem>>, vector<16xf32>,
      %swap3A_591 = vector.shape_cast %swap3A_590 : vector<16xf32> to vector<16xf32>
      %swap3A_592 = vector.shape_cast %add3A_589 : vector<16xf32> to vector<16xf32>
      tpu.vector_store %arg18[%swap3A], %swap3A_592 {strides = array<i32>} : memref<4096xf32, #tpu.memory_space<vmem>>, vector<16xf32>,
    }
    %scan3A_122 = arith.constant 256 : i32
    %add3A_123 = arith.constant 4096 : i32
    %add3A_124 = arith.addi %mul3A_2, %add3A_123 : i32
    %dma_start3A_125 = tpu.memref_slice %arg4[%add3A_124] : memref<1048576xf32, #tpu.memory_space<hbm>> -> memref<4096xf32, #tpu.memory_space<hbm>>
    %dma_start3A_126 = tpu.memref_slice %arg4[%add3A_124] : memref<1048576xf32, #tpu.memory_space<hbm>> -> memref<4096xf32, #tpu.memory_space<hbm>>
    tpu.enqueue_dma source(%arg18 : memref<4096xf32, #tpu.memory_space<vmem>>) target(%dma_start3A_126 : memref<4096xf32, #tpu.memory_space<hbm>>) target_semaphore(%arg24 : memref<!tpu.dma_semaphore, #tpu.memory_space<semaphore_mem>>)
    %dma_wait3A_127 = arith.constant 0 : i32
    %dma_wait3A_128 = tpu.memref_slice %arg2[%dma_wait3A_127, %add3A_96] : memref<2x1048576xf32, #tpu.memory_space<hbm>> -> memref<1x4096xf32, #tpu.memory_space<hbm>>
    %dma_wait3A_129 = tpu.memref_squeeze %dma_wait3A_128 : memref<1x4096xf32, #tpu.memory_space<hbm>> -> memref<4096xf32, #tpu.memory_space<hbm>>
    %dma_wait3A_130 = tpu.memref_slice %arg2[%dma_wait3A_127, %add3A_96] : memref<2x1048576xf32, #tpu.memory_space<hbm>> -> memref<1x4096xf32, #tpu.memory_space<hbm>>
    %dma_wait3A_131 = tpu.memref_squeeze %dma_wait3A_130 : memref<1x4096xf32, #tpu.memory_space<hbm>> -> memref<4096xf32, #tpu.memory_space<hbm>>
    tpu.wait_dma2 semaphore(%arg20 : memref<!tpu.dma_semaphore, #tpu.memory_space<semaphore_mem>>) src(%dma_wait3A_131 : memref<4096xf32, #tpu.memory_space<hbm>>) dst(%arg7 : memref<4096xf32, #tpu.memory_space<vmem>>)
    %dma_wait3A_132 = arith.constant 1 : i32
    %dma_wait3A_133 = tpu.memref_slice %arg2[%dma_wait3A_132, %add3A_96] : memref<2x1048576xf32, #tpu.memory_space<hbm>> -> memref<1x4096xf32, #tpu.memory_space<hbm>>
    %dma_wait3A_134 = tpu.memref_squeeze %dma_wait3A_133 : memref<1x4096xf32, #tpu.memory_space<hbm>> -> memref<4096xf32, #tpu.memory_space<hbm>>
    %dma_wait3A_135 = tpu.memref_slice %arg2[%dma_wait3A_132, %add3A_96] : memref<2x1048576xf32, #tpu.memory_space<hbm>> -> memref<1x4096xf32, #tpu.memory_space<hbm>>
    %dma_wait3A_136 = tpu.memref_squeeze %dma_wait3A_135 : memref<1x4096xf32, #tpu.memory_space<hbm>> -> memref<4096xf32, #tpu.memory_space<hbm>>
    tpu.wait_dma2 semaphore(%arg20 : memref<!tpu.dma_semaphore, #tpu.memory_space<semaphore_mem>>) src(%dma_wait3A_136 : memref<4096xf32, #tpu.memory_space<hbm>>) dst(%arg8 : memref<4096xf32, #tpu.memory_space<vmem>>)
    %add3A_137 = arith.constant 16384 : i32
    %add3A_138 = arith.addi %mul3A_2, %add3A_137 : i32
    %dma_start3A_139 = arith.constant 0 : i32
    %dma_start3A_140 = tpu.memref_slice %arg2[%dma_start3A_139, %add3A_138] : memref<2x1048576xf32, #tpu.memory_space<hbm>> -> memref<1x4096xf32, #tpu.memory_space<hbm>>
    %dma_start3A_141 = tpu.memref_squeeze %dma_start3A_140 : memref<1x4096xf32, #tpu.memory_space<hbm>> -> memref<4096xf32, #tpu.memory_space<hbm>>
    %dma_start3A_142 = tpu.memref_slice %arg2[%dma_start3A_139, %add3A_138] : memref<2x1048576xf32, #tpu.memory_space<hbm>> -> memref<1x4096xf32, #tpu.memory_space<hbm>>
    %dma_start3A_143 = tpu.memref_squeeze %dma_start3A_142 : memref<1x4096xf32, #tpu.memory_space<hbm>> -> memref<4096xf32, #tpu.memory_space<hbm>>
    tpu.enqueue_dma source(%dma_start3A_143 : memref<4096xf32, #tpu.memory_space<hbm>>) target(%arg5 : memref<4096xf32, #tpu.memory_space<vmem>>) target_semaphore(%arg19 : memref<!tpu.dma_semaphore, #tpu.memory_space<semaphore_mem>>)
    %dma_start3A_144 = arith.constant 1 : i32
    %dma_start3A_145 = tpu.memref_slice %arg2[%dma_start3A_144, %add3A_138] : memref<2x1048576xf32, #tpu.memory_space<hbm>> -> memref<1x4096xf32, #tpu.memory_space<hbm>>
    %dma_start3A_146 = tpu.memref_squeeze %dma_start3A_145 : memref<1x4096xf32, #tpu.memory_space<hbm>> -> memref<4096xf32, #tpu.memory_space<hbm>>
    %dma_start3A_147 = tpu.memref_slice %arg2[%dma_start3A_144, %add3A_138] : memref<2x1048576xf32, #tpu.memory_space<hbm>> -> memref<1x4096xf32, #tpu.memory_space<hbm>>
    %dma_start3A_148 = tpu.memref_squeeze %dma_start3A_147 : memref<1x4096xf32, #tpu.memory_space<hbm>> -> memref<4096xf32, #tpu.memory_space<hbm>>
    tpu.enqueue_dma source(%dma_start3A_148 : memref<4096xf32, #tpu.memory_space<hbm>>) target(%arg6 : memref<4096xf32, #tpu.memory_space<vmem>>) target_semaphore(%arg19 : memref<!tpu.dma_semaphore, #tpu.memory_space<semaphore_mem>>)
    %scan3A_149 = arith.constant 2.047000e+03 : f32
    %scan3A_150 = arith.constant 2.047000e+03 : f32
    %scan3A_151 = arith.constant 0 : i32
    %scan3A_152 = arith.constant 256 : i32
    %scan3A_153 = arith.addi %scan3A_151, %scan3A_152 : i32
    %scan3A_154 = arith.constant 1 : i32
    scf.for %scan3A_352 = %scan3A_151 to %scan3A_153 step %scan3A_154  : i32 {
      %mul3A_353 = arith.constant 1 : i32
      %mul3A_354 = arith.muli %scan3A_352, %mul3A_353 : i32
      %add3A_355 = arith.constant 0 : i32
      %add3A_356 = arith.addi %add3A_355, %mul3A_354 : i32
      %mul3A_357 = arith.constant 16 : i32
      %mul3A_358 = arith.muli %add3A_356, %mul3A_357 : i32
      %get3A = arith.index_cast %mul3A_358 : i32 to index
      %get3A_359 = tpu.vector_load %arg7[%get3A] {strides = array<i32>} : memref<4096xf32, #tpu.memory_space<vmem>>, vector<16xf32>,
      %get3A_360 = vector.shape_cast %get3A_359 : vector<16xf32> to vector<16xf32>
      %mul3A_361 = vector.broadcast %scan3A_149 : f32 to vector<16xf32>
      %mul3A_362 = arith.mulf %get3A_360, %mul3A_361 : vector<16xf32>
      %get3A_363 = arith.index_cast %mul3A_358 : i32 to index
      %get3A_364 = tpu.vector_load %arg8[%get3A_363] {strides = array<i32>} : memref<4096xf32, #tpu.memory_space<vmem>>, vector<16xf32>,
      %get3A_365 = vector.shape_cast %get3A_364 : vector<16xf32> to vector<16xf32>
      %mul3A_366 = vector.broadcast %scan3A_150 : f32 to vector<16xf32>
      %mul3A_367 = arith.mulf %get3A_365, %mul3A_366 : vector<16xf32>
      %convert_element_type3A = arith.fptosi %mul3A_362 : vector<16xf32> to vector<16xi32>
      %jit3A = arith.constant 0 : i32
      %jit3A_368 = arith.constant 2047 : i32
      %max3A = vector.broadcast %jit3A : i32 to vector<16xi32>
      %max3A_369 = arith.maxsi %max3A, %convert_element_type3A : vector<16xi32>
      %min3A = vector.broadcast %jit3A_368 : i32 to vector<16xi32>
      %min3A_370 = arith.minsi %min3A, %max3A_369 : vector<16xi32>
      %convert_element_type3A_371 = arith.fptosi %mul3A_367 : vector<16xf32> to vector<16xi32>
      %jit3A_372 = arith.constant 0 : i32
      %jit3A_373 = arith.constant 2047 : i32
      %max3A_374 = vector.broadcast %jit3A_372 : i32 to vector<16xi32>
      %max3A_375 = arith.maxsi %max3A_374, %convert_element_type3A_371 : vector<16xi32>
      %min3A_376 = vector.broadcast %jit3A_373 : i32 to vector<16xi32>
      %min3A_377 = arith.minsi %min3A_376, %max3A_375 : vector<16xi32>
      %convert_element_type3A_378 = arith.sitofp %min3A_370 : vector<16xi32> to vector<16xf32>
      %sub3A = arith.subf %mul3A_362, %convert_element_type3A_378 : vector<16xf32>
      %swap3A = arith.index_cast %mul3A_358 : i32 to index
      %swap3A_379 = tpu.vector_load %arg14[%swap3A] {strides = array<i32>} : memref<4096xf32, #tpu.memory_space<vmem>>, vector<16xf32>,
      %swap3A_380 = vector.shape_cast %swap3A_379 : vector<16xf32> to vector<16xf32>
      %swap3A_381 = vector.shape_cast %sub3A : vector<16xf32> to vector<16xf32>
      tpu.vector_store %arg14[%swap3A], %swap3A_381 {strides = array<i32>} : memref<4096xf32, #tpu.memory_space<vmem>>, vector<16xf32>,
      %convert_element_type3A_382 = arith.sitofp %min3A_377 : vector<16xi32> to vector<16xf32>
      %sub3A_383 = arith.subf %mul3A_367, %convert_element_type3A_382 : vector<16xf32>
      %swap3A_384 = arith.index_cast %mul3A_358 : i32 to index
      %swap3A_385 = tpu.vector_load %arg16[%swap3A_384] {strides = array<i32>} : memref<4096xf32, #tpu.memory_space<vmem>>, vector<16xf32>,
      %swap3A_386 = vector.shape_cast %swap3A_385 : vector<16xf32> to vector<16xf32>
      %swap3A_387 = vector.shape_cast %sub3A_383 : vector<16xf32> to vector<16xf32>
      tpu.vector_store %arg16[%swap3A_384], %swap3A_387 {strides = array<i32>} : memref<4096xf32, #tpu.memory_space<vmem>>, vector<16xf32>,
      %add3A_388 = arith.constant 1 : i32
      %add3A_389 = vector.broadcast %add3A_388 : i32 to vector<16xi32>
      %add3A_390 = arith.addi %min3A_370, %add3A_389 : vector<16xi32>
      %min3A_391 = arith.constant 2047 : i32
      %min3A_392 = vector.broadcast %min3A_391 : i32 to vector<16xi32>
      %min3A_393 = arith.minsi %add3A_390, %min3A_392 : vector<16xi32>
      %mul3A_394 = arith.constant 2048 : i32
      %mul3A_395 = vector.broadcast %mul3A_394 : i32 to vector<16xi32>
      %mul3A_396 = arith.muli %min3A_377, %mul3A_395 : vector<16xi32>
      %add3A_397 = arith.constant 1 : i32
      %add3A_398 = vector.broadcast %add3A_397 : i32 to vector<16xi32>
      %add3A_399 = arith.addi %min3A_377, %add3A_398 : vector<16xi32>
      %min3A_400 = arith.constant 2047 : i32
      %min3A_401 = vector.broadcast %min3A_400 : i32 to vector<16xi32>
      %min3A_402 = arith.minsi %add3A_399, %min3A_401 : vector<16xi32>
      %mul3A_403 = arith.constant 2048 : i32
      %mul3A_404 = vector.broadcast %mul3A_403 : i32 to vector<16xi32>
      %mul3A_405 = arith.muli %min3A_402, %mul3A_404 : vector<16xi32>
      %add3A_406 = arith.addi %mul3A_396, %min3A_370 : vector<16xi32>
      %add3A_407 = arith.addi %mul3A_396, %min3A_393 : vector<16xi32>
      %add3A_408 = arith.addi %mul3A_405, %min3A_370 : vector<16xi32>
      %add3A_409 = arith.addi %mul3A_405, %min3A_393 : vector<16xi32>
      %shift_right_arithmetic3A = arith.constant 2 : i32
      %shift_right_arithmetic3A_410 = vector.broadcast %shift_right_arithmetic3A : i32 to vector<16xi32>
      %shift_right_arithmetic3A_411 = arith.shrsi %iota3A, %shift_right_arithmetic3A_410 : vector<16xi32>
      %and3A = arith.constant 3 : i32
      %and3A_412 = vector.broadcast %and3A : i32 to vector<16xi32>
      %and3A_413 = arith.andi %iota3A, %and3A_412 : vector<16xi32>
      %add3A_414 = arith.constant 0 : i32
      %add3A_415 = vector.broadcast %add3A_414 : i32 to vector<16xi32>
      %add3A_416 = arith.addi %shift_right_arithmetic3A_411, %add3A_415 : vector<16xi32>
      %broadcast_in_dim3A = vector.shape_cast %add3A_416 : vector<16xi32> to vector<16x1xi32>
      %gather3A = vector.shape_cast %broadcast_in_dim3A : vector<16x1xi32> to vector<16xi32>
      %gather3A_417 = tpu.dynamic_gather %add3A_406[%gather3A] in [0] : vector<16xi32>, vector<16xi32> -> vector<16xi32>
      %add3A_418 = arith.constant 0 : i32
      %add3A_419 = vector.broadcast %add3A_418 : i32 to vector<16xi32>
      %add3A_420 = arith.addi %shift_right_arithmetic3A_411, %add3A_419 : vector<16xi32>
      %broadcast_in_dim3A_421 = vector.shape_cast %add3A_420 : vector<16xi32> to vector<16x1xi32>
      %gather3A_422 = vector.shape_cast %broadcast_in_dim3A_421 : vector<16x1xi32> to vector<16xi32>
      %gather3A_423 = tpu.dynamic_gather %add3A_407[%gather3A_422] in [0] : vector<16xi32>, vector<16xi32> -> vector<16xi32>
      %add3A_424 = arith.constant 0 : i32
      %add3A_425 = vector.broadcast %add3A_424 : i32 to vector<16xi32>
      %add3A_426 = arith.addi %shift_right_arithmetic3A_411, %add3A_425 : vector<16xi32>
      %broadcast_in_dim3A_427 = vector.shape_cast %add3A_426 : vector<16xi32> to vector<16x1xi32>
      %gather3A_428 = vector.shape_cast %broadcast_in_dim3A_427 : vector<16x1xi32> to vector<16xi32>
      %gather3A_429 = tpu.dynamic_gather %add3A_408[%gather3A_428] in [0] : vector<16xi32>, vector<16xi32> -> vector<16xi32>
      %add3A_430 = arith.constant 0 : i32
      %add3A_431 = vector.broadcast %add3A_430 : i32 to vector<16xi32>
      %add3A_432 = arith.addi %shift_right_arithmetic3A_411, %add3A_431 : vector<16xi32>
      %broadcast_in_dim3A_433 = vector.shape_cast %add3A_432 : vector<16xi32> to vector<16x1xi32>
      %gather3A_434 = vector.shape_cast %broadcast_in_dim3A_433 : vector<16x1xi32> to vector<16xi32>
      %gather3A_435 = tpu.dynamic_gather %add3A_409[%gather3A_434] in [0] : vector<16xi32>, vector<16xi32> -> vector<16xi32>
      %eq3A = arith.constant 0 : i32
      %eq3A_436 = vector.broadcast %eq3A : i32 to vector<16xi32>
      %eq3A_437 = arith.cmpi eq, %and3A_413, %eq3A_436 : vector<16xi32>
      %eq3A_438 = arith.constant 1 : i32
      %eq3A_439 = vector.broadcast %eq3A_438 : i32 to vector<16xi32>
      %eq3A_440 = arith.cmpi eq, %and3A_413, %eq3A_439 : vector<16xi32>
      %eq3A_441 = arith.constant 2 : i32
      %eq3A_442 = vector.broadcast %eq3A_441 : i32 to vector<16xi32>
      %eq3A_443 = arith.cmpi eq, %and3A_413, %eq3A_442 : vector<16xi32>
      %select_n3A = arith.select %eq3A_443, %gather3A_429, %gather3A_435 : vector<16xi1>, vector<16xi32>
      %select_n3A_444 = arith.select %eq3A_440, %gather3A_423, %select_n3A : vector<16xi1>, vector<16xi32>
      %select_n3A_445 = arith.select %eq3A_437, %gather3A_417, %select_n3A_444 : vector<16xi1>, vector<16xi32>
      %mul3A_446 = arith.constant 4 : i32
      %mul3A_447 = arith.muli %mul3A_446, %mul3A_358 : i32
      %add3A_448 = arith.constant 0 : i32
      %add3A_449 = arith.addi %mul3A_447, %add3A_448 : i32
      %swap3A_450 = arith.index_cast %add3A_449 : i32 to index
      %swap3A_451 = tpu.vector_load %arg10[%swap3A_450] {strides = array<i32>} : memref<16384xi32, #tpu.memory_space<vmem>>, vector<16xi32>,
      %swap3A_452 = vector.shape_cast %swap3A_451 : vector<16xi32> to vector<16xi32>
      %swap3A_453 = vector.shape_cast %select_n3A_445 : vector<16xi32> to vector<16xi32>
      tpu.vector_store %arg10[%swap3A_450], %swap3A_453 {strides = array<i32>} : memref<16384xi32, #tpu.memory_space<vmem>>, vector<16xi32>,
      %add3A_454 = arith.constant 4 : i32
      %add3A_455 = vector.broadcast %add3A_454 : i32 to vector<16xi32>
      %add3A_456 = arith.addi %shift_right_arithmetic3A_411, %add3A_455 : vector<16xi32>
      %broadcast_in_dim3A_457 = vector.shape_cast %add3A_456 : vector<16xi32> to vector<16x1xi32>
      %gather3A_458 = vector.shape_cast %broadcast_in_dim3A_457 : vector<16x1xi32> to vector<16xi32>
      %gather3A_459 = tpu.dynamic_gather %add3A_406[%gather3A_458] in [0] : vector<16xi32>, vector<16xi32> -> vector<16xi32>
      %add3A_460 = arith.constant 4 : i32
      %add3A_461 = vector.broadcast %add3A_460 : i32 to vector<16xi32>
      %add3A_462 = arith.addi %shift_right_arithmetic3A_411, %add3A_461 : vector<16xi32>
      %broadcast_in_dim3A_463 = vector.shape_cast %add3A_462 : vector<16xi32> to vector<16x1xi32>
      %gather3A_464 = vector.shape_cast %broadcast_in_dim3A_463 : vector<16x1xi32> to vector<16xi32>
      %gather3A_465 = tpu.dynamic_gather %add3A_407[%gather3A_464] in [0] : vector<16xi32>, vector<16xi32> -> vector<16xi32>
      %add3A_466 = arith.constant 4 : i32
      %add3A_467 = vector.broadcast %add3A_466 : i32 to vector<16xi32>
      %add3A_468 = arith.addi %shift_right_arithmetic3A_411, %add3A_467 : vector<16xi32>
      %broadcast_in_dim3A_469 = vector.shape_cast %add3A_468 : vector<16xi32> to vector<16x1xi32>
      %gather3A_470 = vector.shape_cast %broadcast_in_dim3A_469 : vector<16x1xi32> to vector<16xi32>
      %gather3A_471 = tpu.dynamic_gather %add3A_408[%gather3A_470] in [0] : vector<16xi32>, vector<16xi32> -> vector<16xi32>
      %add3A_472 = arith.constant 4 : i32
      %add3A_473 = vector.broadcast %add3A_472 : i32 to vector<16xi32>
      %add3A_474 = arith.addi %shift_right_arithmetic3A_411, %add3A_473 : vector<16xi32>
      %broadcast_in_dim3A_475 = vector.shape_cast %add3A_474 : vector<16xi32> to vector<16x1xi32>
      %gather3A_476 = vector.shape_cast %broadcast_in_dim3A_475 : vector<16x1xi32> to vector<16xi32>
      %gather3A_477 = tpu.dynamic_gather %add3A_409[%gather3A_476] in [0] : vector<16xi32>, vector<16xi32> -> vector<16xi32>
      %eq3A_478 = arith.constant 0 : i32
      %eq3A_479 = vector.broadcast %eq3A_478 : i32 to vector<16xi32>
      %eq3A_480 = arith.cmpi eq, %and3A_413, %eq3A_479 : vector<16xi32>
      %eq3A_481 = arith.constant 1 : i32
      %eq3A_482 = vector.broadcast %eq3A_481 : i32 to vector<16xi32>
      %eq3A_483 = arith.cmpi eq, %and3A_413, %eq3A_482 : vector<16xi32>
      %eq3A_484 = arith.constant 2 : i32
      %eq3A_485 = vector.broadcast %eq3A_484 : i32 to vector<16xi32>
      %eq3A_486 = arith.cmpi eq, %and3A_413, %eq3A_485 : vector<16xi32>
      %select_n3A_487 = arith.select %eq3A_486, %gather3A_471, %gather3A_477 : vector<16xi1>, vector<16xi32>
      %select_n3A_488 = arith.select %eq3A_483, %gather3A_465, %select_n3A_487 : vector<16xi1>, vector<16xi32>
      %select_n3A_489 = arith.select %eq3A_480, %gather3A_459, %select_n3A_488 : vector<16xi1>, vector<16xi32>
      %mul3A_490 = arith.constant 4 : i32
      %mul3A_491 = arith.muli %mul3A_490, %mul3A_358 : i32
      %add3A_492 = arith.constant 16 : i32
      %add3A_493 = arith.addi %mul3A_491, %add3A_492 : i32
      %swap3A_494 = arith.index_cast %add3A_493 : i32 to index
      %swap3A_495 = tpu.vector_load %arg10[%swap3A_494] {strides = array<i32>} : memref<16384xi32, #tpu.memory_space<vmem>>, vector<16xi32>,
      %swap3A_496 = vector.shape_cast %swap3A_495 : vector<16xi32> to vector<16xi32>
      %swap3A_497 = vector.shape_cast %select_n3A_489 : vector<16xi32> to vector<16xi32>
      tpu.vector_store %arg10[%swap3A_494], %swap3A_497 {strides = array<i32>} : memref<16384xi32, #tpu.memory_space<vmem>>, vector<16xi32>,
      %add3A_498 = arith.constant 8 : i32
      %add3A_499 = vector.broadcast %add3A_498 : i32 to vector<16xi32>
      %add3A_500 = arith.addi %shift_right_arithmetic3A_411, %add3A_499 : vector<16xi32>
      %broadcast_in_dim3A_501 = vector.shape_cast %add3A_500 : vector<16xi32> to vector<16x1xi32>
      %gather3A_502 = vector.shape_cast %broadcast_in_dim3A_501 : vector<16x1xi32> to vector<16xi32>
      %gather3A_503 = tpu.dynamic_gather %add3A_406[%gather3A_502] in [0] : vector<16xi32>, vector<16xi32> -> vector<16xi32>
      %add3A_504 = arith.constant 8 : i32
      %add3A_505 = vector.broadcast %add3A_504 : i32 to vector<16xi32>
      %add3A_506 = arith.addi %shift_right_arithmetic3A_411, %add3A_505 : vector<16xi32>
      %broadcast_in_dim3A_507 = vector.shape_cast %add3A_506 : vector<16xi32> to vector<16x1xi32>
      %gather3A_508 = vector.shape_cast %broadcast_in_dim3A_507 : vector<16x1xi32> to vector<16xi32>
      %gather3A_509 = tpu.dynamic_gather %add3A_407[%gather3A_508] in [0] : vector<16xi32>, vector<16xi32> -> vector<16xi32>
      %add3A_510 = arith.constant 8 : i32
      %add3A_511 = vector.broadcast %add3A_510 : i32 to vector<16xi32>
      %add3A_512 = arith.addi %shift_right_arithmetic3A_411, %add3A_511 : vector<16xi32>
      %broadcast_in_dim3A_513 = vector.shape_cast %add3A_512 : vector<16xi32> to vector<16x1xi32>
      %gather3A_514 = vector.shape_cast %broadcast_in_dim3A_513 : vector<16x1xi32> to vector<16xi32>
      %gather3A_515 = tpu.dynamic_gather %add3A_408[%gather3A_514] in [0] : vector<16xi32>, vector<16xi32> -> vector<16xi32>
      %add3A_516 = arith.constant 8 : i32
      %add3A_517 = vector.broadcast %add3A_516 : i32 to vector<16xi32>
      %add3A_518 = arith.addi %shift_right_arithmetic3A_411, %add3A_517 : vector<16xi32>
      %broadcast_in_dim3A_519 = vector.shape_cast %add3A_518 : vector<16xi32> to vector<16x1xi32>
      %gather3A_520 = vector.shape_cast %broadcast_in_dim3A_519 : vector<16x1xi32> to vector<16xi32>
      %gather3A_521 = tpu.dynamic_gather %add3A_409[%gather3A_520] in [0] : vector<16xi32>, vector<16xi32> -> vector<16xi32>
      %eq3A_522 = arith.constant 0 : i32
      %eq3A_523 = vector.broadcast %eq3A_522 : i32 to vector<16xi32>
      %eq3A_524 = arith.cmpi eq, %and3A_413, %eq3A_523 : vector<16xi32>
      %eq3A_525 = arith.constant 1 : i32
      %eq3A_526 = vector.broadcast %eq3A_525 : i32 to vector<16xi32>
      %eq3A_527 = arith.cmpi eq, %and3A_413, %eq3A_526 : vector<16xi32>
      %eq3A_528 = arith.constant 2 : i32
      %eq3A_529 = vector.broadcast %eq3A_528 : i32 to vector<16xi32>
      %eq3A_530 = arith.cmpi eq, %and3A_413, %eq3A_529 : vector<16xi32>
      %select_n3A_531 = arith.select %eq3A_530, %gather3A_515, %gather3A_521 : vector<16xi1>, vector<16xi32>
      %select_n3A_532 = arith.select %eq3A_527, %gather3A_509, %select_n3A_531 : vector<16xi1>, vector<16xi32>
      %select_n3A_533 = arith.select %eq3A_524, %gather3A_503, %select_n3A_532 : vector<16xi1>, vector<16xi32>
      %mul3A_534 = arith.constant 4 : i32
      %mul3A_535 = arith.muli %mul3A_534, %mul3A_358 : i32
      %add3A_536 = arith.constant 32 : i32
      %add3A_537 = arith.addi %mul3A_535, %add3A_536 : i32
      %swap3A_538 = arith.index_cast %add3A_537 : i32 to index
      %swap3A_539 = tpu.vector_load %arg10[%swap3A_538] {strides = array<i32>} : memref<16384xi32, #tpu.memory_space<vmem>>, vector<16xi32>,
      %swap3A_540 = vector.shape_cast %swap3A_539 : vector<16xi32> to vector<16xi32>
      %swap3A_541 = vector.shape_cast %select_n3A_533 : vector<16xi32> to vector<16xi32>
      tpu.vector_store %arg10[%swap3A_538], %swap3A_541 {strides = array<i32>} : memref<16384xi32, #tpu.memory_space<vmem>>, vector<16xi32>,
      %add3A_542 = arith.constant 12 : i32
      %add3A_543 = vector.broadcast %add3A_542 : i32 to vector<16xi32>
      %add3A_544 = arith.addi %shift_right_arithmetic3A_411, %add3A_543 : vector<16xi32>
      %broadcast_in_dim3A_545 = vector.shape_cast %add3A_544 : vector<16xi32> to vector<16x1xi32>
      %gather3A_546 = vector.shape_cast %broadcast_in_dim3A_545 : vector<16x1xi32> to vector<16xi32>
      %gather3A_547 = tpu.dynamic_gather %add3A_406[%gather3A_546] in [0] : vector<16xi32>, vector<16xi32> -> vector<16xi32>
      %add3A_548 = arith.constant 12 : i32
      %add3A_549 = vector.broadcast %add3A_548 : i32 to vector<16xi32>
      %add3A_550 = arith.addi %shift_right_arithmetic3A_411, %add3A_549 : vector<16xi32>
      %broadcast_in_dim3A_551 = vector.shape_cast %add3A_550 : vector<16xi32> to vector<16x1xi32>
      %gather3A_552 = vector.shape_cast %broadcast_in_dim3A_551 : vector<16x1xi32> to vector<16xi32>
      %gather3A_553 = tpu.dynamic_gather %add3A_407[%gather3A_552] in [0] : vector<16xi32>, vector<16xi32> -> vector<16xi32>
      %add3A_554 = arith.constant 12 : i32
      %add3A_555 = vector.broadcast %add3A_554 : i32 to vector<16xi32>
      %add3A_556 = arith.addi %shift_right_arithmetic3A_411, %add3A_555 : vector<16xi32>
      %broadcast_in_dim3A_557 = vector.shape_cast %add3A_556 : vector<16xi32> to vector<16x1xi32>
      %gather3A_558 = vector.shape_cast %broadcast_in_dim3A_557 : vector<16x1xi32> to vector<16xi32>
      %gather3A_559 = tpu.dynamic_gather %add3A_408[%gather3A_558] in [0] : vector<16xi32>, vector<16xi32> -> vector<16xi32>
      %add3A_560 = arith.constant 12 : i32
      %add3A_561 = vector.broadcast %add3A_560 : i32 to vector<16xi32>
      %add3A_562 = arith.addi %shift_right_arithmetic3A_411, %add3A_561 : vector<16xi32>
      %broadcast_in_dim3A_563 = vector.shape_cast %add3A_562 : vector<16xi32> to vector<16x1xi32>
      %gather3A_564 = vector.shape_cast %broadcast_in_dim3A_563 : vector<16x1xi32> to vector<16xi32>
      %gather3A_565 = tpu.dynamic_gather %add3A_409[%gather3A_564] in [0] : vector<16xi32>, vector<16xi32> -> vector<16xi32>
      %eq3A_566 = arith.constant 0 : i32
      %eq3A_567 = vector.broadcast %eq3A_566 : i32 to vector<16xi32>
      %eq3A_568 = arith.cmpi eq, %and3A_413, %eq3A_567 : vector<16xi32>
      %eq3A_569 = arith.constant 1 : i32
      %eq3A_570 = vector.broadcast %eq3A_569 : i32 to vector<16xi32>
      %eq3A_571 = arith.cmpi eq, %and3A_413, %eq3A_570 : vector<16xi32>
      %eq3A_572 = arith.constant 2 : i32
      %eq3A_573 = vector.broadcast %eq3A_572 : i32 to vector<16xi32>
      %eq3A_574 = arith.cmpi eq, %and3A_413, %eq3A_573 : vector<16xi32>
      %select_n3A_575 = arith.select %eq3A_574, %gather3A_559, %gather3A_565 : vector<16xi1>, vector<16xi32>
      %select_n3A_576 = arith.select %eq3A_571, %gather3A_553, %select_n3A_575 : vector<16xi1>, vector<16xi32>
      %select_n3A_577 = arith.select %eq3A_568, %gather3A_547, %select_n3A_576 : vector<16xi1>, vector<16xi32>
      %mul3A_578 = arith.constant 4 : i32
      %mul3A_579 = arith.muli %mul3A_578, %mul3A_358 : i32
      %add3A_580 = arith.constant 48 : i32
      %add3A_581 = arith.addi %mul3A_579, %add3A_580 : i32
      %swap3A_582 = arith.index_cast %add3A_581 : i32 to index
      %swap3A_583 = tpu.vector_load %arg10[%swap3A_582] {strides = array<i32>} : memref<16384xi32, #tpu.memory_space<vmem>>, vector<16xi32>,
      %swap3A_584 = vector.shape_cast %swap3A_583 : vector<16xi32> to vector<16xi32>
      %swap3A_585 = vector.shape_cast %select_n3A_577 : vector<16xi32> to vector<16xi32>
      tpu.vector_store %arg10[%swap3A_582], %swap3A_585 {strides = array<i32>} : memref<16384xi32, #tpu.memory_space<vmem>>, vector<16xi32>,
    }
    %scan3A_155 = arith.constant 256 : i32
    %dma_wait3A_156 = arith.constant 0 : i32
    %dma_wait3A_157 = tpu.memref_slice %arg3[%dma_wait3A_156] : memref<4194304xf32, #tpu.memory_space<hbm>> -> memref<4194304xf32, #tpu.memory_space<hbm>>
    tpu.wait_indirect_dma semaphore(%arg21 : memref<!tpu.dma_semaphore, #tpu.memory_space<semaphore_mem>>) src(%dma_wait3A_157 : memref<4194304xf32, #tpu.memory_space<hbm>>) dst(%arg11 : memref<16384xf32, #tpu.memory_space<vmem>>)
    %dma_start3A_158 = arith.constant 0 : i32
    %dma_start3A_159 = tpu.memref_slice %arg3[%dma_start3A_158] : memref<4194304xf32, #tpu.memory_space<hbm>> -> memref<4194304xf32, #tpu.memory_space<hbm>>
    tpu.enqueue_indirect_dma source(%dma_start3A_159 : memref<4194304xf32, #tpu.memory_space<hbm>>) target(%arg12 : memref<16384xf32, #tpu.memory_space<vmem>>) offsets(%arg10 : memref<16384xi32, #tpu.memory_space<vmem>>) semaphore(%arg22 : memref<!tpu.dma_semaphore, #tpu.memory_space<semaphore_mem>>)
    %dma_wait3A_160 = tpu.memref_slice %arg4[%add3A_82] : memref<1048576xf32, #tpu.memory_space<hbm>> -> memref<4096xf32, #tpu.memory_space<hbm>>
    %dma_wait3A_161 = tpu.memref_slice %arg4[%add3A_82] : memref<1048576xf32, #tpu.memory_space<hbm>> -> memref<4096xf32, #tpu.memory_space<hbm>>
    tpu.wait_dma2 semaphore(%arg23 : memref<!tpu.dma_semaphore, #tpu.memory_space<semaphore_mem>>) src(%arg17 : memref<4096xf32, #tpu.memory_space<vmem>>) dst(%dma_wait3A_161 : memref<4096xf32, #tpu.memory_space<hbm>>)
    %scan3A_162 = arith.constant 0 : i32
    %scan3A_163 = arith.constant 256 : i32
    %scan3A_164 = arith.addi %scan3A_162, %scan3A_163 : i32
    %scan3A_165 = arith.constant 1 : i32
    scf.for %scan3A_352 = %scan3A_162 to %scan3A_164 step %scan3A_165  : i32 {
      %mul3A_353 = arith.constant 1 : i32
      %mul3A_354 = arith.muli %scan3A_352, %mul3A_353 : i32
      %add3A_355 = arith.constant 0 : i32
      %add3A_356 = arith.addi %add3A_355, %mul3A_354 : i32
      %mul3A_357 = arith.constant 16 : i32
      %mul3A_358 = arith.muli %add3A_356, %mul3A_357 : i32
      %mul3A_359 = arith.constant 4 : i32
      %mul3A_360 = arith.muli %mul3A_359, %mul3A_358 : i32
      %add3A_361 = arith.constant 0 : i32
      %add3A_362 = arith.addi %mul3A_360, %add3A_361 : i32
      %get3A = arith.index_cast %add3A_362 : i32 to index
      %get3A_363 = tpu.vector_load %arg11[%get3A] {strides = array<i32>} : memref<16384xf32, #tpu.memory_space<vmem>>, vector<16xf32>,
      %get3A_364 = vector.shape_cast %get3A_363 : vector<16xf32> to vector<16xf32>
      %mul3A_365 = arith.constant 4 : i32
      %mul3A_366 = arith.muli %mul3A_365, %mul3A_358 : i32
      %add3A_367 = arith.constant 16 : i32
      %add3A_368 = arith.addi %mul3A_366, %add3A_367 : i32
      %get3A_369 = arith.index_cast %add3A_368 : i32 to index
      %get3A_370 = tpu.vector_load %arg11[%get3A_369] {strides = array<i32>} : memref<16384xf32, #tpu.memory_space<vmem>>, vector<16xf32>,
      %get3A_371 = vector.shape_cast %get3A_370 : vector<16xf32> to vector<16xf32>
      %mul3A_372 = arith.constant 4 : i32
      %mul3A_373 = arith.muli %mul3A_372, %mul3A_358 : i32
      %add3A_374 = arith.constant 32 : i32
      %add3A_375 = arith.addi %mul3A_373, %add3A_374 : i32
      %get3A_376 = arith.index_cast %add3A_375 : i32 to index
      %get3A_377 = tpu.vector_load %arg11[%get3A_376] {strides = array<i32>} : memref<16384xf32, #tpu.memory_space<vmem>>, vector<16xf32>,
      %get3A_378 = vector.shape_cast %get3A_377 : vector<16xf32> to vector<16xf32>
      %mul3A_379 = arith.constant 4 : i32
      %mul3A_380 = arith.muli %mul3A_379, %mul3A_358 : i32
      %add3A_381 = arith.constant 48 : i32
      %add3A_382 = arith.addi %mul3A_380, %add3A_381 : i32
      %get3A_383 = arith.index_cast %add3A_382 : i32 to index
      %get3A_384 = tpu.vector_load %arg11[%get3A_383] {strides = array<i32>} : memref<16384xf32, #tpu.memory_space<vmem>>, vector<16xf32>,
      %get3A_385 = vector.shape_cast %get3A_384 : vector<16xf32> to vector<16xf32>
      %and3A = arith.constant 3 : i32
      %and3A_386 = vector.broadcast %and3A : i32 to vector<16xi32>
      %and3A_387 = arith.andi %iota3A, %and3A_386 : vector<16xi32>
      %mul3A_388 = arith.constant 4 : i32
      %mul3A_389 = vector.broadcast %mul3A_388 : i32 to vector<16xi32>
      %mul3A_390 = arith.muli %and3A_387, %mul3A_389 : vector<16xi32>
      %add3A_391 = arith.constant 0 : i32
      %add3A_392 = vector.broadcast %add3A_391 : i32 to vector<16xi32>
      %add3A_393 = arith.addi %mul3A_390, %add3A_392 : vector<16xi32>
      %broadcast_in_dim3A = vector.shape_cast %add3A_393 : vector<16xi32> to vector<16x1xi32>
      %gather3A = vector.shape_cast %broadcast_in_dim3A : vector<16x1xi32> to vector<16xi32>
      %gather3A_394 = tpu.dynamic_gather %get3A_364[%gather3A] in [0] : vector<16xf32>, vector<16xi32> -> vector<16xf32>
      %mul3A_395 = arith.constant 4 : i32
      %mul3A_396 = vector.broadcast %mul3A_395 : i32 to vector<16xi32>
      %mul3A_397 = arith.muli %and3A_387, %mul3A_396 : vector<16xi32>
      %add3A_398 = arith.constant 0 : i32
      %add3A_399 = vector.broadcast %add3A_398 : i32 to vector<16xi32>
      %add3A_400 = arith.addi %mul3A_397, %add3A_399 : vector<16xi32>
      %broadcast_in_dim3A_401 = vector.shape_cast %add3A_400 : vector<16xi32> to vector<16x1xi32>
      %gather3A_402 = vector.shape_cast %broadcast_in_dim3A_401 : vector<16x1xi32> to vector<16xi32>
      %gather3A_403 = tpu.dynamic_gather %get3A_371[%gather3A_402] in [0] : vector<16xf32>, vector<16xi32> -> vector<16xf32>
      %mul3A_404 = arith.constant 4 : i32
      %mul3A_405 = vector.broadcast %mul3A_404 : i32 to vector<16xi32>
      %mul3A_406 = arith.muli %and3A_387, %mul3A_405 : vector<16xi32>
      %add3A_407 = arith.constant 0 : i32
      %add3A_408 = vector.broadcast %add3A_407 : i32 to vector<16xi32>
      %add3A_409 = arith.addi %mul3A_406, %add3A_408 : vector<16xi32>
      %broadcast_in_dim3A_410 = vector.shape_cast %add3A_409 : vector<16xi32> to vector<16x1xi32>
      %gather3A_411 = vector.shape_cast %broadcast_in_dim3A_410 : vector<16x1xi32> to vector<16xi32>
      %gather3A_412 = tpu.dynamic_gather %get3A_378[%gather3A_411] in [0] : vector<16xf32>, vector<16xi32> -> vector<16xf32>
      %mul3A_413 = arith.constant 4 : i32
      %mul3A_414 = vector.broadcast %mul3A_413 : i32 to vector<16xi32>
      %mul3A_415 = arith.muli %and3A_387, %mul3A_414 : vector<16xi32>
      %add3A_416 = arith.constant 0 : i32
      %add3A_417 = vector.broadcast %add3A_416 : i32 to vector<16xi32>
      %add3A_418 = arith.addi %mul3A_415, %add3A_417 : vector<16xi32>
      %broadcast_in_dim3A_419 = vector.shape_cast %add3A_418 : vector<16xi32> to vector<16x1xi32>
      %gather3A_420 = vector.shape_cast %broadcast_in_dim3A_419 : vector<16x1xi32> to vector<16xi32>
      %gather3A_421 = tpu.dynamic_gather %get3A_385[%gather3A_420] in [0] : vector<16xf32>, vector<16xi32> -> vector<16xf32>
      %lt3A = arith.constant 4 : i32
      %lt3A_422 = vector.broadcast %lt3A : i32 to vector<16xi32>
      %lt3A_423 = arith.cmpi slt, %iota3A, %lt3A_422 : vector<16xi32>
      %lt3A_424 = arith.constant 8 : i32
      %lt3A_425 = vector.broadcast %lt3A_424 : i32 to vector<16xi32>
      %lt3A_426 = arith.cmpi slt, %iota3A, %lt3A_425 : vector<16xi32>
      %lt3A_427 = arith.constant 12 : i32
      %lt3A_428 = vector.broadcast %lt3A_427 : i32 to vector<16xi32>
      %lt3A_429 = arith.cmpi slt, %iota3A, %lt3A_428 : vector<16xi32>
      %select_n3A = arith.select %lt3A_429, %gather3A_412, %gather3A_421 : vector<16xi1>, vector<16xf32>
      %select_n3A_430 = arith.select %lt3A_426, %gather3A_403, %select_n3A : vector<16xi1>, vector<16xf32>
      %select_n3A_431 = arith.select %lt3A_423, %gather3A_394, %select_n3A_430 : vector<16xi1>, vector<16xf32>
      %mul3A_432 = arith.constant 4 : i32
      %mul3A_433 = vector.broadcast %mul3A_432 : i32 to vector<16xi32>
      %mul3A_434 = arith.muli %and3A_387, %mul3A_433 : vector<16xi32>
      %add3A_435 = arith.constant 1 : i32
      %add3A_436 = vector.broadcast %add3A_435 : i32 to vector<16xi32>
      %add3A_437 = arith.addi %mul3A_434, %add3A_436 : vector<16xi32>
      %broadcast_in_dim3A_438 = vector.shape_cast %add3A_437 : vector<16xi32> to vector<16x1xi32>
      %gather3A_439 = vector.shape_cast %broadcast_in_dim3A_438 : vector<16x1xi32> to vector<16xi32>
      %gather3A_440 = tpu.dynamic_gather %get3A_364[%gather3A_439] in [0] : vector<16xf32>, vector<16xi32> -> vector<16xf32>
      %mul3A_441 = arith.constant 4 : i32
      %mul3A_442 = vector.broadcast %mul3A_441 : i32 to vector<16xi32>
      %mul3A_443 = arith.muli %and3A_387, %mul3A_442 : vector<16xi32>
      %add3A_444 = arith.constant 1 : i32
      %add3A_445 = vector.broadcast %add3A_444 : i32 to vector<16xi32>
      %add3A_446 = arith.addi %mul3A_443, %add3A_445 : vector<16xi32>
      %broadcast_in_dim3A_447 = vector.shape_cast %add3A_446 : vector<16xi32> to vector<16x1xi32>
      %gather3A_448 = vector.shape_cast %broadcast_in_dim3A_447 : vector<16x1xi32> to vector<16xi32>
      %gather3A_449 = tpu.dynamic_gather %get3A_371[%gather3A_448] in [0] : vector<16xf32>, vector<16xi32> -> vector<16xf32>
      %mul3A_450 = arith.constant 4 : i32
      %mul3A_451 = vector.broadcast %mul3A_450 : i32 to vector<16xi32>
      %mul3A_452 = arith.muli %and3A_387, %mul3A_451 : vector<16xi32>
      %add3A_453 = arith.constant 1 : i32
      %add3A_454 = vector.broadcast %add3A_453 : i32 to vector<16xi32>
      %add3A_455 = arith.addi %mul3A_452, %add3A_454 : vector<16xi32>
      %broadcast_in_dim3A_456 = vector.shape_cast %add3A_455 : vector<16xi32> to vector<16x1xi32>
      %gather3A_457 = vector.shape_cast %broadcast_in_dim3A_456 : vector<16x1xi32> to vector<16xi32>
      %gather3A_458 = tpu.dynamic_gather %get3A_378[%gather3A_457] in [0] : vector<16xf32>, vector<16xi32> -> vector<16xf32>
      %mul3A_459 = arith.constant 4 : i32
      %mul3A_460 = vector.broadcast %mul3A_459 : i32 to vector<16xi32>
      %mul3A_461 = arith.muli %and3A_387, %mul3A_460 : vector<16xi32>
      %add3A_462 = arith.constant 1 : i32
      %add3A_463 = vector.broadcast %add3A_462 : i32 to vector<16xi32>
      %add3A_464 = arith.addi %mul3A_461, %add3A_463 : vector<16xi32>
      %broadcast_in_dim3A_465 = vector.shape_cast %add3A_464 : vector<16xi32> to vector<16x1xi32>
      %gather3A_466 = vector.shape_cast %broadcast_in_dim3A_465 : vector<16x1xi32> to vector<16xi32>
      %gather3A_467 = tpu.dynamic_gather %get3A_385[%gather3A_466] in [0] : vector<16xf32>, vector<16xi32> -> vector<16xf32>
      %lt3A_468 = arith.constant 4 : i32
      %lt3A_469 = vector.broadcast %lt3A_468 : i32 to vector<16xi32>
      %lt3A_470 = arith.cmpi slt, %iota3A, %lt3A_469 : vector<16xi32>
      %lt3A_471 = arith.constant 8 : i32
      %lt3A_472 = vector.broadcast %lt3A_471 : i32 to vector<16xi32>
      %lt3A_473 = arith.cmpi slt, %iota3A, %lt3A_472 : vector<16xi32>
      %lt3A_474 = arith.constant 12 : i32
      %lt3A_475 = vector.broadcast %lt3A_474 : i32 to vector<16xi32>
      %lt3A_476 = arith.cmpi slt, %iota3A, %lt3A_475 : vector<16xi32>
      %select_n3A_477 = arith.select %lt3A_476, %gather3A_458, %gather3A_467 : vector<16xi1>, vector<16xf32>
      %select_n3A_478 = arith.select %lt3A_473, %gather3A_449, %select_n3A_477 : vector<16xi1>, vector<16xf32>
      %select_n3A_479 = arith.select %lt3A_470, %gather3A_440, %select_n3A_478 : vector<16xi1>, vector<16xf32>
      %mul3A_480 = arith.constant 4 : i32
      %mul3A_481 = vector.broadcast %mul3A_480 : i32 to vector<16xi32>
      %mul3A_482 = arith.muli %and3A_387, %mul3A_481 : vector<16xi32>
      %add3A_483 = arith.constant 2 : i32
      %add3A_484 = vector.broadcast %add3A_483 : i32 to vector<16xi32>
      %add3A_485 = arith.addi %mul3A_482, %add3A_484 : vector<16xi32>
      %broadcast_in_dim3A_486 = vector.shape_cast %add3A_485 : vector<16xi32> to vector<16x1xi32>
      %gather3A_487 = vector.shape_cast %broadcast_in_dim3A_486 : vector<16x1xi32> to vector<16xi32>
      %gather3A_488 = tpu.dynamic_gather %get3A_364[%gather3A_487] in [0] : vector<16xf32>, vector<16xi32> -> vector<16xf32>
      %mul3A_489 = arith.constant 4 : i32
      %mul3A_490 = vector.broadcast %mul3A_489 : i32 to vector<16xi32>
      %mul3A_491 = arith.muli %and3A_387, %mul3A_490 : vector<16xi32>
      %add3A_492 = arith.constant 2 : i32
      %add3A_493 = vector.broadcast %add3A_492 : i32 to vector<16xi32>
      %add3A_494 = arith.addi %mul3A_491, %add3A_493 : vector<16xi32>
      %broadcast_in_dim3A_495 = vector.shape_cast %add3A_494 : vector<16xi32> to vector<16x1xi32>
      %gather3A_496 = vector.shape_cast %broadcast_in_dim3A_495 : vector<16x1xi32> to vector<16xi32>
      %gather3A_497 = tpu.dynamic_gather %get3A_371[%gather3A_496] in [0] : vector<16xf32>, vector<16xi32> -> vector<16xf32>
      %mul3A_498 = arith.constant 4 : i32
      %mul3A_499 = vector.broadcast %mul3A_498 : i32 to vector<16xi32>
      %mul3A_500 = arith.muli %and3A_387, %mul3A_499 : vector<16xi32>
      %add3A_501 = arith.constant 2 : i32
      %add3A_502 = vector.broadcast %add3A_501 : i32 to vector<16xi32>
      %add3A_503 = arith.addi %mul3A_500, %add3A_502 : vector<16xi32>
      %broadcast_in_dim3A_504 = vector.shape_cast %add3A_503 : vector<16xi32> to vector<16x1xi32>
      %gather3A_505 = vector.shape_cast %broadcast_in_dim3A_504 : vector<16x1xi32> to vector<16xi32>
      %gather3A_506 = tpu.dynamic_gather %get3A_378[%gather3A_505] in [0] : vector<16xf32>, vector<16xi32> -> vector<16xf32>
      %mul3A_507 = arith.constant 4 : i32
      %mul3A_508 = vector.broadcast %mul3A_507 : i32 to vector<16xi32>
      %mul3A_509 = arith.muli %and3A_387, %mul3A_508 : vector<16xi32>
      %add3A_510 = arith.constant 2 : i32
      %add3A_511 = vector.broadcast %add3A_510 : i32 to vector<16xi32>
      %add3A_512 = arith.addi %mul3A_509, %add3A_511 : vector<16xi32>
      %broadcast_in_dim3A_513 = vector.shape_cast %add3A_512 : vector<16xi32> to vector<16x1xi32>
      %gather3A_514 = vector.shape_cast %broadcast_in_dim3A_513 : vector<16x1xi32> to vector<16xi32>
      %gather3A_515 = tpu.dynamic_gather %get3A_385[%gather3A_514] in [0] : vector<16xf32>, vector<16xi32> -> vector<16xf32>
      %lt3A_516 = arith.constant 4 : i32
      %lt3A_517 = vector.broadcast %lt3A_516 : i32 to vector<16xi32>
      %lt3A_518 = arith.cmpi slt, %iota3A, %lt3A_517 : vector<16xi32>
      %lt3A_519 = arith.constant 8 : i32
      %lt3A_520 = vector.broadcast %lt3A_519 : i32 to vector<16xi32>
      %lt3A_521 = arith.cmpi slt, %iota3A, %lt3A_520 : vector<16xi32>
      %lt3A_522 = arith.constant 12 : i32
      %lt3A_523 = vector.broadcast %lt3A_522 : i32 to vector<16xi32>
      %lt3A_524 = arith.cmpi slt, %iota3A, %lt3A_523 : vector<16xi32>
      %select_n3A_525 = arith.select %lt3A_524, %gather3A_506, %gather3A_515 : vector<16xi1>, vector<16xf32>
      %select_n3A_526 = arith.select %lt3A_521, %gather3A_497, %select_n3A_525 : vector<16xi1>, vector<16xf32>
      %select_n3A_527 = arith.select %lt3A_518, %gather3A_488, %select_n3A_526 : vector<16xi1>, vector<16xf32>
      %mul3A_528 = arith.constant 4 : i32
      %mul3A_529 = vector.broadcast %mul3A_528 : i32 to vector<16xi32>
      %mul3A_530 = arith.muli %and3A_387, %mul3A_529 : vector<16xi32>
      %add3A_531 = arith.constant 3 : i32
      %add3A_532 = vector.broadcast %add3A_531 : i32 to vector<16xi32>
      %add3A_533 = arith.addi %mul3A_530, %add3A_532 : vector<16xi32>
      %broadcast_in_dim3A_534 = vector.shape_cast %add3A_533 : vector<16xi32> to vector<16x1xi32>
      %gather3A_535 = vector.shape_cast %broadcast_in_dim3A_534 : vector<16x1xi32> to vector<16xi32>
      %gather3A_536 = tpu.dynamic_gather %get3A_364[%gather3A_535] in [0] : vector<16xf32>, vector<16xi32> -> vector<16xf32>
      %mul3A_537 = arith.constant 4 : i32
      %mul3A_538 = vector.broadcast %mul3A_537 : i32 to vector<16xi32>
      %mul3A_539 = arith.muli %and3A_387, %mul3A_538 : vector<16xi32>
      %add3A_540 = arith.constant 3 : i32
      %add3A_541 = vector.broadcast %add3A_540 : i32 to vector<16xi32>
      %add3A_542 = arith.addi %mul3A_539, %add3A_541 : vector<16xi32>
      %broadcast_in_dim3A_543 = vector.shape_cast %add3A_542 : vector<16xi32> to vector<16x1xi32>
      %gather3A_544 = vector.shape_cast %broadcast_in_dim3A_543 : vector<16x1xi32> to vector<16xi32>
      %gather3A_545 = tpu.dynamic_gather %get3A_371[%gather3A_544] in [0] : vector<16xf32>, vector<16xi32> -> vector<16xf32>
      %mul3A_546 = arith.constant 4 : i32
      %mul3A_547 = vector.broadcast %mul3A_546 : i32 to vector<16xi32>
      %mul3A_548 = arith.muli %and3A_387, %mul3A_547 : vector<16xi32>
      %add3A_549 = arith.constant 3 : i32
      %add3A_550 = vector.broadcast %add3A_549 : i32 to vector<16xi32>
      %add3A_551 = arith.addi %mul3A_548, %add3A_550 : vector<16xi32>
      %broadcast_in_dim3A_552 = vector.shape_cast %add3A_551 : vector<16xi32> to vector<16x1xi32>
      %gather3A_553 = vector.shape_cast %broadcast_in_dim3A_552 : vector<16x1xi32> to vector<16xi32>
      %gather3A_554 = tpu.dynamic_gather %get3A_378[%gather3A_553] in [0] : vector<16xf32>, vector<16xi32> -> vector<16xf32>
      %mul3A_555 = arith.constant 4 : i32
      %mul3A_556 = vector.broadcast %mul3A_555 : i32 to vector<16xi32>
      %mul3A_557 = arith.muli %and3A_387, %mul3A_556 : vector<16xi32>
      %add3A_558 = arith.constant 3 : i32
      %add3A_559 = vector.broadcast %add3A_558 : i32 to vector<16xi32>
      %add3A_560 = arith.addi %mul3A_557, %add3A_559 : vector<16xi32>
      %broadcast_in_dim3A_561 = vector.shape_cast %add3A_560 : vector<16xi32> to vector<16x1xi32>
      %gather3A_562 = vector.shape_cast %broadcast_in_dim3A_561 : vector<16x1xi32> to vector<16xi32>
      %gather3A_563 = tpu.dynamic_gather %get3A_385[%gather3A_562] in [0] : vector<16xf32>, vector<16xi32> -> vector<16xf32>
      %lt3A_564 = arith.constant 4 : i32
      %lt3A_565 = vector.broadcast %lt3A_564 : i32 to vector<16xi32>
      %lt3A_566 = arith.cmpi slt, %iota3A, %lt3A_565 : vector<16xi32>
      %lt3A_567 = arith.constant 8 : i32
      %lt3A_568 = vector.broadcast %lt3A_567 : i32 to vector<16xi32>
      %lt3A_569 = arith.cmpi slt, %iota3A, %lt3A_568 : vector<16xi32>
      %lt3A_570 = arith.constant 12 : i32
      %lt3A_571 = vector.broadcast %lt3A_570 : i32 to vector<16xi32>
      %lt3A_572 = arith.cmpi slt, %iota3A, %lt3A_571 : vector<16xi32>
      %select_n3A_573 = arith.select %lt3A_572, %gather3A_554, %gather3A_563 : vector<16xi1>, vector<16xf32>
      %select_n3A_574 = arith.select %lt3A_569, %gather3A_545, %select_n3A_573 : vector<16xi1>, vector<16xf32>
      %select_n3A_575 = arith.select %lt3A_566, %gather3A_536, %select_n3A_574 : vector<16xi1>, vector<16xf32>
      %get3A_576 = arith.index_cast %mul3A_358 : i32 to index
      %get3A_577 = tpu.vector_load %arg13[%get3A_576] {strides = array<i32>} : memref<4096xf32, #tpu.memory_space<vmem>>, vector<16xf32>,
      %get3A_578 = vector.shape_cast %get3A_577 : vector<16xf32> to vector<16xf32>
      %get3A_579 = arith.index_cast %mul3A_358 : i32 to index
      %get3A_580 = tpu.vector_load %arg15[%get3A_579] {strides = array<i32>} : memref<4096xf32, #tpu.memory_space<vmem>>, vector<16xf32>,
      %get3A_581 = vector.shape_cast %get3A_580 : vector<16xf32> to vector<16xf32>
      %sub3A = arith.subf %select_n3A_479, %select_n3A_431 : vector<16xf32>
      %mul3A_582 = arith.mulf %get3A_578, %sub3A : vector<16xf32>
      %add3A_583 = arith.addf %select_n3A_431, %mul3A_582 : vector<16xf32>
      %sub3A_584 = arith.subf %select_n3A_575, %select_n3A_527 : vector<16xf32>
      %mul3A_585 = arith.mulf %get3A_578, %sub3A_584 : vector<16xf32>
      %add3A_586 = arith.addf %select_n3A_527, %mul3A_585 : vector<16xf32>
      %sub3A_587 = arith.subf %add3A_586, %add3A_583 : vector<16xf32>
      %mul3A_588 = arith.mulf %get3A_581, %sub3A_587 : vector<16xf32>
      %add3A_589 = arith.addf %add3A_583, %mul3A_588 : vector<16xf32>
      %swap3A = arith.index_cast %mul3A_358 : i32 to index
      %swap3A_590 = tpu.vector_load %arg17[%swap3A] {strides = array<i32>} : memref<4096xf32, #tpu.memory_space<vmem>>, vector<16xf32>,
      %swap3A_591 = vector.shape_cast %swap3A_590 : vector<16xf32> to vector<16xf32>
      %swap3A_592 = vector.shape_cast %add3A_589 : vector<16xf32> to vector<16xf32>
      tpu.vector_store %arg17[%swap3A], %swap3A_592 {strides = array<i32>} : memref<4096xf32, #tpu.memory_space<vmem>>, vector<16xf32>,
    }
    %scan3A_166 = arith.constant 256 : i32
    %add3A_167 = arith.constant 8192 : i32
    %add3A_168 = arith.addi %mul3A_2, %add3A_167 : i32
    %dma_start3A_169 = tpu.memref_slice %arg4[%add3A_168] : memref<1048576xf32, #tpu.memory_space<hbm>> -> memref<4096xf32, #tpu.memory_space<hbm>>
    %dma_start3A_170 = tpu.memref_slice %arg4[%add3A_168] : memref<1048576xf32, #tpu.memory_space<hbm>> -> memref<4096xf32, #tpu.memory_space<hbm>>
    tpu.enqueue_dma source(%arg17 : memref<4096xf32, #tpu.memory_space<vmem>>) target(%dma_start3A_170 : memref<4096xf32, #tpu.memory_space<hbm>>) target_semaphore(%arg23 : memref<!tpu.dma_semaphore, #tpu.memory_space<semaphore_mem>>)
    %dma_wait3A_171 = arith.constant 0 : i32
    %dma_wait3A_172 = tpu.memref_slice %arg2[%dma_wait3A_171, %add3A_138] : memref<2x1048576xf32, #tpu.memory_space<hbm>> -> memref<1x4096xf32, #tpu.memory_space<hbm>>
    %dma_wait3A_173 = tpu.memref_squeeze %dma_wait3A_172 : memref<1x4096xf32, #tpu.memory_space<hbm>> -> memref<4096xf32, #tpu.memory_space<hbm>>
    %dma_wait3A_174 = tpu.memref_slice %arg2[%dma_wait3A_171, %add3A_138] : memref<2x1048576xf32, #tpu.memory_space<hbm>> -> memref<1x4096xf32, #tpu.memory_space<hbm>>
    %dma_wait3A_175 = tpu.memref_squeeze %dma_wait3A_174 : memref<1x4096xf32, #tpu.memory_space<hbm>> -> memref<4096xf32, #tpu.memory_space<hbm>>
    tpu.wait_dma2 semaphore(%arg19 : memref<!tpu.dma_semaphore, #tpu.memory_space<semaphore_mem>>) src(%dma_wait3A_175 : memref<4096xf32, #tpu.memory_space<hbm>>) dst(%arg5 : memref<4096xf32, #tpu.memory_space<vmem>>)
    %dma_wait3A_176 = arith.constant 1 : i32
    %dma_wait3A_177 = tpu.memref_slice %arg2[%dma_wait3A_176, %add3A_138] : memref<2x1048576xf32, #tpu.memory_space<hbm>> -> memref<1x4096xf32, #tpu.memory_space<hbm>>
    %dma_wait3A_178 = tpu.memref_squeeze %dma_wait3A_177 : memref<1x4096xf32, #tpu.memory_space<hbm>> -> memref<4096xf32, #tpu.memory_space<hbm>>
    %dma_wait3A_179 = tpu.memref_slice %arg2[%dma_wait3A_176, %add3A_138] : memref<2x1048576xf32, #tpu.memory_space<hbm>> -> memref<1x4096xf32, #tpu.memory_space<hbm>>
    %dma_wait3A_180 = tpu.memref_squeeze %dma_wait3A_179 : memref<1x4096xf32, #tpu.memory_space<hbm>> -> memref<4096xf32, #tpu.memory_space<hbm>>
    tpu.wait_dma2 semaphore(%arg19 : memref<!tpu.dma_semaphore, #tpu.memory_space<semaphore_mem>>) src(%dma_wait3A_180 : memref<4096xf32, #tpu.memory_space<hbm>>) dst(%arg6 : memref<4096xf32, #tpu.memory_space<vmem>>)
    %add3A_181 = arith.constant 20480 : i32
    %add3A_182 = arith.addi %mul3A_2, %add3A_181 : i32
    %dma_start3A_183 = arith.constant 0 : i32
    %dma_start3A_184 = tpu.memref_slice %arg2[%dma_start3A_183, %add3A_182] : memref<2x1048576xf32, #tpu.memory_space<hbm>> -> memref<1x4096xf32, #tpu.memory_space<hbm>>
    %dma_start3A_185 = tpu.memref_squeeze %dma_start3A_184 : memref<1x4096xf32, #tpu.memory_space<hbm>> -> memref<4096xf32, #tpu.memory_space<hbm>>
    %dma_start3A_186 = tpu.memref_slice %arg2[%dma_start3A_183, %add3A_182] : memref<2x1048576xf32, #tpu.memory_space<hbm>> -> memref<1x4096xf32, #tpu.memory_space<hbm>>
    %dma_start3A_187 = tpu.memref_squeeze %dma_start3A_186 : memref<1x4096xf32, #tpu.memory_space<hbm>> -> memref<4096xf32, #tpu.memory_space<hbm>>
    tpu.enqueue_dma source(%dma_start3A_187 : memref<4096xf32, #tpu.memory_space<hbm>>) target(%arg7 : memref<4096xf32, #tpu.memory_space<vmem>>) target_semaphore(%arg20 : memref<!tpu.dma_semaphore, #tpu.memory_space<semaphore_mem>>)
    %dma_start3A_188 = arith.constant 1 : i32
    %dma_start3A_189 = tpu.memref_slice %arg2[%dma_start3A_188, %add3A_182] : memref<2x1048576xf32, #tpu.memory_space<hbm>> -> memref<1x4096xf32, #tpu.memory_space<hbm>>
    %dma_start3A_190 = tpu.memref_squeeze %dma_start3A_189 : memref<1x4096xf32, #tpu.memory_space<hbm>> -> memref<4096xf32, #tpu.memory_space<hbm>>
    %dma_start3A_191 = tpu.memref_slice %arg2[%dma_start3A_188, %add3A_182] : memref<2x1048576xf32, #tpu.memory_space<hbm>> -> memref<1x4096xf32, #tpu.memory_space<hbm>>
    %dma_start3A_192 = tpu.memref_squeeze %dma_start3A_191 : memref<1x4096xf32, #tpu.memory_space<hbm>> -> memref<4096xf32, #tpu.memory_space<hbm>>
    tpu.enqueue_dma source(%dma_start3A_192 : memref<4096xf32, #tpu.memory_space<hbm>>) target(%arg8 : memref<4096xf32, #tpu.memory_space<vmem>>) target_semaphore(%arg20 : memref<!tpu.dma_semaphore, #tpu.memory_space<semaphore_mem>>)
    %scan3A_193 = arith.constant 2.047000e+03 : f32
    %scan3A_194 = arith.constant 2.047000e+03 : f32
    %scan3A_195 = arith.constant 0 : i32
    %scan3A_196 = arith.constant 256 : i32
    %scan3A_197 = arith.addi %scan3A_195, %scan3A_196 : i32
    %scan3A_198 = arith.constant 1 : i32
    scf.for %scan3A_352 = %scan3A_195 to %scan3A_197 step %scan3A_198  : i32 {
      %mul3A_353 = arith.constant 1 : i32
      %mul3A_354 = arith.muli %scan3A_352, %mul3A_353 : i32
      %add3A_355 = arith.constant 0 : i32
      %add3A_356 = arith.addi %add3A_355, %mul3A_354 : i32
      %mul3A_357 = arith.constant 16 : i32
      %mul3A_358 = arith.muli %add3A_356, %mul3A_357 : i32
      %get3A = arith.index_cast %mul3A_358 : i32 to index
      %get3A_359 = tpu.vector_load %arg5[%get3A] {strides = array<i32>} : memref<4096xf32, #tpu.memory_space<vmem>>, vector<16xf32>,
      %get3A_360 = vector.shape_cast %get3A_359 : vector<16xf32> to vector<16xf32>
      %mul3A_361 = vector.broadcast %scan3A_193 : f32 to vector<16xf32>
      %mul3A_362 = arith.mulf %get3A_360, %mul3A_361 : vector<16xf32>
      %get3A_363 = arith.index_cast %mul3A_358 : i32 to index
      %get3A_364 = tpu.vector_load %arg6[%get3A_363] {strides = array<i32>} : memref<4096xf32, #tpu.memory_space<vmem>>, vector<16xf32>,
      %get3A_365 = vector.shape_cast %get3A_364 : vector<16xf32> to vector<16xf32>
      %mul3A_366 = vector.broadcast %scan3A_194 : f32 to vector<16xf32>
      %mul3A_367 = arith.mulf %get3A_365, %mul3A_366 : vector<16xf32>
      %convert_element_type3A = arith.fptosi %mul3A_362 : vector<16xf32> to vector<16xi32>
      %jit3A = arith.constant 0 : i32
      %jit3A_368 = arith.constant 2047 : i32
      %max3A = vector.broadcast %jit3A : i32 to vector<16xi32>
      %max3A_369 = arith.maxsi %max3A, %convert_element_type3A : vector<16xi32>
      %min3A = vector.broadcast %jit3A_368 : i32 to vector<16xi32>
      %min3A_370 = arith.minsi %min3A, %max3A_369 : vector<16xi32>
      %convert_element_type3A_371 = arith.fptosi %mul3A_367 : vector<16xf32> to vector<16xi32>
      %jit3A_372 = arith.constant 0 : i32
      %jit3A_373 = arith.constant 2047 : i32
      %max3A_374 = vector.broadcast %jit3A_372 : i32 to vector<16xi32>
      %max3A_375 = arith.maxsi %max3A_374, %convert_element_type3A_371 : vector<16xi32>
      %min3A_376 = vector.broadcast %jit3A_373 : i32 to vector<16xi32>
      %min3A_377 = arith.minsi %min3A_376, %max3A_375 : vector<16xi32>
      %convert_element_type3A_378 = arith.sitofp %min3A_370 : vector<16xi32> to vector<16xf32>
      %sub3A = arith.subf %mul3A_362, %convert_element_type3A_378 : vector<16xf32>
      %swap3A = arith.index_cast %mul3A_358 : i32 to index
      %swap3A_379 = tpu.vector_load %arg13[%swap3A] {strides = array<i32>} : memref<4096xf32, #tpu.memory_space<vmem>>, vector<16xf32>,
      %swap3A_380 = vector.shape_cast %swap3A_379 : vector<16xf32> to vector<16xf32>
      %swap3A_381 = vector.shape_cast %sub3A : vector<16xf32> to vector<16xf32>
      tpu.vector_store %arg13[%swap3A], %swap3A_381 {strides = array<i32>} : memref<4096xf32, #tpu.memory_space<vmem>>, vector<16xf32>,
      %convert_element_type3A_382 = arith.sitofp %min3A_377 : vector<16xi32> to vector<16xf32>
      %sub3A_383 = arith.subf %mul3A_367, %convert_element_type3A_382 : vector<16xf32>
      %swap3A_384 = arith.index_cast %mul3A_358 : i32 to index
      %swap3A_385 = tpu.vector_load %arg15[%swap3A_384] {strides = array<i32>} : memref<4096xf32, #tpu.memory_space<vmem>>, vector<16xf32>,
      %swap3A_386 = vector.shape_cast %swap3A_385 : vector<16xf32> to vector<16xf32>
      %swap3A_387 = vector.shape_cast %sub3A_383 : vector<16xf32> to vector<16xf32>
      tpu.vector_store %arg15[%swap3A_384], %swap3A_387 {strides = array<i32>} : memref<4096xf32, #tpu.memory_space<vmem>>, vector<16xf32>,
      %add3A_388 = arith.constant 1 : i32
      %add3A_389 = vector.broadcast %add3A_388 : i32 to vector<16xi32>
      %add3A_390 = arith.addi %min3A_370, %add3A_389 : vector<16xi32>
      %min3A_391 = arith.constant 2047 : i32
      %min3A_392 = vector.broadcast %min3A_391 : i32 to vector<16xi32>
      %min3A_393 = arith.minsi %add3A_390, %min3A_392 : vector<16xi32>
      %mul3A_394 = arith.constant 2048 : i32
      %mul3A_395 = vector.broadcast %mul3A_394 : i32 to vector<16xi32>
      %mul3A_396 = arith.muli %min3A_377, %mul3A_395 : vector<16xi32>
      %add3A_397 = arith.constant 1 : i32
      %add3A_398 = vector.broadcast %add3A_397 : i32 to vector<16xi32>
      %add3A_399 = arith.addi %min3A_377, %add3A_398 : vector<16xi32>
      %min3A_400 = arith.constant 2047 : i32
      %min3A_401 = vector.broadcast %min3A_400 : i32 to vector<16xi32>
      %min3A_402 = arith.minsi %add3A_399, %min3A_401 : vector<16xi32>
      %mul3A_403 = arith.constant 2048 : i32
      %mul3A_404 = vector.broadcast %mul3A_403 : i32 to vector<16xi32>
      %mul3A_405 = arith.muli %min3A_402, %mul3A_404 : vector<16xi32>
      %add3A_406 = arith.addi %mul3A_396, %min3A_370 : vector<16xi32>
      %add3A_407 = arith.addi %mul3A_396, %min3A_393 : vector<16xi32>
      %add3A_408 = arith.addi %mul3A_405, %min3A_370 : vector<16xi32>
      %add3A_409 = arith.addi %mul3A_405, %min3A_393 : vector<16xi32>
      %shift_right_arithmetic3A = arith.constant 2 : i32
      %shift_right_arithmetic3A_410 = vector.broadcast %shift_right_arithmetic3A : i32 to vector<16xi32>
      %shift_right_arithmetic3A_411 = arith.shrsi %iota3A, %shift_right_arithmetic3A_410 : vector<16xi32>
      %and3A = arith.constant 3 : i32
      %and3A_412 = vector.broadcast %and3A : i32 to vector<16xi32>
      %and3A_413 = arith.andi %iota3A, %and3A_412 : vector<16xi32>
      %add3A_414 = arith.constant 0 : i32
      %add3A_415 = vector.broadcast %add3A_414 : i32 to vector<16xi32>
      %add3A_416 = arith.addi %shift_right_arithmetic3A_411, %add3A_415 : vector<16xi32>
      %broadcast_in_dim3A = vector.shape_cast %add3A_416 : vector<16xi32> to vector<16x1xi32>
      %gather3A = vector.shape_cast %broadcast_in_dim3A : vector<16x1xi32> to vector<16xi32>
      %gather3A_417 = tpu.dynamic_gather %add3A_406[%gather3A] in [0] : vector<16xi32>, vector<16xi32> -> vector<16xi32>
      %add3A_418 = arith.constant 0 : i32
      %add3A_419 = vector.broadcast %add3A_418 : i32 to vector<16xi32>
      %add3A_420 = arith.addi %shift_right_arithmetic3A_411, %add3A_419 : vector<16xi32>
      %broadcast_in_dim3A_421 = vector.shape_cast %add3A_420 : vector<16xi32> to vector<16x1xi32>
      %gather3A_422 = vector.shape_cast %broadcast_in_dim3A_421 : vector<16x1xi32> to vector<16xi32>
      %gather3A_423 = tpu.dynamic_gather %add3A_407[%gather3A_422] in [0] : vector<16xi32>, vector<16xi32> -> vector<16xi32>
      %add3A_424 = arith.constant 0 : i32
      %add3A_425 = vector.broadcast %add3A_424 : i32 to vector<16xi32>
      %add3A_426 = arith.addi %shift_right_arithmetic3A_411, %add3A_425 : vector<16xi32>
      %broadcast_in_dim3A_427 = vector.shape_cast %add3A_426 : vector<16xi32> to vector<16x1xi32>
      %gather3A_428 = vector.shape_cast %broadcast_in_dim3A_427 : vector<16x1xi32> to vector<16xi32>
      %gather3A_429 = tpu.dynamic_gather %add3A_408[%gather3A_428] in [0] : vector<16xi32>, vector<16xi32> -> vector<16xi32>
      %add3A_430 = arith.constant 0 : i32
      %add3A_431 = vector.broadcast %add3A_430 : i32 to vector<16xi32>
      %add3A_432 = arith.addi %shift_right_arithmetic3A_411, %add3A_431 : vector<16xi32>
      %broadcast_in_dim3A_433 = vector.shape_cast %add3A_432 : vector<16xi32> to vector<16x1xi32>
      %gather3A_434 = vector.shape_cast %broadcast_in_dim3A_433 : vector<16x1xi32> to vector<16xi32>
      %gather3A_435 = tpu.dynamic_gather %add3A_409[%gather3A_434] in [0] : vector<16xi32>, vector<16xi32> -> vector<16xi32>
      %eq3A = arith.constant 0 : i32
      %eq3A_436 = vector.broadcast %eq3A : i32 to vector<16xi32>
      %eq3A_437 = arith.cmpi eq, %and3A_413, %eq3A_436 : vector<16xi32>
      %eq3A_438 = arith.constant 1 : i32
      %eq3A_439 = vector.broadcast %eq3A_438 : i32 to vector<16xi32>
      %eq3A_440 = arith.cmpi eq, %and3A_413, %eq3A_439 : vector<16xi32>
      %eq3A_441 = arith.constant 2 : i32
      %eq3A_442 = vector.broadcast %eq3A_441 : i32 to vector<16xi32>
      %eq3A_443 = arith.cmpi eq, %and3A_413, %eq3A_442 : vector<16xi32>
      %select_n3A = arith.select %eq3A_443, %gather3A_429, %gather3A_435 : vector<16xi1>, vector<16xi32>
      %select_n3A_444 = arith.select %eq3A_440, %gather3A_423, %select_n3A : vector<16xi1>, vector<16xi32>
      %select_n3A_445 = arith.select %eq3A_437, %gather3A_417, %select_n3A_444 : vector<16xi1>, vector<16xi32>
      %mul3A_446 = arith.constant 4 : i32
      %mul3A_447 = arith.muli %mul3A_446, %mul3A_358 : i32
      %add3A_448 = arith.constant 0 : i32
      %add3A_449 = arith.addi %mul3A_447, %add3A_448 : i32
      %swap3A_450 = arith.index_cast %add3A_449 : i32 to index
      %swap3A_451 = tpu.vector_load %arg9[%swap3A_450] {strides = array<i32>} : memref<16384xi32, #tpu.memory_space<vmem>>, vector<16xi32>,
      %swap3A_452 = vector.shape_cast %swap3A_451 : vector<16xi32> to vector<16xi32>
      %swap3A_453 = vector.shape_cast %select_n3A_445 : vector<16xi32> to vector<16xi32>
      tpu.vector_store %arg9[%swap3A_450], %swap3A_453 {strides = array<i32>} : memref<16384xi32, #tpu.memory_space<vmem>>, vector<16xi32>,
      %add3A_454 = arith.constant 4 : i32
      %add3A_455 = vector.broadcast %add3A_454 : i32 to vector<16xi32>
      %add3A_456 = arith.addi %shift_right_arithmetic3A_411, %add3A_455 : vector<16xi32>
      %broadcast_in_dim3A_457 = vector.shape_cast %add3A_456 : vector<16xi32> to vector<16x1xi32>
      %gather3A_458 = vector.shape_cast %broadcast_in_dim3A_457 : vector<16x1xi32> to vector<16xi32>
      %gather3A_459 = tpu.dynamic_gather %add3A_406[%gather3A_458] in [0] : vector<16xi32>, vector<16xi32> -> vector<16xi32>
      %add3A_460 = arith.constant 4 : i32
      %add3A_461 = vector.broadcast %add3A_460 : i32 to vector<16xi32>
      %add3A_462 = arith.addi %shift_right_arithmetic3A_411, %add3A_461 : vector<16xi32>
      %broadcast_in_dim3A_463 = vector.shape_cast %add3A_462 : vector<16xi32> to vector<16x1xi32>
      %gather3A_464 = vector.shape_cast %broadcast_in_dim3A_463 : vector<16x1xi32> to vector<16xi32>
      %gather3A_465 = tpu.dynamic_gather %add3A_407[%gather3A_464] in [0] : vector<16xi32>, vector<16xi32> -> vector<16xi32>
      %add3A_466 = arith.constant 4 : i32
      %add3A_467 = vector.broadcast %add3A_466 : i32 to vector<16xi32>
      %add3A_468 = arith.addi %shift_right_arithmetic3A_411, %add3A_467 : vector<16xi32>
      %broadcast_in_dim3A_469 = vector.shape_cast %add3A_468 : vector<16xi32> to vector<16x1xi32>
      %gather3A_470 = vector.shape_cast %broadcast_in_dim3A_469 : vector<16x1xi32> to vector<16xi32>
      %gather3A_471 = tpu.dynamic_gather %add3A_408[%gather3A_470] in [0] : vector<16xi32>, vector<16xi32> -> vector<16xi32>
      %add3A_472 = arith.constant 4 : i32
      %add3A_473 = vector.broadcast %add3A_472 : i32 to vector<16xi32>
      %add3A_474 = arith.addi %shift_right_arithmetic3A_411, %add3A_473 : vector<16xi32>
      %broadcast_in_dim3A_475 = vector.shape_cast %add3A_474 : vector<16xi32> to vector<16x1xi32>
      %gather3A_476 = vector.shape_cast %broadcast_in_dim3A_475 : vector<16x1xi32> to vector<16xi32>
      %gather3A_477 = tpu.dynamic_gather %add3A_409[%gather3A_476] in [0] : vector<16xi32>, vector<16xi32> -> vector<16xi32>
      %eq3A_478 = arith.constant 0 : i32
      %eq3A_479 = vector.broadcast %eq3A_478 : i32 to vector<16xi32>
      %eq3A_480 = arith.cmpi eq, %and3A_413, %eq3A_479 : vector<16xi32>
      %eq3A_481 = arith.constant 1 : i32
      %eq3A_482 = vector.broadcast %eq3A_481 : i32 to vector<16xi32>
      %eq3A_483 = arith.cmpi eq, %and3A_413, %eq3A_482 : vector<16xi32>
      %eq3A_484 = arith.constant 2 : i32
      %eq3A_485 = vector.broadcast %eq3A_484 : i32 to vector<16xi32>
      %eq3A_486 = arith.cmpi eq, %and3A_413, %eq3A_485 : vector<16xi32>
      %select_n3A_487 = arith.select %eq3A_486, %gather3A_471, %gather3A_477 : vector<16xi1>, vector<16xi32>
      %select_n3A_488 = arith.select %eq3A_483, %gather3A_465, %select_n3A_487 : vector<16xi1>, vector<16xi32>
      %select_n3A_489 = arith.select %eq3A_480, %gather3A_459, %select_n3A_488 : vector<16xi1>, vector<16xi32>
      %mul3A_490 = arith.constant 4 : i32
      %mul3A_491 = arith.muli %mul3A_490, %mul3A_358 : i32
      %add3A_492 = arith.constant 16 : i32
      %add3A_493 = arith.addi %mul3A_491, %add3A_492 : i32
      %swap3A_494 = arith.index_cast %add3A_493 : i32 to index
      %swap3A_495 = tpu.vector_load %arg9[%swap3A_494] {strides = array<i32>} : memref<16384xi32, #tpu.memory_space<vmem>>, vector<16xi32>,
      %swap3A_496 = vector.shape_cast %swap3A_495 : vector<16xi32> to vector<16xi32>
      %swap3A_497 = vector.shape_cast %select_n3A_489 : vector<16xi32> to vector<16xi32>
      tpu.vector_store %arg9[%swap3A_494], %swap3A_497 {strides = array<i32>} : memref<16384xi32, #tpu.memory_space<vmem>>, vector<16xi32>,
      %add3A_498 = arith.constant 8 : i32
      %add3A_499 = vector.broadcast %add3A_498 : i32 to vector<16xi32>
      %add3A_500 = arith.addi %shift_right_arithmetic3A_411, %add3A_499 : vector<16xi32>
      %broadcast_in_dim3A_501 = vector.shape_cast %add3A_500 : vector<16xi32> to vector<16x1xi32>
      %gather3A_502 = vector.shape_cast %broadcast_in_dim3A_501 : vector<16x1xi32> to vector<16xi32>
      %gather3A_503 = tpu.dynamic_gather %add3A_406[%gather3A_502] in [0] : vector<16xi32>, vector<16xi32> -> vector<16xi32>
      %add3A_504 = arith.constant 8 : i32
      %add3A_505 = vector.broadcast %add3A_504 : i32 to vector<16xi32>
      %add3A_506 = arith.addi %shift_right_arithmetic3A_411, %add3A_505 : vector<16xi32>
      %broadcast_in_dim3A_507 = vector.shape_cast %add3A_506 : vector<16xi32> to vector<16x1xi32>
      %gather3A_508 = vector.shape_cast %broadcast_in_dim3A_507 : vector<16x1xi32> to vector<16xi32>
      %gather3A_509 = tpu.dynamic_gather %add3A_407[%gather3A_508] in [0] : vector<16xi32>, vector<16xi32> -> vector<16xi32>
      %add3A_510 = arith.constant 8 : i32
      %add3A_511 = vector.broadcast %add3A_510 : i32 to vector<16xi32>
      %add3A_512 = arith.addi %shift_right_arithmetic3A_411, %add3A_511 : vector<16xi32>
      %broadcast_in_dim3A_513 = vector.shape_cast %add3A_512 : vector<16xi32> to vector<16x1xi32>
      %gather3A_514 = vector.shape_cast %broadcast_in_dim3A_513 : vector<16x1xi32> to vector<16xi32>
      %gather3A_515 = tpu.dynamic_gather %add3A_408[%gather3A_514] in [0] : vector<16xi32>, vector<16xi32> -> vector<16xi32>
      %add3A_516 = arith.constant 8 : i32
      %add3A_517 = vector.broadcast %add3A_516 : i32 to vector<16xi32>
      %add3A_518 = arith.addi %shift_right_arithmetic3A_411, %add3A_517 : vector<16xi32>
      %broadcast_in_dim3A_519 = vector.shape_cast %add3A_518 : vector<16xi32> to vector<16x1xi32>
      %gather3A_520 = vector.shape_cast %broadcast_in_dim3A_519 : vector<16x1xi32> to vector<16xi32>
      %gather3A_521 = tpu.dynamic_gather %add3A_409[%gather3A_520] in [0] : vector<16xi32>, vector<16xi32> -> vector<16xi32>
      %eq3A_522 = arith.constant 0 : i32
      %eq3A_523 = vector.broadcast %eq3A_522 : i32 to vector<16xi32>
      %eq3A_524 = arith.cmpi eq, %and3A_413, %eq3A_523 : vector<16xi32>
      %eq3A_525 = arith.constant 1 : i32
      %eq3A_526 = vector.broadcast %eq3A_525 : i32 to vector<16xi32>
      %eq3A_527 = arith.cmpi eq, %and3A_413, %eq3A_526 : vector<16xi32>
      %eq3A_528 = arith.constant 2 : i32
      %eq3A_529 = vector.broadcast %eq3A_528 : i32 to vector<16xi32>
      %eq3A_530 = arith.cmpi eq, %and3A_413, %eq3A_529 : vector<16xi32>
      %select_n3A_531 = arith.select %eq3A_530, %gather3A_515, %gather3A_521 : vector<16xi1>, vector<16xi32>
      %select_n3A_532 = arith.select %eq3A_527, %gather3A_509, %select_n3A_531 : vector<16xi1>, vector<16xi32>
      %select_n3A_533 = arith.select %eq3A_524, %gather3A_503, %select_n3A_532 : vector<16xi1>, vector<16xi32>
      %mul3A_534 = arith.constant 4 : i32
      %mul3A_535 = arith.muli %mul3A_534, %mul3A_358 : i32
      %add3A_536 = arith.constant 32 : i32
      %add3A_537 = arith.addi %mul3A_535, %add3A_536 : i32
      %swap3A_538 = arith.index_cast %add3A_537 : i32 to index
      %swap3A_539 = tpu.vector_load %arg9[%swap3A_538] {strides = array<i32>} : memref<16384xi32, #tpu.memory_space<vmem>>, vector<16xi32>,
      %swap3A_540 = vector.shape_cast %swap3A_539 : vector<16xi32> to vector<16xi32>
      %swap3A_541 = vector.shape_cast %select_n3A_533 : vector<16xi32> to vector<16xi32>
      tpu.vector_store %arg9[%swap3A_538], %swap3A_541 {strides = array<i32>} : memref<16384xi32, #tpu.memory_space<vmem>>, vector<16xi32>,
      %add3A_542 = arith.constant 12 : i32
      %add3A_543 = vector.broadcast %add3A_542 : i32 to vector<16xi32>
      %add3A_544 = arith.addi %shift_right_arithmetic3A_411, %add3A_543 : vector<16xi32>
      %broadcast_in_dim3A_545 = vector.shape_cast %add3A_544 : vector<16xi32> to vector<16x1xi32>
      %gather3A_546 = vector.shape_cast %broadcast_in_dim3A_545 : vector<16x1xi32> to vector<16xi32>
      %gather3A_547 = tpu.dynamic_gather %add3A_406[%gather3A_546] in [0] : vector<16xi32>, vector<16xi32> -> vector<16xi32>
      %add3A_548 = arith.constant 12 : i32
      %add3A_549 = vector.broadcast %add3A_548 : i32 to vector<16xi32>
      %add3A_550 = arith.addi %shift_right_arithmetic3A_411, %add3A_549 : vector<16xi32>
      %broadcast_in_dim3A_551 = vector.shape_cast %add3A_550 : vector<16xi32> to vector<16x1xi32>
      %gather3A_552 = vector.shape_cast %broadcast_in_dim3A_551 : vector<16x1xi32> to vector<16xi32>
      %gather3A_553 = tpu.dynamic_gather %add3A_407[%gather3A_552] in [0] : vector<16xi32>, vector<16xi32> -> vector<16xi32>
      %add3A_554 = arith.constant 12 : i32
      %add3A_555 = vector.broadcast %add3A_554 : i32 to vector<16xi32>
      %add3A_556 = arith.addi %shift_right_arithmetic3A_411, %add3A_555 : vector<16xi32>
      %broadcast_in_dim3A_557 = vector.shape_cast %add3A_556 : vector<16xi32> to vector<16x1xi32>
      %gather3A_558 = vector.shape_cast %broadcast_in_dim3A_557 : vector<16x1xi32> to vector<16xi32>
      %gather3A_559 = tpu.dynamic_gather %add3A_408[%gather3A_558] in [0] : vector<16xi32>, vector<16xi32> -> vector<16xi32>
      %add3A_560 = arith.constant 12 : i32
      %add3A_561 = vector.broadcast %add3A_560 : i32 to vector<16xi32>
      %add3A_562 = arith.addi %shift_right_arithmetic3A_411, %add3A_561 : vector<16xi32>
      %broadcast_in_dim3A_563 = vector.shape_cast %add3A_562 : vector<16xi32> to vector<16x1xi32>
      %gather3A_564 = vector.shape_cast %broadcast_in_dim3A_563 : vector<16x1xi32> to vector<16xi32>
      %gather3A_565 = tpu.dynamic_gather %add3A_409[%gather3A_564] in [0] : vector<16xi32>, vector<16xi32> -> vector<16xi32>
      %eq3A_566 = arith.constant 0 : i32
      %eq3A_567 = vector.broadcast %eq3A_566 : i32 to vector<16xi32>
      %eq3A_568 = arith.cmpi eq, %and3A_413, %eq3A_567 : vector<16xi32>
      %eq3A_569 = arith.constant 1 : i32
      %eq3A_570 = vector.broadcast %eq3A_569 : i32 to vector<16xi32>
      %eq3A_571 = arith.cmpi eq, %and3A_413, %eq3A_570 : vector<16xi32>
      %eq3A_572 = arith.constant 2 : i32
      %eq3A_573 = vector.broadcast %eq3A_572 : i32 to vector<16xi32>
      %eq3A_574 = arith.cmpi eq, %and3A_413, %eq3A_573 : vector<16xi32>
      %select_n3A_575 = arith.select %eq3A_574, %gather3A_559, %gather3A_565 : vector<16xi1>, vector<16xi32>
      %select_n3A_576 = arith.select %eq3A_571, %gather3A_553, %select_n3A_575 : vector<16xi1>, vector<16xi32>
      %select_n3A_577 = arith.select %eq3A_568, %gather3A_547, %select_n3A_576 : vector<16xi1>, vector<16xi32>
      %mul3A_578 = arith.constant 4 : i32
      %mul3A_579 = arith.muli %mul3A_578, %mul3A_358 : i32
      %add3A_580 = arith.constant 48 : i32
      %add3A_581 = arith.addi %mul3A_579, %add3A_580 : i32
      %swap3A_582 = arith.index_cast %add3A_581 : i32 to index
      %swap3A_583 = tpu.vector_load %arg9[%swap3A_582] {strides = array<i32>} : memref<16384xi32, #tpu.memory_space<vmem>>, vector<16xi32>,
      %swap3A_584 = vector.shape_cast %swap3A_583 : vector<16xi32> to vector<16xi32>
      %swap3A_585 = vector.shape_cast %select_n3A_577 : vector<16xi32> to vector<16xi32>
      tpu.vector_store %arg9[%swap3A_582], %swap3A_585 {strides = array<i32>} : memref<16384xi32, #tpu.memory_space<vmem>>, vector<16xi32>,
    }
    %scan3A_199 = arith.constant 256 : i32
    %dma_wait3A_200 = arith.constant 0 : i32
    %dma_wait3A_201 = tpu.memref_slice %arg3[%dma_wait3A_200] : memref<4194304xf32, #tpu.memory_space<hbm>> -> memref<4194304xf32, #tpu.memory_space<hbm>>
    tpu.wait_indirect_dma semaphore(%arg22 : memref<!tpu.dma_semaphore, #tpu.memory_space<semaphore_mem>>) src(%dma_wait3A_201 : memref<4194304xf32, #tpu.memory_space<hbm>>) dst(%arg12 : memref<16384xf32, #tpu.memory_space<vmem>>)
    %dma_start3A_202 = arith.constant 0 : i32
    %dma_start3A_203 = tpu.memref_slice %arg3[%dma_start3A_202] : memref<4194304xf32, #tpu.memory_space<hbm>> -> memref<4194304xf32, #tpu.memory_space<hbm>>
    tpu.enqueue_indirect_dma source(%dma_start3A_203 : memref<4194304xf32, #tpu.memory_space<hbm>>) target(%arg11 : memref<16384xf32, #tpu.memory_space<vmem>>) offsets(%arg9 : memref<16384xi32, #tpu.memory_space<vmem>>) semaphore(%arg21 : memref<!tpu.dma_semaphore, #tpu.memory_space<semaphore_mem>>)
    %dma_wait3A_204 = tpu.memref_slice %arg4[%add3A_124] : memref<1048576xf32, #tpu.memory_space<hbm>> -> memref<4096xf32, #tpu.memory_space<hbm>>
    %dma_wait3A_205 = tpu.memref_slice %arg4[%add3A_124] : memref<1048576xf32, #tpu.memory_space<hbm>> -> memref<4096xf32, #tpu.memory_space<hbm>>
    tpu.wait_dma2 semaphore(%arg24 : memref<!tpu.dma_semaphore, #tpu.memory_space<semaphore_mem>>) src(%arg18 : memref<4096xf32, #tpu.memory_space<vmem>>) dst(%dma_wait3A_205 : memref<4096xf32, #tpu.memory_space<hbm>>)
    %scan3A_206 = arith.constant 0 : i32
    %scan3A_207 = arith.constant 256 : i32
    %scan3A_208 = arith.addi %scan3A_206, %scan3A_207 : i32
    %scan3A_209 = arith.constant 1 : i32
    scf.for %scan3A_352 = %scan3A_206 to %scan3A_208 step %scan3A_209  : i32 {
      %mul3A_353 = arith.constant 1 : i32
      %mul3A_354 = arith.muli %scan3A_352, %mul3A_353 : i32
      %add3A_355 = arith.constant 0 : i32
      %add3A_356 = arith.addi %add3A_355, %mul3A_354 : i32
      %mul3A_357 = arith.constant 16 : i32
      %mul3A_358 = arith.muli %add3A_356, %mul3A_357 : i32
      %mul3A_359 = arith.constant 4 : i32
      %mul3A_360 = arith.muli %mul3A_359, %mul3A_358 : i32
      %add3A_361 = arith.constant 0 : i32
      %add3A_362 = arith.addi %mul3A_360, %add3A_361 : i32
      %get3A = arith.index_cast %add3A_362 : i32 to index
      %get3A_363 = tpu.vector_load %arg12[%get3A] {strides = array<i32>} : memref<16384xf32, #tpu.memory_space<vmem>>, vector<16xf32>,
      %get3A_364 = vector.shape_cast %get3A_363 : vector<16xf32> to vector<16xf32>
      %mul3A_365 = arith.constant 4 : i32
      %mul3A_366 = arith.muli %mul3A_365, %mul3A_358 : i32
      %add3A_367 = arith.constant 16 : i32
      %add3A_368 = arith.addi %mul3A_366, %add3A_367 : i32
      %get3A_369 = arith.index_cast %add3A_368 : i32 to index
      %get3A_370 = tpu.vector_load %arg12[%get3A_369] {strides = array<i32>} : memref<16384xf32, #tpu.memory_space<vmem>>, vector<16xf32>,
      %get3A_371 = vector.shape_cast %get3A_370 : vector<16xf32> to vector<16xf32>
      %mul3A_372 = arith.constant 4 : i32
      %mul3A_373 = arith.muli %mul3A_372, %mul3A_358 : i32
      %add3A_374 = arith.constant 32 : i32
      %add3A_375 = arith.addi %mul3A_373, %add3A_374 : i32
      %get3A_376 = arith.index_cast %add3A_375 : i32 to index
      %get3A_377 = tpu.vector_load %arg12[%get3A_376] {strides = array<i32>} : memref<16384xf32, #tpu.memory_space<vmem>>, vector<16xf32>,
      %get3A_378 = vector.shape_cast %get3A_377 : vector<16xf32> to vector<16xf32>
      %mul3A_379 = arith.constant 4 : i32
      %mul3A_380 = arith.muli %mul3A_379, %mul3A_358 : i32
      %add3A_381 = arith.constant 48 : i32
      %add3A_382 = arith.addi %mul3A_380, %add3A_381 : i32
      %get3A_383 = arith.index_cast %add3A_382 : i32 to index
      %get3A_384 = tpu.vector_load %arg12[%get3A_383] {strides = array<i32>} : memref<16384xf32, #tpu.memory_space<vmem>>, vector<16xf32>,
      %get3A_385 = vector.shape_cast %get3A_384 : vector<16xf32> to vector<16xf32>
      %and3A = arith.constant 3 : i32
      %and3A_386 = vector.broadcast %and3A : i32 to vector<16xi32>
      %and3A_387 = arith.andi %iota3A, %and3A_386 : vector<16xi32>
      %mul3A_388 = arith.constant 4 : i32
      %mul3A_389 = vector.broadcast %mul3A_388 : i32 to vector<16xi32>
      %mul3A_390 = arith.muli %and3A_387, %mul3A_389 : vector<16xi32>
      %add3A_391 = arith.constant 0 : i32
      %add3A_392 = vector.broadcast %add3A_391 : i32 to vector<16xi32>
      %add3A_393 = arith.addi %mul3A_390, %add3A_392 : vector<16xi32>
      %broadcast_in_dim3A = vector.shape_cast %add3A_393 : vector<16xi32> to vector<16x1xi32>
      %gather3A = vector.shape_cast %broadcast_in_dim3A : vector<16x1xi32> to vector<16xi32>
      %gather3A_394 = tpu.dynamic_gather %get3A_364[%gather3A] in [0] : vector<16xf32>, vector<16xi32> -> vector<16xf32>
      %mul3A_395 = arith.constant 4 : i32
      %mul3A_396 = vector.broadcast %mul3A_395 : i32 to vector<16xi32>
      %mul3A_397 = arith.muli %and3A_387, %mul3A_396 : vector<16xi32>
      %add3A_398 = arith.constant 0 : i32
      %add3A_399 = vector.broadcast %add3A_398 : i32 to vector<16xi32>
      %add3A_400 = arith.addi %mul3A_397, %add3A_399 : vector<16xi32>
      %broadcast_in_dim3A_401 = vector.shape_cast %add3A_400 : vector<16xi32> to vector<16x1xi32>
      %gather3A_402 = vector.shape_cast %broadcast_in_dim3A_401 : vector<16x1xi32> to vector<16xi32>
      %gather3A_403 = tpu.dynamic_gather %get3A_371[%gather3A_402] in [0] : vector<16xf32>, vector<16xi32> -> vector<16xf32>
      %mul3A_404 = arith.constant 4 : i32
      %mul3A_405 = vector.broadcast %mul3A_404 : i32 to vector<16xi32>
      %mul3A_406 = arith.muli %and3A_387, %mul3A_405 : vector<16xi32>
      %add3A_407 = arith.constant 0 : i32
      %add3A_408 = vector.broadcast %add3A_407 : i32 to vector<16xi32>
      %add3A_409 = arith.addi %mul3A_406, %add3A_408 : vector<16xi32>
      %broadcast_in_dim3A_410 = vector.shape_cast %add3A_409 : vector<16xi32> to vector<16x1xi32>
      %gather3A_411 = vector.shape_cast %broadcast_in_dim3A_410 : vector<16x1xi32> to vector<16xi32>
      %gather3A_412 = tpu.dynamic_gather %get3A_378[%gather3A_411] in [0] : vector<16xf32>, vector<16xi32> -> vector<16xf32>
      %mul3A_413 = arith.constant 4 : i32
      %mul3A_414 = vector.broadcast %mul3A_413 : i32 to vector<16xi32>
      %mul3A_415 = arith.muli %and3A_387, %mul3A_414 : vector<16xi32>
      %add3A_416 = arith.constant 0 : i32
      %add3A_417 = vector.broadcast %add3A_416 : i32 to vector<16xi32>
      %add3A_418 = arith.addi %mul3A_415, %add3A_417 : vector<16xi32>
      %broadcast_in_dim3A_419 = vector.shape_cast %add3A_418 : vector<16xi32> to vector<16x1xi32>
      %gather3A_420 = vector.shape_cast %broadcast_in_dim3A_419 : vector<16x1xi32> to vector<16xi32>
      %gather3A_421 = tpu.dynamic_gather %get3A_385[%gather3A_420] in [0] : vector<16xf32>, vector<16xi32> -> vector<16xf32>
      %lt3A = arith.constant 4 : i32
      %lt3A_422 = vector.broadcast %lt3A : i32 to vector<16xi32>
      %lt3A_423 = arith.cmpi slt, %iota3A, %lt3A_422 : vector<16xi32>
      %lt3A_424 = arith.constant 8 : i32
      %lt3A_425 = vector.broadcast %lt3A_424 : i32 to vector<16xi32>
      %lt3A_426 = arith.cmpi slt, %iota3A, %lt3A_425 : vector<16xi32>
      %lt3A_427 = arith.constant 12 : i32
      %lt3A_428 = vector.broadcast %lt3A_427 : i32 to vector<16xi32>
      %lt3A_429 = arith.cmpi slt, %iota3A, %lt3A_428 : vector<16xi32>
      %select_n3A = arith.select %lt3A_429, %gather3A_412, %gather3A_421 : vector<16xi1>, vector<16xf32>
      %select_n3A_430 = arith.select %lt3A_426, %gather3A_403, %select_n3A : vector<16xi1>, vector<16xf32>
      %select_n3A_431 = arith.select %lt3A_423, %gather3A_394, %select_n3A_430 : vector<16xi1>, vector<16xf32>
      %mul3A_432 = arith.constant 4 : i32
      %mul3A_433 = vector.broadcast %mul3A_432 : i32 to vector<16xi32>
      %mul3A_434 = arith.muli %and3A_387, %mul3A_433 : vector<16xi32>
      %add3A_435 = arith.constant 1 : i32
      %add3A_436 = vector.broadcast %add3A_435 : i32 to vector<16xi32>
      %add3A_437 = arith.addi %mul3A_434, %add3A_436 : vector<16xi32>
      %broadcast_in_dim3A_438 = vector.shape_cast %add3A_437 : vector<16xi32> to vector<16x1xi32>
      %gather3A_439 = vector.shape_cast %broadcast_in_dim3A_438 : vector<16x1xi32> to vector<16xi32>
      %gather3A_440 = tpu.dynamic_gather %get3A_364[%gather3A_439] in [0] : vector<16xf32>, vector<16xi32> -> vector<16xf32>
      %mul3A_441 = arith.constant 4 : i32
      %mul3A_442 = vector.broadcast %mul3A_441 : i32 to vector<16xi32>
      %mul3A_443 = arith.muli %and3A_387, %mul3A_442 : vector<16xi32>
      %add3A_444 = arith.constant 1 : i32
      %add3A_445 = vector.broadcast %add3A_444 : i32 to vector<16xi32>
      %add3A_446 = arith.addi %mul3A_443, %add3A_445 : vector<16xi32>
      %broadcast_in_dim3A_447 = vector.shape_cast %add3A_446 : vector<16xi32> to vector<16x1xi32>
      %gather3A_448 = vector.shape_cast %broadcast_in_dim3A_447 : vector<16x1xi32> to vector<16xi32>
      %gather3A_449 = tpu.dynamic_gather %get3A_371[%gather3A_448] in [0] : vector<16xf32>, vector<16xi32> -> vector<16xf32>
      %mul3A_450 = arith.constant 4 : i32
      %mul3A_451 = vector.broadcast %mul3A_450 : i32 to vector<16xi32>
      %mul3A_452 = arith.muli %and3A_387, %mul3A_451 : vector<16xi32>
      %add3A_453 = arith.constant 1 : i32
      %add3A_454 = vector.broadcast %add3A_453 : i32 to vector<16xi32>
      %add3A_455 = arith.addi %mul3A_452, %add3A_454 : vector<16xi32>
      %broadcast_in_dim3A_456 = vector.shape_cast %add3A_455 : vector<16xi32> to vector<16x1xi32>
      %gather3A_457 = vector.shape_cast %broadcast_in_dim3A_456 : vector<16x1xi32> to vector<16xi32>
      %gather3A_458 = tpu.dynamic_gather %get3A_378[%gather3A_457] in [0] : vector<16xf32>, vector<16xi32> -> vector<16xf32>
      %mul3A_459 = arith.constant 4 : i32
      %mul3A_460 = vector.broadcast %mul3A_459 : i32 to vector<16xi32>
      %mul3A_461 = arith.muli %and3A_387, %mul3A_460 : vector<16xi32>
      %add3A_462 = arith.constant 1 : i32
      %add3A_463 = vector.broadcast %add3A_462 : i32 to vector<16xi32>
      %add3A_464 = arith.addi %mul3A_461, %add3A_463 : vector<16xi32>
      %broadcast_in_dim3A_465 = vector.shape_cast %add3A_464 : vector<16xi32> to vector<16x1xi32>
      %gather3A_466 = vector.shape_cast %broadcast_in_dim3A_465 : vector<16x1xi32> to vector<16xi32>
      %gather3A_467 = tpu.dynamic_gather %get3A_385[%gather3A_466] in [0] : vector<16xf32>, vector<16xi32> -> vector<16xf32>
      %lt3A_468 = arith.constant 4 : i32
      %lt3A_469 = vector.broadcast %lt3A_468 : i32 to vector<16xi32>
      %lt3A_470 = arith.cmpi slt, %iota3A, %lt3A_469 : vector<16xi32>
      %lt3A_471 = arith.constant 8 : i32
      %lt3A_472 = vector.broadcast %lt3A_471 : i32 to vector<16xi32>
      %lt3A_473 = arith.cmpi slt, %iota3A, %lt3A_472 : vector<16xi32>
      %lt3A_474 = arith.constant 12 : i32
      %lt3A_475 = vector.broadcast %lt3A_474 : i32 to vector<16xi32>
      %lt3A_476 = arith.cmpi slt, %iota3A, %lt3A_475 : vector<16xi32>
      %select_n3A_477 = arith.select %lt3A_476, %gather3A_458, %gather3A_467 : vector<16xi1>, vector<16xf32>
      %select_n3A_478 = arith.select %lt3A_473, %gather3A_449, %select_n3A_477 : vector<16xi1>, vector<16xf32>
      %select_n3A_479 = arith.select %lt3A_470, %gather3A_440, %select_n3A_478 : vector<16xi1>, vector<16xf32>
      %mul3A_480 = arith.constant 4 : i32
      %mul3A_481 = vector.broadcast %mul3A_480 : i32 to vector<16xi32>
      %mul3A_482 = arith.muli %and3A_387, %mul3A_481 : vector<16xi32>
      %add3A_483 = arith.constant 2 : i32
      %add3A_484 = vector.broadcast %add3A_483 : i32 to vector<16xi32>
      %add3A_485 = arith.addi %mul3A_482, %add3A_484 : vector<16xi32>
      %broadcast_in_dim3A_486 = vector.shape_cast %add3A_485 : vector<16xi32> to vector<16x1xi32>
      %gather3A_487 = vector.shape_cast %broadcast_in_dim3A_486 : vector<16x1xi32> to vector<16xi32>
      %gather3A_488 = tpu.dynamic_gather %get3A_364[%gather3A_487] in [0] : vector<16xf32>, vector<16xi32> -> vector<16xf32>
      %mul3A_489 = arith.constant 4 : i32
      %mul3A_490 = vector.broadcast %mul3A_489 : i32 to vector<16xi32>
      %mul3A_491 = arith.muli %and3A_387, %mul3A_490 : vector<16xi32>
      %add3A_492 = arith.constant 2 : i32
      %add3A_493 = vector.broadcast %add3A_492 : i32 to vector<16xi32>
      %add3A_494 = arith.addi %mul3A_491, %add3A_493 : vector<16xi32>
      %broadcast_in_dim3A_495 = vector.shape_cast %add3A_494 : vector<16xi32> to vector<16x1xi32>
      %gather3A_496 = vector.shape_cast %broadcast_in_dim3A_495 : vector<16x1xi32> to vector<16xi32>
      %gather3A_497 = tpu.dynamic_gather %get3A_371[%gather3A_496] in [0] : vector<16xf32>, vector<16xi32> -> vector<16xf32>
      %mul3A_498 = arith.constant 4 : i32
      %mul3A_499 = vector.broadcast %mul3A_498 : i32 to vector<16xi32>
      %mul3A_500 = arith.muli %and3A_387, %mul3A_499 : vector<16xi32>
      %add3A_501 = arith.constant 2 : i32
      %add3A_502 = vector.broadcast %add3A_501 : i32 to vector<16xi32>
      %add3A_503 = arith.addi %mul3A_500, %add3A_502 : vector<16xi32>
      %broadcast_in_dim3A_504 = vector.shape_cast %add3A_503 : vector<16xi32> to vector<16x1xi32>
      %gather3A_505 = vector.shape_cast %broadcast_in_dim3A_504 : vector<16x1xi32> to vector<16xi32>
      %gather3A_506 = tpu.dynamic_gather %get3A_378[%gather3A_505] in [0] : vector<16xf32>, vector<16xi32> -> vector<16xf32>
      %mul3A_507 = arith.constant 4 : i32
      %mul3A_508 = vector.broadcast %mul3A_507 : i32 to vector<16xi32>
      %mul3A_509 = arith.muli %and3A_387, %mul3A_508 : vector<16xi32>
      %add3A_510 = arith.constant 2 : i32
      %add3A_511 = vector.broadcast %add3A_510 : i32 to vector<16xi32>
      %add3A_512 = arith.addi %mul3A_509, %add3A_511 : vector<16xi32>
      %broadcast_in_dim3A_513 = vector.shape_cast %add3A_512 : vector<16xi32> to vector<16x1xi32>
      %gather3A_514 = vector.shape_cast %broadcast_in_dim3A_513 : vector<16x1xi32> to vector<16xi32>
      %gather3A_515 = tpu.dynamic_gather %get3A_385[%gather3A_514] in [0] : vector<16xf32>, vector<16xi32> -> vector<16xf32>
      %lt3A_516 = arith.constant 4 : i32
      %lt3A_517 = vector.broadcast %lt3A_516 : i32 to vector<16xi32>
      %lt3A_518 = arith.cmpi slt, %iota3A, %lt3A_517 : vector<16xi32>
      %lt3A_519 = arith.constant 8 : i32
      %lt3A_520 = vector.broadcast %lt3A_519 : i32 to vector<16xi32>
      %lt3A_521 = arith.cmpi slt, %iota3A, %lt3A_520 : vector<16xi32>
      %lt3A_522 = arith.constant 12 : i32
      %lt3A_523 = vector.broadcast %lt3A_522 : i32 to vector<16xi32>
      %lt3A_524 = arith.cmpi slt, %iota3A, %lt3A_523 : vector<16xi32>
      %select_n3A_525 = arith.select %lt3A_524, %gather3A_506, %gather3A_515 : vector<16xi1>, vector<16xf32>
      %select_n3A_526 = arith.select %lt3A_521, %gather3A_497, %select_n3A_525 : vector<16xi1>, vector<16xf32>
      %select_n3A_527 = arith.select %lt3A_518, %gather3A_488, %select_n3A_526 : vector<16xi1>, vector<16xf32>
      %mul3A_528 = arith.constant 4 : i32
      %mul3A_529 = vector.broadcast %mul3A_528 : i32 to vector<16xi32>
      %mul3A_530 = arith.muli %and3A_387, %mul3A_529 : vector<16xi32>
      %add3A_531 = arith.constant 3 : i32
      %add3A_532 = vector.broadcast %add3A_531 : i32 to vector<16xi32>
      %add3A_533 = arith.addi %mul3A_530, %add3A_532 : vector<16xi32>
      %broadcast_in_dim3A_534 = vector.shape_cast %add3A_533 : vector<16xi32> to vector<16x1xi32>
      %gather3A_535 = vector.shape_cast %broadcast_in_dim3A_534 : vector<16x1xi32> to vector<16xi32>
      %gather3A_536 = tpu.dynamic_gather %get3A_364[%gather3A_535] in [0] : vector<16xf32>, vector<16xi32> -> vector<16xf32>
      %mul3A_537 = arith.constant 4 : i32
      %mul3A_538 = vector.broadcast %mul3A_537 : i32 to vector<16xi32>
      %mul3A_539 = arith.muli %and3A_387, %mul3A_538 : vector<16xi32>
      %add3A_540 = arith.constant 3 : i32
      %add3A_541 = vector.broadcast %add3A_540 : i32 to vector<16xi32>
      %add3A_542 = arith.addi %mul3A_539, %add3A_541 : vector<16xi32>
      %broadcast_in_dim3A_543 = vector.shape_cast %add3A_542 : vector<16xi32> to vector<16x1xi32>
      %gather3A_544 = vector.shape_cast %broadcast_in_dim3A_543 : vector<16x1xi32> to vector<16xi32>
      %gather3A_545 = tpu.dynamic_gather %get3A_371[%gather3A_544] in [0] : vector<16xf32>, vector<16xi32> -> vector<16xf32>
      %mul3A_546 = arith.constant 4 : i32
      %mul3A_547 = vector.broadcast %mul3A_546 : i32 to vector<16xi32>
      %mul3A_548 = arith.muli %and3A_387, %mul3A_547 : vector<16xi32>
      %add3A_549 = arith.constant 3 : i32
      %add3A_550 = vector.broadcast %add3A_549 : i32 to vector<16xi32>
      %add3A_551 = arith.addi %mul3A_548, %add3A_550 : vector<16xi32>
      %broadcast_in_dim3A_552 = vector.shape_cast %add3A_551 : vector<16xi32> to vector<16x1xi32>
      %gather3A_553 = vector.shape_cast %broadcast_in_dim3A_552 : vector<16x1xi32> to vector<16xi32>
      %gather3A_554 = tpu.dynamic_gather %get3A_378[%gather3A_553] in [0] : vector<16xf32>, vector<16xi32> -> vector<16xf32>
      %mul3A_555 = arith.constant 4 : i32
      %mul3A_556 = vector.broadcast %mul3A_555 : i32 to vector<16xi32>
      %mul3A_557 = arith.muli %and3A_387, %mul3A_556 : vector<16xi32>
      %add3A_558 = arith.constant 3 : i32
      %add3A_559 = vector.broadcast %add3A_558 : i32 to vector<16xi32>
      %add3A_560 = arith.addi %mul3A_557, %add3A_559 : vector<16xi32>
      %broadcast_in_dim3A_561 = vector.shape_cast %add3A_560 : vector<16xi32> to vector<16x1xi32>
      %gather3A_562 = vector.shape_cast %broadcast_in_dim3A_561 : vector<16x1xi32> to vector<16xi32>
      %gather3A_563 = tpu.dynamic_gather %get3A_385[%gather3A_562] in [0] : vector<16xf32>, vector<16xi32> -> vector<16xf32>
      %lt3A_564 = arith.constant 4 : i32
      %lt3A_565 = vector.broadcast %lt3A_564 : i32 to vector<16xi32>
      %lt3A_566 = arith.cmpi slt, %iota3A, %lt3A_565 : vector<16xi32>
      %lt3A_567 = arith.constant 8 : i32
      %lt3A_568 = vector.broadcast %lt3A_567 : i32 to vector<16xi32>
      %lt3A_569 = arith.cmpi slt, %iota3A, %lt3A_568 : vector<16xi32>
      %lt3A_570 = arith.constant 12 : i32
      %lt3A_571 = vector.broadcast %lt3A_570 : i32 to vector<16xi32>
      %lt3A_572 = arith.cmpi slt, %iota3A, %lt3A_571 : vector<16xi32>
      %select_n3A_573 = arith.select %lt3A_572, %gather3A_554, %gather3A_563 : vector<16xi1>, vector<16xf32>
      %select_n3A_574 = arith.select %lt3A_569, %gather3A_545, %select_n3A_573 : vector<16xi1>, vector<16xf32>
      %select_n3A_575 = arith.select %lt3A_566, %gather3A_536, %select_n3A_574 : vector<16xi1>, vector<16xf32>
      %get3A_576 = arith.index_cast %mul3A_358 : i32 to index
      %get3A_577 = tpu.vector_load %arg14[%get3A_576] {strides = array<i32>} : memref<4096xf32, #tpu.memory_space<vmem>>, vector<16xf32>,
      %get3A_578 = vector.shape_cast %get3A_577 : vector<16xf32> to vector<16xf32>
      %get3A_579 = arith.index_cast %mul3A_358 : i32 to index
      %get3A_580 = tpu.vector_load %arg16[%get3A_579] {strides = array<i32>} : memref<4096xf32, #tpu.memory_space<vmem>>, vector<16xf32>,
      %get3A_581 = vector.shape_cast %get3A_580 : vector<16xf32> to vector<16xf32>
      %sub3A = arith.subf %select_n3A_479, %select_n3A_431 : vector<16xf32>
      %mul3A_582 = arith.mulf %get3A_578, %sub3A : vector<16xf32>
      %add3A_583 = arith.addf %select_n3A_431, %mul3A_582 : vector<16xf32>
      %sub3A_584 = arith.subf %select_n3A_575, %select_n3A_527 : vector<16xf32>
      %mul3A_585 = arith.mulf %get3A_578, %sub3A_584 : vector<16xf32>
      %add3A_586 = arith.addf %select_n3A_527, %mul3A_585 : vector<16xf32>
      %sub3A_587 = arith.subf %add3A_586, %add3A_583 : vector<16xf32>
      %mul3A_588 = arith.mulf %get3A_581, %sub3A_587 : vector<16xf32>
      %add3A_589 = arith.addf %add3A_583, %mul3A_588 : vector<16xf32>
      %swap3A = arith.index_cast %mul3A_358 : i32 to index
      %swap3A_590 = tpu.vector_load %arg18[%swap3A] {strides = array<i32>} : memref<4096xf32, #tpu.memory_space<vmem>>, vector<16xf32>,
      %swap3A_591 = vector.shape_cast %swap3A_590 : vector<16xf32> to vector<16xf32>
      %swap3A_592 = vector.shape_cast %add3A_589 : vector<16xf32> to vector<16xf32>
      tpu.vector_store %arg18[%swap3A], %swap3A_592 {strides = array<i32>} : memref<4096xf32, #tpu.memory_space<vmem>>, vector<16xf32>,
    }
    %scan3A_210 = arith.constant 256 : i32
    %add3A_211 = arith.constant 12288 : i32
    %add3A_212 = arith.addi %mul3A_2, %add3A_211 : i32
    %dma_start3A_213 = tpu.memref_slice %arg4[%add3A_212] : memref<1048576xf32, #tpu.memory_space<hbm>> -> memref<4096xf32, #tpu.memory_space<hbm>>
    %dma_start3A_214 = tpu.memref_slice %arg4[%add3A_212] : memref<1048576xf32, #tpu.memory_space<hbm>> -> memref<4096xf32, #tpu.memory_space<hbm>>
    tpu.enqueue_dma source(%arg18 : memref<4096xf32, #tpu.memory_space<vmem>>) target(%dma_start3A_214 : memref<4096xf32, #tpu.memory_space<hbm>>) target_semaphore(%arg24 : memref<!tpu.dma_semaphore, #tpu.memory_space<semaphore_mem>>)
    %dma_wait3A_215 = arith.constant 0 : i32
    %dma_wait3A_216 = tpu.memref_slice %arg2[%dma_wait3A_215, %add3A_182] : memref<2x1048576xf32, #tpu.memory_space<hbm>> -> memref<1x4096xf32, #tpu.memory_space<hbm>>
    %dma_wait3A_217 = tpu.memref_squeeze %dma_wait3A_216 : memref<1x4096xf32, #tpu.memory_space<hbm>> -> memref<4096xf32, #tpu.memory_space<hbm>>
    %dma_wait3A_218 = tpu.memref_slice %arg2[%dma_wait3A_215, %add3A_182] : memref<2x1048576xf32, #tpu.memory_space<hbm>> -> memref<1x4096xf32, #tpu.memory_space<hbm>>
    %dma_wait3A_219 = tpu.memref_squeeze %dma_wait3A_218 : memref<1x4096xf32, #tpu.memory_space<hbm>> -> memref<4096xf32, #tpu.memory_space<hbm>>
    tpu.wait_dma2 semaphore(%arg20 : memref<!tpu.dma_semaphore, #tpu.memory_space<semaphore_mem>>) src(%dma_wait3A_219 : memref<4096xf32, #tpu.memory_space<hbm>>) dst(%arg7 : memref<4096xf32, #tpu.memory_space<vmem>>)
    %dma_wait3A_220 = arith.constant 1 : i32
    %dma_wait3A_221 = tpu.memref_slice %arg2[%dma_wait3A_220, %add3A_182] : memref<2x1048576xf32, #tpu.memory_space<hbm>> -> memref<1x4096xf32, #tpu.memory_space<hbm>>
    %dma_wait3A_222 = tpu.memref_squeeze %dma_wait3A_221 : memref<1x4096xf32, #tpu.memory_space<hbm>> -> memref<4096xf32, #tpu.memory_space<hbm>>
    %dma_wait3A_223 = tpu.memref_slice %arg2[%dma_wait3A_220, %add3A_182] : memref<2x1048576xf32, #tpu.memory_space<hbm>> -> memref<1x4096xf32, #tpu.memory_space<hbm>>
    %dma_wait3A_224 = tpu.memref_squeeze %dma_wait3A_223 : memref<1x4096xf32, #tpu.memory_space<hbm>> -> memref<4096xf32, #tpu.memory_space<hbm>>
    tpu.wait_dma2 semaphore(%arg20 : memref<!tpu.dma_semaphore, #tpu.memory_space<semaphore_mem>>) src(%dma_wait3A_224 : memref<4096xf32, #tpu.memory_space<hbm>>) dst(%arg8 : memref<4096xf32, #tpu.memory_space<vmem>>)
    %add3A_225 = arith.constant 24576 : i32
    %add3A_226 = arith.addi %mul3A_2, %add3A_225 : i32
    %dma_start3A_227 = arith.constant 0 : i32
    %dma_start3A_228 = tpu.memref_slice %arg2[%dma_start3A_227, %add3A_226] : memref<2x1048576xf32, #tpu.memory_space<hbm>> -> memref<1x4096xf32, #tpu.memory_space<hbm>>
    %dma_start3A_229 = tpu.memref_squeeze %dma_start3A_228 : memref<1x4096xf32, #tpu.memory_space<hbm>> -> memref<4096xf32, #tpu.memory_space<hbm>>
    %dma_start3A_230 = tpu.memref_slice %arg2[%dma_start3A_227, %add3A_226] : memref<2x1048576xf32, #tpu.memory_space<hbm>> -> memref<1x4096xf32, #tpu.memory_space<hbm>>
    %dma_start3A_231 = tpu.memref_squeeze %dma_start3A_230 : memref<1x4096xf32, #tpu.memory_space<hbm>> -> memref<4096xf32, #tpu.memory_space<hbm>>
    tpu.enqueue_dma source(%dma_start3A_231 : memref<4096xf32, #tpu.memory_space<hbm>>) target(%arg5 : memref<4096xf32, #tpu.memory_space<vmem>>) target_semaphore(%arg19 : memref<!tpu.dma_semaphore, #tpu.memory_space<semaphore_mem>>)
    %dma_start3A_232 = arith.constant 1 : i32
    %dma_start3A_233 = tpu.memref_slice %arg2[%dma_start3A_232, %add3A_226] : memref<2x1048576xf32, #tpu.memory_space<hbm>> -> memref<1x4096xf32, #tpu.memory_space<hbm>>
    %dma_start3A_234 = tpu.memref_squeeze %dma_start3A_233 : memref<1x4096xf32, #tpu.memory_space<hbm>> -> memref<4096xf32, #tpu.memory_space<hbm>>
    %dma_start3A_235 = tpu.memref_slice %arg2[%dma_start3A_232, %add3A_226] : memref<2x1048576xf32, #tpu.memory_space<hbm>> -> memref<1x4096xf32, #tpu.memory_space<hbm>>
    %dma_start3A_236 = tpu.memref_squeeze %dma_start3A_235 : memref<1x4096xf32, #tpu.memory_space<hbm>> -> memref<4096xf32, #tpu.memory_space<hbm>>
    tpu.enqueue_dma source(%dma_start3A_236 : memref<4096xf32, #tpu.memory_space<hbm>>) target(%arg6 : memref<4096xf32, #tpu.memory_space<vmem>>) target_semaphore(%arg19 : memref<!tpu.dma_semaphore, #tpu.memory_space<semaphore_mem>>)
    %scan3A_237 = arith.constant 2.047000e+03 : f32
    %scan3A_238 = arith.constant 2.047000e+03 : f32
    %scan3A_239 = arith.constant 0 : i32
    %scan3A_240 = arith.constant 256 : i32
    %scan3A_241 = arith.addi %scan3A_239, %scan3A_240 : i32
    %scan3A_242 = arith.constant 1 : i32
    scf.for %scan3A_352 = %scan3A_239 to %scan3A_241 step %scan3A_242  : i32 {
      %mul3A_353 = arith.constant 1 : i32
      %mul3A_354 = arith.muli %scan3A_352, %mul3A_353 : i32
      %add3A_355 = arith.constant 0 : i32
      %add3A_356 = arith.addi %add3A_355, %mul3A_354 : i32
      %mul3A_357 = arith.constant 16 : i32
      %mul3A_358 = arith.muli %add3A_356, %mul3A_357 : i32
      %get3A = arith.index_cast %mul3A_358 : i32 to index
      %get3A_359 = tpu.vector_load %arg7[%get3A] {strides = array<i32>} : memref<4096xf32, #tpu.memory_space<vmem>>, vector<16xf32>,
      %get3A_360 = vector.shape_cast %get3A_359 : vector<16xf32> to vector<16xf32>
      %mul3A_361 = vector.broadcast %scan3A_237 : f32 to vector<16xf32>
      %mul3A_362 = arith.mulf %get3A_360, %mul3A_361 : vector<16xf32>
      %get3A_363 = arith.index_cast %mul3A_358 : i32 to index
      %get3A_364 = tpu.vector_load %arg8[%get3A_363] {strides = array<i32>} : memref<4096xf32, #tpu.memory_space<vmem>>, vector<16xf32>,
      %get3A_365 = vector.shape_cast %get3A_364 : vector<16xf32> to vector<16xf32>
      %mul3A_366 = vector.broadcast %scan3A_238 : f32 to vector<16xf32>
      %mul3A_367 = arith.mulf %get3A_365, %mul3A_366 : vector<16xf32>
      %convert_element_type3A = arith.fptosi %mul3A_362 : vector<16xf32> to vector<16xi32>
      %jit3A = arith.constant 0 : i32
      %jit3A_368 = arith.constant 2047 : i32
      %max3A = vector.broadcast %jit3A : i32 to vector<16xi32>
      %max3A_369 = arith.maxsi %max3A, %convert_element_type3A : vector<16xi32>
      %min3A = vector.broadcast %jit3A_368 : i32 to vector<16xi32>
      %min3A_370 = arith.minsi %min3A, %max3A_369 : vector<16xi32>
      %convert_element_type3A_371 = arith.fptosi %mul3A_367 : vector<16xf32> to vector<16xi32>
      %jit3A_372 = arith.constant 0 : i32
      %jit3A_373 = arith.constant 2047 : i32
      %max3A_374 = vector.broadcast %jit3A_372 : i32 to vector<16xi32>
      %max3A_375 = arith.maxsi %max3A_374, %convert_element_type3A_371 : vector<16xi32>
      %min3A_376 = vector.broadcast %jit3A_373 : i32 to vector<16xi32>
      %min3A_377 = arith.minsi %min3A_376, %max3A_375 : vector<16xi32>
      %convert_element_type3A_378 = arith.sitofp %min3A_370 : vector<16xi32> to vector<16xf32>
      %sub3A = arith.subf %mul3A_362, %convert_element_type3A_378 : vector<16xf32>
      %swap3A = arith.index_cast %mul3A_358 : i32 to index
      %swap3A_379 = tpu.vector_load %arg14[%swap3A] {strides = array<i32>} : memref<4096xf32, #tpu.memory_space<vmem>>, vector<16xf32>,
      %swap3A_380 = vector.shape_cast %swap3A_379 : vector<16xf32> to vector<16xf32>
      %swap3A_381 = vector.shape_cast %sub3A : vector<16xf32> to vector<16xf32>
      tpu.vector_store %arg14[%swap3A], %swap3A_381 {strides = array<i32>} : memref<4096xf32, #tpu.memory_space<vmem>>, vector<16xf32>,
      %convert_element_type3A_382 = arith.sitofp %min3A_377 : vector<16xi32> to vector<16xf32>
      %sub3A_383 = arith.subf %mul3A_367, %convert_element_type3A_382 : vector<16xf32>
      %swap3A_384 = arith.index_cast %mul3A_358 : i32 to index
      %swap3A_385 = tpu.vector_load %arg16[%swap3A_384] {strides = array<i32>} : memref<4096xf32, #tpu.memory_space<vmem>>, vector<16xf32>,
      %swap3A_386 = vector.shape_cast %swap3A_385 : vector<16xf32> to vector<16xf32>
      %swap3A_387 = vector.shape_cast %sub3A_383 : vector<16xf32> to vector<16xf32>
      tpu.vector_store %arg16[%swap3A_384], %swap3A_387 {strides = array<i32>} : memref<4096xf32, #tpu.memory_space<vmem>>, vector<16xf32>,
      %add3A_388 = arith.constant 1 : i32
      %add3A_389 = vector.broadcast %add3A_388 : i32 to vector<16xi32>
      %add3A_390 = arith.addi %min3A_370, %add3A_389 : vector<16xi32>
      %min3A_391 = arith.constant 2047 : i32
      %min3A_392 = vector.broadcast %min3A_391 : i32 to vector<16xi32>
      %min3A_393 = arith.minsi %add3A_390, %min3A_392 : vector<16xi32>
      %mul3A_394 = arith.constant 2048 : i32
      %mul3A_395 = vector.broadcast %mul3A_394 : i32 to vector<16xi32>
      %mul3A_396 = arith.muli %min3A_377, %mul3A_395 : vector<16xi32>
      %add3A_397 = arith.constant 1 : i32
      %add3A_398 = vector.broadcast %add3A_397 : i32 to vector<16xi32>
      %add3A_399 = arith.addi %min3A_377, %add3A_398 : vector<16xi32>
      %min3A_400 = arith.constant 2047 : i32
      %min3A_401 = vector.broadcast %min3A_400 : i32 to vector<16xi32>
      %min3A_402 = arith.minsi %add3A_399, %min3A_401 : vector<16xi32>
      %mul3A_403 = arith.constant 2048 : i32
      %mul3A_404 = vector.broadcast %mul3A_403 : i32 to vector<16xi32>
      %mul3A_405 = arith.muli %min3A_402, %mul3A_404 : vector<16xi32>
      %add3A_406 = arith.addi %mul3A_396, %min3A_370 : vector<16xi32>
      %add3A_407 = arith.addi %mul3A_396, %min3A_393 : vector<16xi32>
      %add3A_408 = arith.addi %mul3A_405, %min3A_370 : vector<16xi32>
      %add3A_409 = arith.addi %mul3A_405, %min3A_393 : vector<16xi32>
      %shift_right_arithmetic3A = arith.constant 2 : i32
      %shift_right_arithmetic3A_410 = vector.broadcast %shift_right_arithmetic3A : i32 to vector<16xi32>
      %shift_right_arithmetic3A_411 = arith.shrsi %iota3A, %shift_right_arithmetic3A_410 : vector<16xi32>
      %and3A = arith.constant 3 : i32
      %and3A_412 = vector.broadcast %and3A : i32 to vector<16xi32>
      %and3A_413 = arith.andi %iota3A, %and3A_412 : vector<16xi32>
      %add3A_414 = arith.constant 0 : i32
      %add3A_415 = vector.broadcast %add3A_414 : i32 to vector<16xi32>
      %add3A_416 = arith.addi %shift_right_arithmetic3A_411, %add3A_415 : vector<16xi32>
      %broadcast_in_dim3A = vector.shape_cast %add3A_416 : vector<16xi32> to vector<16x1xi32>
      %gather3A = vector.shape_cast %broadcast_in_dim3A : vector<16x1xi32> to vector<16xi32>
      %gather3A_417 = tpu.dynamic_gather %add3A_406[%gather3A] in [0] : vector<16xi32>, vector<16xi32> -> vector<16xi32>
      %add3A_418 = arith.constant 0 : i32
      %add3A_419 = vector.broadcast %add3A_418 : i32 to vector<16xi32>
      %add3A_420 = arith.addi %shift_right_arithmetic3A_411, %add3A_419 : vector<16xi32>
      %broadcast_in_dim3A_421 = vector.shape_cast %add3A_420 : vector<16xi32> to vector<16x1xi32>
      %gather3A_422 = vector.shape_cast %broadcast_in_dim3A_421 : vector<16x1xi32> to vector<16xi32>
      %gather3A_423 = tpu.dynamic_gather %add3A_407[%gather3A_422] in [0] : vector<16xi32>, vector<16xi32> -> vector<16xi32>
      %add3A_424 = arith.constant 0 : i32
      %add3A_425 = vector.broadcast %add3A_424 : i32 to vector<16xi32>
      %add3A_426 = arith.addi %shift_right_arithmetic3A_411, %add3A_425 : vector<16xi32>
      %broadcast_in_dim3A_427 = vector.shape_cast %add3A_426 : vector<16xi32> to vector<16x1xi32>
      %gather3A_428 = vector.shape_cast %broadcast_in_dim3A_427 : vector<16x1xi32> to vector<16xi32>
      %gather3A_429 = tpu.dynamic_gather %add3A_408[%gather3A_428] in [0] : vector<16xi32>, vector<16xi32> -> vector<16xi32>
      %add3A_430 = arith.constant 0 : i32
      %add3A_431 = vector.broadcast %add3A_430 : i32 to vector<16xi32>
      %add3A_432 = arith.addi %shift_right_arithmetic3A_411, %add3A_431 : vector<16xi32>
      %broadcast_in_dim3A_433 = vector.shape_cast %add3A_432 : vector<16xi32> to vector<16x1xi32>
      %gather3A_434 = vector.shape_cast %broadcast_in_dim3A_433 : vector<16x1xi32> to vector<16xi32>
      %gather3A_435 = tpu.dynamic_gather %add3A_409[%gather3A_434] in [0] : vector<16xi32>, vector<16xi32> -> vector<16xi32>
      %eq3A = arith.constant 0 : i32
      %eq3A_436 = vector.broadcast %eq3A : i32 to vector<16xi32>
      %eq3A_437 = arith.cmpi eq, %and3A_413, %eq3A_436 : vector<16xi32>
      %eq3A_438 = arith.constant 1 : i32
      %eq3A_439 = vector.broadcast %eq3A_438 : i32 to vector<16xi32>
      %eq3A_440 = arith.cmpi eq, %and3A_413, %eq3A_439 : vector<16xi32>
      %eq3A_441 = arith.constant 2 : i32
      %eq3A_442 = vector.broadcast %eq3A_441 : i32 to vector<16xi32>
      %eq3A_443 = arith.cmpi eq, %and3A_413, %eq3A_442 : vector<16xi32>
      %select_n3A = arith.select %eq3A_443, %gather3A_429, %gather3A_435 : vector<16xi1>, vector<16xi32>
      %select_n3A_444 = arith.select %eq3A_440, %gather3A_423, %select_n3A : vector<16xi1>, vector<16xi32>
      %select_n3A_445 = arith.select %eq3A_437, %gather3A_417, %select_n3A_444 : vector<16xi1>, vector<16xi32>
      %mul3A_446 = arith.constant 4 : i32
      %mul3A_447 = arith.muli %mul3A_446, %mul3A_358 : i32
      %add3A_448 = arith.constant 0 : i32
      %add3A_449 = arith.addi %mul3A_447, %add3A_448 : i32
      %swap3A_450 = arith.index_cast %add3A_449 : i32 to index
      %swap3A_451 = tpu.vector_load %arg10[%swap3A_450] {strides = array<i32>} : memref<16384xi32, #tpu.memory_space<vmem>>, vector<16xi32>,
      %swap3A_452 = vector.shape_cast %swap3A_451 : vector<16xi32> to vector<16xi32>
      %swap3A_453 = vector.shape_cast %select_n3A_445 : vector<16xi32> to vector<16xi32>
      tpu.vector_store %arg10[%swap3A_450], %swap3A_453 {strides = array<i32>} : memref<16384xi32, #tpu.memory_space<vmem>>, vector<16xi32>,
      %add3A_454 = arith.constant 4 : i32
      %add3A_455 = vector.broadcast %add3A_454 : i32 to vector<16xi32>
      %add3A_456 = arith.addi %shift_right_arithmetic3A_411, %add3A_455 : vector<16xi32>
      %broadcast_in_dim3A_457 = vector.shape_cast %add3A_456 : vector<16xi32> to vector<16x1xi32>
      %gather3A_458 = vector.shape_cast %broadcast_in_dim3A_457 : vector<16x1xi32> to vector<16xi32>
      %gather3A_459 = tpu.dynamic_gather %add3A_406[%gather3A_458] in [0] : vector<16xi32>, vector<16xi32> -> vector<16xi32>
      %add3A_460 = arith.constant 4 : i32
      %add3A_461 = vector.broadcast %add3A_460 : i32 to vector<16xi32>
      %add3A_462 = arith.addi %shift_right_arithmetic3A_411, %add3A_461 : vector<16xi32>
      %broadcast_in_dim3A_463 = vector.shape_cast %add3A_462 : vector<16xi32> to vector<16x1xi32>
      %gather3A_464 = vector.shape_cast %broadcast_in_dim3A_463 : vector<16x1xi32> to vector<16xi32>
      %gather3A_465 = tpu.dynamic_gather %add3A_407[%gather3A_464] in [0] : vector<16xi32>, vector<16xi32> -> vector<16xi32>
      %add3A_466 = arith.constant 4 : i32
      %add3A_467 = vector.broadcast %add3A_466 : i32 to vector<16xi32>
      %add3A_468 = arith.addi %shift_right_arithmetic3A_411, %add3A_467 : vector<16xi32>
      %broadcast_in_dim3A_469 = vector.shape_cast %add3A_468 : vector<16xi32> to vector<16x1xi32>
      %gather3A_470 = vector.shape_cast %broadcast_in_dim3A_469 : vector<16x1xi32> to vector<16xi32>
      %gather3A_471 = tpu.dynamic_gather %add3A_408[%gather3A_470] in [0] : vector<16xi32>, vector<16xi32> -> vector<16xi32>
      %add3A_472 = arith.constant 4 : i32
      %add3A_473 = vector.broadcast %add3A_472 : i32 to vector<16xi32>
      %add3A_474 = arith.addi %shift_right_arithmetic3A_411, %add3A_473 : vector<16xi32>
      %broadcast_in_dim3A_475 = vector.shape_cast %add3A_474 : vector<16xi32> to vector<16x1xi32>
      %gather3A_476 = vector.shape_cast %broadcast_in_dim3A_475 : vector<16x1xi32> to vector<16xi32>
      %gather3A_477 = tpu.dynamic_gather %add3A_409[%gather3A_476] in [0] : vector<16xi32>, vector<16xi32> -> vector<16xi32>
      %eq3A_478 = arith.constant 0 : i32
      %eq3A_479 = vector.broadcast %eq3A_478 : i32 to vector<16xi32>
      %eq3A_480 = arith.cmpi eq, %and3A_413, %eq3A_479 : vector<16xi32>
      %eq3A_481 = arith.constant 1 : i32
      %eq3A_482 = vector.broadcast %eq3A_481 : i32 to vector<16xi32>
      %eq3A_483 = arith.cmpi eq, %and3A_413, %eq3A_482 : vector<16xi32>
      %eq3A_484 = arith.constant 2 : i32
      %eq3A_485 = vector.broadcast %eq3A_484 : i32 to vector<16xi32>
      %eq3A_486 = arith.cmpi eq, %and3A_413, %eq3A_485 : vector<16xi32>
      %select_n3A_487 = arith.select %eq3A_486, %gather3A_471, %gather3A_477 : vector<16xi1>, vector<16xi32>
      %select_n3A_488 = arith.select %eq3A_483, %gather3A_465, %select_n3A_487 : vector<16xi1>, vector<16xi32>
      %select_n3A_489 = arith.select %eq3A_480, %gather3A_459, %select_n3A_488 : vector<16xi1>, vector<16xi32>
      %mul3A_490 = arith.constant 4 : i32
      %mul3A_491 = arith.muli %mul3A_490, %mul3A_358 : i32
      %add3A_492 = arith.constant 16 : i32
      %add3A_493 = arith.addi %mul3A_491, %add3A_492 : i32
      %swap3A_494 = arith.index_cast %add3A_493 : i32 to index
      %swap3A_495 = tpu.vector_load %arg10[%swap3A_494] {strides = array<i32>} : memref<16384xi32, #tpu.memory_space<vmem>>, vector<16xi32>,
      %swap3A_496 = vector.shape_cast %swap3A_495 : vector<16xi32> to vector<16xi32>
      %swap3A_497 = vector.shape_cast %select_n3A_489 : vector<16xi32> to vector<16xi32>
      tpu.vector_store %arg10[%swap3A_494], %swap3A_497 {strides = array<i32>} : memref<16384xi32, #tpu.memory_space<vmem>>, vector<16xi32>,
      %add3A_498 = arith.constant 8 : i32
      %add3A_499 = vector.broadcast %add3A_498 : i32 to vector<16xi32>
      %add3A_500 = arith.addi %shift_right_arithmetic3A_411, %add3A_499 : vector<16xi32>
      %broadcast_in_dim3A_501 = vector.shape_cast %add3A_500 : vector<16xi32> to vector<16x1xi32>
      %gather3A_502 = vector.shape_cast %broadcast_in_dim3A_501 : vector<16x1xi32> to vector<16xi32>
      %gather3A_503 = tpu.dynamic_gather %add3A_406[%gather3A_502] in [0] : vector<16xi32>, vector<16xi32> -> vector<16xi32>
      %add3A_504 = arith.constant 8 : i32
      %add3A_505 = vector.broadcast %add3A_504 : i32 to vector<16xi32>
      %add3A_506 = arith.addi %shift_right_arithmetic3A_411, %add3A_505 : vector<16xi32>
      %broadcast_in_dim3A_507 = vector.shape_cast %add3A_506 : vector<16xi32> to vector<16x1xi32>
      %gather3A_508 = vector.shape_cast %broadcast_in_dim3A_507 : vector<16x1xi32> to vector<16xi32>
      %gather3A_509 = tpu.dynamic_gather %add3A_407[%gather3A_508] in [0] : vector<16xi32>, vector<16xi32> -> vector<16xi32>
      %add3A_510 = arith.constant 8 : i32
      %add3A_511 = vector.broadcast %add3A_510 : i32 to vector<16xi32>
      %add3A_512 = arith.addi %shift_right_arithmetic3A_411, %add3A_511 : vector<16xi32>
      %broadcast_in_dim3A_513 = vector.shape_cast %add3A_512 : vector<16xi32> to vector<16x1xi32>
      %gather3A_514 = vector.shape_cast %broadcast_in_dim3A_513 : vector<16x1xi32> to vector<16xi32>
      %gather3A_515 = tpu.dynamic_gather %add3A_408[%gather3A_514] in [0] : vector<16xi32>, vector<16xi32> -> vector<16xi32>
      %add3A_516 = arith.constant 8 : i32
      %add3A_517 = vector.broadcast %add3A_516 : i32 to vector<16xi32>
      %add3A_518 = arith.addi %shift_right_arithmetic3A_411, %add3A_517 : vector<16xi32>
      %broadcast_in_dim3A_519 = vector.shape_cast %add3A_518 : vector<16xi32> to vector<16x1xi32>
      %gather3A_520 = vector.shape_cast %broadcast_in_dim3A_519 : vector<16x1xi32> to vector<16xi32>
      %gather3A_521 = tpu.dynamic_gather %add3A_409[%gather3A_520] in [0] : vector<16xi32>, vector<16xi32> -> vector<16xi32>
      %eq3A_522 = arith.constant 0 : i32
      %eq3A_523 = vector.broadcast %eq3A_522 : i32 to vector<16xi32>
      %eq3A_524 = arith.cmpi eq, %and3A_413, %eq3A_523 : vector<16xi32>
      %eq3A_525 = arith.constant 1 : i32
      %eq3A_526 = vector.broadcast %eq3A_525 : i32 to vector<16xi32>
      %eq3A_527 = arith.cmpi eq, %and3A_413, %eq3A_526 : vector<16xi32>
      %eq3A_528 = arith.constant 2 : i32
      %eq3A_529 = vector.broadcast %eq3A_528 : i32 to vector<16xi32>
      %eq3A_530 = arith.cmpi eq, %and3A_413, %eq3A_529 : vector<16xi32>
      %select_n3A_531 = arith.select %eq3A_530, %gather3A_515, %gather3A_521 : vector<16xi1>, vector<16xi32>
      %select_n3A_532 = arith.select %eq3A_527, %gather3A_509, %select_n3A_531 : vector<16xi1>, vector<16xi32>
      %select_n3A_533 = arith.select %eq3A_524, %gather3A_503, %select_n3A_532 : vector<16xi1>, vector<16xi32>
      %mul3A_534 = arith.constant 4 : i32
      %mul3A_535 = arith.muli %mul3A_534, %mul3A_358 : i32
      %add3A_536 = arith.constant 32 : i32
      %add3A_537 = arith.addi %mul3A_535, %add3A_536 : i32
      %swap3A_538 = arith.index_cast %add3A_537 : i32 to index
      %swap3A_539 = tpu.vector_load %arg10[%swap3A_538] {strides = array<i32>} : memref<16384xi32, #tpu.memory_space<vmem>>, vector<16xi32>,
      %swap3A_540 = vector.shape_cast %swap3A_539 : vector<16xi32> to vector<16xi32>
      %swap3A_541 = vector.shape_cast %select_n3A_533 : vector<16xi32> to vector<16xi32>
      tpu.vector_store %arg10[%swap3A_538], %swap3A_541 {strides = array<i32>} : memref<16384xi32, #tpu.memory_space<vmem>>, vector<16xi32>,
      %add3A_542 = arith.constant 12 : i32
      %add3A_543 = vector.broadcast %add3A_542 : i32 to vector<16xi32>
      %add3A_544 = arith.addi %shift_right_arithmetic3A_411, %add3A_543 : vector<16xi32>
      %broadcast_in_dim3A_545 = vector.shape_cast %add3A_544 : vector<16xi32> to vector<16x1xi32>
      %gather3A_546 = vector.shape_cast %broadcast_in_dim3A_545 : vector<16x1xi32> to vector<16xi32>
      %gather3A_547 = tpu.dynamic_gather %add3A_406[%gather3A_546] in [0] : vector<16xi32>, vector<16xi32> -> vector<16xi32>
      %add3A_548 = arith.constant 12 : i32
      %add3A_549 = vector.broadcast %add3A_548 : i32 to vector<16xi32>
      %add3A_550 = arith.addi %shift_right_arithmetic3A_411, %add3A_549 : vector<16xi32>
      %broadcast_in_dim3A_551 = vector.shape_cast %add3A_550 : vector<16xi32> to vector<16x1xi32>
      %gather3A_552 = vector.shape_cast %broadcast_in_dim3A_551 : vector<16x1xi32> to vector<16xi32>
      %gather3A_553 = tpu.dynamic_gather %add3A_407[%gather3A_552] in [0] : vector<16xi32>, vector<16xi32> -> vector<16xi32>
      %add3A_554 = arith.constant 12 : i32
      %add3A_555 = vector.broadcast %add3A_554 : i32 to vector<16xi32>
      %add3A_556 = arith.addi %shift_right_arithmetic3A_411, %add3A_555 : vector<16xi32>
      %broadcast_in_dim3A_557 = vector.shape_cast %add3A_556 : vector<16xi32> to vector<16x1xi32>
      %gather3A_558 = vector.shape_cast %broadcast_in_dim3A_557 : vector<16x1xi32> to vector<16xi32>
      %gather3A_559 = tpu.dynamic_gather %add3A_408[%gather3A_558] in [0] : vector<16xi32>, vector<16xi32> -> vector<16xi32>
      %add3A_560 = arith.constant 12 : i32
      %add3A_561 = vector.broadcast %add3A_560 : i32 to vector<16xi32>
      %add3A_562 = arith.addi %shift_right_arithmetic3A_411, %add3A_561 : vector<16xi32>
      %broadcast_in_dim3A_563 = vector.shape_cast %add3A_562 : vector<16xi32> to vector<16x1xi32>
      %gather3A_564 = vector.shape_cast %broadcast_in_dim3A_563 : vector<16x1xi32> to vector<16xi32>
      %gather3A_565 = tpu.dynamic_gather %add3A_409[%gather3A_564] in [0] : vector<16xi32>, vector<16xi32> -> vector<16xi32>
      %eq3A_566 = arith.constant 0 : i32
      %eq3A_567 = vector.broadcast %eq3A_566 : i32 to vector<16xi32>
      %eq3A_568 = arith.cmpi eq, %and3A_413, %eq3A_567 : vector<16xi32>
      %eq3A_569 = arith.constant 1 : i32
      %eq3A_570 = vector.broadcast %eq3A_569 : i32 to vector<16xi32>
      %eq3A_571 = arith.cmpi eq, %and3A_413, %eq3A_570 : vector<16xi32>
      %eq3A_572 = arith.constant 2 : i32
      %eq3A_573 = vector.broadcast %eq3A_572 : i32 to vector<16xi32>
      %eq3A_574 = arith.cmpi eq, %and3A_413, %eq3A_573 : vector<16xi32>
      %select_n3A_575 = arith.select %eq3A_574, %gather3A_559, %gather3A_565 : vector<16xi1>, vector<16xi32>
      %select_n3A_576 = arith.select %eq3A_571, %gather3A_553, %select_n3A_575 : vector<16xi1>, vector<16xi32>
      %select_n3A_577 = arith.select %eq3A_568, %gather3A_547, %select_n3A_576 : vector<16xi1>, vector<16xi32>
      %mul3A_578 = arith.constant 4 : i32
      %mul3A_579 = arith.muli %mul3A_578, %mul3A_358 : i32
      %add3A_580 = arith.constant 48 : i32
      %add3A_581 = arith.addi %mul3A_579, %add3A_580 : i32
      %swap3A_582 = arith.index_cast %add3A_581 : i32 to index
      %swap3A_583 = tpu.vector_load %arg10[%swap3A_582] {strides = array<i32>} : memref<16384xi32, #tpu.memory_space<vmem>>, vector<16xi32>,
      %swap3A_584 = vector.shape_cast %swap3A_583 : vector<16xi32> to vector<16xi32>
      %swap3A_585 = vector.shape_cast %select_n3A_577 : vector<16xi32> to vector<16xi32>
      tpu.vector_store %arg10[%swap3A_582], %swap3A_585 {strides = array<i32>} : memref<16384xi32, #tpu.memory_space<vmem>>, vector<16xi32>,
    }
    %scan3A_243 = arith.constant 256 : i32
    %dma_wait3A_244 = arith.constant 0 : i32
    %dma_wait3A_245 = tpu.memref_slice %arg3[%dma_wait3A_244] : memref<4194304xf32, #tpu.memory_space<hbm>> -> memref<4194304xf32, #tpu.memory_space<hbm>>
    tpu.wait_indirect_dma semaphore(%arg21 : memref<!tpu.dma_semaphore, #tpu.memory_space<semaphore_mem>>) src(%dma_wait3A_245 : memref<4194304xf32, #tpu.memory_space<hbm>>) dst(%arg11 : memref<16384xf32, #tpu.memory_space<vmem>>)
    %dma_start3A_246 = arith.constant 0 : i32
    %dma_start3A_247 = tpu.memref_slice %arg3[%dma_start3A_246] : memref<4194304xf32, #tpu.memory_space<hbm>> -> memref<4194304xf32, #tpu.memory_space<hbm>>
    tpu.enqueue_indirect_dma source(%dma_start3A_247 : memref<4194304xf32, #tpu.memory_space<hbm>>) target(%arg12 : memref<16384xf32, #tpu.memory_space<vmem>>) offsets(%arg10 : memref<16384xi32, #tpu.memory_space<vmem>>) semaphore(%arg22 : memref<!tpu.dma_semaphore, #tpu.memory_space<semaphore_mem>>)
    %dma_wait3A_248 = tpu.memref_slice %arg4[%add3A_168] : memref<1048576xf32, #tpu.memory_space<hbm>> -> memref<4096xf32, #tpu.memory_space<hbm>>
    %dma_wait3A_249 = tpu.memref_slice %arg4[%add3A_168] : memref<1048576xf32, #tpu.memory_space<hbm>> -> memref<4096xf32, #tpu.memory_space<hbm>>
    tpu.wait_dma2 semaphore(%arg23 : memref<!tpu.dma_semaphore, #tpu.memory_space<semaphore_mem>>) src(%arg17 : memref<4096xf32, #tpu.memory_space<vmem>>) dst(%dma_wait3A_249 : memref<4096xf32, #tpu.memory_space<hbm>>)
    %scan3A_250 = arith.constant 0 : i32
    %scan3A_251 = arith.constant 256 : i32
    %scan3A_252 = arith.addi %scan3A_250, %scan3A_251 : i32
    %scan3A_253 = arith.constant 1 : i32
    scf.for %scan3A_352 = %scan3A_250 to %scan3A_252 step %scan3A_253  : i32 {
      %mul3A_353 = arith.constant 1 : i32
      %mul3A_354 = arith.muli %scan3A_352, %mul3A_353 : i32
      %add3A_355 = arith.constant 0 : i32
      %add3A_356 = arith.addi %add3A_355, %mul3A_354 : i32
      %mul3A_357 = arith.constant 16 : i32
      %mul3A_358 = arith.muli %add3A_356, %mul3A_357 : i32
      %mul3A_359 = arith.constant 4 : i32
      %mul3A_360 = arith.muli %mul3A_359, %mul3A_358 : i32
      %add3A_361 = arith.constant 0 : i32
      %add3A_362 = arith.addi %mul3A_360, %add3A_361 : i32
      %get3A = arith.index_cast %add3A_362 : i32 to index
      %get3A_363 = tpu.vector_load %arg11[%get3A] {strides = array<i32>} : memref<16384xf32, #tpu.memory_space<vmem>>, vector<16xf32>,
      %get3A_364 = vector.shape_cast %get3A_363 : vector<16xf32> to vector<16xf32>
      %mul3A_365 = arith.constant 4 : i32
      %mul3A_366 = arith.muli %mul3A_365, %mul3A_358 : i32
      %add3A_367 = arith.constant 16 : i32
      %add3A_368 = arith.addi %mul3A_366, %add3A_367 : i32
      %get3A_369 = arith.index_cast %add3A_368 : i32 to index
      %get3A_370 = tpu.vector_load %arg11[%get3A_369] {strides = array<i32>} : memref<16384xf32, #tpu.memory_space<vmem>>, vector<16xf32>,
      %get3A_371 = vector.shape_cast %get3A_370 : vector<16xf32> to vector<16xf32>
      %mul3A_372 = arith.constant 4 : i32
      %mul3A_373 = arith.muli %mul3A_372, %mul3A_358 : i32
      %add3A_374 = arith.constant 32 : i32
      %add3A_375 = arith.addi %mul3A_373, %add3A_374 : i32
      %get3A_376 = arith.index_cast %add3A_375 : i32 to index
      %get3A_377 = tpu.vector_load %arg11[%get3A_376] {strides = array<i32>} : memref<16384xf32, #tpu.memory_space<vmem>>, vector<16xf32>,
      %get3A_378 = vector.shape_cast %get3A_377 : vector<16xf32> to vector<16xf32>
      %mul3A_379 = arith.constant 4 : i32
      %mul3A_380 = arith.muli %mul3A_379, %mul3A_358 : i32
      %add3A_381 = arith.constant 48 : i32
      %add3A_382 = arith.addi %mul3A_380, %add3A_381 : i32
      %get3A_383 = arith.index_cast %add3A_382 : i32 to index
      %get3A_384 = tpu.vector_load %arg11[%get3A_383] {strides = array<i32>} : memref<16384xf32, #tpu.memory_space<vmem>>, vector<16xf32>,
      %get3A_385 = vector.shape_cast %get3A_384 : vector<16xf32> to vector<16xf32>
      %and3A = arith.constant 3 : i32
      %and3A_386 = vector.broadcast %and3A : i32 to vector<16xi32>
      %and3A_387 = arith.andi %iota3A, %and3A_386 : vector<16xi32>
      %mul3A_388 = arith.constant 4 : i32
      %mul3A_389 = vector.broadcast %mul3A_388 : i32 to vector<16xi32>
      %mul3A_390 = arith.muli %and3A_387, %mul3A_389 : vector<16xi32>
      %add3A_391 = arith.constant 0 : i32
      %add3A_392 = vector.broadcast %add3A_391 : i32 to vector<16xi32>
      %add3A_393 = arith.addi %mul3A_390, %add3A_392 : vector<16xi32>
      %broadcast_in_dim3A = vector.shape_cast %add3A_393 : vector<16xi32> to vector<16x1xi32>
      %gather3A = vector.shape_cast %broadcast_in_dim3A : vector<16x1xi32> to vector<16xi32>
      %gather3A_394 = tpu.dynamic_gather %get3A_364[%gather3A] in [0] : vector<16xf32>, vector<16xi32> -> vector<16xf32>
      %mul3A_395 = arith.constant 4 : i32
      %mul3A_396 = vector.broadcast %mul3A_395 : i32 to vector<16xi32>
      %mul3A_397 = arith.muli %and3A_387, %mul3A_396 : vector<16xi32>
      %add3A_398 = arith.constant 0 : i32
      %add3A_399 = vector.broadcast %add3A_398 : i32 to vector<16xi32>
      %add3A_400 = arith.addi %mul3A_397, %add3A_399 : vector<16xi32>
      %broadcast_in_dim3A_401 = vector.shape_cast %add3A_400 : vector<16xi32> to vector<16x1xi32>
      %gather3A_402 = vector.shape_cast %broadcast_in_dim3A_401 : vector<16x1xi32> to vector<16xi32>
      %gather3A_403 = tpu.dynamic_gather %get3A_371[%gather3A_402] in [0] : vector<16xf32>, vector<16xi32> -> vector<16xf32>
      %mul3A_404 = arith.constant 4 : i32
      %mul3A_405 = vector.broadcast %mul3A_404 : i32 to vector<16xi32>
      %mul3A_406 = arith.muli %and3A_387, %mul3A_405 : vector<16xi32>
      %add3A_407 = arith.constant 0 : i32
      %add3A_408 = vector.broadcast %add3A_407 : i32 to vector<16xi32>
      %add3A_409 = arith.addi %mul3A_406, %add3A_408 : vector<16xi32>
      %broadcast_in_dim3A_410 = vector.shape_cast %add3A_409 : vector<16xi32> to vector<16x1xi32>
      %gather3A_411 = vector.shape_cast %broadcast_in_dim3A_410 : vector<16x1xi32> to vector<16xi32>
      %gather3A_412 = tpu.dynamic_gather %get3A_378[%gather3A_411] in [0] : vector<16xf32>, vector<16xi32> -> vector<16xf32>
      %mul3A_413 = arith.constant 4 : i32
      %mul3A_414 = vector.broadcast %mul3A_413 : i32 to vector<16xi32>
      %mul3A_415 = arith.muli %and3A_387, %mul3A_414 : vector<16xi32>
      %add3A_416 = arith.constant 0 : i32
      %add3A_417 = vector.broadcast %add3A_416 : i32 to vector<16xi32>
      %add3A_418 = arith.addi %mul3A_415, %add3A_417 : vector<16xi32>
      %broadcast_in_dim3A_419 = vector.shape_cast %add3A_418 : vector<16xi32> to vector<16x1xi32>
      %gather3A_420 = vector.shape_cast %broadcast_in_dim3A_419 : vector<16x1xi32> to vector<16xi32>
      %gather3A_421 = tpu.dynamic_gather %get3A_385[%gather3A_420] in [0] : vector<16xf32>, vector<16xi32> -> vector<16xf32>
      %lt3A = arith.constant 4 : i32
      %lt3A_422 = vector.broadcast %lt3A : i32 to vector<16xi32>
      %lt3A_423 = arith.cmpi slt, %iota3A, %lt3A_422 : vector<16xi32>
      %lt3A_424 = arith.constant 8 : i32
      %lt3A_425 = vector.broadcast %lt3A_424 : i32 to vector<16xi32>
      %lt3A_426 = arith.cmpi slt, %iota3A, %lt3A_425 : vector<16xi32>
      %lt3A_427 = arith.constant 12 : i32
      %lt3A_428 = vector.broadcast %lt3A_427 : i32 to vector<16xi32>
      %lt3A_429 = arith.cmpi slt, %iota3A, %lt3A_428 : vector<16xi32>
      %select_n3A = arith.select %lt3A_429, %gather3A_412, %gather3A_421 : vector<16xi1>, vector<16xf32>
      %select_n3A_430 = arith.select %lt3A_426, %gather3A_403, %select_n3A : vector<16xi1>, vector<16xf32>
      %select_n3A_431 = arith.select %lt3A_423, %gather3A_394, %select_n3A_430 : vector<16xi1>, vector<16xf32>
      %mul3A_432 = arith.constant 4 : i32
      %mul3A_433 = vector.broadcast %mul3A_432 : i32 to vector<16xi32>
      %mul3A_434 = arith.muli %and3A_387, %mul3A_433 : vector<16xi32>
      %add3A_435 = arith.constant 1 : i32
      %add3A_436 = vector.broadcast %add3A_435 : i32 to vector<16xi32>
      %add3A_437 = arith.addi %mul3A_434, %add3A_436 : vector<16xi32>
      %broadcast_in_dim3A_438 = vector.shape_cast %add3A_437 : vector<16xi32> to vector<16x1xi32>
      %gather3A_439 = vector.shape_cast %broadcast_in_dim3A_438 : vector<16x1xi32> to vector<16xi32>
      %gather3A_440 = tpu.dynamic_gather %get3A_364[%gather3A_439] in [0] : vector<16xf32>, vector<16xi32> -> vector<16xf32>
      %mul3A_441 = arith.constant 4 : i32
      %mul3A_442 = vector.broadcast %mul3A_441 : i32 to vector<16xi32>
      %mul3A_443 = arith.muli %and3A_387, %mul3A_442 : vector<16xi32>
      %add3A_444 = arith.constant 1 : i32
      %add3A_445 = vector.broadcast %add3A_444 : i32 to vector<16xi32>
      %add3A_446 = arith.addi %mul3A_443, %add3A_445 : vector<16xi32>
      %broadcast_in_dim3A_447 = vector.shape_cast %add3A_446 : vector<16xi32> to vector<16x1xi32>
      %gather3A_448 = vector.shape_cast %broadcast_in_dim3A_447 : vector<16x1xi32> to vector<16xi32>
      %gather3A_449 = tpu.dynamic_gather %get3A_371[%gather3A_448] in [0] : vector<16xf32>, vector<16xi32> -> vector<16xf32>
      %mul3A_450 = arith.constant 4 : i32
      %mul3A_451 = vector.broadcast %mul3A_450 : i32 to vector<16xi32>
      %mul3A_452 = arith.muli %and3A_387, %mul3A_451 : vector<16xi32>
      %add3A_453 = arith.constant 1 : i32
      %add3A_454 = vector.broadcast %add3A_453 : i32 to vector<16xi32>
      %add3A_455 = arith.addi %mul3A_452, %add3A_454 : vector<16xi32>
      %broadcast_in_dim3A_456 = vector.shape_cast %add3A_455 : vector<16xi32> to vector<16x1xi32>
      %gather3A_457 = vector.shape_cast %broadcast_in_dim3A_456 : vector<16x1xi32> to vector<16xi32>
      %gather3A_458 = tpu.dynamic_gather %get3A_378[%gather3A_457] in [0] : vector<16xf32>, vector<16xi32> -> vector<16xf32>
      %mul3A_459 = arith.constant 4 : i32
      %mul3A_460 = vector.broadcast %mul3A_459 : i32 to vector<16xi32>
      %mul3A_461 = arith.muli %and3A_387, %mul3A_460 : vector<16xi32>
      %add3A_462 = arith.constant 1 : i32
      %add3A_463 = vector.broadcast %add3A_462 : i32 to vector<16xi32>
      %add3A_464 = arith.addi %mul3A_461, %add3A_463 : vector<16xi32>
      %broadcast_in_dim3A_465 = vector.shape_cast %add3A_464 : vector<16xi32> to vector<16x1xi32>
      %gather3A_466 = vector.shape_cast %broadcast_in_dim3A_465 : vector<16x1xi32> to vector<16xi32>
      %gather3A_467 = tpu.dynamic_gather %get3A_385[%gather3A_466] in [0] : vector<16xf32>, vector<16xi32> -> vector<16xf32>
      %lt3A_468 = arith.constant 4 : i32
      %lt3A_469 = vector.broadcast %lt3A_468 : i32 to vector<16xi32>
      %lt3A_470 = arith.cmpi slt, %iota3A, %lt3A_469 : vector<16xi32>
      %lt3A_471 = arith.constant 8 : i32
      %lt3A_472 = vector.broadcast %lt3A_471 : i32 to vector<16xi32>
      %lt3A_473 = arith.cmpi slt, %iota3A, %lt3A_472 : vector<16xi32>
      %lt3A_474 = arith.constant 12 : i32
      %lt3A_475 = vector.broadcast %lt3A_474 : i32 to vector<16xi32>
      %lt3A_476 = arith.cmpi slt, %iota3A, %lt3A_475 : vector<16xi32>
      %select_n3A_477 = arith.select %lt3A_476, %gather3A_458, %gather3A_467 : vector<16xi1>, vector<16xf32>
      %select_n3A_478 = arith.select %lt3A_473, %gather3A_449, %select_n3A_477 : vector<16xi1>, vector<16xf32>
      %select_n3A_479 = arith.select %lt3A_470, %gather3A_440, %select_n3A_478 : vector<16xi1>, vector<16xf32>
      %mul3A_480 = arith.constant 4 : i32
      %mul3A_481 = vector.broadcast %mul3A_480 : i32 to vector<16xi32>
      %mul3A_482 = arith.muli %and3A_387, %mul3A_481 : vector<16xi32>
      %add3A_483 = arith.constant 2 : i32
      %add3A_484 = vector.broadcast %add3A_483 : i32 to vector<16xi32>
      %add3A_485 = arith.addi %mul3A_482, %add3A_484 : vector<16xi32>
      %broadcast_in_dim3A_486 = vector.shape_cast %add3A_485 : vector<16xi32> to vector<16x1xi32>
      %gather3A_487 = vector.shape_cast %broadcast_in_dim3A_486 : vector<16x1xi32> to vector<16xi32>
      %gather3A_488 = tpu.dynamic_gather %get3A_364[%gather3A_487] in [0] : vector<16xf32>, vector<16xi32> -> vector<16xf32>
      %mul3A_489 = arith.constant 4 : i32
      %mul3A_490 = vector.broadcast %mul3A_489 : i32 to vector<16xi32>
      %mul3A_491 = arith.muli %and3A_387, %mul3A_490 : vector<16xi32>
      %add3A_492 = arith.constant 2 : i32
      %add3A_493 = vector.broadcast %add3A_492 : i32 to vector<16xi32>
      %add3A_494 = arith.addi %mul3A_491, %add3A_493 : vector<16xi32>
      %broadcast_in_dim3A_495 = vector.shape_cast %add3A_494 : vector<16xi32> to vector<16x1xi32>
      %gather3A_496 = vector.shape_cast %broadcast_in_dim3A_495 : vector<16x1xi32> to vector<16xi32>
      %gather3A_497 = tpu.dynamic_gather %get3A_371[%gather3A_496] in [0] : vector<16xf32>, vector<16xi32> -> vector<16xf32>
      %mul3A_498 = arith.constant 4 : i32
      %mul3A_499 = vector.broadcast %mul3A_498 : i32 to vector<16xi32>
      %mul3A_500 = arith.muli %and3A_387, %mul3A_499 : vector<16xi32>
      %add3A_501 = arith.constant 2 : i32
      %add3A_502 = vector.broadcast %add3A_501 : i32 to vector<16xi32>
      %add3A_503 = arith.addi %mul3A_500, %add3A_502 : vector<16xi32>
      %broadcast_in_dim3A_504 = vector.shape_cast %add3A_503 : vector<16xi32> to vector<16x1xi32>
      %gather3A_505 = vector.shape_cast %broadcast_in_dim3A_504 : vector<16x1xi32> to vector<16xi32>
      %gather3A_506 = tpu.dynamic_gather %get3A_378[%gather3A_505] in [0] : vector<16xf32>, vector<16xi32> -> vector<16xf32>
      %mul3A_507 = arith.constant 4 : i32
      %mul3A_508 = vector.broadcast %mul3A_507 : i32 to vector<16xi32>
      %mul3A_509 = arith.muli %and3A_387, %mul3A_508 : vector<16xi32>
      %add3A_510 = arith.constant 2 : i32
      %add3A_511 = vector.broadcast %add3A_510 : i32 to vector<16xi32>
      %add3A_512 = arith.addi %mul3A_509, %add3A_511 : vector<16xi32>
      %broadcast_in_dim3A_513 = vector.shape_cast %add3A_512 : vector<16xi32> to vector<16x1xi32>
      %gather3A_514 = vector.shape_cast %broadcast_in_dim3A_513 : vector<16x1xi32> to vector<16xi32>
      %gather3A_515 = tpu.dynamic_gather %get3A_385[%gather3A_514] in [0] : vector<16xf32>, vector<16xi32> -> vector<16xf32>
      %lt3A_516 = arith.constant 4 : i32
      %lt3A_517 = vector.broadcast %lt3A_516 : i32 to vector<16xi32>
      %lt3A_518 = arith.cmpi slt, %iota3A, %lt3A_517 : vector<16xi32>
      %lt3A_519 = arith.constant 8 : i32
      %lt3A_520 = vector.broadcast %lt3A_519 : i32 to vector<16xi32>
      %lt3A_521 = arith.cmpi slt, %iota3A, %lt3A_520 : vector<16xi32>
      %lt3A_522 = arith.constant 12 : i32
      %lt3A_523 = vector.broadcast %lt3A_522 : i32 to vector<16xi32>
      %lt3A_524 = arith.cmpi slt, %iota3A, %lt3A_523 : vector<16xi32>
      %select_n3A_525 = arith.select %lt3A_524, %gather3A_506, %gather3A_515 : vector<16xi1>, vector<16xf32>
      %select_n3A_526 = arith.select %lt3A_521, %gather3A_497, %select_n3A_525 : vector<16xi1>, vector<16xf32>
      %select_n3A_527 = arith.select %lt3A_518, %gather3A_488, %select_n3A_526 : vector<16xi1>, vector<16xf32>
      %mul3A_528 = arith.constant 4 : i32
      %mul3A_529 = vector.broadcast %mul3A_528 : i32 to vector<16xi32>
      %mul3A_530 = arith.muli %and3A_387, %mul3A_529 : vector<16xi32>
      %add3A_531 = arith.constant 3 : i32
      %add3A_532 = vector.broadcast %add3A_531 : i32 to vector<16xi32>
      %add3A_533 = arith.addi %mul3A_530, %add3A_532 : vector<16xi32>
      %broadcast_in_dim3A_534 = vector.shape_cast %add3A_533 : vector<16xi32> to vector<16x1xi32>
      %gather3A_535 = vector.shape_cast %broadcast_in_dim3A_534 : vector<16x1xi32> to vector<16xi32>
      %gather3A_536 = tpu.dynamic_gather %get3A_364[%gather3A_535] in [0] : vector<16xf32>, vector<16xi32> -> vector<16xf32>
      %mul3A_537 = arith.constant 4 : i32
      %mul3A_538 = vector.broadcast %mul3A_537 : i32 to vector<16xi32>
      %mul3A_539 = arith.muli %and3A_387, %mul3A_538 : vector<16xi32>
      %add3A_540 = arith.constant 3 : i32
      %add3A_541 = vector.broadcast %add3A_540 : i32 to vector<16xi32>
      %add3A_542 = arith.addi %mul3A_539, %add3A_541 : vector<16xi32>
      %broadcast_in_dim3A_543 = vector.shape_cast %add3A_542 : vector<16xi32> to vector<16x1xi32>
      %gather3A_544 = vector.shape_cast %broadcast_in_dim3A_543 : vector<16x1xi32> to vector<16xi32>
      %gather3A_545 = tpu.dynamic_gather %get3A_371[%gather3A_544] in [0] : vector<16xf32>, vector<16xi32> -> vector<16xf32>
      %mul3A_546 = arith.constant 4 : i32
      %mul3A_547 = vector.broadcast %mul3A_546 : i32 to vector<16xi32>
      %mul3A_548 = arith.muli %and3A_387, %mul3A_547 : vector<16xi32>
      %add3A_549 = arith.constant 3 : i32
      %add3A_550 = vector.broadcast %add3A_549 : i32 to vector<16xi32>
      %add3A_551 = arith.addi %mul3A_548, %add3A_550 : vector<16xi32>
      %broadcast_in_dim3A_552 = vector.shape_cast %add3A_551 : vector<16xi32> to vector<16x1xi32>
      %gather3A_553 = vector.shape_cast %broadcast_in_dim3A_552 : vector<16x1xi32> to vector<16xi32>
      %gather3A_554 = tpu.dynamic_gather %get3A_378[%gather3A_553] in [0] : vector<16xf32>, vector<16xi32> -> vector<16xf32>
      %mul3A_555 = arith.constant 4 : i32
      %mul3A_556 = vector.broadcast %mul3A_555 : i32 to vector<16xi32>
      %mul3A_557 = arith.muli %and3A_387, %mul3A_556 : vector<16xi32>
      %add3A_558 = arith.constant 3 : i32
      %add3A_559 = vector.broadcast %add3A_558 : i32 to vector<16xi32>
      %add3A_560 = arith.addi %mul3A_557, %add3A_559 : vector<16xi32>
      %broadcast_in_dim3A_561 = vector.shape_cast %add3A_560 : vector<16xi32> to vector<16x1xi32>
      %gather3A_562 = vector.shape_cast %broadcast_in_dim3A_561 : vector<16x1xi32> to vector<16xi32>
      %gather3A_563 = tpu.dynamic_gather %get3A_385[%gather3A_562] in [0] : vector<16xf32>, vector<16xi32> -> vector<16xf32>
      %lt3A_564 = arith.constant 4 : i32
      %lt3A_565 = vector.broadcast %lt3A_564 : i32 to vector<16xi32>
      %lt3A_566 = arith.cmpi slt, %iota3A, %lt3A_565 : vector<16xi32>
      %lt3A_567 = arith.constant 8 : i32
      %lt3A_568 = vector.broadcast %lt3A_567 : i32 to vector<16xi32>
      %lt3A_569 = arith.cmpi slt, %iota3A, %lt3A_568 : vector<16xi32>
      %lt3A_570 = arith.constant 12 : i32
      %lt3A_571 = vector.broadcast %lt3A_570 : i32 to vector<16xi32>
      %lt3A_572 = arith.cmpi slt, %iota3A, %lt3A_571 : vector<16xi32>
      %select_n3A_573 = arith.select %lt3A_572, %gather3A_554, %gather3A_563 : vector<16xi1>, vector<16xf32>
      %select_n3A_574 = arith.select %lt3A_569, %gather3A_545, %select_n3A_573 : vector<16xi1>, vector<16xf32>
      %select_n3A_575 = arith.select %lt3A_566, %gather3A_536, %select_n3A_574 : vector<16xi1>, vector<16xf32>
      %get3A_576 = arith.index_cast %mul3A_358 : i32 to index
      %get3A_577 = tpu.vector_load %arg13[%get3A_576] {strides = array<i32>} : memref<4096xf32, #tpu.memory_space<vmem>>, vector<16xf32>,
      %get3A_578 = vector.shape_cast %get3A_577 : vector<16xf32> to vector<16xf32>
      %get3A_579 = arith.index_cast %mul3A_358 : i32 to index
      %get3A_580 = tpu.vector_load %arg15[%get3A_579] {strides = array<i32>} : memref<4096xf32, #tpu.memory_space<vmem>>, vector<16xf32>,
      %get3A_581 = vector.shape_cast %get3A_580 : vector<16xf32> to vector<16xf32>
      %sub3A = arith.subf %select_n3A_479, %select_n3A_431 : vector<16xf32>
      %mul3A_582 = arith.mulf %get3A_578, %sub3A : vector<16xf32>
      %add3A_583 = arith.addf %select_n3A_431, %mul3A_582 : vector<16xf32>
      %sub3A_584 = arith.subf %select_n3A_575, %select_n3A_527 : vector<16xf32>
      %mul3A_585 = arith.mulf %get3A_578, %sub3A_584 : vector<16xf32>
      %add3A_586 = arith.addf %select_n3A_527, %mul3A_585 : vector<16xf32>
      %sub3A_587 = arith.subf %add3A_586, %add3A_583 : vector<16xf32>
      %mul3A_588 = arith.mulf %get3A_581, %sub3A_587 : vector<16xf32>
      %add3A_589 = arith.addf %add3A_583, %mul3A_588 : vector<16xf32>
      %swap3A = arith.index_cast %mul3A_358 : i32 to index
      %swap3A_590 = tpu.vector_load %arg17[%swap3A] {strides = array<i32>} : memref<4096xf32, #tpu.memory_space<vmem>>, vector<16xf32>,
      %swap3A_591 = vector.shape_cast %swap3A_590 : vector<16xf32> to vector<16xf32>
      %swap3A_592 = vector.shape_cast %add3A_589 : vector<16xf32> to vector<16xf32>
      tpu.vector_store %arg17[%swap3A], %swap3A_592 {strides = array<i32>} : memref<4096xf32, #tpu.memory_space<vmem>>, vector<16xf32>,
    }
    %scan3A_254 = arith.constant 256 : i32
    %add3A_255 = arith.constant 16384 : i32
    %add3A_256 = arith.addi %mul3A_2, %add3A_255 : i32
    %dma_start3A_257 = tpu.memref_slice %arg4[%add3A_256] : memref<1048576xf32, #tpu.memory_space<hbm>> -> memref<4096xf32, #tpu.memory_space<hbm>>
    %dma_start3A_258 = tpu.memref_slice %arg4[%add3A_256] : memref<1048576xf32, #tpu.memory_space<hbm>> -> memref<4096xf32, #tpu.memory_space<hbm>>
    tpu.enqueue_dma source(%arg17 : memref<4096xf32, #tpu.memory_space<vmem>>) target(%dma_start3A_258 : memref<4096xf32, #tpu.memory_space<hbm>>) target_semaphore(%arg23 : memref<!tpu.dma_semaphore, #tpu.memory_space<semaphore_mem>>)
    %dma_wait3A_259 = arith.constant 0 : i32
    %dma_wait3A_260 = tpu.memref_slice %arg2[%dma_wait3A_259, %add3A_226] : memref<2x1048576xf32, #tpu.memory_space<hbm>> -> memref<1x4096xf32, #tpu.memory_space<hbm>>
    %dma_wait3A_261 = tpu.memref_squeeze %dma_wait3A_260 : memref<1x4096xf32, #tpu.memory_space<hbm>> -> memref<4096xf32, #tpu.memory_space<hbm>>
    %dma_wait3A_262 = tpu.memref_slice %arg2[%dma_wait3A_259, %add3A_226] : memref<2x1048576xf32, #tpu.memory_space<hbm>> -> memref<1x4096xf32, #tpu.memory_space<hbm>>
    %dma_wait3A_263 = tpu.memref_squeeze %dma_wait3A_262 : memref<1x4096xf32, #tpu.memory_space<hbm>> -> memref<4096xf32, #tpu.memory_space<hbm>>
    tpu.wait_dma2 semaphore(%arg19 : memref<!tpu.dma_semaphore, #tpu.memory_space<semaphore_mem>>) src(%dma_wait3A_263 : memref<4096xf32, #tpu.memory_space<hbm>>) dst(%arg5 : memref<4096xf32, #tpu.memory_space<vmem>>)
    %dma_wait3A_264 = arith.constant 1 : i32
    %dma_wait3A_265 = tpu.memref_slice %arg2[%dma_wait3A_264, %add3A_226] : memref<2x1048576xf32, #tpu.memory_space<hbm>> -> memref<1x4096xf32, #tpu.memory_space<hbm>>
    %dma_wait3A_266 = tpu.memref_squeeze %dma_wait3A_265 : memref<1x4096xf32, #tpu.memory_space<hbm>> -> memref<4096xf32, #tpu.memory_space<hbm>>
    %dma_wait3A_267 = tpu.memref_slice %arg2[%dma_wait3A_264, %add3A_226] : memref<2x1048576xf32, #tpu.memory_space<hbm>> -> memref<1x4096xf32, #tpu.memory_space<hbm>>
    %dma_wait3A_268 = tpu.memref_squeeze %dma_wait3A_267 : memref<1x4096xf32, #tpu.memory_space<hbm>> -> memref<4096xf32, #tpu.memory_space<hbm>>
    tpu.wait_dma2 semaphore(%arg19 : memref<!tpu.dma_semaphore, #tpu.memory_space<semaphore_mem>>) src(%dma_wait3A_268 : memref<4096xf32, #tpu.memory_space<hbm>>) dst(%arg6 : memref<4096xf32, #tpu.memory_space<vmem>>)
    %add3A_269 = arith.constant 28672 : i32
    %add3A_270 = arith.addi %mul3A_2, %add3A_269 : i32
    %dma_start3A_271 = arith.constant 0 : i32
    %dma_start3A_272 = tpu.memref_slice %arg2[%dma_start3A_271, %add3A_270] : memref<2x1048576xf32, #tpu.memory_space<hbm>> -> memref<1x4096xf32, #tpu.memory_space<hbm>>
    %dma_start3A_273 = tpu.memref_squeeze %dma_start3A_272 : memref<1x4096xf32, #tpu.memory_space<hbm>> -> memref<4096xf32, #tpu.memory_space<hbm>>
    %dma_start3A_274 = tpu.memref_slice %arg2[%dma_start3A_271, %add3A_270] : memref<2x1048576xf32, #tpu.memory_space<hbm>> -> memref<1x4096xf32, #tpu.memory_space<hbm>>
    %dma_start3A_275 = tpu.memref_squeeze %dma_start3A_274 : memref<1x4096xf32, #tpu.memory_space<hbm>> -> memref<4096xf32, #tpu.memory_space<hbm>>
    tpu.enqueue_dma source(%dma_start3A_275 : memref<4096xf32, #tpu.memory_space<hbm>>) target(%arg7 : memref<4096xf32, #tpu.memory_space<vmem>>) target_semaphore(%arg20 : memref<!tpu.dma_semaphore, #tpu.memory_space<semaphore_mem>>)
    %dma_start3A_276 = arith.constant 1 : i32
    %dma_start3A_277 = tpu.memref_slice %arg2[%dma_start3A_276, %add3A_270] : memref<2x1048576xf32, #tpu.memory_space<hbm>> -> memref<1x4096xf32, #tpu.memory_space<hbm>>
    %dma_start3A_278 = tpu.memref_squeeze %dma_start3A_277 : memref<1x4096xf32, #tpu.memory_space<hbm>> -> memref<4096xf32, #tpu.memory_space<hbm>>
    %dma_start3A_279 = tpu.memref_slice %arg2[%dma_start3A_276, %add3A_270] : memref<2x1048576xf32, #tpu.memory_space<hbm>> -> memref<1x4096xf32, #tpu.memory_space<hbm>>
    %dma_start3A_280 = tpu.memref_squeeze %dma_start3A_279 : memref<1x4096xf32, #tpu.memory_space<hbm>> -> memref<4096xf32, #tpu.memory_space<hbm>>
    tpu.enqueue_dma source(%dma_start3A_280 : memref<4096xf32, #tpu.memory_space<hbm>>) target(%arg8 : memref<4096xf32, #tpu.memory_space<vmem>>) target_semaphore(%arg20 : memref<!tpu.dma_semaphore, #tpu.memory_space<semaphore_mem>>)
    %scan3A_281 = arith.constant 2.047000e+03 : f32
    %scan3A_282 = arith.constant 2.047000e+03 : f32
    %scan3A_283 = arith.constant 0 : i32
    %scan3A_284 = arith.constant 256 : i32
    %scan3A_285 = arith.addi %scan3A_283, %scan3A_284 : i32
    %scan3A_286 = arith.constant 1 : i32
    scf.for %scan3A_352 = %scan3A_283 to %scan3A_285 step %scan3A_286  : i32 {
      %mul3A_353 = arith.constant 1 : i32
      %mul3A_354 = arith.muli %scan3A_352, %mul3A_353 : i32
      %add3A_355 = arith.constant 0 : i32
      %add3A_356 = arith.addi %add3A_355, %mul3A_354 : i32
      %mul3A_357 = arith.constant 16 : i32
      %mul3A_358 = arith.muli %add3A_356, %mul3A_357 : i32
      %get3A = arith.index_cast %mul3A_358 : i32 to index
      %get3A_359 = tpu.vector_load %arg5[%get3A] {strides = array<i32>} : memref<4096xf32, #tpu.memory_space<vmem>>, vector<16xf32>,
      %get3A_360 = vector.shape_cast %get3A_359 : vector<16xf32> to vector<16xf32>
      %mul3A_361 = vector.broadcast %scan3A_281 : f32 to vector<16xf32>
      %mul3A_362 = arith.mulf %get3A_360, %mul3A_361 : vector<16xf32>
      %get3A_363 = arith.index_cast %mul3A_358 : i32 to index
      %get3A_364 = tpu.vector_load %arg6[%get3A_363] {strides = array<i32>} : memref<4096xf32, #tpu.memory_space<vmem>>, vector<16xf32>,
      %get3A_365 = vector.shape_cast %get3A_364 : vector<16xf32> to vector<16xf32>
      %mul3A_366 = vector.broadcast %scan3A_282 : f32 to vector<16xf32>
      %mul3A_367 = arith.mulf %get3A_365, %mul3A_366 : vector<16xf32>
      %convert_element_type3A = arith.fptosi %mul3A_362 : vector<16xf32> to vector<16xi32>
      %jit3A = arith.constant 0 : i32
      %jit3A_368 = arith.constant 2047 : i32
      %max3A = vector.broadcast %jit3A : i32 to vector<16xi32>
      %max3A_369 = arith.maxsi %max3A, %convert_element_type3A : vector<16xi32>
      %min3A = vector.broadcast %jit3A_368 : i32 to vector<16xi32>
      %min3A_370 = arith.minsi %min3A, %max3A_369 : vector<16xi32>
      %convert_element_type3A_371 = arith.fptosi %mul3A_367 : vector<16xf32> to vector<16xi32>
      %jit3A_372 = arith.constant 0 : i32
      %jit3A_373 = arith.constant 2047 : i32
      %max3A_374 = vector.broadcast %jit3A_372 : i32 to vector<16xi32>
      %max3A_375 = arith.maxsi %max3A_374, %convert_element_type3A_371 : vector<16xi32>
      %min3A_376 = vector.broadcast %jit3A_373 : i32 to vector<16xi32>
      %min3A_377 = arith.minsi %min3A_376, %max3A_375 : vector<16xi32>
      %convert_element_type3A_378 = arith.sitofp %min3A_370 : vector<16xi32> to vector<16xf32>
      %sub3A = arith.subf %mul3A_362, %convert_element_type3A_378 : vector<16xf32>
      %swap3A = arith.index_cast %mul3A_358 : i32 to index
      %swap3A_379 = tpu.vector_load %arg13[%swap3A] {strides = array<i32>} : memref<4096xf32, #tpu.memory_space<vmem>>, vector<16xf32>,
      %swap3A_380 = vector.shape_cast %swap3A_379 : vector<16xf32> to vector<16xf32>
      %swap3A_381 = vector.shape_cast %sub3A : vector<16xf32> to vector<16xf32>
      tpu.vector_store %arg13[%swap3A], %swap3A_381 {strides = array<i32>} : memref<4096xf32, #tpu.memory_space<vmem>>, vector<16xf32>,
      %convert_element_type3A_382 = arith.sitofp %min3A_377 : vector<16xi32> to vector<16xf32>
      %sub3A_383 = arith.subf %mul3A_367, %convert_element_type3A_382 : vector<16xf32>
      %swap3A_384 = arith.index_cast %mul3A_358 : i32 to index
      %swap3A_385 = tpu.vector_load %arg15[%swap3A_384] {strides = array<i32>} : memref<4096xf32, #tpu.memory_space<vmem>>, vector<16xf32>,
      %swap3A_386 = vector.shape_cast %swap3A_385 : vector<16xf32> to vector<16xf32>
      %swap3A_387 = vector.shape_cast %sub3A_383 : vector<16xf32> to vector<16xf32>
      tpu.vector_store %arg15[%swap3A_384], %swap3A_387 {strides = array<i32>} : memref<4096xf32, #tpu.memory_space<vmem>>, vector<16xf32>,
      %add3A_388 = arith.constant 1 : i32
      %add3A_389 = vector.broadcast %add3A_388 : i32 to vector<16xi32>
      %add3A_390 = arith.addi %min3A_370, %add3A_389 : vector<16xi32>
      %min3A_391 = arith.constant 2047 : i32
      %min3A_392 = vector.broadcast %min3A_391 : i32 to vector<16xi32>
      %min3A_393 = arith.minsi %add3A_390, %min3A_392 : vector<16xi32>
      %mul3A_394 = arith.constant 2048 : i32
      %mul3A_395 = vector.broadcast %mul3A_394 : i32 to vector<16xi32>
      %mul3A_396 = arith.muli %min3A_377, %mul3A_395 : vector<16xi32>
      %add3A_397 = arith.constant 1 : i32
      %add3A_398 = vector.broadcast %add3A_397 : i32 to vector<16xi32>
      %add3A_399 = arith.addi %min3A_377, %add3A_398 : vector<16xi32>
      %min3A_400 = arith.constant 2047 : i32
      %min3A_401 = vector.broadcast %min3A_400 : i32 to vector<16xi32>
      %min3A_402 = arith.minsi %add3A_399, %min3A_401 : vector<16xi32>
      %mul3A_403 = arith.constant 2048 : i32
      %mul3A_404 = vector.broadcast %mul3A_403 : i32 to vector<16xi32>
      %mul3A_405 = arith.muli %min3A_402, %mul3A_404 : vector<16xi32>
      %add3A_406 = arith.addi %mul3A_396, %min3A_370 : vector<16xi32>
      %add3A_407 = arith.addi %mul3A_396, %min3A_393 : vector<16xi32>
      %add3A_408 = arith.addi %mul3A_405, %min3A_370 : vector<16xi32>
      %add3A_409 = arith.addi %mul3A_405, %min3A_393 : vector<16xi32>
      %shift_right_arithmetic3A = arith.constant 2 : i32
      %shift_right_arithmetic3A_410 = vector.broadcast %shift_right_arithmetic3A : i32 to vector<16xi32>
      %shift_right_arithmetic3A_411 = arith.shrsi %iota3A, %shift_right_arithmetic3A_410 : vector<16xi32>
      %and3A = arith.constant 3 : i32
      %and3A_412 = vector.broadcast %and3A : i32 to vector<16xi32>
      %and3A_413 = arith.andi %iota3A, %and3A_412 : vector<16xi32>
      %add3A_414 = arith.constant 0 : i32
      %add3A_415 = vector.broadcast %add3A_414 : i32 to vector<16xi32>
      %add3A_416 = arith.addi %shift_right_arithmetic3A_411, %add3A_415 : vector<16xi32>
      %broadcast_in_dim3A = vector.shape_cast %add3A_416 : vector<16xi32> to vector<16x1xi32>
      %gather3A = vector.shape_cast %broadcast_in_dim3A : vector<16x1xi32> to vector<16xi32>
      %gather3A_417 = tpu.dynamic_gather %add3A_406[%gather3A] in [0] : vector<16xi32>, vector<16xi32> -> vector<16xi32>
      %add3A_418 = arith.constant 0 : i32
      %add3A_419 = vector.broadcast %add3A_418 : i32 to vector<16xi32>
      %add3A_420 = arith.addi %shift_right_arithmetic3A_411, %add3A_419 : vector<16xi32>
      %broadcast_in_dim3A_421 = vector.shape_cast %add3A_420 : vector<16xi32> to vector<16x1xi32>
      %gather3A_422 = vector.shape_cast %broadcast_in_dim3A_421 : vector<16x1xi32> to vector<16xi32>
      %gather3A_423 = tpu.dynamic_gather %add3A_407[%gather3A_422] in [0] : vector<16xi32>, vector<16xi32> -> vector<16xi32>
      %add3A_424 = arith.constant 0 : i32
      %add3A_425 = vector.broadcast %add3A_424 : i32 to vector<16xi32>
      %add3A_426 = arith.addi %shift_right_arithmetic3A_411, %add3A_425 : vector<16xi32>
      %broadcast_in_dim3A_427 = vector.shape_cast %add3A_426 : vector<16xi32> to vector<16x1xi32>
      %gather3A_428 = vector.shape_cast %broadcast_in_dim3A_427 : vector<16x1xi32> to vector<16xi32>
      %gather3A_429 = tpu.dynamic_gather %add3A_408[%gather3A_428] in [0] : vector<16xi32>, vector<16xi32> -> vector<16xi32>
      %add3A_430 = arith.constant 0 : i32
      %add3A_431 = vector.broadcast %add3A_430 : i32 to vector<16xi32>
      %add3A_432 = arith.addi %shift_right_arithmetic3A_411, %add3A_431 : vector<16xi32>
      %broadcast_in_dim3A_433 = vector.shape_cast %add3A_432 : vector<16xi32> to vector<16x1xi32>
      %gather3A_434 = vector.shape_cast %broadcast_in_dim3A_433 : vector<16x1xi32> to vector<16xi32>
      %gather3A_435 = tpu.dynamic_gather %add3A_409[%gather3A_434] in [0] : vector<16xi32>, vector<16xi32> -> vector<16xi32>
      %eq3A = arith.constant 0 : i32
      %eq3A_436 = vector.broadcast %eq3A : i32 to vector<16xi32>
      %eq3A_437 = arith.cmpi eq, %and3A_413, %eq3A_436 : vector<16xi32>
      %eq3A_438 = arith.constant 1 : i32
      %eq3A_439 = vector.broadcast %eq3A_438 : i32 to vector<16xi32>
      %eq3A_440 = arith.cmpi eq, %and3A_413, %eq3A_439 : vector<16xi32>
      %eq3A_441 = arith.constant 2 : i32
      %eq3A_442 = vector.broadcast %eq3A_441 : i32 to vector<16xi32>
      %eq3A_443 = arith.cmpi eq, %and3A_413, %eq3A_442 : vector<16xi32>
      %select_n3A = arith.select %eq3A_443, %gather3A_429, %gather3A_435 : vector<16xi1>, vector<16xi32>
      %select_n3A_444 = arith.select %eq3A_440, %gather3A_423, %select_n3A : vector<16xi1>, vector<16xi32>
      %select_n3A_445 = arith.select %eq3A_437, %gather3A_417, %select_n3A_444 : vector<16xi1>, vector<16xi32>
      %mul3A_446 = arith.constant 4 : i32
      %mul3A_447 = arith.muli %mul3A_446, %mul3A_358 : i32
      %add3A_448 = arith.constant 0 : i32
      %add3A_449 = arith.addi %mul3A_447, %add3A_448 : i32
      %swap3A_450 = arith.index_cast %add3A_449 : i32 to index
      %swap3A_451 = tpu.vector_load %arg9[%swap3A_450] {strides = array<i32>} : memref<16384xi32, #tpu.memory_space<vmem>>, vector<16xi32>,
      %swap3A_452 = vector.shape_cast %swap3A_451 : vector<16xi32> to vector<16xi32>
      %swap3A_453 = vector.shape_cast %select_n3A_445 : vector<16xi32> to vector<16xi32>
      tpu.vector_store %arg9[%swap3A_450], %swap3A_453 {strides = array<i32>} : memref<16384xi32, #tpu.memory_space<vmem>>, vector<16xi32>,
      %add3A_454 = arith.constant 4 : i32
      %add3A_455 = vector.broadcast %add3A_454 : i32 to vector<16xi32>
      %add3A_456 = arith.addi %shift_right_arithmetic3A_411, %add3A_455 : vector<16xi32>
      %broadcast_in_dim3A_457 = vector.shape_cast %add3A_456 : vector<16xi32> to vector<16x1xi32>
      %gather3A_458 = vector.shape_cast %broadcast_in_dim3A_457 : vector<16x1xi32> to vector<16xi32>
      %gather3A_459 = tpu.dynamic_gather %add3A_406[%gather3A_458] in [0] : vector<16xi32>, vector<16xi32> -> vector<16xi32>
      %add3A_460 = arith.constant 4 : i32
      %add3A_461 = vector.broadcast %add3A_460 : i32 to vector<16xi32>
      %add3A_462 = arith.addi %shift_right_arithmetic3A_411, %add3A_461 : vector<16xi32>
      %broadcast_in_dim3A_463 = vector.shape_cast %add3A_462 : vector<16xi32> to vector<16x1xi32>
      %gather3A_464 = vector.shape_cast %broadcast_in_dim3A_463 : vector<16x1xi32> to vector<16xi32>
      %gather3A_465 = tpu.dynamic_gather %add3A_407[%gather3A_464] in [0] : vector<16xi32>, vector<16xi32> -> vector<16xi32>
      %add3A_466 = arith.constant 4 : i32
      %add3A_467 = vector.broadcast %add3A_466 : i32 to vector<16xi32>
      %add3A_468 = arith.addi %shift_right_arithmetic3A_411, %add3A_467 : vector<16xi32>
      %broadcast_in_dim3A_469 = vector.shape_cast %add3A_468 : vector<16xi32> to vector<16x1xi32>
      %gather3A_470 = vector.shape_cast %broadcast_in_dim3A_469 : vector<16x1xi32> to vector<16xi32>
      %gather3A_471 = tpu.dynamic_gather %add3A_408[%gather3A_470] in [0] : vector<16xi32>, vector<16xi32> -> vector<16xi32>
      %add3A_472 = arith.constant 4 : i32
      %add3A_473 = vector.broadcast %add3A_472 : i32 to vector<16xi32>
      %add3A_474 = arith.addi %shift_right_arithmetic3A_411, %add3A_473 : vector<16xi32>
      %broadcast_in_dim3A_475 = vector.shape_cast %add3A_474 : vector<16xi32> to vector<16x1xi32>
      %gather3A_476 = vector.shape_cast %broadcast_in_dim3A_475 : vector<16x1xi32> to vector<16xi32>
      %gather3A_477 = tpu.dynamic_gather %add3A_409[%gather3A_476] in [0] : vector<16xi32>, vector<16xi32> -> vector<16xi32>
      %eq3A_478 = arith.constant 0 : i32
      %eq3A_479 = vector.broadcast %eq3A_478 : i32 to vector<16xi32>
      %eq3A_480 = arith.cmpi eq, %and3A_413, %eq3A_479 : vector<16xi32>
      %eq3A_481 = arith.constant 1 : i32
      %eq3A_482 = vector.broadcast %eq3A_481 : i32 to vector<16xi32>
      %eq3A_483 = arith.cmpi eq, %and3A_413, %eq3A_482 : vector<16xi32>
      %eq3A_484 = arith.constant 2 : i32
      %eq3A_485 = vector.broadcast %eq3A_484 : i32 to vector<16xi32>
      %eq3A_486 = arith.cmpi eq, %and3A_413, %eq3A_485 : vector<16xi32>
      %select_n3A_487 = arith.select %eq3A_486, %gather3A_471, %gather3A_477 : vector<16xi1>, vector<16xi32>
      %select_n3A_488 = arith.select %eq3A_483, %gather3A_465, %select_n3A_487 : vector<16xi1>, vector<16xi32>
      %select_n3A_489 = arith.select %eq3A_480, %gather3A_459, %select_n3A_488 : vector<16xi1>, vector<16xi32>
      %mul3A_490 = arith.constant 4 : i32
      %mul3A_491 = arith.muli %mul3A_490, %mul3A_358 : i32
      %add3A_492 = arith.constant 16 : i32
      %add3A_493 = arith.addi %mul3A_491, %add3A_492 : i32
      %swap3A_494 = arith.index_cast %add3A_493 : i32 to index
      %swap3A_495 = tpu.vector_load %arg9[%swap3A_494] {strides = array<i32>} : memref<16384xi32, #tpu.memory_space<vmem>>, vector<16xi32>,
      %swap3A_496 = vector.shape_cast %swap3A_495 : vector<16xi32> to vector<16xi32>
      %swap3A_497 = vector.shape_cast %select_n3A_489 : vector<16xi32> to vector<16xi32>
      tpu.vector_store %arg9[%swap3A_494], %swap3A_497 {strides = array<i32>} : memref<16384xi32, #tpu.memory_space<vmem>>, vector<16xi32>,
      %add3A_498 = arith.constant 8 : i32
      %add3A_499 = vector.broadcast %add3A_498 : i32 to vector<16xi32>
      %add3A_500 = arith.addi %shift_right_arithmetic3A_411, %add3A_499 : vector<16xi32>
      %broadcast_in_dim3A_501 = vector.shape_cast %add3A_500 : vector<16xi32> to vector<16x1xi32>
      %gather3A_502 = vector.shape_cast %broadcast_in_dim3A_501 : vector<16x1xi32> to vector<16xi32>
      %gather3A_503 = tpu.dynamic_gather %add3A_406[%gather3A_502] in [0] : vector<16xi32>, vector<16xi32> -> vector<16xi32>
      %add3A_504 = arith.constant 8 : i32
      %add3A_505 = vector.broadcast %add3A_504 : i32 to vector<16xi32>
      %add3A_506 = arith.addi %shift_right_arithmetic3A_411, %add3A_505 : vector<16xi32>
      %broadcast_in_dim3A_507 = vector.shape_cast %add3A_506 : vector<16xi32> to vector<16x1xi32>
      %gather3A_508 = vector.shape_cast %broadcast_in_dim3A_507 : vector<16x1xi32> to vector<16xi32>
      %gather3A_509 = tpu.dynamic_gather %add3A_407[%gather3A_508] in [0] : vector<16xi32>, vector<16xi32> -> vector<16xi32>
      %add3A_510 = arith.constant 8 : i32
      %add3A_511 = vector.broadcast %add3A_510 : i32 to vector<16xi32>
      %add3A_512 = arith.addi %shift_right_arithmetic3A_411, %add3A_511 : vector<16xi32>
      %broadcast_in_dim3A_513 = vector.shape_cast %add3A_512 : vector<16xi32> to vector<16x1xi32>
      %gather3A_514 = vector.shape_cast %broadcast_in_dim3A_513 : vector<16x1xi32> to vector<16xi32>
      %gather3A_515 = tpu.dynamic_gather %add3A_408[%gather3A_514] in [0] : vector<16xi32>, vector<16xi32> -> vector<16xi32>
      %add3A_516 = arith.constant 8 : i32
      %add3A_517 = vector.broadcast %add3A_516 : i32 to vector<16xi32>
      %add3A_518 = arith.addi %shift_right_arithmetic3A_411, %add3A_517 : vector<16xi32>
      %broadcast_in_dim3A_519 = vector.shape_cast %add3A_518 : vector<16xi32> to vector<16x1xi32>
      %gather3A_520 = vector.shape_cast %broadcast_in_dim3A_519 : vector<16x1xi32> to vector<16xi32>
      %gather3A_521 = tpu.dynamic_gather %add3A_409[%gather3A_520] in [0] : vector<16xi32>, vector<16xi32> -> vector<16xi32>
      %eq3A_522 = arith.constant 0 : i32
      %eq3A_523 = vector.broadcast %eq3A_522 : i32 to vector<16xi32>
      %eq3A_524 = arith.cmpi eq, %and3A_413, %eq3A_523 : vector<16xi32>
      %eq3A_525 = arith.constant 1 : i32
      %eq3A_526 = vector.broadcast %eq3A_525 : i32 to vector<16xi32>
      %eq3A_527 = arith.cmpi eq, %and3A_413, %eq3A_526 : vector<16xi32>
      %eq3A_528 = arith.constant 2 : i32
      %eq3A_529 = vector.broadcast %eq3A_528 : i32 to vector<16xi32>
      %eq3A_530 = arith.cmpi eq, %and3A_413, %eq3A_529 : vector<16xi32>
      %select_n3A_531 = arith.select %eq3A_530, %gather3A_515, %gather3A_521 : vector<16xi1>, vector<16xi32>
      %select_n3A_532 = arith.select %eq3A_527, %gather3A_509, %select_n3A_531 : vector<16xi1>, vector<16xi32>
      %select_n3A_533 = arith.select %eq3A_524, %gather3A_503, %select_n3A_532 : vector<16xi1>, vector<16xi32>
      %mul3A_534 = arith.constant 4 : i32
      %mul3A_535 = arith.muli %mul3A_534, %mul3A_358 : i32
      %add3A_536 = arith.constant 32 : i32
      %add3A_537 = arith.addi %mul3A_535, %add3A_536 : i32
      %swap3A_538 = arith.index_cast %add3A_537 : i32 to index
      %swap3A_539 = tpu.vector_load %arg9[%swap3A_538] {strides = array<i32>} : memref<16384xi32, #tpu.memory_space<vmem>>, vector<16xi32>,
      %swap3A_540 = vector.shape_cast %swap3A_539 : vector<16xi32> to vector<16xi32>
      %swap3A_541 = vector.shape_cast %select_n3A_533 : vector<16xi32> to vector<16xi32>
      tpu.vector_store %arg9[%swap3A_538], %swap3A_541 {strides = array<i32>} : memref<16384xi32, #tpu.memory_space<vmem>>, vector<16xi32>,
      %add3A_542 = arith.constant 12 : i32
      %add3A_543 = vector.broadcast %add3A_542 : i32 to vector<16xi32>
      %add3A_544 = arith.addi %shift_right_arithmetic3A_411, %add3A_543 : vector<16xi32>
      %broadcast_in_dim3A_545 = vector.shape_cast %add3A_544 : vector<16xi32> to vector<16x1xi32>
      %gather3A_546 = vector.shape_cast %broadcast_in_dim3A_545 : vector<16x1xi32> to vector<16xi32>
      %gather3A_547 = tpu.dynamic_gather %add3A_406[%gather3A_546] in [0] : vector<16xi32>, vector<16xi32> -> vector<16xi32>
      %add3A_548 = arith.constant 12 : i32
      %add3A_549 = vector.broadcast %add3A_548 : i32 to vector<16xi32>
      %add3A_550 = arith.addi %shift_right_arithmetic3A_411, %add3A_549 : vector<16xi32>
      %broadcast_in_dim3A_551 = vector.shape_cast %add3A_550 : vector<16xi32> to vector<16x1xi32>
      %gather3A_552 = vector.shape_cast %broadcast_in_dim3A_551 : vector<16x1xi32> to vector<16xi32>
      %gather3A_553 = tpu.dynamic_gather %add3A_407[%gather3A_552] in [0] : vector<16xi32>, vector<16xi32> -> vector<16xi32>
      %add3A_554 = arith.constant 12 : i32
      %add3A_555 = vector.broadcast %add3A_554 : i32 to vector<16xi32>
      %add3A_556 = arith.addi %shift_right_arithmetic3A_411, %add3A_555 : vector<16xi32>
      %broadcast_in_dim3A_557 = vector.shape_cast %add3A_556 : vector<16xi32> to vector<16x1xi32>
      %gather3A_558 = vector.shape_cast %broadcast_in_dim3A_557 : vector<16x1xi32> to vector<16xi32>
      %gather3A_559 = tpu.dynamic_gather %add3A_408[%gather3A_558] in [0] : vector<16xi32>, vector<16xi32> -> vector<16xi32>
      %add3A_560 = arith.constant 12 : i32
      %add3A_561 = vector.broadcast %add3A_560 : i32 to vector<16xi32>
      %add3A_562 = arith.addi %shift_right_arithmetic3A_411, %add3A_561 : vector<16xi32>
      %broadcast_in_dim3A_563 = vector.shape_cast %add3A_562 : vector<16xi32> to vector<16x1xi32>
      %gather3A_564 = vector.shape_cast %broadcast_in_dim3A_563 : vector<16x1xi32> to vector<16xi32>
      %gather3A_565 = tpu.dynamic_gather %add3A_409[%gather3A_564] in [0] : vector<16xi32>, vector<16xi32> -> vector<16xi32>
      %eq3A_566 = arith.constant 0 : i32
      %eq3A_567 = vector.broadcast %eq3A_566 : i32 to vector<16xi32>
      %eq3A_568 = arith.cmpi eq, %and3A_413, %eq3A_567 : vector<16xi32>
      %eq3A_569 = arith.constant 1 : i32
      %eq3A_570 = vector.broadcast %eq3A_569 : i32 to vector<16xi32>
      %eq3A_571 = arith.cmpi eq, %and3A_413, %eq3A_570 : vector<16xi32>
      %eq3A_572 = arith.constant 2 : i32
      %eq3A_573 = vector.broadcast %eq3A_572 : i32 to vector<16xi32>
      %eq3A_574 = arith.cmpi eq, %and3A_413, %eq3A_573 : vector<16xi32>
      %select_n3A_575 = arith.select %eq3A_574, %gather3A_559, %gather3A_565 : vector<16xi1>, vector<16xi32>
      %select_n3A_576 = arith.select %eq3A_571, %gather3A_553, %select_n3A_575 : vector<16xi1>, vector<16xi32>
      %select_n3A_577 = arith.select %eq3A_568, %gather3A_547, %select_n3A_576 : vector<16xi1>, vector<16xi32>
      %mul3A_578 = arith.constant 4 : i32
      %mul3A_579 = arith.muli %mul3A_578, %mul3A_358 : i32
      %add3A_580 = arith.constant 48 : i32
      %add3A_581 = arith.addi %mul3A_579, %add3A_580 : i32
      %swap3A_582 = arith.index_cast %add3A_581 : i32 to index
      %swap3A_583 = tpu.vector_load %arg9[%swap3A_582] {strides = array<i32>} : memref<16384xi32, #tpu.memory_space<vmem>>, vector<16xi32>,
      %swap3A_584 = vector.shape_cast %swap3A_583 : vector<16xi32> to vector<16xi32>
      %swap3A_585 = vector.shape_cast %select_n3A_577 : vector<16xi32> to vector<16xi32>
      tpu.vector_store %arg9[%swap3A_582], %swap3A_585 {strides = array<i32>} : memref<16384xi32, #tpu.memory_space<vmem>>, vector<16xi32>,
    }
    %scan3A_287 = arith.constant 256 : i32
    %dma_wait3A_288 = arith.constant 0 : i32
    %dma_wait3A_289 = tpu.memref_slice %arg3[%dma_wait3A_288] : memref<4194304xf32, #tpu.memory_space<hbm>> -> memref<4194304xf32, #tpu.memory_space<hbm>>
    tpu.wait_indirect_dma semaphore(%arg22 : memref<!tpu.dma_semaphore, #tpu.memory_space<semaphore_mem>>) src(%dma_wait3A_289 : memref<4194304xf32, #tpu.memory_space<hbm>>) dst(%arg12 : memref<16384xf32, #tpu.memory_space<vmem>>)
    %dma_start3A_290 = arith.constant 0 : i32
    %dma_start3A_291 = tpu.memref_slice %arg3[%dma_start3A_290] : memref<4194304xf32, #tpu.memory_space<hbm>> -> memref<4194304xf32, #tpu.memory_space<hbm>>
    tpu.enqueue_indirect_dma source(%dma_start3A_291 : memref<4194304xf32, #tpu.memory_space<hbm>>) target(%arg11 : memref<16384xf32, #tpu.memory_space<vmem>>) offsets(%arg9 : memref<16384xi32, #tpu.memory_space<vmem>>) semaphore(%arg21 : memref<!tpu.dma_semaphore, #tpu.memory_space<semaphore_mem>>)
    %dma_wait3A_292 = tpu.memref_slice %arg4[%add3A_212] : memref<1048576xf32, #tpu.memory_space<hbm>> -> memref<4096xf32, #tpu.memory_space<hbm>>
    %dma_wait3A_293 = tpu.memref_slice %arg4[%add3A_212] : memref<1048576xf32, #tpu.memory_space<hbm>> -> memref<4096xf32, #tpu.memory_space<hbm>>
    tpu.wait_dma2 semaphore(%arg24 : memref<!tpu.dma_semaphore, #tpu.memory_space<semaphore_mem>>) src(%arg18 : memref<4096xf32, #tpu.memory_space<vmem>>) dst(%dma_wait3A_293 : memref<4096xf32, #tpu.memory_space<hbm>>)
    %scan3A_294 = arith.constant 0 : i32
    %scan3A_295 = arith.constant 256 : i32
    %scan3A_296 = arith.addi %scan3A_294, %scan3A_295 : i32
    %scan3A_297 = arith.constant 1 : i32
    scf.for %scan3A_352 = %scan3A_294 to %scan3A_296 step %scan3A_297  : i32 {
      %mul3A_353 = arith.constant 1 : i32
      %mul3A_354 = arith.muli %scan3A_352, %mul3A_353 : i32
      %add3A_355 = arith.constant 0 : i32
      %add3A_356 = arith.addi %add3A_355, %mul3A_354 : i32
      %mul3A_357 = arith.constant 16 : i32
      %mul3A_358 = arith.muli %add3A_356, %mul3A_357 : i32
      %mul3A_359 = arith.constant 4 : i32
      %mul3A_360 = arith.muli %mul3A_359, %mul3A_358 : i32
      %add3A_361 = arith.constant 0 : i32
      %add3A_362 = arith.addi %mul3A_360, %add3A_361 : i32
      %get3A = arith.index_cast %add3A_362 : i32 to index
      %get3A_363 = tpu.vector_load %arg12[%get3A] {strides = array<i32>} : memref<16384xf32, #tpu.memory_space<vmem>>, vector<16xf32>,
      %get3A_364 = vector.shape_cast %get3A_363 : vector<16xf32> to vector<16xf32>
      %mul3A_365 = arith.constant 4 : i32
      %mul3A_366 = arith.muli %mul3A_365, %mul3A_358 : i32
      %add3A_367 = arith.constant 16 : i32
      %add3A_368 = arith.addi %mul3A_366, %add3A_367 : i32
      %get3A_369 = arith.index_cast %add3A_368 : i32 to index
      %get3A_370 = tpu.vector_load %arg12[%get3A_369] {strides = array<i32>} : memref<16384xf32, #tpu.memory_space<vmem>>, vector<16xf32>,
      %get3A_371 = vector.shape_cast %get3A_370 : vector<16xf32> to vector<16xf32>
      %mul3A_372 = arith.constant 4 : i32
      %mul3A_373 = arith.muli %mul3A_372, %mul3A_358 : i32
      %add3A_374 = arith.constant 32 : i32
      %add3A_375 = arith.addi %mul3A_373, %add3A_374 : i32
      %get3A_376 = arith.index_cast %add3A_375 : i32 to index
      %get3A_377 = tpu.vector_load %arg12[%get3A_376] {strides = array<i32>} : memref<16384xf32, #tpu.memory_space<vmem>>, vector<16xf32>,
      %get3A_378 = vector.shape_cast %get3A_377 : vector<16xf32> to vector<16xf32>
      %mul3A_379 = arith.constant 4 : i32
      %mul3A_380 = arith.muli %mul3A_379, %mul3A_358 : i32
      %add3A_381 = arith.constant 48 : i32
      %add3A_382 = arith.addi %mul3A_380, %add3A_381 : i32
      %get3A_383 = arith.index_cast %add3A_382 : i32 to index
      %get3A_384 = tpu.vector_load %arg12[%get3A_383] {strides = array<i32>} : memref<16384xf32, #tpu.memory_space<vmem>>, vector<16xf32>,
      %get3A_385 = vector.shape_cast %get3A_384 : vector<16xf32> to vector<16xf32>
      %and3A = arith.constant 3 : i32
      %and3A_386 = vector.broadcast %and3A : i32 to vector<16xi32>
      %and3A_387 = arith.andi %iota3A, %and3A_386 : vector<16xi32>
      %mul3A_388 = arith.constant 4 : i32
      %mul3A_389 = vector.broadcast %mul3A_388 : i32 to vector<16xi32>
      %mul3A_390 = arith.muli %and3A_387, %mul3A_389 : vector<16xi32>
      %add3A_391 = arith.constant 0 : i32
      %add3A_392 = vector.broadcast %add3A_391 : i32 to vector<16xi32>
      %add3A_393 = arith.addi %mul3A_390, %add3A_392 : vector<16xi32>
      %broadcast_in_dim3A = vector.shape_cast %add3A_393 : vector<16xi32> to vector<16x1xi32>
      %gather3A = vector.shape_cast %broadcast_in_dim3A : vector<16x1xi32> to vector<16xi32>
      %gather3A_394 = tpu.dynamic_gather %get3A_364[%gather3A] in [0] : vector<16xf32>, vector<16xi32> -> vector<16xf32>
      %mul3A_395 = arith.constant 4 : i32
      %mul3A_396 = vector.broadcast %mul3A_395 : i32 to vector<16xi32>
      %mul3A_397 = arith.muli %and3A_387, %mul3A_396 : vector<16xi32>
      %add3A_398 = arith.constant 0 : i32
      %add3A_399 = vector.broadcast %add3A_398 : i32 to vector<16xi32>
      %add3A_400 = arith.addi %mul3A_397, %add3A_399 : vector<16xi32>
      %broadcast_in_dim3A_401 = vector.shape_cast %add3A_400 : vector<16xi32> to vector<16x1xi32>
      %gather3A_402 = vector.shape_cast %broadcast_in_dim3A_401 : vector<16x1xi32> to vector<16xi32>
      %gather3A_403 = tpu.dynamic_gather %get3A_371[%gather3A_402] in [0] : vector<16xf32>, vector<16xi32> -> vector<16xf32>
      %mul3A_404 = arith.constant 4 : i32
      %mul3A_405 = vector.broadcast %mul3A_404 : i32 to vector<16xi32>
      %mul3A_406 = arith.muli %and3A_387, %mul3A_405 : vector<16xi32>
      %add3A_407 = arith.constant 0 : i32
      %add3A_408 = vector.broadcast %add3A_407 : i32 to vector<16xi32>
      %add3A_409 = arith.addi %mul3A_406, %add3A_408 : vector<16xi32>
      %broadcast_in_dim3A_410 = vector.shape_cast %add3A_409 : vector<16xi32> to vector<16x1xi32>
      %gather3A_411 = vector.shape_cast %broadcast_in_dim3A_410 : vector<16x1xi32> to vector<16xi32>
      %gather3A_412 = tpu.dynamic_gather %get3A_378[%gather3A_411] in [0] : vector<16xf32>, vector<16xi32> -> vector<16xf32>
      %mul3A_413 = arith.constant 4 : i32
      %mul3A_414 = vector.broadcast %mul3A_413 : i32 to vector<16xi32>
      %mul3A_415 = arith.muli %and3A_387, %mul3A_414 : vector<16xi32>
      %add3A_416 = arith.constant 0 : i32
      %add3A_417 = vector.broadcast %add3A_416 : i32 to vector<16xi32>
      %add3A_418 = arith.addi %mul3A_415, %add3A_417 : vector<16xi32>
      %broadcast_in_dim3A_419 = vector.shape_cast %add3A_418 : vector<16xi32> to vector<16x1xi32>
      %gather3A_420 = vector.shape_cast %broadcast_in_dim3A_419 : vector<16x1xi32> to vector<16xi32>
      %gather3A_421 = tpu.dynamic_gather %get3A_385[%gather3A_420] in [0] : vector<16xf32>, vector<16xi32> -> vector<16xf32>
      %lt3A = arith.constant 4 : i32
      %lt3A_422 = vector.broadcast %lt3A : i32 to vector<16xi32>
      %lt3A_423 = arith.cmpi slt, %iota3A, %lt3A_422 : vector<16xi32>
      %lt3A_424 = arith.constant 8 : i32
      %lt3A_425 = vector.broadcast %lt3A_424 : i32 to vector<16xi32>
      %lt3A_426 = arith.cmpi slt, %iota3A, %lt3A_425 : vector<16xi32>
      %lt3A_427 = arith.constant 12 : i32
      %lt3A_428 = vector.broadcast %lt3A_427 : i32 to vector<16xi32>
      %lt3A_429 = arith.cmpi slt, %iota3A, %lt3A_428 : vector<16xi32>
      %select_n3A = arith.select %lt3A_429, %gather3A_412, %gather3A_421 : vector<16xi1>, vector<16xf32>
      %select_n3A_430 = arith.select %lt3A_426, %gather3A_403, %select_n3A : vector<16xi1>, vector<16xf32>
      %select_n3A_431 = arith.select %lt3A_423, %gather3A_394, %select_n3A_430 : vector<16xi1>, vector<16xf32>
      %mul3A_432 = arith.constant 4 : i32
      %mul3A_433 = vector.broadcast %mul3A_432 : i32 to vector<16xi32>
      %mul3A_434 = arith.muli %and3A_387, %mul3A_433 : vector<16xi32>
      %add3A_435 = arith.constant 1 : i32
      %add3A_436 = vector.broadcast %add3A_435 : i32 to vector<16xi32>
      %add3A_437 = arith.addi %mul3A_434, %add3A_436 : vector<16xi32>
      %broadcast_in_dim3A_438 = vector.shape_cast %add3A_437 : vector<16xi32> to vector<16x1xi32>
      %gather3A_439 = vector.shape_cast %broadcast_in_dim3A_438 : vector<16x1xi32> to vector<16xi32>
      %gather3A_440 = tpu.dynamic_gather %get3A_364[%gather3A_439] in [0] : vector<16xf32>, vector<16xi32> -> vector<16xf32>
      %mul3A_441 = arith.constant 4 : i32
      %mul3A_442 = vector.broadcast %mul3A_441 : i32 to vector<16xi32>
      %mul3A_443 = arith.muli %and3A_387, %mul3A_442 : vector<16xi32>
      %add3A_444 = arith.constant 1 : i32
      %add3A_445 = vector.broadcast %add3A_444 : i32 to vector<16xi32>
      %add3A_446 = arith.addi %mul3A_443, %add3A_445 : vector<16xi32>
      %broadcast_in_dim3A_447 = vector.shape_cast %add3A_446 : vector<16xi32> to vector<16x1xi32>
      %gather3A_448 = vector.shape_cast %broadcast_in_dim3A_447 : vector<16x1xi32> to vector<16xi32>
      %gather3A_449 = tpu.dynamic_gather %get3A_371[%gather3A_448] in [0] : vector<16xf32>, vector<16xi32> -> vector<16xf32>
      %mul3A_450 = arith.constant 4 : i32
      %mul3A_451 = vector.broadcast %mul3A_450 : i32 to vector<16xi32>
      %mul3A_452 = arith.muli %and3A_387, %mul3A_451 : vector<16xi32>
      %add3A_453 = arith.constant 1 : i32
      %add3A_454 = vector.broadcast %add3A_453 : i32 to vector<16xi32>
      %add3A_455 = arith.addi %mul3A_452, %add3A_454 : vector<16xi32>
      %broadcast_in_dim3A_456 = vector.shape_cast %add3A_455 : vector<16xi32> to vector<16x1xi32>
      %gather3A_457 = vector.shape_cast %broadcast_in_dim3A_456 : vector<16x1xi32> to vector<16xi32>
      %gather3A_458 = tpu.dynamic_gather %get3A_378[%gather3A_457] in [0] : vector<16xf32>, vector<16xi32> -> vector<16xf32>
      %mul3A_459 = arith.constant 4 : i32
      %mul3A_460 = vector.broadcast %mul3A_459 : i32 to vector<16xi32>
      %mul3A_461 = arith.muli %and3A_387, %mul3A_460 : vector<16xi32>
      %add3A_462 = arith.constant 1 : i32
      %add3A_463 = vector.broadcast %add3A_462 : i32 to vector<16xi32>
      %add3A_464 = arith.addi %mul3A_461, %add3A_463 : vector<16xi32>
      %broadcast_in_dim3A_465 = vector.shape_cast %add3A_464 : vector<16xi32> to vector<16x1xi32>
      %gather3A_466 = vector.shape_cast %broadcast_in_dim3A_465 : vector<16x1xi32> to vector<16xi32>
      %gather3A_467 = tpu.dynamic_gather %get3A_385[%gather3A_466] in [0] : vector<16xf32>, vector<16xi32> -> vector<16xf32>
      %lt3A_468 = arith.constant 4 : i32
      %lt3A_469 = vector.broadcast %lt3A_468 : i32 to vector<16xi32>
      %lt3A_470 = arith.cmpi slt, %iota3A, %lt3A_469 : vector<16xi32>
      %lt3A_471 = arith.constant 8 : i32
      %lt3A_472 = vector.broadcast %lt3A_471 : i32 to vector<16xi32>
      %lt3A_473 = arith.cmpi slt, %iota3A, %lt3A_472 : vector<16xi32>
      %lt3A_474 = arith.constant 12 : i32
      %lt3A_475 = vector.broadcast %lt3A_474 : i32 to vector<16xi32>
      %lt3A_476 = arith.cmpi slt, %iota3A, %lt3A_475 : vector<16xi32>
      %select_n3A_477 = arith.select %lt3A_476, %gather3A_458, %gather3A_467 : vector<16xi1>, vector<16xf32>
      %select_n3A_478 = arith.select %lt3A_473, %gather3A_449, %select_n3A_477 : vector<16xi1>, vector<16xf32>
      %select_n3A_479 = arith.select %lt3A_470, %gather3A_440, %select_n3A_478 : vector<16xi1>, vector<16xf32>
      %mul3A_480 = arith.constant 4 : i32
      %mul3A_481 = vector.broadcast %mul3A_480 : i32 to vector<16xi32>
      %mul3A_482 = arith.muli %and3A_387, %mul3A_481 : vector<16xi32>
      %add3A_483 = arith.constant 2 : i32
      %add3A_484 = vector.broadcast %add3A_483 : i32 to vector<16xi32>
      %add3A_485 = arith.addi %mul3A_482, %add3A_484 : vector<16xi32>
      %broadcast_in_dim3A_486 = vector.shape_cast %add3A_485 : vector<16xi32> to vector<16x1xi32>
      %gather3A_487 = vector.shape_cast %broadcast_in_dim3A_486 : vector<16x1xi32> to vector<16xi32>
      %gather3A_488 = tpu.dynamic_gather %get3A_364[%gather3A_487] in [0] : vector<16xf32>, vector<16xi32> -> vector<16xf32>
      %mul3A_489 = arith.constant 4 : i32
      %mul3A_490 = vector.broadcast %mul3A_489 : i32 to vector<16xi32>
      %mul3A_491 = arith.muli %and3A_387, %mul3A_490 : vector<16xi32>
      %add3A_492 = arith.constant 2 : i32
      %add3A_493 = vector.broadcast %add3A_492 : i32 to vector<16xi32>
      %add3A_494 = arith.addi %mul3A_491, %add3A_493 : vector<16xi32>
      %broadcast_in_dim3A_495 = vector.shape_cast %add3A_494 : vector<16xi32> to vector<16x1xi32>
      %gather3A_496 = vector.shape_cast %broadcast_in_dim3A_495 : vector<16x1xi32> to vector<16xi32>
      %gather3A_497 = tpu.dynamic_gather %get3A_371[%gather3A_496] in [0] : vector<16xf32>, vector<16xi32> -> vector<16xf32>
      %mul3A_498 = arith.constant 4 : i32
      %mul3A_499 = vector.broadcast %mul3A_498 : i32 to vector<16xi32>
      %mul3A_500 = arith.muli %and3A_387, %mul3A_499 : vector<16xi32>
      %add3A_501 = arith.constant 2 : i32
      %add3A_502 = vector.broadcast %add3A_501 : i32 to vector<16xi32>
      %add3A_503 = arith.addi %mul3A_500, %add3A_502 : vector<16xi32>
      %broadcast_in_dim3A_504 = vector.shape_cast %add3A_503 : vector<16xi32> to vector<16x1xi32>
      %gather3A_505 = vector.shape_cast %broadcast_in_dim3A_504 : vector<16x1xi32> to vector<16xi32>
      %gather3A_506 = tpu.dynamic_gather %get3A_378[%gather3A_505] in [0] : vector<16xf32>, vector<16xi32> -> vector<16xf32>
      %mul3A_507 = arith.constant 4 : i32
      %mul3A_508 = vector.broadcast %mul3A_507 : i32 to vector<16xi32>
      %mul3A_509 = arith.muli %and3A_387, %mul3A_508 : vector<16xi32>
      %add3A_510 = arith.constant 2 : i32
      %add3A_511 = vector.broadcast %add3A_510 : i32 to vector<16xi32>
      %add3A_512 = arith.addi %mul3A_509, %add3A_511 : vector<16xi32>
      %broadcast_in_dim3A_513 = vector.shape_cast %add3A_512 : vector<16xi32> to vector<16x1xi32>
      %gather3A_514 = vector.shape_cast %broadcast_in_dim3A_513 : vector<16x1xi32> to vector<16xi32>
      %gather3A_515 = tpu.dynamic_gather %get3A_385[%gather3A_514] in [0] : vector<16xf32>, vector<16xi32> -> vector<16xf32>
      %lt3A_516 = arith.constant 4 : i32
      %lt3A_517 = vector.broadcast %lt3A_516 : i32 to vector<16xi32>
      %lt3A_518 = arith.cmpi slt, %iota3A, %lt3A_517 : vector<16xi32>
      %lt3A_519 = arith.constant 8 : i32
      %lt3A_520 = vector.broadcast %lt3A_519 : i32 to vector<16xi32>
      %lt3A_521 = arith.cmpi slt, %iota3A, %lt3A_520 : vector<16xi32>
      %lt3A_522 = arith.constant 12 : i32
      %lt3A_523 = vector.broadcast %lt3A_522 : i32 to vector<16xi32>
      %lt3A_524 = arith.cmpi slt, %iota3A, %lt3A_523 : vector<16xi32>
      %select_n3A_525 = arith.select %lt3A_524, %gather3A_506, %gather3A_515 : vector<16xi1>, vector<16xf32>
      %select_n3A_526 = arith.select %lt3A_521, %gather3A_497, %select_n3A_525 : vector<16xi1>, vector<16xf32>
      %select_n3A_527 = arith.select %lt3A_518, %gather3A_488, %select_n3A_526 : vector<16xi1>, vector<16xf32>
      %mul3A_528 = arith.constant 4 : i32
      %mul3A_529 = vector.broadcast %mul3A_528 : i32 to vector<16xi32>
      %mul3A_530 = arith.muli %and3A_387, %mul3A_529 : vector<16xi32>
      %add3A_531 = arith.constant 3 : i32
      %add3A_532 = vector.broadcast %add3A_531 : i32 to vector<16xi32>
      %add3A_533 = arith.addi %mul3A_530, %add3A_532 : vector<16xi32>
      %broadcast_in_dim3A_534 = vector.shape_cast %add3A_533 : vector<16xi32> to vector<16x1xi32>
      %gather3A_535 = vector.shape_cast %broadcast_in_dim3A_534 : vector<16x1xi32> to vector<16xi32>
      %gather3A_536 = tpu.dynamic_gather %get3A_364[%gather3A_535] in [0] : vector<16xf32>, vector<16xi32> -> vector<16xf32>
      %mul3A_537 = arith.constant 4 : i32
      %mul3A_538 = vector.broadcast %mul3A_537 : i32 to vector<16xi32>
      %mul3A_539 = arith.muli %and3A_387, %mul3A_538 : vector<16xi32>
      %add3A_540 = arith.constant 3 : i32
      %add3A_541 = vector.broadcast %add3A_540 : i32 to vector<16xi32>
      %add3A_542 = arith.addi %mul3A_539, %add3A_541 : vector<16xi32>
      %broadcast_in_dim3A_543 = vector.shape_cast %add3A_542 : vector<16xi32> to vector<16x1xi32>
      %gather3A_544 = vector.shape_cast %broadcast_in_dim3A_543 : vector<16x1xi32> to vector<16xi32>
      %gather3A_545 = tpu.dynamic_gather %get3A_371[%gather3A_544] in [0] : vector<16xf32>, vector<16xi32> -> vector<16xf32>
      %mul3A_546 = arith.constant 4 : i32
      %mul3A_547 = vector.broadcast %mul3A_546 : i32 to vector<16xi32>
      %mul3A_548 = arith.muli %and3A_387, %mul3A_547 : vector<16xi32>
      %add3A_549 = arith.constant 3 : i32
      %add3A_550 = vector.broadcast %add3A_549 : i32 to vector<16xi32>
      %add3A_551 = arith.addi %mul3A_548, %add3A_550 : vector<16xi32>
      %broadcast_in_dim3A_552 = vector.shape_cast %add3A_551 : vector<16xi32> to vector<16x1xi32>
      %gather3A_553 = vector.shape_cast %broadcast_in_dim3A_552 : vector<16x1xi32> to vector<16xi32>
      %gather3A_554 = tpu.dynamic_gather %get3A_378[%gather3A_553] in [0] : vector<16xf32>, vector<16xi32> -> vector<16xf32>
      %mul3A_555 = arith.constant 4 : i32
      %mul3A_556 = vector.broadcast %mul3A_555 : i32 to vector<16xi32>
      %mul3A_557 = arith.muli %and3A_387, %mul3A_556 : vector<16xi32>
      %add3A_558 = arith.constant 3 : i32
      %add3A_559 = vector.broadcast %add3A_558 : i32 to vector<16xi32>
      %add3A_560 = arith.addi %mul3A_557, %add3A_559 : vector<16xi32>
      %broadcast_in_dim3A_561 = vector.shape_cast %add3A_560 : vector<16xi32> to vector<16x1xi32>
      %gather3A_562 = vector.shape_cast %broadcast_in_dim3A_561 : vector<16x1xi32> to vector<16xi32>
      %gather3A_563 = tpu.dynamic_gather %get3A_385[%gather3A_562] in [0] : vector<16xf32>, vector<16xi32> -> vector<16xf32>
      %lt3A_564 = arith.constant 4 : i32
      %lt3A_565 = vector.broadcast %lt3A_564 : i32 to vector<16xi32>
      %lt3A_566 = arith.cmpi slt, %iota3A, %lt3A_565 : vector<16xi32>
      %lt3A_567 = arith.constant 8 : i32
      %lt3A_568 = vector.broadcast %lt3A_567 : i32 to vector<16xi32>
      %lt3A_569 = arith.cmpi slt, %iota3A, %lt3A_568 : vector<16xi32>
      %lt3A_570 = arith.constant 12 : i32
      %lt3A_571 = vector.broadcast %lt3A_570 : i32 to vector<16xi32>
      %lt3A_572 = arith.cmpi slt, %iota3A, %lt3A_571 : vector<16xi32>
      %select_n3A_573 = arith.select %lt3A_572, %gather3A_554, %gather3A_563 : vector<16xi1>, vector<16xf32>
      %select_n3A_574 = arith.select %lt3A_569, %gather3A_545, %select_n3A_573 : vector<16xi1>, vector<16xf32>
      %select_n3A_575 = arith.select %lt3A_566, %gather3A_536, %select_n3A_574 : vector<16xi1>, vector<16xf32>
      %get3A_576 = arith.index_cast %mul3A_358 : i32 to index
      %get3A_577 = tpu.vector_load %arg14[%get3A_576] {strides = array<i32>} : memref<4096xf32, #tpu.memory_space<vmem>>, vector<16xf32>,
      %get3A_578 = vector.shape_cast %get3A_577 : vector<16xf32> to vector<16xf32>
      %get3A_579 = arith.index_cast %mul3A_358 : i32 to index
      %get3A_580 = tpu.vector_load %arg16[%get3A_579] {strides = array<i32>} : memref<4096xf32, #tpu.memory_space<vmem>>, vector<16xf32>,
      %get3A_581 = vector.shape_cast %get3A_580 : vector<16xf32> to vector<16xf32>
      %sub3A = arith.subf %select_n3A_479, %select_n3A_431 : vector<16xf32>
      %mul3A_582 = arith.mulf %get3A_578, %sub3A : vector<16xf32>
      %add3A_583 = arith.addf %select_n3A_431, %mul3A_582 : vector<16xf32>
      %sub3A_584 = arith.subf %select_n3A_575, %select_n3A_527 : vector<16xf32>
      %mul3A_585 = arith.mulf %get3A_578, %sub3A_584 : vector<16xf32>
      %add3A_586 = arith.addf %select_n3A_527, %mul3A_585 : vector<16xf32>
      %sub3A_587 = arith.subf %add3A_586, %add3A_583 : vector<16xf32>
      %mul3A_588 = arith.mulf %get3A_581, %sub3A_587 : vector<16xf32>
      %add3A_589 = arith.addf %add3A_583, %mul3A_588 : vector<16xf32>
      %swap3A = arith.index_cast %mul3A_358 : i32 to index
      %swap3A_590 = tpu.vector_load %arg18[%swap3A] {strides = array<i32>} : memref<4096xf32, #tpu.memory_space<vmem>>, vector<16xf32>,
      %swap3A_591 = vector.shape_cast %swap3A_590 : vector<16xf32> to vector<16xf32>
      %swap3A_592 = vector.shape_cast %add3A_589 : vector<16xf32> to vector<16xf32>
      tpu.vector_store %arg18[%swap3A], %swap3A_592 {strides = array<i32>} : memref<4096xf32, #tpu.memory_space<vmem>>, vector<16xf32>,
    }
    %scan3A_298 = arith.constant 256 : i32
    %add3A_299 = arith.constant 20480 : i32
    %add3A_300 = arith.addi %mul3A_2, %add3A_299 : i32
    %dma_start3A_301 = tpu.memref_slice %arg4[%add3A_300] : memref<1048576xf32, #tpu.memory_space<hbm>> -> memref<4096xf32, #tpu.memory_space<hbm>>
    %dma_start3A_302 = tpu.memref_slice %arg4[%add3A_300] : memref<1048576xf32, #tpu.memory_space<hbm>> -> memref<4096xf32, #tpu.memory_space<hbm>>
    tpu.enqueue_dma source(%arg18 : memref<4096xf32, #tpu.memory_space<vmem>>) target(%dma_start3A_302 : memref<4096xf32, #tpu.memory_space<hbm>>) target_semaphore(%arg24 : memref<!tpu.dma_semaphore, #tpu.memory_space<semaphore_mem>>)
    %dma_wait3A_303 = arith.constant 0 : i32
    %dma_wait3A_304 = tpu.memref_slice %arg2[%dma_wait3A_303, %add3A_270] : memref<2x1048576xf32, #tpu.memory_space<hbm>> -> memref<1x4096xf32, #tpu.memory_space<hbm>>
    %dma_wait3A_305 = tpu.memref_squeeze %dma_wait3A_304 : memref<1x4096xf32, #tpu.memory_space<hbm>> -> memref<4096xf32, #tpu.memory_space<hbm>>
    %dma_wait3A_306 = tpu.memref_slice %arg2[%dma_wait3A_303, %add3A_270] : memref<2x1048576xf32, #tpu.memory_space<hbm>> -> memref<1x4096xf32, #tpu.memory_space<hbm>>
    %dma_wait3A_307 = tpu.memref_squeeze %dma_wait3A_306 : memref<1x4096xf32, #tpu.memory_space<hbm>> -> memref<4096xf32, #tpu.memory_space<hbm>>
    tpu.wait_dma2 semaphore(%arg20 : memref<!tpu.dma_semaphore, #tpu.memory_space<semaphore_mem>>) src(%dma_wait3A_307 : memref<4096xf32, #tpu.memory_space<hbm>>) dst(%arg7 : memref<4096xf32, #tpu.memory_space<vmem>>)
    %dma_wait3A_308 = arith.constant 1 : i32
    %dma_wait3A_309 = tpu.memref_slice %arg2[%dma_wait3A_308, %add3A_270] : memref<2x1048576xf32, #tpu.memory_space<hbm>> -> memref<1x4096xf32, #tpu.memory_space<hbm>>
    %dma_wait3A_310 = tpu.memref_squeeze %dma_wait3A_309 : memref<1x4096xf32, #tpu.memory_space<hbm>> -> memref<4096xf32, #tpu.memory_space<hbm>>
    %dma_wait3A_311 = tpu.memref_slice %arg2[%dma_wait3A_308, %add3A_270] : memref<2x1048576xf32, #tpu.memory_space<hbm>> -> memref<1x4096xf32, #tpu.memory_space<hbm>>
    %dma_wait3A_312 = tpu.memref_squeeze %dma_wait3A_311 : memref<1x4096xf32, #tpu.memory_space<hbm>> -> memref<4096xf32, #tpu.memory_space<hbm>>
    tpu.wait_dma2 semaphore(%arg20 : memref<!tpu.dma_semaphore, #tpu.memory_space<semaphore_mem>>) src(%dma_wait3A_312 : memref<4096xf32, #tpu.memory_space<hbm>>) dst(%arg8 : memref<4096xf32, #tpu.memory_space<vmem>>)
    %scan3A_313 = arith.constant 2.047000e+03 : f32
    %scan3A_314 = arith.constant 2.047000e+03 : f32
    %scan3A_315 = arith.constant 0 : i32
    %scan3A_316 = arith.constant 256 : i32
    %scan3A_317 = arith.addi %scan3A_315, %scan3A_316 : i32
    %scan3A_318 = arith.constant 1 : i32
    scf.for %scan3A_352 = %scan3A_315 to %scan3A_317 step %scan3A_318  : i32 {
      %mul3A_353 = arith.constant 1 : i32
      %mul3A_354 = arith.muli %scan3A_352, %mul3A_353 : i32
      %add3A_355 = arith.constant 0 : i32
      %add3A_356 = arith.addi %add3A_355, %mul3A_354 : i32
      %mul3A_357 = arith.constant 16 : i32
      %mul3A_358 = arith.muli %add3A_356, %mul3A_357 : i32
      %get3A = arith.index_cast %mul3A_358 : i32 to index
      %get3A_359 = tpu.vector_load %arg7[%get3A] {strides = array<i32>} : memref<4096xf32, #tpu.memory_space<vmem>>, vector<16xf32>,
      %get3A_360 = vector.shape_cast %get3A_359 : vector<16xf32> to vector<16xf32>
      %mul3A_361 = vector.broadcast %scan3A_313 : f32 to vector<16xf32>
      %mul3A_362 = arith.mulf %get3A_360, %mul3A_361 : vector<16xf32>
      %get3A_363 = arith.index_cast %mul3A_358 : i32 to index
      %get3A_364 = tpu.vector_load %arg8[%get3A_363] {strides = array<i32>} : memref<4096xf32, #tpu.memory_space<vmem>>, vector<16xf32>,
      %get3A_365 = vector.shape_cast %get3A_364 : vector<16xf32> to vector<16xf32>
      %mul3A_366 = vector.broadcast %scan3A_314 : f32 to vector<16xf32>
      %mul3A_367 = arith.mulf %get3A_365, %mul3A_366 : vector<16xf32>
      %convert_element_type3A = arith.fptosi %mul3A_362 : vector<16xf32> to vector<16xi32>
      %jit3A = arith.constant 0 : i32
      %jit3A_368 = arith.constant 2047 : i32
      %max3A = vector.broadcast %jit3A : i32 to vector<16xi32>
      %max3A_369 = arith.maxsi %max3A, %convert_element_type3A : vector<16xi32>
      %min3A = vector.broadcast %jit3A_368 : i32 to vector<16xi32>
      %min3A_370 = arith.minsi %min3A, %max3A_369 : vector<16xi32>
      %convert_element_type3A_371 = arith.fptosi %mul3A_367 : vector<16xf32> to vector<16xi32>
      %jit3A_372 = arith.constant 0 : i32
      %jit3A_373 = arith.constant 2047 : i32
      %max3A_374 = vector.broadcast %jit3A_372 : i32 to vector<16xi32>
      %max3A_375 = arith.maxsi %max3A_374, %convert_element_type3A_371 : vector<16xi32>
      %min3A_376 = vector.broadcast %jit3A_373 : i32 to vector<16xi32>
      %min3A_377 = arith.minsi %min3A_376, %max3A_375 : vector<16xi32>
      %convert_element_type3A_378 = arith.sitofp %min3A_370 : vector<16xi32> to vector<16xf32>
      %sub3A = arith.subf %mul3A_362, %convert_element_type3A_378 : vector<16xf32>
      %swap3A = arith.index_cast %mul3A_358 : i32 to index
      %swap3A_379 = tpu.vector_load %arg14[%swap3A] {strides = array<i32>} : memref<4096xf32, #tpu.memory_space<vmem>>, vector<16xf32>,
      %swap3A_380 = vector.shape_cast %swap3A_379 : vector<16xf32> to vector<16xf32>
      %swap3A_381 = vector.shape_cast %sub3A : vector<16xf32> to vector<16xf32>
      tpu.vector_store %arg14[%swap3A], %swap3A_381 {strides = array<i32>} : memref<4096xf32, #tpu.memory_space<vmem>>, vector<16xf32>,
      %convert_element_type3A_382 = arith.sitofp %min3A_377 : vector<16xi32> to vector<16xf32>
      %sub3A_383 = arith.subf %mul3A_367, %convert_element_type3A_382 : vector<16xf32>
      %swap3A_384 = arith.index_cast %mul3A_358 : i32 to index
      %swap3A_385 = tpu.vector_load %arg16[%swap3A_384] {strides = array<i32>} : memref<4096xf32, #tpu.memory_space<vmem>>, vector<16xf32>,
      %swap3A_386 = vector.shape_cast %swap3A_385 : vector<16xf32> to vector<16xf32>
      %swap3A_387 = vector.shape_cast %sub3A_383 : vector<16xf32> to vector<16xf32>
      tpu.vector_store %arg16[%swap3A_384], %swap3A_387 {strides = array<i32>} : memref<4096xf32, #tpu.memory_space<vmem>>, vector<16xf32>,
      %add3A_388 = arith.constant 1 : i32
      %add3A_389 = vector.broadcast %add3A_388 : i32 to vector<16xi32>
      %add3A_390 = arith.addi %min3A_370, %add3A_389 : vector<16xi32>
      %min3A_391 = arith.constant 2047 : i32
      %min3A_392 = vector.broadcast %min3A_391 : i32 to vector<16xi32>
      %min3A_393 = arith.minsi %add3A_390, %min3A_392 : vector<16xi32>
      %mul3A_394 = arith.constant 2048 : i32
      %mul3A_395 = vector.broadcast %mul3A_394 : i32 to vector<16xi32>
      %mul3A_396 = arith.muli %min3A_377, %mul3A_395 : vector<16xi32>
      %add3A_397 = arith.constant 1 : i32
      %add3A_398 = vector.broadcast %add3A_397 : i32 to vector<16xi32>
      %add3A_399 = arith.addi %min3A_377, %add3A_398 : vector<16xi32>
      %min3A_400 = arith.constant 2047 : i32
      %min3A_401 = vector.broadcast %min3A_400 : i32 to vector<16xi32>
      %min3A_402 = arith.minsi %add3A_399, %min3A_401 : vector<16xi32>
      %mul3A_403 = arith.constant 2048 : i32
      %mul3A_404 = vector.broadcast %mul3A_403 : i32 to vector<16xi32>
      %mul3A_405 = arith.muli %min3A_402, %mul3A_404 : vector<16xi32>
      %add3A_406 = arith.addi %mul3A_396, %min3A_370 : vector<16xi32>
      %add3A_407 = arith.addi %mul3A_396, %min3A_393 : vector<16xi32>
      %add3A_408 = arith.addi %mul3A_405, %min3A_370 : vector<16xi32>
      %add3A_409 = arith.addi %mul3A_405, %min3A_393 : vector<16xi32>
      %shift_right_arithmetic3A = arith.constant 2 : i32
      %shift_right_arithmetic3A_410 = vector.broadcast %shift_right_arithmetic3A : i32 to vector<16xi32>
      %shift_right_arithmetic3A_411 = arith.shrsi %iota3A, %shift_right_arithmetic3A_410 : vector<16xi32>
      %and3A = arith.constant 3 : i32
      %and3A_412 = vector.broadcast %and3A : i32 to vector<16xi32>
      %and3A_413 = arith.andi %iota3A, %and3A_412 : vector<16xi32>
      %add3A_414 = arith.constant 0 : i32
      %add3A_415 = vector.broadcast %add3A_414 : i32 to vector<16xi32>
      %add3A_416 = arith.addi %shift_right_arithmetic3A_411, %add3A_415 : vector<16xi32>
      %broadcast_in_dim3A = vector.shape_cast %add3A_416 : vector<16xi32> to vector<16x1xi32>
      %gather3A = vector.shape_cast %broadcast_in_dim3A : vector<16x1xi32> to vector<16xi32>
      %gather3A_417 = tpu.dynamic_gather %add3A_406[%gather3A] in [0] : vector<16xi32>, vector<16xi32> -> vector<16xi32>
      %add3A_418 = arith.constant 0 : i32
      %add3A_419 = vector.broadcast %add3A_418 : i32 to vector<16xi32>
      %add3A_420 = arith.addi %shift_right_arithmetic3A_411, %add3A_419 : vector<16xi32>
      %broadcast_in_dim3A_421 = vector.shape_cast %add3A_420 : vector<16xi32> to vector<16x1xi32>
      %gather3A_422 = vector.shape_cast %broadcast_in_dim3A_421 : vector<16x1xi32> to vector<16xi32>
      %gather3A_423 = tpu.dynamic_gather %add3A_407[%gather3A_422] in [0] : vector<16xi32>, vector<16xi32> -> vector<16xi32>
      %add3A_424 = arith.constant 0 : i32
      %add3A_425 = vector.broadcast %add3A_424 : i32 to vector<16xi32>
      %add3A_426 = arith.addi %shift_right_arithmetic3A_411, %add3A_425 : vector<16xi32>
      %broadcast_in_dim3A_427 = vector.shape_cast %add3A_426 : vector<16xi32> to vector<16x1xi32>
      %gather3A_428 = vector.shape_cast %broadcast_in_dim3A_427 : vector<16x1xi32> to vector<16xi32>
      %gather3A_429 = tpu.dynamic_gather %add3A_408[%gather3A_428] in [0] : vector<16xi32>, vector<16xi32> -> vector<16xi32>
      %add3A_430 = arith.constant 0 : i32
      %add3A_431 = vector.broadcast %add3A_430 : i32 to vector<16xi32>
      %add3A_432 = arith.addi %shift_right_arithmetic3A_411, %add3A_431 : vector<16xi32>
      %broadcast_in_dim3A_433 = vector.shape_cast %add3A_432 : vector<16xi32> to vector<16x1xi32>
      %gather3A_434 = vector.shape_cast %broadcast_in_dim3A_433 : vector<16x1xi32> to vector<16xi32>
      %gather3A_435 = tpu.dynamic_gather %add3A_409[%gather3A_434] in [0] : vector<16xi32>, vector<16xi32> -> vector<16xi32>
      %eq3A = arith.constant 0 : i32
      %eq3A_436 = vector.broadcast %eq3A : i32 to vector<16xi32>
      %eq3A_437 = arith.cmpi eq, %and3A_413, %eq3A_436 : vector<16xi32>
      %eq3A_438 = arith.constant 1 : i32
      %eq3A_439 = vector.broadcast %eq3A_438 : i32 to vector<16xi32>
      %eq3A_440 = arith.cmpi eq, %and3A_413, %eq3A_439 : vector<16xi32>
      %eq3A_441 = arith.constant 2 : i32
      %eq3A_442 = vector.broadcast %eq3A_441 : i32 to vector<16xi32>
      %eq3A_443 = arith.cmpi eq, %and3A_413, %eq3A_442 : vector<16xi32>
      %select_n3A = arith.select %eq3A_443, %gather3A_429, %gather3A_435 : vector<16xi1>, vector<16xi32>
      %select_n3A_444 = arith.select %eq3A_440, %gather3A_423, %select_n3A : vector<16xi1>, vector<16xi32>
      %select_n3A_445 = arith.select %eq3A_437, %gather3A_417, %select_n3A_444 : vector<16xi1>, vector<16xi32>
      %mul3A_446 = arith.constant 4 : i32
      %mul3A_447 = arith.muli %mul3A_446, %mul3A_358 : i32
      %add3A_448 = arith.constant 0 : i32
      %add3A_449 = arith.addi %mul3A_447, %add3A_448 : i32
      %swap3A_450 = arith.index_cast %add3A_449 : i32 to index
      %swap3A_451 = tpu.vector_load %arg10[%swap3A_450] {strides = array<i32>} : memref<16384xi32, #tpu.memory_space<vmem>>, vector<16xi32>,
      %swap3A_452 = vector.shape_cast %swap3A_451 : vector<16xi32> to vector<16xi32>
      %swap3A_453 = vector.shape_cast %select_n3A_445 : vector<16xi32> to vector<16xi32>
      tpu.vector_store %arg10[%swap3A_450], %swap3A_453 {strides = array<i32>} : memref<16384xi32, #tpu.memory_space<vmem>>, vector<16xi32>,
      %add3A_454 = arith.constant 4 : i32
      %add3A_455 = vector.broadcast %add3A_454 : i32 to vector<16xi32>
      %add3A_456 = arith.addi %shift_right_arithmetic3A_411, %add3A_455 : vector<16xi32>
      %broadcast_in_dim3A_457 = vector.shape_cast %add3A_456 : vector<16xi32> to vector<16x1xi32>
      %gather3A_458 = vector.shape_cast %broadcast_in_dim3A_457 : vector<16x1xi32> to vector<16xi32>
      %gather3A_459 = tpu.dynamic_gather %add3A_406[%gather3A_458] in [0] : vector<16xi32>, vector<16xi32> -> vector<16xi32>
      %add3A_460 = arith.constant 4 : i32
      %add3A_461 = vector.broadcast %add3A_460 : i32 to vector<16xi32>
      %add3A_462 = arith.addi %shift_right_arithmetic3A_411, %add3A_461 : vector<16xi32>
      %broadcast_in_dim3A_463 = vector.shape_cast %add3A_462 : vector<16xi32> to vector<16x1xi32>
      %gather3A_464 = vector.shape_cast %broadcast_in_dim3A_463 : vector<16x1xi32> to vector<16xi32>
      %gather3A_465 = tpu.dynamic_gather %add3A_407[%gather3A_464] in [0] : vector<16xi32>, vector<16xi32> -> vector<16xi32>
      %add3A_466 = arith.constant 4 : i32
      %add3A_467 = vector.broadcast %add3A_466 : i32 to vector<16xi32>
      %add3A_468 = arith.addi %shift_right_arithmetic3A_411, %add3A_467 : vector<16xi32>
      %broadcast_in_dim3A_469 = vector.shape_cast %add3A_468 : vector<16xi32> to vector<16x1xi32>
      %gather3A_470 = vector.shape_cast %broadcast_in_dim3A_469 : vector<16x1xi32> to vector<16xi32>
      %gather3A_471 = tpu.dynamic_gather %add3A_408[%gather3A_470] in [0] : vector<16xi32>, vector<16xi32> -> vector<16xi32>
      %add3A_472 = arith.constant 4 : i32
      %add3A_473 = vector.broadcast %add3A_472 : i32 to vector<16xi32>
      %add3A_474 = arith.addi %shift_right_arithmetic3A_411, %add3A_473 : vector<16xi32>
      %broadcast_in_dim3A_475 = vector.shape_cast %add3A_474 : vector<16xi32> to vector<16x1xi32>
      %gather3A_476 = vector.shape_cast %broadcast_in_dim3A_475 : vector<16x1xi32> to vector<16xi32>
      %gather3A_477 = tpu.dynamic_gather %add3A_409[%gather3A_476] in [0] : vector<16xi32>, vector<16xi32> -> vector<16xi32>
      %eq3A_478 = arith.constant 0 : i32
      %eq3A_479 = vector.broadcast %eq3A_478 : i32 to vector<16xi32>
      %eq3A_480 = arith.cmpi eq, %and3A_413, %eq3A_479 : vector<16xi32>
      %eq3A_481 = arith.constant 1 : i32
      %eq3A_482 = vector.broadcast %eq3A_481 : i32 to vector<16xi32>
      %eq3A_483 = arith.cmpi eq, %and3A_413, %eq3A_482 : vector<16xi32>
      %eq3A_484 = arith.constant 2 : i32
      %eq3A_485 = vector.broadcast %eq3A_484 : i32 to vector<16xi32>
      %eq3A_486 = arith.cmpi eq, %and3A_413, %eq3A_485 : vector<16xi32>
      %select_n3A_487 = arith.select %eq3A_486, %gather3A_471, %gather3A_477 : vector<16xi1>, vector<16xi32>
      %select_n3A_488 = arith.select %eq3A_483, %gather3A_465, %select_n3A_487 : vector<16xi1>, vector<16xi32>
      %select_n3A_489 = arith.select %eq3A_480, %gather3A_459, %select_n3A_488 : vector<16xi1>, vector<16xi32>
      %mul3A_490 = arith.constant 4 : i32
      %mul3A_491 = arith.muli %mul3A_490, %mul3A_358 : i32
      %add3A_492 = arith.constant 16 : i32
      %add3A_493 = arith.addi %mul3A_491, %add3A_492 : i32
      %swap3A_494 = arith.index_cast %add3A_493 : i32 to index
      %swap3A_495 = tpu.vector_load %arg10[%swap3A_494] {strides = array<i32>} : memref<16384xi32, #tpu.memory_space<vmem>>, vector<16xi32>,
      %swap3A_496 = vector.shape_cast %swap3A_495 : vector<16xi32> to vector<16xi32>
      %swap3A_497 = vector.shape_cast %select_n3A_489 : vector<16xi32> to vector<16xi32>
      tpu.vector_store %arg10[%swap3A_494], %swap3A_497 {strides = array<i32>} : memref<16384xi32, #tpu.memory_space<vmem>>, vector<16xi32>,
      %add3A_498 = arith.constant 8 : i32
      %add3A_499 = vector.broadcast %add3A_498 : i32 to vector<16xi32>
      %add3A_500 = arith.addi %shift_right_arithmetic3A_411, %add3A_499 : vector<16xi32>
      %broadcast_in_dim3A_501 = vector.shape_cast %add3A_500 : vector<16xi32> to vector<16x1xi32>
      %gather3A_502 = vector.shape_cast %broadcast_in_dim3A_501 : vector<16x1xi32> to vector<16xi32>
      %gather3A_503 = tpu.dynamic_gather %add3A_406[%gather3A_502] in [0] : vector<16xi32>, vector<16xi32> -> vector<16xi32>
      %add3A_504 = arith.constant 8 : i32
      %add3A_505 = vector.broadcast %add3A_504 : i32 to vector<16xi32>
      %add3A_506 = arith.addi %shift_right_arithmetic3A_411, %add3A_505 : vector<16xi32>
      %broadcast_in_dim3A_507 = vector.shape_cast %add3A_506 : vector<16xi32> to vector<16x1xi32>
      %gather3A_508 = vector.shape_cast %broadcast_in_dim3A_507 : vector<16x1xi32> to vector<16xi32>
      %gather3A_509 = tpu.dynamic_gather %add3A_407[%gather3A_508] in [0] : vector<16xi32>, vector<16xi32> -> vector<16xi32>
      %add3A_510 = arith.constant 8 : i32
      %add3A_511 = vector.broadcast %add3A_510 : i32 to vector<16xi32>
      %add3A_512 = arith.addi %shift_right_arithmetic3A_411, %add3A_511 : vector<16xi32>
      %broadcast_in_dim3A_513 = vector.shape_cast %add3A_512 : vector<16xi32> to vector<16x1xi32>
      %gather3A_514 = vector.shape_cast %broadcast_in_dim3A_513 : vector<16x1xi32> to vector<16xi32>
      %gather3A_515 = tpu.dynamic_gather %add3A_408[%gather3A_514] in [0] : vector<16xi32>, vector<16xi32> -> vector<16xi32>
      %add3A_516 = arith.constant 8 : i32
      %add3A_517 = vector.broadcast %add3A_516 : i32 to vector<16xi32>
      %add3A_518 = arith.addi %shift_right_arithmetic3A_411, %add3A_517 : vector<16xi32>
      %broadcast_in_dim3A_519 = vector.shape_cast %add3A_518 : vector<16xi32> to vector<16x1xi32>
      %gather3A_520 = vector.shape_cast %broadcast_in_dim3A_519 : vector<16x1xi32> to vector<16xi32>
      %gather3A_521 = tpu.dynamic_gather %add3A_409[%gather3A_520] in [0] : vector<16xi32>, vector<16xi32> -> vector<16xi32>
      %eq3A_522 = arith.constant 0 : i32
      %eq3A_523 = vector.broadcast %eq3A_522 : i32 to vector<16xi32>
      %eq3A_524 = arith.cmpi eq, %and3A_413, %eq3A_523 : vector<16xi32>
      %eq3A_525 = arith.constant 1 : i32
      %eq3A_526 = vector.broadcast %eq3A_525 : i32 to vector<16xi32>
      %eq3A_527 = arith.cmpi eq, %and3A_413, %eq3A_526 : vector<16xi32>
      %eq3A_528 = arith.constant 2 : i32
      %eq3A_529 = vector.broadcast %eq3A_528 : i32 to vector<16xi32>
      %eq3A_530 = arith.cmpi eq, %and3A_413, %eq3A_529 : vector<16xi32>
      %select_n3A_531 = arith.select %eq3A_530, %gather3A_515, %gather3A_521 : vector<16xi1>, vector<16xi32>
      %select_n3A_532 = arith.select %eq3A_527, %gather3A_509, %select_n3A_531 : vector<16xi1>, vector<16xi32>
      %select_n3A_533 = arith.select %eq3A_524, %gather3A_503, %select_n3A_532 : vector<16xi1>, vector<16xi32>
      %mul3A_534 = arith.constant 4 : i32
      %mul3A_535 = arith.muli %mul3A_534, %mul3A_358 : i32
      %add3A_536 = arith.constant 32 : i32
      %add3A_537 = arith.addi %mul3A_535, %add3A_536 : i32
      %swap3A_538 = arith.index_cast %add3A_537 : i32 to index
      %swap3A_539 = tpu.vector_load %arg10[%swap3A_538] {strides = array<i32>} : memref<16384xi32, #tpu.memory_space<vmem>>, vector<16xi32>,
      %swap3A_540 = vector.shape_cast %swap3A_539 : vector<16xi32> to vector<16xi32>
      %swap3A_541 = vector.shape_cast %select_n3A_533 : vector<16xi32> to vector<16xi32>
      tpu.vector_store %arg10[%swap3A_538], %swap3A_541 {strides = array<i32>} : memref<16384xi32, #tpu.memory_space<vmem>>, vector<16xi32>,
      %add3A_542 = arith.constant 12 : i32
      %add3A_543 = vector.broadcast %add3A_542 : i32 to vector<16xi32>
      %add3A_544 = arith.addi %shift_right_arithmetic3A_411, %add3A_543 : vector<16xi32>
      %broadcast_in_dim3A_545 = vector.shape_cast %add3A_544 : vector<16xi32> to vector<16x1xi32>
      %gather3A_546 = vector.shape_cast %broadcast_in_dim3A_545 : vector<16x1xi32> to vector<16xi32>
      %gather3A_547 = tpu.dynamic_gather %add3A_406[%gather3A_546] in [0] : vector<16xi32>, vector<16xi32> -> vector<16xi32>
      %add3A_548 = arith.constant 12 : i32
      %add3A_549 = vector.broadcast %add3A_548 : i32 to vector<16xi32>
      %add3A_550 = arith.addi %shift_right_arithmetic3A_411, %add3A_549 : vector<16xi32>
      %broadcast_in_dim3A_551 = vector.shape_cast %add3A_550 : vector<16xi32> to vector<16x1xi32>
      %gather3A_552 = vector.shape_cast %broadcast_in_dim3A_551 : vector<16x1xi32> to vector<16xi32>
      %gather3A_553 = tpu.dynamic_gather %add3A_407[%gather3A_552] in [0] : vector<16xi32>, vector<16xi32> -> vector<16xi32>
      %add3A_554 = arith.constant 12 : i32
      %add3A_555 = vector.broadcast %add3A_554 : i32 to vector<16xi32>
      %add3A_556 = arith.addi %shift_right_arithmetic3A_411, %add3A_555 : vector<16xi32>
      %broadcast_in_dim3A_557 = vector.shape_cast %add3A_556 : vector<16xi32> to vector<16x1xi32>
      %gather3A_558 = vector.shape_cast %broadcast_in_dim3A_557 : vector<16x1xi32> to vector<16xi32>
      %gather3A_559 = tpu.dynamic_gather %add3A_408[%gather3A_558] in [0] : vector<16xi32>, vector<16xi32> -> vector<16xi32>
      %add3A_560 = arith.constant 12 : i32
      %add3A_561 = vector.broadcast %add3A_560 : i32 to vector<16xi32>
      %add3A_562 = arith.addi %shift_right_arithmetic3A_411, %add3A_561 : vector<16xi32>
      %broadcast_in_dim3A_563 = vector.shape_cast %add3A_562 : vector<16xi32> to vector<16x1xi32>
      %gather3A_564 = vector.shape_cast %broadcast_in_dim3A_563 : vector<16x1xi32> to vector<16xi32>
      %gather3A_565 = tpu.dynamic_gather %add3A_409[%gather3A_564] in [0] : vector<16xi32>, vector<16xi32> -> vector<16xi32>
      %eq3A_566 = arith.constant 0 : i32
      %eq3A_567 = vector.broadcast %eq3A_566 : i32 to vector<16xi32>
      %eq3A_568 = arith.cmpi eq, %and3A_413, %eq3A_567 : vector<16xi32>
      %eq3A_569 = arith.constant 1 : i32
      %eq3A_570 = vector.broadcast %eq3A_569 : i32 to vector<16xi32>
      %eq3A_571 = arith.cmpi eq, %and3A_413, %eq3A_570 : vector<16xi32>
      %eq3A_572 = arith.constant 2 : i32
      %eq3A_573 = vector.broadcast %eq3A_572 : i32 to vector<16xi32>
      %eq3A_574 = arith.cmpi eq, %and3A_413, %eq3A_573 : vector<16xi32>
      %select_n3A_575 = arith.select %eq3A_574, %gather3A_559, %gather3A_565 : vector<16xi1>, vector<16xi32>
      %select_n3A_576 = arith.select %eq3A_571, %gather3A_553, %select_n3A_575 : vector<16xi1>, vector<16xi32>
      %select_n3A_577 = arith.select %eq3A_568, %gather3A_547, %select_n3A_576 : vector<16xi1>, vector<16xi32>
      %mul3A_578 = arith.constant 4 : i32
      %mul3A_579 = arith.muli %mul3A_578, %mul3A_358 : i32
      %add3A_580 = arith.constant 48 : i32
      %add3A_581 = arith.addi %mul3A_579, %add3A_580 : i32
      %swap3A_582 = arith.index_cast %add3A_581 : i32 to index
      %swap3A_583 = tpu.vector_load %arg10[%swap3A_582] {strides = array<i32>} : memref<16384xi32, #tpu.memory_space<vmem>>, vector<16xi32>,
      %swap3A_584 = vector.shape_cast %swap3A_583 : vector<16xi32> to vector<16xi32>
      %swap3A_585 = vector.shape_cast %select_n3A_577 : vector<16xi32> to vector<16xi32>
      tpu.vector_store %arg10[%swap3A_582], %swap3A_585 {strides = array<i32>} : memref<16384xi32, #tpu.memory_space<vmem>>, vector<16xi32>,
    }
    %scan3A_319 = arith.constant 256 : i32
    %dma_wait3A_320 = arith.constant 0 : i32
    %dma_wait3A_321 = tpu.memref_slice %arg3[%dma_wait3A_320] : memref<4194304xf32, #tpu.memory_space<hbm>> -> memref<4194304xf32, #tpu.memory_space<hbm>>
    tpu.wait_indirect_dma semaphore(%arg21 : memref<!tpu.dma_semaphore, #tpu.memory_space<semaphore_mem>>) src(%dma_wait3A_321 : memref<4194304xf32, #tpu.memory_space<hbm>>) dst(%arg11 : memref<16384xf32, #tpu.memory_space<vmem>>)
    %dma_start3A_322 = arith.constant 0 : i32
    %dma_start3A_323 = tpu.memref_slice %arg3[%dma_start3A_322] : memref<4194304xf32, #tpu.memory_space<hbm>> -> memref<4194304xf32, #tpu.memory_space<hbm>>
    tpu.enqueue_indirect_dma source(%dma_start3A_323 : memref<4194304xf32, #tpu.memory_space<hbm>>) target(%arg12 : memref<16384xf32, #tpu.memory_space<vmem>>) offsets(%arg10 : memref<16384xi32, #tpu.memory_space<vmem>>) semaphore(%arg22 : memref<!tpu.dma_semaphore, #tpu.memory_space<semaphore_mem>>)
    %dma_wait3A_324 = tpu.memref_slice %arg4[%add3A_256] : memref<1048576xf32, #tpu.memory_space<hbm>> -> memref<4096xf32, #tpu.memory_space<hbm>>
    %dma_wait3A_325 = tpu.memref_slice %arg4[%add3A_256] : memref<1048576xf32, #tpu.memory_space<hbm>> -> memref<4096xf32, #tpu.memory_space<hbm>>
    tpu.wait_dma2 semaphore(%arg23 : memref<!tpu.dma_semaphore, #tpu.memory_space<semaphore_mem>>) src(%arg17 : memref<4096xf32, #tpu.memory_space<vmem>>) dst(%dma_wait3A_325 : memref<4096xf32, #tpu.memory_space<hbm>>)
    %scan3A_326 = arith.constant 0 : i32
    %scan3A_327 = arith.constant 256 : i32
    %scan3A_328 = arith.addi %scan3A_326, %scan3A_327 : i32
    %scan3A_329 = arith.constant 1 : i32
    scf.for %scan3A_352 = %scan3A_326 to %scan3A_328 step %scan3A_329  : i32 {
      %mul3A_353 = arith.constant 1 : i32
      %mul3A_354 = arith.muli %scan3A_352, %mul3A_353 : i32
      %add3A_355 = arith.constant 0 : i32
      %add3A_356 = arith.addi %add3A_355, %mul3A_354 : i32
      %mul3A_357 = arith.constant 16 : i32
      %mul3A_358 = arith.muli %add3A_356, %mul3A_357 : i32
      %mul3A_359 = arith.constant 4 : i32
      %mul3A_360 = arith.muli %mul3A_359, %mul3A_358 : i32
      %add3A_361 = arith.constant 0 : i32
      %add3A_362 = arith.addi %mul3A_360, %add3A_361 : i32
      %get3A = arith.index_cast %add3A_362 : i32 to index
      %get3A_363 = tpu.vector_load %arg11[%get3A] {strides = array<i32>} : memref<16384xf32, #tpu.memory_space<vmem>>, vector<16xf32>,
      %get3A_364 = vector.shape_cast %get3A_363 : vector<16xf32> to vector<16xf32>
      %mul3A_365 = arith.constant 4 : i32
      %mul3A_366 = arith.muli %mul3A_365, %mul3A_358 : i32
      %add3A_367 = arith.constant 16 : i32
      %add3A_368 = arith.addi %mul3A_366, %add3A_367 : i32
      %get3A_369 = arith.index_cast %add3A_368 : i32 to index
      %get3A_370 = tpu.vector_load %arg11[%get3A_369] {strides = array<i32>} : memref<16384xf32, #tpu.memory_space<vmem>>, vector<16xf32>,
      %get3A_371 = vector.shape_cast %get3A_370 : vector<16xf32> to vector<16xf32>
      %mul3A_372 = arith.constant 4 : i32
      %mul3A_373 = arith.muli %mul3A_372, %mul3A_358 : i32
      %add3A_374 = arith.constant 32 : i32
      %add3A_375 = arith.addi %mul3A_373, %add3A_374 : i32
      %get3A_376 = arith.index_cast %add3A_375 : i32 to index
      %get3A_377 = tpu.vector_load %arg11[%get3A_376] {strides = array<i32>} : memref<16384xf32, #tpu.memory_space<vmem>>, vector<16xf32>,
      %get3A_378 = vector.shape_cast %get3A_377 : vector<16xf32> to vector<16xf32>
      %mul3A_379 = arith.constant 4 : i32
      %mul3A_380 = arith.muli %mul3A_379, %mul3A_358 : i32
      %add3A_381 = arith.constant 48 : i32
      %add3A_382 = arith.addi %mul3A_380, %add3A_381 : i32
      %get3A_383 = arith.index_cast %add3A_382 : i32 to index
      %get3A_384 = tpu.vector_load %arg11[%get3A_383] {strides = array<i32>} : memref<16384xf32, #tpu.memory_space<vmem>>, vector<16xf32>,
      %get3A_385 = vector.shape_cast %get3A_384 : vector<16xf32> to vector<16xf32>
      %and3A = arith.constant 3 : i32
      %and3A_386 = vector.broadcast %and3A : i32 to vector<16xi32>
      %and3A_387 = arith.andi %iota3A, %and3A_386 : vector<16xi32>
      %mul3A_388 = arith.constant 4 : i32
      %mul3A_389 = vector.broadcast %mul3A_388 : i32 to vector<16xi32>
      %mul3A_390 = arith.muli %and3A_387, %mul3A_389 : vector<16xi32>
      %add3A_391 = arith.constant 0 : i32
      %add3A_392 = vector.broadcast %add3A_391 : i32 to vector<16xi32>
      %add3A_393 = arith.addi %mul3A_390, %add3A_392 : vector<16xi32>
      %broadcast_in_dim3A = vector.shape_cast %add3A_393 : vector<16xi32> to vector<16x1xi32>
      %gather3A = vector.shape_cast %broadcast_in_dim3A : vector<16x1xi32> to vector<16xi32>
      %gather3A_394 = tpu.dynamic_gather %get3A_364[%gather3A] in [0] : vector<16xf32>, vector<16xi32> -> vector<16xf32>
      %mul3A_395 = arith.constant 4 : i32
      %mul3A_396 = vector.broadcast %mul3A_395 : i32 to vector<16xi32>
      %mul3A_397 = arith.muli %and3A_387, %mul3A_396 : vector<16xi32>
      %add3A_398 = arith.constant 0 : i32
      %add3A_399 = vector.broadcast %add3A_398 : i32 to vector<16xi32>
      %add3A_400 = arith.addi %mul3A_397, %add3A_399 : vector<16xi32>
      %broadcast_in_dim3A_401 = vector.shape_cast %add3A_400 : vector<16xi32> to vector<16x1xi32>
      %gather3A_402 = vector.shape_cast %broadcast_in_dim3A_401 : vector<16x1xi32> to vector<16xi32>
      %gather3A_403 = tpu.dynamic_gather %get3A_371[%gather3A_402] in [0] : vector<16xf32>, vector<16xi32> -> vector<16xf32>
      %mul3A_404 = arith.constant 4 : i32
      %mul3A_405 = vector.broadcast %mul3A_404 : i32 to vector<16xi32>
      %mul3A_406 = arith.muli %and3A_387, %mul3A_405 : vector<16xi32>
      %add3A_407 = arith.constant 0 : i32
      %add3A_408 = vector.broadcast %add3A_407 : i32 to vector<16xi32>
      %add3A_409 = arith.addi %mul3A_406, %add3A_408 : vector<16xi32>
      %broadcast_in_dim3A_410 = vector.shape_cast %add3A_409 : vector<16xi32> to vector<16x1xi32>
      %gather3A_411 = vector.shape_cast %broadcast_in_dim3A_410 : vector<16x1xi32> to vector<16xi32>
      %gather3A_412 = tpu.dynamic_gather %get3A_378[%gather3A_411] in [0] : vector<16xf32>, vector<16xi32> -> vector<16xf32>
      %mul3A_413 = arith.constant 4 : i32
      %mul3A_414 = vector.broadcast %mul3A_413 : i32 to vector<16xi32>
      %mul3A_415 = arith.muli %and3A_387, %mul3A_414 : vector<16xi32>
      %add3A_416 = arith.constant 0 : i32
      %add3A_417 = vector.broadcast %add3A_416 : i32 to vector<16xi32>
      %add3A_418 = arith.addi %mul3A_415, %add3A_417 : vector<16xi32>
      %broadcast_in_dim3A_419 = vector.shape_cast %add3A_418 : vector<16xi32> to vector<16x1xi32>
      %gather3A_420 = vector.shape_cast %broadcast_in_dim3A_419 : vector<16x1xi32> to vector<16xi32>
      %gather3A_421 = tpu.dynamic_gather %get3A_385[%gather3A_420] in [0] : vector<16xf32>, vector<16xi32> -> vector<16xf32>
      %lt3A = arith.constant 4 : i32
      %lt3A_422 = vector.broadcast %lt3A : i32 to vector<16xi32>
      %lt3A_423 = arith.cmpi slt, %iota3A, %lt3A_422 : vector<16xi32>
      %lt3A_424 = arith.constant 8 : i32
      %lt3A_425 = vector.broadcast %lt3A_424 : i32 to vector<16xi32>
      %lt3A_426 = arith.cmpi slt, %iota3A, %lt3A_425 : vector<16xi32>
      %lt3A_427 = arith.constant 12 : i32
      %lt3A_428 = vector.broadcast %lt3A_427 : i32 to vector<16xi32>
      %lt3A_429 = arith.cmpi slt, %iota3A, %lt3A_428 : vector<16xi32>
      %select_n3A = arith.select %lt3A_429, %gather3A_412, %gather3A_421 : vector<16xi1>, vector<16xf32>
      %select_n3A_430 = arith.select %lt3A_426, %gather3A_403, %select_n3A : vector<16xi1>, vector<16xf32>
      %select_n3A_431 = arith.select %lt3A_423, %gather3A_394, %select_n3A_430 : vector<16xi1>, vector<16xf32>
      %mul3A_432 = arith.constant 4 : i32
      %mul3A_433 = vector.broadcast %mul3A_432 : i32 to vector<16xi32>
      %mul3A_434 = arith.muli %and3A_387, %mul3A_433 : vector<16xi32>
      %add3A_435 = arith.constant 1 : i32
      %add3A_436 = vector.broadcast %add3A_435 : i32 to vector<16xi32>
      %add3A_437 = arith.addi %mul3A_434, %add3A_436 : vector<16xi32>
      %broadcast_in_dim3A_438 = vector.shape_cast %add3A_437 : vector<16xi32> to vector<16x1xi32>
      %gather3A_439 = vector.shape_cast %broadcast_in_dim3A_438 : vector<16x1xi32> to vector<16xi32>
      %gather3A_440 = tpu.dynamic_gather %get3A_364[%gather3A_439] in [0] : vector<16xf32>, vector<16xi32> -> vector<16xf32>
      %mul3A_441 = arith.constant 4 : i32
      %mul3A_442 = vector.broadcast %mul3A_441 : i32 to vector<16xi32>
      %mul3A_443 = arith.muli %and3A_387, %mul3A_442 : vector<16xi32>
      %add3A_444 = arith.constant 1 : i32
      %add3A_445 = vector.broadcast %add3A_444 : i32 to vector<16xi32>
      %add3A_446 = arith.addi %mul3A_443, %add3A_445 : vector<16xi32>
      %broadcast_in_dim3A_447 = vector.shape_cast %add3A_446 : vector<16xi32> to vector<16x1xi32>
      %gather3A_448 = vector.shape_cast %broadcast_in_dim3A_447 : vector<16x1xi32> to vector<16xi32>
      %gather3A_449 = tpu.dynamic_gather %get3A_371[%gather3A_448] in [0] : vector<16xf32>, vector<16xi32> -> vector<16xf32>
      %mul3A_450 = arith.constant 4 : i32
      %mul3A_451 = vector.broadcast %mul3A_450 : i32 to vector<16xi32>
      %mul3A_452 = arith.muli %and3A_387, %mul3A_451 : vector<16xi32>
      %add3A_453 = arith.constant 1 : i32
      %add3A_454 = vector.broadcast %add3A_453 : i32 to vector<16xi32>
      %add3A_455 = arith.addi %mul3A_452, %add3A_454 : vector<16xi32>
      %broadcast_in_dim3A_456 = vector.shape_cast %add3A_455 : vector<16xi32> to vector<16x1xi32>
      %gather3A_457 = vector.shape_cast %broadcast_in_dim3A_456 : vector<16x1xi32> to vector<16xi32>
      %gather3A_458 = tpu.dynamic_gather %get3A_378[%gather3A_457] in [0] : vector<16xf32>, vector<16xi32> -> vector<16xf32>
      %mul3A_459 = arith.constant 4 : i32
      %mul3A_460 = vector.broadcast %mul3A_459 : i32 to vector<16xi32>
      %mul3A_461 = arith.muli %and3A_387, %mul3A_460 : vector<16xi32>
      %add3A_462 = arith.constant 1 : i32
      %add3A_463 = vector.broadcast %add3A_462 : i32 to vector<16xi32>
      %add3A_464 = arith.addi %mul3A_461, %add3A_463 : vector<16xi32>
      %broadcast_in_dim3A_465 = vector.shape_cast %add3A_464 : vector<16xi32> to vector<16x1xi32>
      %gather3A_466 = vector.shape_cast %broadcast_in_dim3A_465 : vector<16x1xi32> to vector<16xi32>
      %gather3A_467 = tpu.dynamic_gather %get3A_385[%gather3A_466] in [0] : vector<16xf32>, vector<16xi32> -> vector<16xf32>
      %lt3A_468 = arith.constant 4 : i32
      %lt3A_469 = vector.broadcast %lt3A_468 : i32 to vector<16xi32>
      %lt3A_470 = arith.cmpi slt, %iota3A, %lt3A_469 : vector<16xi32>
      %lt3A_471 = arith.constant 8 : i32
      %lt3A_472 = vector.broadcast %lt3A_471 : i32 to vector<16xi32>
      %lt3A_473 = arith.cmpi slt, %iota3A, %lt3A_472 : vector<16xi32>
      %lt3A_474 = arith.constant 12 : i32
      %lt3A_475 = vector.broadcast %lt3A_474 : i32 to vector<16xi32>
      %lt3A_476 = arith.cmpi slt, %iota3A, %lt3A_475 : vector<16xi32>
      %select_n3A_477 = arith.select %lt3A_476, %gather3A_458, %gather3A_467 : vector<16xi1>, vector<16xf32>
      %select_n3A_478 = arith.select %lt3A_473, %gather3A_449, %select_n3A_477 : vector<16xi1>, vector<16xf32>
      %select_n3A_479 = arith.select %lt3A_470, %gather3A_440, %select_n3A_478 : vector<16xi1>, vector<16xf32>
      %mul3A_480 = arith.constant 4 : i32
      %mul3A_481 = vector.broadcast %mul3A_480 : i32 to vector<16xi32>
      %mul3A_482 = arith.muli %and3A_387, %mul3A_481 : vector<16xi32>
      %add3A_483 = arith.constant 2 : i32
      %add3A_484 = vector.broadcast %add3A_483 : i32 to vector<16xi32>
      %add3A_485 = arith.addi %mul3A_482, %add3A_484 : vector<16xi32>
      %broadcast_in_dim3A_486 = vector.shape_cast %add3A_485 : vector<16xi32> to vector<16x1xi32>
      %gather3A_487 = vector.shape_cast %broadcast_in_dim3A_486 : vector<16x1xi32> to vector<16xi32>
      %gather3A_488 = tpu.dynamic_gather %get3A_364[%gather3A_487] in [0] : vector<16xf32>, vector<16xi32> -> vector<16xf32>
      %mul3A_489 = arith.constant 4 : i32
      %mul3A_490 = vector.broadcast %mul3A_489 : i32 to vector<16xi32>
      %mul3A_491 = arith.muli %and3A_387, %mul3A_490 : vector<16xi32>
      %add3A_492 = arith.constant 2 : i32
      %add3A_493 = vector.broadcast %add3A_492 : i32 to vector<16xi32>
      %add3A_494 = arith.addi %mul3A_491, %add3A_493 : vector<16xi32>
      %broadcast_in_dim3A_495 = vector.shape_cast %add3A_494 : vector<16xi32> to vector<16x1xi32>
      %gather3A_496 = vector.shape_cast %broadcast_in_dim3A_495 : vector<16x1xi32> to vector<16xi32>
      %gather3A_497 = tpu.dynamic_gather %get3A_371[%gather3A_496] in [0] : vector<16xf32>, vector<16xi32> -> vector<16xf32>
      %mul3A_498 = arith.constant 4 : i32
      %mul3A_499 = vector.broadcast %mul3A_498 : i32 to vector<16xi32>
      %mul3A_500 = arith.muli %and3A_387, %mul3A_499 : vector<16xi32>
      %add3A_501 = arith.constant 2 : i32
      %add3A_502 = vector.broadcast %add3A_501 : i32 to vector<16xi32>
      %add3A_503 = arith.addi %mul3A_500, %add3A_502 : vector<16xi32>
      %broadcast_in_dim3A_504 = vector.shape_cast %add3A_503 : vector<16xi32> to vector<16x1xi32>
      %gather3A_505 = vector.shape_cast %broadcast_in_dim3A_504 : vector<16x1xi32> to vector<16xi32>
      %gather3A_506 = tpu.dynamic_gather %get3A_378[%gather3A_505] in [0] : vector<16xf32>, vector<16xi32> -> vector<16xf32>
      %mul3A_507 = arith.constant 4 : i32
      %mul3A_508 = vector.broadcast %mul3A_507 : i32 to vector<16xi32>
      %mul3A_509 = arith.muli %and3A_387, %mul3A_508 : vector<16xi32>
      %add3A_510 = arith.constant 2 : i32
      %add3A_511 = vector.broadcast %add3A_510 : i32 to vector<16xi32>
      %add3A_512 = arith.addi %mul3A_509, %add3A_511 : vector<16xi32>
      %broadcast_in_dim3A_513 = vector.shape_cast %add3A_512 : vector<16xi32> to vector<16x1xi32>
      %gather3A_514 = vector.shape_cast %broadcast_in_dim3A_513 : vector<16x1xi32> to vector<16xi32>
      %gather3A_515 = tpu.dynamic_gather %get3A_385[%gather3A_514] in [0] : vector<16xf32>, vector<16xi32> -> vector<16xf32>
      %lt3A_516 = arith.constant 4 : i32
      %lt3A_517 = vector.broadcast %lt3A_516 : i32 to vector<16xi32>
      %lt3A_518 = arith.cmpi slt, %iota3A, %lt3A_517 : vector<16xi32>
      %lt3A_519 = arith.constant 8 : i32
      %lt3A_520 = vector.broadcast %lt3A_519 : i32 to vector<16xi32>
      %lt3A_521 = arith.cmpi slt, %iota3A, %lt3A_520 : vector<16xi32>
      %lt3A_522 = arith.constant 12 : i32
      %lt3A_523 = vector.broadcast %lt3A_522 : i32 to vector<16xi32>
      %lt3A_524 = arith.cmpi slt, %iota3A, %lt3A_523 : vector<16xi32>
      %select_n3A_525 = arith.select %lt3A_524, %gather3A_506, %gather3A_515 : vector<16xi1>, vector<16xf32>
      %select_n3A_526 = arith.select %lt3A_521, %gather3A_497, %select_n3A_525 : vector<16xi1>, vector<16xf32>
      %select_n3A_527 = arith.select %lt3A_518, %gather3A_488, %select_n3A_526 : vector<16xi1>, vector<16xf32>
      %mul3A_528 = arith.constant 4 : i32
      %mul3A_529 = vector.broadcast %mul3A_528 : i32 to vector<16xi32>
      %mul3A_530 = arith.muli %and3A_387, %mul3A_529 : vector<16xi32>
      %add3A_531 = arith.constant 3 : i32
      %add3A_532 = vector.broadcast %add3A_531 : i32 to vector<16xi32>
      %add3A_533 = arith.addi %mul3A_530, %add3A_532 : vector<16xi32>
      %broadcast_in_dim3A_534 = vector.shape_cast %add3A_533 : vector<16xi32> to vector<16x1xi32>
      %gather3A_535 = vector.shape_cast %broadcast_in_dim3A_534 : vector<16x1xi32> to vector<16xi32>
      %gather3A_536 = tpu.dynamic_gather %get3A_364[%gather3A_535] in [0] : vector<16xf32>, vector<16xi32> -> vector<16xf32>
      %mul3A_537 = arith.constant 4 : i32
      %mul3A_538 = vector.broadcast %mul3A_537 : i32 to vector<16xi32>
      %mul3A_539 = arith.muli %and3A_387, %mul3A_538 : vector<16xi32>
      %add3A_540 = arith.constant 3 : i32
      %add3A_541 = vector.broadcast %add3A_540 : i32 to vector<16xi32>
      %add3A_542 = arith.addi %mul3A_539, %add3A_541 : vector<16xi32>
      %broadcast_in_dim3A_543 = vector.shape_cast %add3A_542 : vector<16xi32> to vector<16x1xi32>
      %gather3A_544 = vector.shape_cast %broadcast_in_dim3A_543 : vector<16x1xi32> to vector<16xi32>
      %gather3A_545 = tpu.dynamic_gather %get3A_371[%gather3A_544] in [0] : vector<16xf32>, vector<16xi32> -> vector<16xf32>
      %mul3A_546 = arith.constant 4 : i32
      %mul3A_547 = vector.broadcast %mul3A_546 : i32 to vector<16xi32>
      %mul3A_548 = arith.muli %and3A_387, %mul3A_547 : vector<16xi32>
      %add3A_549 = arith.constant 3 : i32
      %add3A_550 = vector.broadcast %add3A_549 : i32 to vector<16xi32>
      %add3A_551 = arith.addi %mul3A_548, %add3A_550 : vector<16xi32>
      %broadcast_in_dim3A_552 = vector.shape_cast %add3A_551 : vector<16xi32> to vector<16x1xi32>
      %gather3A_553 = vector.shape_cast %broadcast_in_dim3A_552 : vector<16x1xi32> to vector<16xi32>
      %gather3A_554 = tpu.dynamic_gather %get3A_378[%gather3A_553] in [0] : vector<16xf32>, vector<16xi32> -> vector<16xf32>
      %mul3A_555 = arith.constant 4 : i32
      %mul3A_556 = vector.broadcast %mul3A_555 : i32 to vector<16xi32>
      %mul3A_557 = arith.muli %and3A_387, %mul3A_556 : vector<16xi32>
      %add3A_558 = arith.constant 3 : i32
      %add3A_559 = vector.broadcast %add3A_558 : i32 to vector<16xi32>
      %add3A_560 = arith.addi %mul3A_557, %add3A_559 : vector<16xi32>
      %broadcast_in_dim3A_561 = vector.shape_cast %add3A_560 : vector<16xi32> to vector<16x1xi32>
      %gather3A_562 = vector.shape_cast %broadcast_in_dim3A_561 : vector<16x1xi32> to vector<16xi32>
      %gather3A_563 = tpu.dynamic_gather %get3A_385[%gather3A_562] in [0] : vector<16xf32>, vector<16xi32> -> vector<16xf32>
      %lt3A_564 = arith.constant 4 : i32
      %lt3A_565 = vector.broadcast %lt3A_564 : i32 to vector<16xi32>
      %lt3A_566 = arith.cmpi slt, %iota3A, %lt3A_565 : vector<16xi32>
      %lt3A_567 = arith.constant 8 : i32
      %lt3A_568 = vector.broadcast %lt3A_567 : i32 to vector<16xi32>
      %lt3A_569 = arith.cmpi slt, %iota3A, %lt3A_568 : vector<16xi32>
      %lt3A_570 = arith.constant 12 : i32
      %lt3A_571 = vector.broadcast %lt3A_570 : i32 to vector<16xi32>
      %lt3A_572 = arith.cmpi slt, %iota3A, %lt3A_571 : vector<16xi32>
      %select_n3A_573 = arith.select %lt3A_572, %gather3A_554, %gather3A_563 : vector<16xi1>, vector<16xf32>
      %select_n3A_574 = arith.select %lt3A_569, %gather3A_545, %select_n3A_573 : vector<16xi1>, vector<16xf32>
      %select_n3A_575 = arith.select %lt3A_566, %gather3A_536, %select_n3A_574 : vector<16xi1>, vector<16xf32>
      %get3A_576 = arith.index_cast %mul3A_358 : i32 to index
      %get3A_577 = tpu.vector_load %arg13[%get3A_576] {strides = array<i32>} : memref<4096xf32, #tpu.memory_space<vmem>>, vector<16xf32>,
      %get3A_578 = vector.shape_cast %get3A_577 : vector<16xf32> to vector<16xf32>
      %get3A_579 = arith.index_cast %mul3A_358 : i32 to index
      %get3A_580 = tpu.vector_load %arg15[%get3A_579] {strides = array<i32>} : memref<4096xf32, #tpu.memory_space<vmem>>, vector<16xf32>,
      %get3A_581 = vector.shape_cast %get3A_580 : vector<16xf32> to vector<16xf32>
      %sub3A = arith.subf %select_n3A_479, %select_n3A_431 : vector<16xf32>
      %mul3A_582 = arith.mulf %get3A_578, %sub3A : vector<16xf32>
      %add3A_583 = arith.addf %select_n3A_431, %mul3A_582 : vector<16xf32>
      %sub3A_584 = arith.subf %select_n3A_575, %select_n3A_527 : vector<16xf32>
      %mul3A_585 = arith.mulf %get3A_578, %sub3A_584 : vector<16xf32>
      %add3A_586 = arith.addf %select_n3A_527, %mul3A_585 : vector<16xf32>
      %sub3A_587 = arith.subf %add3A_586, %add3A_583 : vector<16xf32>
      %mul3A_588 = arith.mulf %get3A_581, %sub3A_587 : vector<16xf32>
      %add3A_589 = arith.addf %add3A_583, %mul3A_588 : vector<16xf32>
      %swap3A = arith.index_cast %mul3A_358 : i32 to index
      %swap3A_590 = tpu.vector_load %arg17[%swap3A] {strides = array<i32>} : memref<4096xf32, #tpu.memory_space<vmem>>, vector<16xf32>,
      %swap3A_591 = vector.shape_cast %swap3A_590 : vector<16xf32> to vector<16xf32>
      %swap3A_592 = vector.shape_cast %add3A_589 : vector<16xf32> to vector<16xf32>
      tpu.vector_store %arg17[%swap3A], %swap3A_592 {strides = array<i32>} : memref<4096xf32, #tpu.memory_space<vmem>>, vector<16xf32>,
    }
    %scan3A_330 = arith.constant 256 : i32
    %add3A_331 = arith.constant 24576 : i32
    %add3A_332 = arith.addi %mul3A_2, %add3A_331 : i32
    %dma_start3A_333 = tpu.memref_slice %arg4[%add3A_332] : memref<1048576xf32, #tpu.memory_space<hbm>> -> memref<4096xf32, #tpu.memory_space<hbm>>
    %dma_start3A_334 = tpu.memref_slice %arg4[%add3A_332] : memref<1048576xf32, #tpu.memory_space<hbm>> -> memref<4096xf32, #tpu.memory_space<hbm>>
    tpu.enqueue_dma source(%arg17 : memref<4096xf32, #tpu.memory_space<vmem>>) target(%dma_start3A_334 : memref<4096xf32, #tpu.memory_space<hbm>>) target_semaphore(%arg23 : memref<!tpu.dma_semaphore, #tpu.memory_space<semaphore_mem>>)
    %dma_wait3A_335 = arith.constant 0 : i32
    %dma_wait3A_336 = tpu.memref_slice %arg3[%dma_wait3A_335] : memref<4194304xf32, #tpu.memory_space<hbm>> -> memref<4194304xf32, #tpu.memory_space<hbm>>
    tpu.wait_indirect_dma semaphore(%arg22 : memref<!tpu.dma_semaphore, #tpu.memory_space<semaphore_mem>>) src(%dma_wait3A_336 : memref<4194304xf32, #tpu.memory_space<hbm>>) dst(%arg12 : memref<16384xf32, #tpu.memory_space<vmem>>)
    %dma_wait3A_337 = tpu.memref_slice %arg4[%add3A_300] : memref<1048576xf32, #tpu.memory_space<hbm>> -> memref<4096xf32, #tpu.memory_space<hbm>>
    %dma_wait3A_338 = tpu.memref_slice %arg4[%add3A_300] : memref<1048576xf32, #tpu.memory_space<hbm>> -> memref<4096xf32, #tpu.memory_space<hbm>>
    tpu.wait_dma2 semaphore(%arg24 : memref<!tpu.dma_semaphore, #tpu.memory_space<semaphore_mem>>) src(%arg18 : memref<4096xf32, #tpu.memory_space<vmem>>) dst(%dma_wait3A_338 : memref<4096xf32, #tpu.memory_space<hbm>>)
    %scan3A_339 = arith.constant 0 : i32
    %scan3A_340 = arith.constant 256 : i32
    %scan3A_341 = arith.addi %scan3A_339, %scan3A_340 : i32
    %scan3A_342 = arith.constant 1 : i32
    scf.for %scan3A_352 = %scan3A_339 to %scan3A_341 step %scan3A_342  : i32 {
      %mul3A_353 = arith.constant 1 : i32
      %mul3A_354 = arith.muli %scan3A_352, %mul3A_353 : i32
      %add3A_355 = arith.constant 0 : i32
      %add3A_356 = arith.addi %add3A_355, %mul3A_354 : i32
      %mul3A_357 = arith.constant 16 : i32
      %mul3A_358 = arith.muli %add3A_356, %mul3A_357 : i32
      %mul3A_359 = arith.constant 4 : i32
      %mul3A_360 = arith.muli %mul3A_359, %mul3A_358 : i32
      %add3A_361 = arith.constant 0 : i32
      %add3A_362 = arith.addi %mul3A_360, %add3A_361 : i32
      %get3A = arith.index_cast %add3A_362 : i32 to index
      %get3A_363 = tpu.vector_load %arg12[%get3A] {strides = array<i32>} : memref<16384xf32, #tpu.memory_space<vmem>>, vector<16xf32>,
      %get3A_364 = vector.shape_cast %get3A_363 : vector<16xf32> to vector<16xf32>
      %mul3A_365 = arith.constant 4 : i32
      %mul3A_366 = arith.muli %mul3A_365, %mul3A_358 : i32
      %add3A_367 = arith.constant 16 : i32
      %add3A_368 = arith.addi %mul3A_366, %add3A_367 : i32
      %get3A_369 = arith.index_cast %add3A_368 : i32 to index
      %get3A_370 = tpu.vector_load %arg12[%get3A_369] {strides = array<i32>} : memref<16384xf32, #tpu.memory_space<vmem>>, vector<16xf32>,
      %get3A_371 = vector.shape_cast %get3A_370 : vector<16xf32> to vector<16xf32>
      %mul3A_372 = arith.constant 4 : i32
      %mul3A_373 = arith.muli %mul3A_372, %mul3A_358 : i32
      %add3A_374 = arith.constant 32 : i32
      %add3A_375 = arith.addi %mul3A_373, %add3A_374 : i32
      %get3A_376 = arith.index_cast %add3A_375 : i32 to index
      %get3A_377 = tpu.vector_load %arg12[%get3A_376] {strides = array<i32>} : memref<16384xf32, #tpu.memory_space<vmem>>, vector<16xf32>,
      %get3A_378 = vector.shape_cast %get3A_377 : vector<16xf32> to vector<16xf32>
      %mul3A_379 = arith.constant 4 : i32
      %mul3A_380 = arith.muli %mul3A_379, %mul3A_358 : i32
      %add3A_381 = arith.constant 48 : i32
      %add3A_382 = arith.addi %mul3A_380, %add3A_381 : i32
      %get3A_383 = arith.index_cast %add3A_382 : i32 to index
      %get3A_384 = tpu.vector_load %arg12[%get3A_383] {strides = array<i32>} : memref<16384xf32, #tpu.memory_space<vmem>>, vector<16xf32>,
      %get3A_385 = vector.shape_cast %get3A_384 : vector<16xf32> to vector<16xf32>
      %and3A = arith.constant 3 : i32
      %and3A_386 = vector.broadcast %and3A : i32 to vector<16xi32>
      %and3A_387 = arith.andi %iota3A, %and3A_386 : vector<16xi32>
      %mul3A_388 = arith.constant 4 : i32
      %mul3A_389 = vector.broadcast %mul3A_388 : i32 to vector<16xi32>
      %mul3A_390 = arith.muli %and3A_387, %mul3A_389 : vector<16xi32>
      %add3A_391 = arith.constant 0 : i32
      %add3A_392 = vector.broadcast %add3A_391 : i32 to vector<16xi32>
      %add3A_393 = arith.addi %mul3A_390, %add3A_392 : vector<16xi32>
      %broadcast_in_dim3A = vector.shape_cast %add3A_393 : vector<16xi32> to vector<16x1xi32>
      %gather3A = vector.shape_cast %broadcast_in_dim3A : vector<16x1xi32> to vector<16xi32>
      %gather3A_394 = tpu.dynamic_gather %get3A_364[%gather3A] in [0] : vector<16xf32>, vector<16xi32> -> vector<16xf32>
      %mul3A_395 = arith.constant 4 : i32
      %mul3A_396 = vector.broadcast %mul3A_395 : i32 to vector<16xi32>
      %mul3A_397 = arith.muli %and3A_387, %mul3A_396 : vector<16xi32>
      %add3A_398 = arith.constant 0 : i32
      %add3A_399 = vector.broadcast %add3A_398 : i32 to vector<16xi32>
      %add3A_400 = arith.addi %mul3A_397, %add3A_399 : vector<16xi32>
      %broadcast_in_dim3A_401 = vector.shape_cast %add3A_400 : vector<16xi32> to vector<16x1xi32>
      %gather3A_402 = vector.shape_cast %broadcast_in_dim3A_401 : vector<16x1xi32> to vector<16xi32>
      %gather3A_403 = tpu.dynamic_gather %get3A_371[%gather3A_402] in [0] : vector<16xf32>, vector<16xi32> -> vector<16xf32>
      %mul3A_404 = arith.constant 4 : i32
      %mul3A_405 = vector.broadcast %mul3A_404 : i32 to vector<16xi32>
      %mul3A_406 = arith.muli %and3A_387, %mul3A_405 : vector<16xi32>
      %add3A_407 = arith.constant 0 : i32
      %add3A_408 = vector.broadcast %add3A_407 : i32 to vector<16xi32>
      %add3A_409 = arith.addi %mul3A_406, %add3A_408 : vector<16xi32>
      %broadcast_in_dim3A_410 = vector.shape_cast %add3A_409 : vector<16xi32> to vector<16x1xi32>
      %gather3A_411 = vector.shape_cast %broadcast_in_dim3A_410 : vector<16x1xi32> to vector<16xi32>
      %gather3A_412 = tpu.dynamic_gather %get3A_378[%gather3A_411] in [0] : vector<16xf32>, vector<16xi32> -> vector<16xf32>
      %mul3A_413 = arith.constant 4 : i32
      %mul3A_414 = vector.broadcast %mul3A_413 : i32 to vector<16xi32>
      %mul3A_415 = arith.muli %and3A_387, %mul3A_414 : vector<16xi32>
      %add3A_416 = arith.constant 0 : i32
      %add3A_417 = vector.broadcast %add3A_416 : i32 to vector<16xi32>
      %add3A_418 = arith.addi %mul3A_415, %add3A_417 : vector<16xi32>
      %broadcast_in_dim3A_419 = vector.shape_cast %add3A_418 : vector<16xi32> to vector<16x1xi32>
      %gather3A_420 = vector.shape_cast %broadcast_in_dim3A_419 : vector<16x1xi32> to vector<16xi32>
      %gather3A_421 = tpu.dynamic_gather %get3A_385[%gather3A_420] in [0] : vector<16xf32>, vector<16xi32> -> vector<16xf32>
      %lt3A = arith.constant 4 : i32
      %lt3A_422 = vector.broadcast %lt3A : i32 to vector<16xi32>
      %lt3A_423 = arith.cmpi slt, %iota3A, %lt3A_422 : vector<16xi32>
      %lt3A_424 = arith.constant 8 : i32
      %lt3A_425 = vector.broadcast %lt3A_424 : i32 to vector<16xi32>
      %lt3A_426 = arith.cmpi slt, %iota3A, %lt3A_425 : vector<16xi32>
      %lt3A_427 = arith.constant 12 : i32
      %lt3A_428 = vector.broadcast %lt3A_427 : i32 to vector<16xi32>
      %lt3A_429 = arith.cmpi slt, %iota3A, %lt3A_428 : vector<16xi32>
      %select_n3A = arith.select %lt3A_429, %gather3A_412, %gather3A_421 : vector<16xi1>, vector<16xf32>
      %select_n3A_430 = arith.select %lt3A_426, %gather3A_403, %select_n3A : vector<16xi1>, vector<16xf32>
      %select_n3A_431 = arith.select %lt3A_423, %gather3A_394, %select_n3A_430 : vector<16xi1>, vector<16xf32>
      %mul3A_432 = arith.constant 4 : i32
      %mul3A_433 = vector.broadcast %mul3A_432 : i32 to vector<16xi32>
      %mul3A_434 = arith.muli %and3A_387, %mul3A_433 : vector<16xi32>
      %add3A_435 = arith.constant 1 : i32
      %add3A_436 = vector.broadcast %add3A_435 : i32 to vector<16xi32>
      %add3A_437 = arith.addi %mul3A_434, %add3A_436 : vector<16xi32>
      %broadcast_in_dim3A_438 = vector.shape_cast %add3A_437 : vector<16xi32> to vector<16x1xi32>
      %gather3A_439 = vector.shape_cast %broadcast_in_dim3A_438 : vector<16x1xi32> to vector<16xi32>
      %gather3A_440 = tpu.dynamic_gather %get3A_364[%gather3A_439] in [0] : vector<16xf32>, vector<16xi32> -> vector<16xf32>
      %mul3A_441 = arith.constant 4 : i32
      %mul3A_442 = vector.broadcast %mul3A_441 : i32 to vector<16xi32>
      %mul3A_443 = arith.muli %and3A_387, %mul3A_442 : vector<16xi32>
      %add3A_444 = arith.constant 1 : i32
      %add3A_445 = vector.broadcast %add3A_444 : i32 to vector<16xi32>
      %add3A_446 = arith.addi %mul3A_443, %add3A_445 : vector<16xi32>
      %broadcast_in_dim3A_447 = vector.shape_cast %add3A_446 : vector<16xi32> to vector<16x1xi32>
      %gather3A_448 = vector.shape_cast %broadcast_in_dim3A_447 : vector<16x1xi32> to vector<16xi32>
      %gather3A_449 = tpu.dynamic_gather %get3A_371[%gather3A_448] in [0] : vector<16xf32>, vector<16xi32> -> vector<16xf32>
      %mul3A_450 = arith.constant 4 : i32
      %mul3A_451 = vector.broadcast %mul3A_450 : i32 to vector<16xi32>
      %mul3A_452 = arith.muli %and3A_387, %mul3A_451 : vector<16xi32>
      %add3A_453 = arith.constant 1 : i32
      %add3A_454 = vector.broadcast %add3A_453 : i32 to vector<16xi32>
      %add3A_455 = arith.addi %mul3A_452, %add3A_454 : vector<16xi32>
      %broadcast_in_dim3A_456 = vector.shape_cast %add3A_455 : vector<16xi32> to vector<16x1xi32>
      %gather3A_457 = vector.shape_cast %broadcast_in_dim3A_456 : vector<16x1xi32> to vector<16xi32>
      %gather3A_458 = tpu.dynamic_gather %get3A_378[%gather3A_457] in [0] : vector<16xf32>, vector<16xi32> -> vector<16xf32>
      %mul3A_459 = arith.constant 4 : i32
      %mul3A_460 = vector.broadcast %mul3A_459 : i32 to vector<16xi32>
      %mul3A_461 = arith.muli %and3A_387, %mul3A_460 : vector<16xi32>
      %add3A_462 = arith.constant 1 : i32
      %add3A_463 = vector.broadcast %add3A_462 : i32 to vector<16xi32>
      %add3A_464 = arith.addi %mul3A_461, %add3A_463 : vector<16xi32>
      %broadcast_in_dim3A_465 = vector.shape_cast %add3A_464 : vector<16xi32> to vector<16x1xi32>
      %gather3A_466 = vector.shape_cast %broadcast_in_dim3A_465 : vector<16x1xi32> to vector<16xi32>
      %gather3A_467 = tpu.dynamic_gather %get3A_385[%gather3A_466] in [0] : vector<16xf32>, vector<16xi32> -> vector<16xf32>
      %lt3A_468 = arith.constant 4 : i32
      %lt3A_469 = vector.broadcast %lt3A_468 : i32 to vector<16xi32>
      %lt3A_470 = arith.cmpi slt, %iota3A, %lt3A_469 : vector<16xi32>
      %lt3A_471 = arith.constant 8 : i32
      %lt3A_472 = vector.broadcast %lt3A_471 : i32 to vector<16xi32>
      %lt3A_473 = arith.cmpi slt, %iota3A, %lt3A_472 : vector<16xi32>
      %lt3A_474 = arith.constant 12 : i32
      %lt3A_475 = vector.broadcast %lt3A_474 : i32 to vector<16xi32>
      %lt3A_476 = arith.cmpi slt, %iota3A, %lt3A_475 : vector<16xi32>
      %select_n3A_477 = arith.select %lt3A_476, %gather3A_458, %gather3A_467 : vector<16xi1>, vector<16xf32>
      %select_n3A_478 = arith.select %lt3A_473, %gather3A_449, %select_n3A_477 : vector<16xi1>, vector<16xf32>
      %select_n3A_479 = arith.select %lt3A_470, %gather3A_440, %select_n3A_478 : vector<16xi1>, vector<16xf32>
      %mul3A_480 = arith.constant 4 : i32
      %mul3A_481 = vector.broadcast %mul3A_480 : i32 to vector<16xi32>
      %mul3A_482 = arith.muli %and3A_387, %mul3A_481 : vector<16xi32>
      %add3A_483 = arith.constant 2 : i32
      %add3A_484 = vector.broadcast %add3A_483 : i32 to vector<16xi32>
      %add3A_485 = arith.addi %mul3A_482, %add3A_484 : vector<16xi32>
      %broadcast_in_dim3A_486 = vector.shape_cast %add3A_485 : vector<16xi32> to vector<16x1xi32>
      %gather3A_487 = vector.shape_cast %broadcast_in_dim3A_486 : vector<16x1xi32> to vector<16xi32>
      %gather3A_488 = tpu.dynamic_gather %get3A_364[%gather3A_487] in [0] : vector<16xf32>, vector<16xi32> -> vector<16xf32>
      %mul3A_489 = arith.constant 4 : i32
      %mul3A_490 = vector.broadcast %mul3A_489 : i32 to vector<16xi32>
      %mul3A_491 = arith.muli %and3A_387, %mul3A_490 : vector<16xi32>
      %add3A_492 = arith.constant 2 : i32
      %add3A_493 = vector.broadcast %add3A_492 : i32 to vector<16xi32>
      %add3A_494 = arith.addi %mul3A_491, %add3A_493 : vector<16xi32>
      %broadcast_in_dim3A_495 = vector.shape_cast %add3A_494 : vector<16xi32> to vector<16x1xi32>
      %gather3A_496 = vector.shape_cast %broadcast_in_dim3A_495 : vector<16x1xi32> to vector<16xi32>
      %gather3A_497 = tpu.dynamic_gather %get3A_371[%gather3A_496] in [0] : vector<16xf32>, vector<16xi32> -> vector<16xf32>
      %mul3A_498 = arith.constant 4 : i32
      %mul3A_499 = vector.broadcast %mul3A_498 : i32 to vector<16xi32>
      %mul3A_500 = arith.muli %and3A_387, %mul3A_499 : vector<16xi32>
      %add3A_501 = arith.constant 2 : i32
      %add3A_502 = vector.broadcast %add3A_501 : i32 to vector<16xi32>
      %add3A_503 = arith.addi %mul3A_500, %add3A_502 : vector<16xi32>
      %broadcast_in_dim3A_504 = vector.shape_cast %add3A_503 : vector<16xi32> to vector<16x1xi32>
      %gather3A_505 = vector.shape_cast %broadcast_in_dim3A_504 : vector<16x1xi32> to vector<16xi32>
      %gather3A_506 = tpu.dynamic_gather %get3A_378[%gather3A_505] in [0] : vector<16xf32>, vector<16xi32> -> vector<16xf32>
      %mul3A_507 = arith.constant 4 : i32
      %mul3A_508 = vector.broadcast %mul3A_507 : i32 to vector<16xi32>
      %mul3A_509 = arith.muli %and3A_387, %mul3A_508 : vector<16xi32>
      %add3A_510 = arith.constant 2 : i32
      %add3A_511 = vector.broadcast %add3A_510 : i32 to vector<16xi32>
      %add3A_512 = arith.addi %mul3A_509, %add3A_511 : vector<16xi32>
      %broadcast_in_dim3A_513 = vector.shape_cast %add3A_512 : vector<16xi32> to vector<16x1xi32>
      %gather3A_514 = vector.shape_cast %broadcast_in_dim3A_513 : vector<16x1xi32> to vector<16xi32>
      %gather3A_515 = tpu.dynamic_gather %get3A_385[%gather3A_514] in [0] : vector<16xf32>, vector<16xi32> -> vector<16xf32>
      %lt3A_516 = arith.constant 4 : i32
      %lt3A_517 = vector.broadcast %lt3A_516 : i32 to vector<16xi32>
      %lt3A_518 = arith.cmpi slt, %iota3A, %lt3A_517 : vector<16xi32>
      %lt3A_519 = arith.constant 8 : i32
      %lt3A_520 = vector.broadcast %lt3A_519 : i32 to vector<16xi32>
      %lt3A_521 = arith.cmpi slt, %iota3A, %lt3A_520 : vector<16xi32>
      %lt3A_522 = arith.constant 12 : i32
      %lt3A_523 = vector.broadcast %lt3A_522 : i32 to vector<16xi32>
      %lt3A_524 = arith.cmpi slt, %iota3A, %lt3A_523 : vector<16xi32>
      %select_n3A_525 = arith.select %lt3A_524, %gather3A_506, %gather3A_515 : vector<16xi1>, vector<16xf32>
      %select_n3A_526 = arith.select %lt3A_521, %gather3A_497, %select_n3A_525 : vector<16xi1>, vector<16xf32>
      %select_n3A_527 = arith.select %lt3A_518, %gather3A_488, %select_n3A_526 : vector<16xi1>, vector<16xf32>
      %mul3A_528 = arith.constant 4 : i32
      %mul3A_529 = vector.broadcast %mul3A_528 : i32 to vector<16xi32>
      %mul3A_530 = arith.muli %and3A_387, %mul3A_529 : vector<16xi32>
      %add3A_531 = arith.constant 3 : i32
      %add3A_532 = vector.broadcast %add3A_531 : i32 to vector<16xi32>
      %add3A_533 = arith.addi %mul3A_530, %add3A_532 : vector<16xi32>
      %broadcast_in_dim3A_534 = vector.shape_cast %add3A_533 : vector<16xi32> to vector<16x1xi32>
      %gather3A_535 = vector.shape_cast %broadcast_in_dim3A_534 : vector<16x1xi32> to vector<16xi32>
      %gather3A_536 = tpu.dynamic_gather %get3A_364[%gather3A_535] in [0] : vector<16xf32>, vector<16xi32> -> vector<16xf32>
      %mul3A_537 = arith.constant 4 : i32
      %mul3A_538 = vector.broadcast %mul3A_537 : i32 to vector<16xi32>
      %mul3A_539 = arith.muli %and3A_387, %mul3A_538 : vector<16xi32>
      %add3A_540 = arith.constant 3 : i32
      %add3A_541 = vector.broadcast %add3A_540 : i32 to vector<16xi32>
      %add3A_542 = arith.addi %mul3A_539, %add3A_541 : vector<16xi32>
      %broadcast_in_dim3A_543 = vector.shape_cast %add3A_542 : vector<16xi32> to vector<16x1xi32>
      %gather3A_544 = vector.shape_cast %broadcast_in_dim3A_543 : vector<16x1xi32> to vector<16xi32>
      %gather3A_545 = tpu.dynamic_gather %get3A_371[%gather3A_544] in [0] : vector<16xf32>, vector<16xi32> -> vector<16xf32>
      %mul3A_546 = arith.constant 4 : i32
      %mul3A_547 = vector.broadcast %mul3A_546 : i32 to vector<16xi32>
      %mul3A_548 = arith.muli %and3A_387, %mul3A_547 : vector<16xi32>
      %add3A_549 = arith.constant 3 : i32
      %add3A_550 = vector.broadcast %add3A_549 : i32 to vector<16xi32>
      %add3A_551 = arith.addi %mul3A_548, %add3A_550 : vector<16xi32>
      %broadcast_in_dim3A_552 = vector.shape_cast %add3A_551 : vector<16xi32> to vector<16x1xi32>
      %gather3A_553 = vector.shape_cast %broadcast_in_dim3A_552 : vector<16x1xi32> to vector<16xi32>
      %gather3A_554 = tpu.dynamic_gather %get3A_378[%gather3A_553] in [0] : vector<16xf32>, vector<16xi32> -> vector<16xf32>
      %mul3A_555 = arith.constant 4 : i32
      %mul3A_556 = vector.broadcast %mul3A_555 : i32 to vector<16xi32>
      %mul3A_557 = arith.muli %and3A_387, %mul3A_556 : vector<16xi32>
      %add3A_558 = arith.constant 3 : i32
      %add3A_559 = vector.broadcast %add3A_558 : i32 to vector<16xi32>
      %add3A_560 = arith.addi %mul3A_557, %add3A_559 : vector<16xi32>
      %broadcast_in_dim3A_561 = vector.shape_cast %add3A_560 : vector<16xi32> to vector<16x1xi32>
      %gather3A_562 = vector.shape_cast %broadcast_in_dim3A_561 : vector<16x1xi32> to vector<16xi32>
      %gather3A_563 = tpu.dynamic_gather %get3A_385[%gather3A_562] in [0] : vector<16xf32>, vector<16xi32> -> vector<16xf32>
      %lt3A_564 = arith.constant 4 : i32
      %lt3A_565 = vector.broadcast %lt3A_564 : i32 to vector<16xi32>
      %lt3A_566 = arith.cmpi slt, %iota3A, %lt3A_565 : vector<16xi32>
      %lt3A_567 = arith.constant 8 : i32
      %lt3A_568 = vector.broadcast %lt3A_567 : i32 to vector<16xi32>
      %lt3A_569 = arith.cmpi slt, %iota3A, %lt3A_568 : vector<16xi32>
      %lt3A_570 = arith.constant 12 : i32
      %lt3A_571 = vector.broadcast %lt3A_570 : i32 to vector<16xi32>
      %lt3A_572 = arith.cmpi slt, %iota3A, %lt3A_571 : vector<16xi32>
      %select_n3A_573 = arith.select %lt3A_572, %gather3A_554, %gather3A_563 : vector<16xi1>, vector<16xf32>
      %select_n3A_574 = arith.select %lt3A_569, %gather3A_545, %select_n3A_573 : vector<16xi1>, vector<16xf32>
      %select_n3A_575 = arith.select %lt3A_566, %gather3A_536, %select_n3A_574 : vector<16xi1>, vector<16xf32>
      %get3A_576 = arith.index_cast %mul3A_358 : i32 to index
      %get3A_577 = tpu.vector_load %arg14[%get3A_576] {strides = array<i32>} : memref<4096xf32, #tpu.memory_space<vmem>>, vector<16xf32>,
      %get3A_578 = vector.shape_cast %get3A_577 : vector<16xf32> to vector<16xf32>
      %get3A_579 = arith.index_cast %mul3A_358 : i32 to index
      %get3A_580 = tpu.vector_load %arg16[%get3A_579] {strides = array<i32>} : memref<4096xf32, #tpu.memory_space<vmem>>, vector<16xf32>,
      %get3A_581 = vector.shape_cast %get3A_580 : vector<16xf32> to vector<16xf32>
      %sub3A = arith.subf %select_n3A_479, %select_n3A_431 : vector<16xf32>
      %mul3A_582 = arith.mulf %get3A_578, %sub3A : vector<16xf32>
      %add3A_583 = arith.addf %select_n3A_431, %mul3A_582 : vector<16xf32>
      %sub3A_584 = arith.subf %select_n3A_575, %select_n3A_527 : vector<16xf32>
      %mul3A_585 = arith.mulf %get3A_578, %sub3A_584 : vector<16xf32>
      %add3A_586 = arith.addf %select_n3A_527, %mul3A_585 : vector<16xf32>
      %sub3A_587 = arith.subf %add3A_586, %add3A_583 : vector<16xf32>
      %mul3A_588 = arith.mulf %get3A_581, %sub3A_587 : vector<16xf32>
      %add3A_589 = arith.addf %add3A_583, %mul3A_588 : vector<16xf32>
      %swap3A = arith.index_cast %mul3A_358 : i32 to index
      %swap3A_590 = tpu.vector_load %arg18[%swap3A] {strides = array<i32>} : memref<4096xf32, #tpu.memory_space<vmem>>, vector<16xf32>,
      %swap3A_591 = vector.shape_cast %swap3A_590 : vector<16xf32> to vector<16xf32>
      %swap3A_592 = vector.shape_cast %add3A_589 : vector<16xf32> to vector<16xf32>
      tpu.vector_store %arg18[%swap3A], %swap3A_592 {strides = array<i32>} : memref<4096xf32, #tpu.memory_space<vmem>>, vector<16xf32>,
    }
    %scan3A_343 = arith.constant 256 : i32
    %add3A_344 = arith.constant 28672 : i32
    %add3A_345 = arith.addi %mul3A_2, %add3A_344 : i32
    %dma_start3A_346 = tpu.memref_slice %arg4[%add3A_345] : memref<1048576xf32, #tpu.memory_space<hbm>> -> memref<4096xf32, #tpu.memory_space<hbm>>
    %dma_start3A_347 = tpu.memref_slice %arg4[%add3A_345] : memref<1048576xf32, #tpu.memory_space<hbm>> -> memref<4096xf32, #tpu.memory_space<hbm>>
    tpu.enqueue_dma source(%arg18 : memref<4096xf32, #tpu.memory_space<vmem>>) target(%dma_start3A_347 : memref<4096xf32, #tpu.memory_space<hbm>>) target_semaphore(%arg24 : memref<!tpu.dma_semaphore, #tpu.memory_space<semaphore_mem>>)
    %dma_wait3A_348 = tpu.memref_slice %arg4[%add3A_345] : memref<1048576xf32, #tpu.memory_space<hbm>> -> memref<4096xf32, #tpu.memory_space<hbm>>
    %dma_wait3A_349 = tpu.memref_slice %arg4[%add3A_345] : memref<1048576xf32, #tpu.memory_space<hbm>> -> memref<4096xf32, #tpu.memory_space<hbm>>
    tpu.wait_dma2 semaphore(%arg24 : memref<!tpu.dma_semaphore, #tpu.memory_space<semaphore_mem>>) src(%arg18 : memref<4096xf32, #tpu.memory_space<vmem>>) dst(%dma_wait3A_349 : memref<4096xf32, #tpu.memory_space<hbm>>)
    %dma_wait3A_350 = tpu.memref_slice %arg4[%add3A_332] : memref<1048576xf32, #tpu.memory_space<hbm>> -> memref<4096xf32, #tpu.memory_space<hbm>>
    %dma_wait3A_351 = tpu.memref_slice %arg4[%add3A_332] : memref<1048576xf32, #tpu.memory_space<hbm>> -> memref<4096xf32, #tpu.memory_space<hbm>>
    tpu.wait_dma2 semaphore(%arg23 : memref<!tpu.dma_semaphore, #tpu.memory_space<semaphore_mem>>) src(%arg17 : memref<4096xf32, #tpu.memory_space<vmem>>) dst(%dma_wait3A_351 : memref<4096xf32, #tpu.memory_space<hbm>>)
    return
  }
}

</mosaic_0001>

<sc_bundles>
// kernel: kernel.3.cloned.1.call-start
scs
__scs_entry_jumppad:
0x0: {  	(pc) =	sbr.rel $0x88, $3  }
0x1: {  	(tag) =	ssettag $0x0;
	lr =	simm.s32 $0x1  }
0x2: {  	[smem:$0x3F9F] =	sst lr;
	_ =	strace $0xD0000000  }
0x3: {  	_ = 	snop  }
0x4: {  	_ = 	snop  }
0x5: {  	_ = 	snop  }
0x6: {  	_ = 	snop  }
0x7: {  	_ = 	snop  }
__scs_overlays_trampoline_lowered:
0x8: {  	[smem:$0x3FAE] =	sst s0  }
0x9: {  	[smem:$0x3FAF] =	sst s1  }
0xa: {  	[smem:$0x3FB0] =	sst s2  }
0xb: {  	[smem:$0x3FB1] =	sst s3  }
0xc: {  	[smem:$0x3FB2] =	sst s4  }
0xd: {  	[smem:$0x3FB3] =	sst s5  }
0xe: {  	[smem:$0x3FB4] =	sst s6  }
0xf: {  	[smem:$0x3FB5] =	sst s7  }
0x10: {  	[smem:$0x3FB6] =	sst s8  }
0x11: {  	[smem:$0x3FB7] =	sst s9;
	s0 =	simm.s32 @!p0 $0x0  }
0x12: {  	s1 =	sld [smem:$0x3F9D];
	s0 =	simm.s32 @p0 $0x1  }
0x13: {  	[smem:$0x3FB8] =	sst s0;
	s0 =	simm.s32 @!p1 $0x0  }
0x14: {  	s2 =	sld [smem:$0x3F9C];
	s0 =	simm.s32 @p1 $0x1  }
0x15: {  	[smem:$0x3FB9] =	sst s0;
	s0 =	simm.s32 @!p2 $0x0  }
0x16: {  	s3 =	sld [smem:$0x3FDB];
	s0 =	simm.s32 @p2 $0x1  }
0x17: {  	s4 =	simm.s32 $0x1BF5;
	[smem:$0x3FBB] =	sst s0  }
0x18: {  	s0 =	sld [smem:$0x3F9E];
	_ =	swait.ge [sflag:s4], $0x0  }
0x19: {  	s7 =	sld [smem:$0x3F9F]  }
0x1a: {  	s8 =	sadd.s32 $0xFFFFE003, lr  }
0x1b: {  	s9 =	sadd.s32 $0xFFFFFEF7, lr;
	s5 =	simm.s32 $0xFFFFFFFF;
	p2 =	slt.u32 s8, $0xFFFFF086  }
0x1c: {  	p1 =	slt.u32 s9, $0xF7A;
	s5 =	simm.s32 @!p2 $0x0  }
0x1d: {  	s5 =	simm.s32 @p1 $0x1;
	p0 =	seq.s32 s7, s2  }
0x1e: {  	s7 =	smul.u32 @!p0 $0xF7A, s2;
	p2 =	seq.s32 @!p0 s5, $0x0  }
0x1f: {  	s9 =	smul.u32 $0xF7A, s1;
	s8 =	simm.s32 @!p0 $0x1BF5;
	p2 =	por !p2, p0  }
0x20: {  	[sflag:s8] =	ssyncset.s32 @!p0 $0xFFFFF086;
	s6 =	sadd.s32 @!p0 s3, s7;
	s7 =	simm.s32 @!p0 $0x108  }
0x21: {  	s3 =	sadd.s32 s3, s9;
	s6 =	sadd.s32 @!p0 $0x88, s6;
	s7 =	simm.s32 @p2 $0x1082  }
0x22: {  	[simem:s7], [sflag:s8] =	dma.local @!p0 [hbm:s6], $0xF7A  }
0x23: {  	s9 =	sor.u32 $0xD0000000, s2;
	s6 =	simm.s32 $0x108;
	_ =	swait.ge @!p0 [sflag:s8], $0x0  }
0x24: {  	s3 =	sadd.s32 $0x88, s3;
	s6 =	simm.s32 @!p1 $0x1082;
	[sflag:s4] =	ssyncset.s32 $0xFFFFF086  }
0x25: {  	[simem:s6], [sflag:s4] =	dma.local [hbm:s3], $0xF7A  }
0x26: {  	[smem:$0x3F9F] =	sst s1;
	(tag) =	ssettag s2;
	_ =	strace s9  }
0x27: {  	s1 =	sld [smem:$0x3FAF]  }
0x28: {  	s2 =	sld [smem:$0x3FB0]  }
0x29: {  	s4 =	sld [smem:$0x3FB2]  }
0x2a: {  	p0 =	seq.s32 s5, $0x0;
	s5 =	sld [smem:$0x3FB3]  }
0x2b: {  	s6 =	sld [smem:$0x3FB4]  }
0x2c: {  	s7 =	sld [smem:$0x3FB5]  }
0x2d: {  	s3 =	simm.s32 $0x108;
	s8 =	sld [smem:$0x3FB6]  }
0x2e: {  	s3 =	simm.s32 @!p0 $0x1082;
	s9 =	sld [smem:$0x3FB7]  }
0x2f: {  	lr =	sadd.s32 s0, s3;
	s0 =	sld [smem:$0x3FAE]  }
0x30: {  	s3 =	sld [smem:$0x3FB1]  }
0x31: {  	[smem:$0x3FBA] =	sst s10  }
0x32: {  	s10 =	sld [smem:$0x3FB8];
	_ =	sdelay $0x3  }
0x33: {  	p0 =	seq.s32 s10, $0x1;
	s10 =	sld [smem:$0x3FBA];
	_ =	sdelay $0x3  }
0x34: {  	[smem:$0x3FBA] =	sst s10  }
0x35: {  	s10 =	sld [smem:$0x3FB9];
	_ =	sdelay $0x3  }
0x36: {  	p1 =	seq.s32 s10, $0x1;
	s10 =	sld [smem:$0x3FBA];
	_ =	sdelay $0x3  }
0x37: {  	[smem:$0x3FBA] =	sst s10  }
0x38: {  	s10 =	sld [smem:$0x3FBB]  }
0x39: {  	_ = 	snop;
	(pc) =	sbr.ind lr, $3  }
0x3a: {  	_ = 	snop  }
0x3b: {  	_ = 	snop  }
0x3c: {  	p2 =	seq.s32 s10, $0x1;
	s10 =	sld [smem:$0x3FBA]  }
0x3d: {  	_ =	shalt  }
0x3e: {  	_ =	shalt  }
0x3f: {  	_ =	shalt  }
0x40: {  	_ =	shalt  }
0x41: {  	_ =	shalt  }
0x42: {  	_ =	shalt  }
0x43: {  	_ =	shalt  }
0x44: {  	_ =	shalt  }
0x45: {  	_ =	shalt  }
0x46: {  	_ =	shalt  }
0x47: {  	_ =	shalt  }
0x48: {  	_ =	shalt  }
0x49: {  	_ =	shalt  }
0x4a: {  	_ =	shalt  }
0x4b: {  	_ =	shalt  }
0x4c: {  	_ =	shalt  }
0x4d: {  	_ =	shalt  }
0x4e: {  	_ =	shalt  }
0x4f: {  	_ =	shalt  }
0x50: {  	_ =	shalt  }
0x51: {  	_ =	shalt  }
0x52: {  	_ =	shalt  }
0x53: {  	_ =	shalt  }
0x54: {  	_ =	shalt  }
0x55: {  	_ =	shalt  }
0x56: {  	_ =	shalt  }
0x57: {  	_ =	shalt  }
0x58: {  	_ =	shalt  }
0x59: {  	_ =	shalt  }
0x5a: {  	_ =	shalt  }
0x5b: {  	_ =	shalt  }
0x5c: {  	_ =	shalt  }
0x5d: {  	_ =	shalt  }
0x5e: {  	_ =	shalt  }
0x5f: {  	_ =	shalt  }
0x60: {  	_ =	shalt  }
0x61: {  	_ =	shalt  }
0x62: {  	_ =	shalt  }
0x63: {  	_ =	shalt  }
0x64: {  	_ =	shalt  }
0x65: {  	_ =	shalt  }
0x66: {  	_ =	shalt  }
0x67: {  	_ =	shalt  }
0x68: {  	_ =	shalt  }
0x69: {  	_ =	shalt  }
0x6a: {  	_ =	shalt  }
0x6b: {  	_ =	shalt  }
0x6c: {  	_ =	shalt  }
0x6d: {  	_ =	shalt  }
0x6e: {  	_ =	shalt  }
0x6f: {  	_ =	shalt  }
0x70: {  	_ =	shalt  }
0x71: {  	_ =	shalt  }
0x72: {  	_ =	shalt  }
0x73: {  	_ =	shalt  }
0x74: {  	_ =	shalt  }
0x75: {  	_ =	shalt  }
0x76: {  	_ =	shalt  }
0x77: {  	_ =	shalt  }
0x78: {  	_ =	shalt  }
0x79: {  	_ =	shalt  }
0x7a: {  	_ =	shalt  }
0x7b: {  	_ =	shalt  }
0x7c: {  	_ =	shalt  }
0x7d: {  	_ =	shalt  }
0x7e: {  	_ =	shalt  }
0x7f: {  	_ =	shalt  }
0x80: {  	_ =	shalt  }
0x81: {  	_ =	shalt  }
0x82: {  	_ =	shalt  }
0x83: {  	_ =	shalt  }
0x84: {  	_ =	shalt  }
0x85: {  	_ =	shalt  }
0x86: {  	_ =	shalt  }
0x87: {  	_ =	shalt  }
.Lfunc_end0:
.L_simem_size_0:
called_computation_lowered:
.L_overlay_start_0:
0x88: {  	s2 =	sld [smem:$0x3FD9]  }
0x89: {  	s3 =	sld [smem:$0x3FFE];
	_ =	sdelay $0x1  }
0x8a: {  	s1 =	srdreg.scid  }
0x8b: {  	s0 =	sand.u32 $0x1, s1  }
0x8c: {  	s17 =	sshll.u32 s0, $0xA;
	s2 =	sadd.s32 s3, s2  }
0x8d: {  	s2 =	sadd.s32 s2, s17  }
0x8e: {  	[smem:$0x3FC6] =	sst s2  }
0x8f: {  	_ = 	snop  }
0x90: {  	s2 =	sld [smem:$0x3FC9]  }
0x91: {  	s18 =	sld [smem:$0x3FD0];
	(tm) =	ssettm $0x1  }
0x92: {  	s4 =	sld [smem:$0x3FFB];
	_ =	sdelay $0x3  }
0x93: {  	_ =	strace s4  }
0x94: {  	s4 =	sld [smem:$0x3FFC];
	_ =	sdelay $0x3  }
0x95: {  	_ =	strace s4  }
0x96: {  	s4 =	sld [smem:$0x3FFD];
	_ =	sdelay $0x3  }
0x97: {  	_ =	strace s4  }
0x98: {  	_ =	strace $0x8FFFFFFF  }
0x99: {  	s19 =	sld [smem:$0x3FDB];
	_ =	sdelay $0x1  }
0x9a: {  	s5 =	simm.s32 $_scs_section_size  }
0x9b: {  	s6 =	simm.s32 $_size__tile_overlayer_lowered;
	s7 =	simm.s32 $_tile_overlayer_lowered  }
0x9c: {  	s22 =	simm.s32 $0x1BFF;
	s21 =	sshll.u32 s7, $0x1;
	s4 =	sadd.s32 s5, s19  }
0x9d: {  	s8 =	simm.s32 $0x0;
	s20 =	sshll.u32 s6, $0x1;
	s6 =	sadd.s32 s21, s4  }
0x9e: {  	[timem:s8], [sflag:s22] =	dma.local [hbm:s6], s20  }
0x9f: {  	_ =	swait.ge [sflag:s22], s20  }
0xa0: {  	s5 =	ssub.s32 $0x0, s20;
	[sflag:s22] =	ssyncset.done $0x0  }
0xa1: {  	[sflag:s22] =	ssyncadd.s32 s5;
	_ =	sdelay $0x1  }
0xa2: {  	s23 =	simm.s32 $0x1B8B  }
0xa3: {  	_ =	swait.ge [sflag:s23], $0x1  }
0xa4: {  	[sflag:s23] =	ssyncset.done $0x0  }
0xa5: {  	s25 =	simm.s32 $0x1B8E;
	s24 =	sld [smem:$0x3FFE];
	[sflag:s23] =	ssyncadd.s32 $0xFFFFFFFF  }
0xa6: {  	s26 =	simm.s32 $execute0_lowered;
	[smem:$0x3FD2] =	sst s25  }
0xa7: {  	s6 =	sshll.u32 s26, $0x1;
	_ =	strace $0x80000046;
	[dreg:$0x1] =	wrdreg $0xFFFFFFFF  }
0xa8: {  	s28 =	simm.s32 $_size_execute0_lowered;
	s4 =	sadd.s32 s4, s6;
	[dreg:$0x0] =	wrdreg $0x0  }
0xa9: {  	s6 =	sshll.u32 s28, $0x1;
	[dreg:$0x2] =	wrdreg s4  }
0xaa: {  	[dreg:$0x3] =	wrdreg s6  }
0xab: {  	[dreg:$0x4] =	wrdreg $0xC0  }
0xac: {  	_ =	task [dreg:s8], $0x5FFFF  }
0xad: {  	[dreg:$0x1] =	wrdreg $0xFFFFFFFF  }
0xae: {  	[dreg:$0x0] =	wrdreg $0x60  }
0xaf: {  	[dreg:$0x2] =	wrdreg s2  }
0xb0: {  	[dreg:$0x3] =	wrdreg s24  }
0xb1: {  	[dreg:$0x4] =	wrdreg s18  }
0xb2: {  	[dreg:$0x5] =	wrdreg $0x9  }
0xb3: {  	_ =	task.clear_ibuf [dreg:s8], $0x6FFFF;
	_ =	strace $0x90000046  }
0xb4: {  	s29 =	simm.s32 $0x9;
	_ =	strace $0x80000048  }
0xb5: {  	_ =	swait.ge [sflag:s29], $0x1  }
0xb6: {  	[sflag:s29] =	ssyncadd.s32 $0xFFFFFFFF  }
0xb7: {  	_ =	strace $0x90000048  }
0xb8: {  	_ =	sfence  }
0xb9: {  	s30 =	sld [smem:$0x0];
	_ =	sdelay $0x2  }
0xba: {  	s31 =	sshll.u32 s1, $0xD;
	s1 =	sshrl.u32 s1, $0x2  }
0xbb: {  	s3 =	sand.u32 $0x4000, s31;
	s1 =	sadd.s32 s1, s30  }
0xbc: {  	s0 =	sor.u32 s3, s0;
	s1 =	sshll.u32 s1, $0x11  }
0xbd: {  	s0 =	sor.u32 s1, s0  }
0xbe: {  	s0 =	sadd.s32 $0x8F2B, s0  }
0xbf: {  	[sflag:s0] =	ssyncadd.remote.s32 $0x1  }
0xc0: {  	_ =	sfence.sel $0xFFFF  }
0xc1: {  	[dreg:$0x0] =	wrdreg $0xFFFFFFFF;
	(pc) =	sbr.abs _section_cstart, $3  }
0xc2: {  	[dreg:$0x1] =	wrdreg $0xFFFFFFFF  }
0xc3: {  	_ =	task.clear_ibuf [dreg:s8], $0x2FFFF;
	_ =	strace $0x9FFFFFFF  }
0xc4: {  	(tm) =	ssettm $0x7FFFFFFF  }
0xc5: {  	_ =	shalt  }
tec
execute0_lowered:
.L_overlay_start_1:
0x0: {  	(tag) =	ssettag $0x1  }
0x1: {  	s0 =	srdreg.scid  }
0x2: {  	s1 =	stileid.u32;
	s16 =	rddreg [dreg:$0x0]  }
0x3: {  	s30 =	simm.s32 $0x80;
	s31 =	simm.s32 $0x100;
	s0 =	sand.u32 $0x1, s0  }
0x4: {  	s1 =	sshll.u32 s1, $0x10;
	s2 =	sshll.u32 s0, $0xF;
	s0 =	ssub.s32 $0x2, s0  }
0x5: {  	s13 =	sadd.s32 $0x10, s16;
	s1 =	sor.u32 s2, s1;
	s3 =	sshrl.u32 s0, $0x1  }
0x6: {  	s4 =	sshrl.u32 s1, $0x7;
	s0 =	ssub.s32 s0, s3;
	s12 =	sshrl.u32 s1, $0x2  }
0x7: {  	s1 =	sshrl.u32 s1, $0x3;
	s5 =	sor.u32 $0x20, s4;
	s6 =	sadd.s32 s16, s12  }
0x8: {  	s3 =	sadd.s32 s12, s13;
	s15 =	sor.u32 $0x40, s4;
	s8 =	sor.u32 $0x60, s4  }
0x9: {  	s10 =	sor.u32 $0x80, s4;
	s22 =	sor.u32 $0xA0, s4;
	s11 =	sor.u32 $0xC0, s4  }
0xa: {  	s4 =	sor.u32 $0xE0, s4;
	s29 =	smax.u32 s0, $0x1;
	[dreg:$0x4] =	wrdreg s6  }
0xb: {  	s0 =	simm.s32 $0x1;
	s7 =	sshll.u32 s5, $0x5;
	[dreg:$0x5] =	wrdreg s3  }
0xc: {  	s17 =	sshll.u32 s15, $0x5;
	s18 =	sshll.u32 s8, $0x5;
	s14 =	sadd.s32 s16, s7  }
0xd: {  	s20 =	sshll.u32 s10, $0x5;
	s7 =	sadd.s32 s7, s13;
	[dreg:$0x6] =	wrdreg s14  }
0xe: {  	s23 =	sshll.u32 s22, $0x5;
	s9 =	sadd.s32 s16, s17;
	[dreg:$0x7] =	wrdreg s7  }
0xf: {  	s24 =	sshll.u32 s11, $0x5;
	s19 =	sadd.s32 s16, s18;
	[dreg:$0x8] =	wrdreg s9  }
0x10: {  	s26 =	sshll.u32 s4, $0x5;
	s21 =	sadd.s32 s16, s20;
	[dreg:$0xa] =	wrdreg s19  }
0x11: {  	s3 =	sshll.u32 s15, $0x4;
	s12 =	sadd.s32 s16, s23;
	[dreg:$0xc] =	wrdreg s21  }
0x12: {  	s15 =	sshll.u32 s10, $0x4;
	s25 =	sadd.s32 s16, s24;
	[dreg:$0xe] =	wrdreg s12  }
0x13: {  	s10 =	simm.s32 $0x4;
	s2 =	sadd.s32 s16, s26;
	[dreg:$0x10] =	wrdreg s25  }
0x14: {  	s16 =	simm.s32 $0x0;
	s6 =	sadd.s32 s26, s13;
	[dreg:$0x12] =	wrdreg s2  }
0x15: {  	s7 =	sadd.s32 s17, s13;
	s9 =	sadd.s32 s18, s13;
	[dreg:$0x13] =	wrdreg s6  }
0x16: {  	s12 =	sadd.s32 s24, s13;
	[smem:$0x7FF] =	sst s16;
	s14 =	sshll.u32 s8, $0x4  }
0x17: {  	s17 =	sshll.u32 s22, $0x4;
	s18 =	sshll.u32 s11, $0x4;
	s24 =	rddreg [dreg:$0x1]  }
0x18: {  	vm0 =	vcmask $0x1F1C;
	s19 =	sshll.u32 s4, $0x4;
	s2 =	simm.s32 $0x3000;
	[dreg:$0x9] =	wrdreg s7  }
0x19: {  	vm1 =	vcmask $0xF0C;
	v2 =	vlaneseq.u32;
	vm2 =	vcmask $0x1F18;
	s4 =	simm.s32 $0xC000;
	s6 =	simm.s32 $0x3;
	[dreg:$0xb] =	wrdreg s9  }
0x1a: {  	vm3 =	vcmask $0xF08;
	vm4 =	vcmask $0x3F38;
	vm5 =	vmmov $0xf;
	s8 =	simm.s32 $0x10000;
	s11 =	simm.s32 $0x19000;
	[dreg:$0x11] =	wrdreg s12  }
0x1b: {  	vm0 =	vmor vm1, vm0;
	vm1 =	vcmask $0x2F2C;
	v0 =	vshrl.u32 v2, $0x2;
	s7 =	sadd.s32 s20, s13;
	s12 =	rddreg [dreg:$0x2];
	s28 =	sadd.s32 $0x400, s24  }
0x1c: {  	v4 =	vand.u32 $0x3, v2;
	vm0 =	vmor vm0, vm1;
	vm1 =	vcmask $0x3F3C;
	s24 =	simm.s32 $0x1000;
	s9 =	simm.s32 $0x18000;
	[dreg:$0xd] =	wrdreg s7  }
0x1d: {  	v1 =	vor.u32 $0x4, v0;
	v2 =	vor.u32 $0x8, v0;
	v4 =	vmul.u32 $0x4, v4;
	s7 =	sadd.s32 s23, s13;
	s1 =	sadd.s32 s12, s1;
	s20 =	sadd.s32 s12, s3  }
0x1e: {  	vm0 =	vmor vm0, vm1;
	vm1 =	vmor vm3, vm2;
	vm2 =	vcmask $0x2F28;
	s21 =	sadd.s32 s12, s14;
	s22 =	sadd.s32 s12, s15;
	s23 =	sadd.s32 s12, s17  }
0x1f: {  	v3 =	vor.u32 $0xC, v0;
	vm3 =	vcmask $0x300;
	vm1 =	vmor vm1, vm2;
	s25 =	sadd.s32 s12, s18;
	s26 =	sadd.s32 s12, s19;
	s3 =	simm.s32 $0x4000  }
0x20: {  	vm2 =	vcmask $0x1310;
	v5 =	vor.u32 $0x1, v4;
	v6 =	vor.u32 $0x2, v4;
	s14 =	simm.s32 $0x0;
	[dreg:$0xf] =	wrdreg s7;
	s7 =	sshll.u32 s5, $0x4  }
0x21: {  	v7 =	vor.u32 $0x3, v4;
	vm2 =	vmor vm3, vm2;
	vm3 =	vcmask $0x2320;
	[dreg:$0x14] =	wrdreg s1;
	s1 =	simm.s32 $0x2000;
	s13 =	sadd.s32 s12, s7  }
0x22: {  	vm1 =	vmor vm1, vm4;
	vm2 =	vmor vm2, vm3;
	vm3 =	vcmask $0x3330;
	s5 =	simm.s32 $0x2;
	s7 =	simm.s32 $0x8000;
	[dreg:$0x15] =	wrdreg s13  }
0x23: {  	vm4 =	vcmask $0x1F10;
	vm2 =	vmor vm2, vm3;
	vm3 =	vcmask $0x2F20;
	s12 =	simm.s32 $0x5;
	s13 =	simm.s32 $0x6;
	_ =	strace $0x80000047  }
.LBB2_1:
0x24: {  	s15 =	rddreg [dreg:$0x4]  }
0x25: {  	[tilespmem:s16], [sflag:$0x1] =	stream.strided.gather [hbm4b:s15+s30], $0x1000, s31, s30, $0x38;
	[tilespmem:$0x1A000] =	vst v63  }
0x26: {  	s17 =	rddreg [dreg:$0x5]  }
0x27: {  	[tilespmem:s24], [sflag:$0x1] =	stream.strided.gather [hbm4b:s17+s30], $0x1000, s31, s30, $0x38;
	[tilespmem:$0x1A000] =	vst v63  }
0x28: {  	_ =	swait.ge [sflag:s0], $0x1000  }
0x29: {  	[sflag:s0] =	ssyncset.done $0x0  }
0x2a: {  	[sflag:s0] =	ssyncadd.s32 $0xFFFFF000  }
0x2b: {  	_ =	swait.ge [sflag:s0], $0x1000  }
0x2c: {  	[sflag:s0] =	ssyncset.done $0x0  }
0x2d: {  	s18 =	rddreg [dreg:$0x6];
	[sflag:s0] =	ssyncadd.s32 $0xFFFFF000  }
0x2e: {  	[tilespmem:s1], [sflag:$0x2] =	stream.strided.gather [hbm4b:s18+s30], $0x1000, s31, s30, $0x38;
	[tilespmem:$0x1A000] =	vst v63  }
0x2f: {  	s15 =	simm.s32 $0x0;
	s19 =	rddreg [dreg:$0x7]  }
0x30: {  	[tilespmem:s2], [sflag:$0x2] =	stream.strided.gather [hbm4b:s19+s30], $0x1000, s31, s30, $0x38;
	[tilespmem:$0x1A000] =	vst v63  }
0x31: {  	v8 =	vld [tilespmem:s15+$0x1000]  }
0x32: {  	v9 =	vld [tilespmem:s15+$0x0];
	_ =	sdelay $0x4  }
0x33: {  	v15 =	vmul.f32 $2.047000000e+03, v8;
	v8 =	vmul.f32 $2.047000000e+03, v9;
	_ =	sdelay $0x1  }
0x34: {  	v9 =	vtrunc.f32 v15;
	v10 =	vtrunc.f32 v8  }
0x35: {  	v9 =	vcvt.f32.s32 v9;
	v10 =	vcvt.f32.s32 v10;
	_ =	sdelay $0x1  }
0x36: {  	vm6 =	vgt.s32 v9, $0x0;
	vm7 =	vgt.s32 v10, $0x0  }
0x37: {  	v9 =	vnsel vm6, $0x0, v9;
	v10 =	vnsel vm7, $0x0, v10  }
0x38: {  	v11 =	vmin.u32 v9, $0x7FE;
	v9 =	vmin.u32 v9, $0x7FF;
	v12 =	vmin.u32 v10, $0x7FE  }
0x39: {  	v16 =	vmin.u32 v10, $0x7FF;
	v11 =	vshll.u32 v11, $0xB;
	v12 =	vadd.s32 $0x1, v12  }
0x3a: {  	v17 =	vcvt.s32.f32 v9;
	v10 =	vadd.s32 $0x800, v11;
	v11 =	vshll.u32 v9, $0xB  }
0x3b: {  	v21 =	vcvt.s32.f32 v16;
	v13 =	vor.u32 v16, v10;
	v9 =	vor.u32 v16, v11  }
0x3c: {  	v10 =	vadd.s32 v12, v10;
	v20 =	vperm.xlane v13, v0;
	v14 =	vperm.xlane v9, v0  }
0x3d: {  	v12 =	vadd.s32 v12, v11;
	v18 =	vperm.xlane v13, v1;
	v22 =	vperm.xlane v10, v0  }
0x3e: {  	v17 =	vsub.f32 v15, v17;
	v11 =	vperm.xlane v12, v3;
	v15 =	vperm.xlane v9, v1  }
0x3f: {  	s16 =	simm.s32 $0x4020;
	s17 =	simm.s32 $0x4020;
	s18 =	simm.s32 $0x40;
	v19 =	vperm.xlane v10, v1;
	v16 =	vperm.xlane v13, v3;
	v20 =	vsel vm0, v22, v20  }
.LBB2_2:
0x40: {  	p0 =	sne.s32 s18, $0x3FC0  }
0x41: {  	v22 =	vperm.xlane v12, v0;
	v23 =	vperm.xlane v12, v1;
	s17 =	sadd.s32 $0x40, s17;
	s19 =	smov.u32 s18;
	s18 =	sadd.s32 $0x40, s18  }
0x42: {  	v18 =	vsel vm0, v19, v18;
	v19 =	vperm.xlane v10, v3;
	v8 =	vsub.f32 v8, v21  }
0x43: {  	v13 =	vperm.xlane v13, v2;
	[tilespmem:s15+$0x16000] =	vst v17;
	v17 =	vsel vm1, v20, v22;
	v18 =	vsel vm1, v18, v23  }
0x44: {  	v10 =	vperm.xlane v10, v2;
	[tilespmem:s15+$0x14000] =	vst v8;
	v8 =	vsel vm2, v14, v17;
	v14 =	vsel vm2, v15, v18  }
0x45: {  	v15 =	vsel vm0, v19, v16;
	[tilespmem:s16+$0xFFFFFFE0] =	vst v8;
	v8 =	vperm.xlane v12, v2;
	v12 =	vperm.xlane v9, v3  }
0x46: {  	v10 =	vsel vm0, v10, v13;
	v9 =	vperm.xlane v9, v2;
	v11 =	vsel vm1, v15, v11;
	[tilespmem:s16+$0xFFFFFFF0] =	vst v14  }
0x47: {  	v8 =	vsel vm1, v10, v8;
	v10 =	vsel vm2, v12, v11  }
0x48: {  	v8 =	vsel vm2, v9, v8;
	[tilespmem:s16+$0x10] =	vst v10  }
0x49: {  	s15 =	sshra.s32 s19, $0x2;
	[tilespmem:s16+$0x0] =	vst v8;
	s16 =	smov.u32 s17  }
0x4a: {  	v8 =	vld [tilespmem:s15+$0x1000]  }
0x4b: {  	v9 =	vld [tilespmem:s15+$0x0];
	_ =	sdelay $0x3  }
0x4c: {  	v11 =	vmul.f32 $2.047000000e+03, v8  }
0x4d: {  	v8 =	vmul.f32 $2.047000000e+03, v9  }
0x4e: {  	v9 =	vtrunc.f32 v11  }
0x4f: {  	v10 =	vtrunc.f32 v8;
	v9 =	vcvt.f32.s32 v9  }
0x50: {  	v10 =	vcvt.f32.s32 v10  }
0x51: {  	vm6 =	vgt.s32 v9, $0x0  }
0x52: {  	vm7 =	vgt.s32 v10, $0x0;
	v9 =	vnsel vm6, $0x0, v9  }
0x53: {  	v10 =	vnsel vm7, $0x0, v10;
	v12 =	vmin.u32 v9, $0x7FF;
	v9 =	vmin.u32 v9, $0x7FE  }
0x54: {  	v16 =	vmin.u32 v10, $0x7FF;
	v10 =	vmin.u32 v10, $0x7FE;
	v9 =	vshll.u32 v9, $0xB  }
0x55: {  	v15 =	vshll.u32 v12, $0xB;
	v14 =	vadd.s32 $0x1, v10;
	v9 =	vadd.s32 $0x800, v9  }
0x56: {  	v17 =	vcvt.s32.f32 v12;
	v13 =	vor.u32 v16, v9;
	v10 =	vadd.s32 v14, v9  }
.Ltmp0:
0x57: {  	v9 =	vor.u32 v16, v15;
	v12 =	vadd.s32 v14, v15;
	v20 =	vperm.xlane v13, v0;
	(pc) =	sbr.rel @p0 .LBB2_2-.Ltmp0, $4  }
0x58: {  	v17 =	vsub.f32 v11, v17;
	v14 =	vperm.xlane v9, v0;
	v18 =	vperm.xlane v13, v1  }
0x59: {  	v22 =	vperm.xlane v10, v0;
	v11 =	vperm.xlane v12, v3  }
0x5a: {  	v15 =	vperm.xlane v9, v1;
	v19 =	vperm.xlane v10, v1  }
0x5b: {  	v21 =	vcvt.s32.f32 v16;
	v16 =	vperm.xlane v13, v3;
	v20 =	vsel vm0, v22, v20  }
0x5c: {  	v22 =	vperm.xlane v12, v0  }
0x5d: {  	v23 =	vperm.xlane v12, v1;
	v18 =	vsel vm0, v19, v18;
	v19 =	vperm.xlane v10, v3  }
0x5e: {  	v13 =	vperm.xlane v13, v2;
	v10 =	vperm.xlane v10, v2  }
0x5f: {  	v8 =	vsub.f32 v8, v21;
	v20 =	vsel vm1, v20, v22  }
0x60: {  	[tilespmem:s15+$0x16000] =	vst v17;
	v18 =	vsel vm1, v18, v23;
	v16 =	vsel vm0, v19, v16;
	v10 =	vsel vm0, v10, v13  }
0x61: {  	v14 =	vsel vm2, v14, v20;
	[tilespmem:s15+$0x14000] =	vst v8;
	v8 =	vperm.xlane v12, v2;
	v12 =	vperm.xlane v9, v3  }
0x62: {  	v15 =	vsel vm2, v15, v18;
	v9 =	vperm.xlane v9, v2;
	v11 =	vsel vm1, v16, v11;
	[tilespmem:s16+$0xFFFFFFE0] =	vst v14  }
0x63: {  	[tilespmem:s16+$0xFFFFFFF0] =	vst v15;
	v8 =	vsel vm1, v10, v8;
	v10 =	vsel vm2, v12, v11  }
0x64: {  	v8 =	vsel vm2, v9, v8;
	[tilespmem:s16+$0x10] =	vst v10  }
0x65: {  	[tilespmem:s16+$0x0] =	vst v8  }
0x66: {  	[tilespmem:s4], [sflag:$0x3] =	stream.indirect.gather [hbm4b:s28+s3], $0x1, s3, s3, $0xb8;
	[tilespmem:$0x1A000] =	vst v63  }
0x67: {  	_ =	swait.ge [sflag:s5], $0x1000  }
0x68: {  	[sflag:s5] =	ssyncset.done $0x0  }
0x69: {  	[sflag:s5] =	ssyncadd.s32 $0xFFFFF000  }
0x6a: {  	_ =	swait.ge [sflag:s5], $0x1000  }
0x6b: {  	[sflag:s5] =	ssyncset.done $0x0  }
0x6c: {  	s17 =	simm.s32 $0x0;
	s18 =	rddreg [dreg:$0x8];
	[sflag:s5] =	ssyncadd.s32 $0xFFFFF000  }
0x6d: {  	[tilespmem:s17], [sflag:$0x1] =	stream.strided.gather [hbm4b:s18+s30], $0x1000, s31, s30, $0x38;
	[tilespmem:$0x1A000] =	vst v63  }
0x6e: {  	s15 =	simm.s32 $0x0;
	s19 =	rddreg [dreg:$0x9]  }
0x6f: {  	[tilespmem:s24], [sflag:$0x1] =	stream.strided.gather [hbm4b:s19+s30], $0x1000, s31, s30, $0x38;
	[tilespmem:$0x1A000] =	vst v63  }
0x70: {  	v8 =	vld [tilespmem:s15+$0x3000]  }
0x71: {  	v9 =	vld [tilespmem:s15+$0x2000];
	_ =	sdelay $0x4  }
0x72: {  	v15 =	vmul.f32 $2.047000000e+03, v8;
	v8 =	vmul.f32 $2.047000000e+03, v9;
	_ =	sdelay $0x1  }
0x73: {  	v9 =	vtrunc.f32 v15;
	v10 =	vtrunc.f32 v8  }
0x74: {  	v9 =	vcvt.f32.s32 v9;
	v10 =	vcvt.f32.s32 v10;
	_ =	sdelay $0x1  }
0x75: {  	vm6 =	vgt.s32 v9, $0x0;
	vm7 =	vgt.s32 v10, $0x0  }
0x76: {  	v9 =	vnsel vm6, $0x0, v9;
	v10 =	vnsel vm7, $0x0, v10  }
0x77: {  	v11 =	vmin.u32 v9, $0x7FE;
	v9 =	vmin.u32 v9, $0x7FF;
	v12 =	vmin.u32 v10, $0x7FE  }
0x78: {  	v16 =	vmin.u32 v10, $0x7FF;
	v11 =	vshll.u32 v11, $0xB;
	v12 =	vadd.s32 $0x1, v12  }
0x79: {  	v17 =	vcvt.s32.f32 v9;
	v10 =	vadd.s32 $0x800, v11;
	v11 =	vshll.u32 v9, $0xB  }
0x7a: {  	v21 =	vcvt.s32.f32 v16;
	v13 =	vor.u32 v16, v10;
	v9 =	vor.u32 v16, v11  }
0x7b: {  	v10 =	vadd.s32 v12, v10;
	v20 =	vperm.xlane v13, v0;
	v14 =	vperm.xlane v9, v0  }
0x7c: {  	v12 =	vadd.s32 v12, v11;
	v18 =	vperm.xlane v13, v1;
	v22 =	vperm.xlane v10, v0  }
0x7d: {  	v17 =	vsub.f32 v15, v17;
	v11 =	vperm.xlane v12, v3;
	v15 =	vperm.xlane v9, v1  }
0x7e: {  	s16 =	simm.s32 $0x8020;
	s17 =	simm.s32 $0x8020;
	s18 =	simm.s32 $0x40;
	v19 =	vperm.xlane v10, v1;
	v16 =	vperm.xlane v13, v3;
	v20 =	vsel vm0, v22, v20  }
.LBB2_4:
0x7f: {  	p0 =	sne.s32 s18, $0x3FC0  }
0x80: {  	v22 =	vperm.xlane v12, v0;
	v23 =	vperm.xlane v12, v1;
	s17 =	sadd.s32 $0x40, s17;
	s19 =	smov.u32 s18;
	s18 =	sadd.s32 $0x40, s18  }
0x81: {  	v18 =	vsel vm0, v19, v18;
	v19 =	vperm.xlane v10, v3;
	v8 =	vsub.f32 v8, v21  }
0x82: {  	v13 =	vperm.xlane v13, v2;
	[tilespmem:s15+$0x17000] =	vst v17;
	v17 =	vsel vm1, v20, v22;
	v18 =	vsel vm1, v18, v23  }
0x83: {  	v10 =	vperm.xlane v10, v2;
	[tilespmem:s15+$0x15000] =	vst v8;
	v8 =	vsel vm2, v14, v17;
	v14 =	vsel vm2, v15, v18  }
0x84: {  	v15 =	vsel vm0, v19, v16;
	[tilespmem:s16+$0xFFFFFFE0] =	vst v8;
	v8 =	vperm.xlane v12, v2;
	v12 =	vperm.xlane v9, v3  }
0x85: {  	v10 =	vsel vm0, v10, v13;
	v9 =	vperm.xlane v9, v2;
	v11 =	vsel vm1, v15, v11;
	[tilespmem:s16+$0xFFFFFFF0] =	vst v14  }
0x86: {  	v8 =	vsel vm1, v10, v8;
	v10 =	vsel vm2, v12, v11  }
0x87: {  	v8 =	vsel vm2, v9, v8;
	[tilespmem:s16+$0x10] =	vst v10  }
0x88: {  	s15 =	sshra.s32 s19, $0x2;
	[tilespmem:s16+$0x0] =	vst v8;
	s16 =	smov.u32 s17  }
0x89: {  	v8 =	vld [tilespmem:s15+$0x3000]  }
0x8a: {  	v9 =	vld [tilespmem:s15+$0x2000];
	_ =	sdelay $0x3  }
0x8b: {  	v11 =	vmul.f32 $2.047000000e+03, v8  }
0x8c: {  	v8 =	vmul.f32 $2.047000000e+03, v9  }
0x8d: {  	v9 =	vtrunc.f32 v11  }
0x8e: {  	v10 =	vtrunc.f32 v8;
	v9 =	vcvt.f32.s32 v9  }
0x8f: {  	v10 =	vcvt.f32.s32 v10  }
0x90: {  	vm6 =	vgt.s32 v9, $0x0  }
0x91: {  	vm7 =	vgt.s32 v10, $0x0;
	v9 =	vnsel vm6, $0x0, v9  }
0x92: {  	v10 =	vnsel vm7, $0x0, v10;
	v12 =	vmin.u32 v9, $0x7FF;
	v9 =	vmin.u32 v9, $0x7FE  }
0x93: {  	v16 =	vmin.u32 v10, $0x7FF;
	v10 =	vmin.u32 v10, $0x7FE;
	v9 =	vshll.u32 v9, $0xB  }
0x94: {  	v15 =	vshll.u32 v12, $0xB;
	v14 =	vadd.s32 $0x1, v10;
	v9 =	vadd.s32 $0x800, v9  }
0x95: {  	v17 =	vcvt.s32.f32 v12;
	v13 =	vor.u32 v16, v9;
	v10 =	vadd.s32 v14, v9  }
.Ltmp1:
0x96: {  	v9 =	vor.u32 v16, v15;
	v12 =	vadd.s32 v14, v15;
	v20 =	vperm.xlane v13, v0;
	(pc) =	sbr.rel @p0 .LBB2_4-.Ltmp1, $4  }
0x97: {  	v17 =	vsub.f32 v11, v17;
	v14 =	vperm.xlane v9, v0;
	v18 =	vperm.xlane v13, v1  }
0x98: {  	v22 =	vperm.xlane v10, v0;
	v11 =	vperm.xlane v12, v3  }
0x99: {  	v15 =	vperm.xlane v9, v1;
	v19 =	vperm.xlane v10, v1  }
0x9a: {  	v21 =	vcvt.s32.f32 v16;
	v16 =	vperm.xlane v13, v3;
	v20 =	vsel vm0, v22, v20  }
0x9b: {  	v22 =	vperm.xlane v12, v0  }
0x9c: {  	v23 =	vperm.xlane v12, v1;
	v18 =	vsel vm0, v19, v18;
	v19 =	vperm.xlane v10, v3  }
0x9d: {  	v13 =	vperm.xlane v13, v2;
	v10 =	vperm.xlane v10, v2  }
0x9e: {  	v8 =	vsub.f32 v8, v21;
	v20 =	vsel vm1, v20, v22  }
0x9f: {  	[tilespmem:s15+$0x17000] =	vst v17;
	v18 =	vsel vm1, v18, v23;
	v16 =	vsel vm0, v19, v16;
	v10 =	vsel vm0, v10, v13  }
0xa0: {  	v14 =	vsel vm2, v14, v20;
	[tilespmem:s15+$0x15000] =	vst v8;
	v8 =	vperm.xlane v12, v2;
	v12 =	vperm.xlane v9, v3  }
0xa1: {  	v15 =	vsel vm2, v15, v18;
	v9 =	vperm.xlane v9, v2;
	v11 =	vsel vm1, v16, v11;
	[tilespmem:s16+$0xFFFFFFE0] =	vst v14  }
0xa2: {  	[tilespmem:s16+$0xFFFFFFF0] =	vst v15;
	v8 =	vsel vm1, v10, v8;
	v10 =	vsel vm2, v12, v11  }
0xa3: {  	v8 =	vsel vm2, v9, v8;
	[tilespmem:s16+$0x10] =	vst v10  }
0xa4: {  	[tilespmem:s16+$0x0] =	vst v8  }
0xa5: {  	_ =	swait.ge [sflag:s6], $0x4000  }
0xa6: {  	[sflag:s6] =	ssyncset.done $0x0  }
0xa7: {  	s15 =	simm.s32 $0xC020;
	[sflag:s6] =	ssyncadd.s32 $0xFFFFC000  }
0xa8: {  	[tilespmem:s8], [sflag:$0x4] =	stream.indirect.gather [hbm4b:s28+s3], $0x1, s7, s3, $0xb8;
	[tilespmem:$0x1A000] =	vst v63  }
0xa9: {  	v13 =	vld [tilespmem:s15+$0xFFFFFFF0]  }
0xaa: {  	v10 =	vld [tilespmem:s15+$0x10];
	_ =	sdelay $0x1  }
0xab: {  	v17 =	vld [tilespmem:s15+$0x0];
	_ =	sdelay $0x1  }
0xac: {  	v8 =	vperm.xlane v13, v6;
	v9 =	vperm.xlane v13, v7  }
0xad: {  	v19 =	vperm.xlane v10, v4;
	v11 =	vperm.xlane v10, v5  }
0xae: {  	v18 =	vperm.xlane v10, v6;
	v16 =	vperm.xlane v10, v7;
	v10 =	vld [tilespmem:s15+$0xFFFFFFE0]  }
0xaf: {  	v14 =	vperm.xlane v13, v4;
	v20 =	vperm.xlane v17, v4  }
0xb0: {  	v15 =	vperm.xlane v17, v6;
	v12 =	vperm.xlane v17, v7  }
0xb1: {  	s17 =	simm.s32 $0x40;
	s16 =	simm.s32 $0x0;
	v13 =	vperm.xlane v13, v5;
	v17 =	vperm.xlane v17, v5;
	v19 =	vsel vm3, v20, v19  }
.LBB2_6:
0xb2: {  	p0 =	sne.s32 s17, $0x3FC0  }
0xb3: {  	v14 =	vsel vm4, v14, v19;
	v15 =	vsel vm3, v15, v18;
	v18 =	vperm.xlane v10, v7;
	s15 =	sadd.s32 $0x40, s15;
	s18 =	smov.u32 s17;
	s17 =	sadd.s32 $0x40, s17  }
0xb4: {  	v19 =	vperm.xlane v10, v5;
	v20 =	vperm.xlane v10, v6;
	v12 =	vsel vm3, v12, v16;
	s19 =	sshra.s32 s16, $0x2;
	s16 =	smov.u32 s18  }
0xb5: {  	v10 =	vperm.xlane v10, v4;
	v11 =	vsel vm3, v17, v11;
	v9 =	vsel vm4, v9, v12;
	v12 =	vld [tilespmem:s19+$0x14000]  }
0xb6: {  	v8 =	vsel vm4, v8, v15;
	v11 =	vsel vm4, v13, v11;
	v9 =	vsel vm5, v18, v9  }
0xb7: {  	v10 =	vsel vm5, v10, v14;
	v8 =	vsel vm5, v20, v8;
	v11 =	vsel vm5, v19, v11  }
0xb8: {  	v9 =	vsub.f32 v9, v8;
	v11 =	vsub.f32 v11, v10;
	_ =	sdelay $0x1  }
0xb9: {  	v11 =	vmul.f32 v12, v11;
	v9 =	vmul.f32 v9, v12  }
0xba: {  	v12 =	vld [tilespmem:s19+$0x16000]  }
0xbb: {  	v10 =	vadd.f32 v11, v10;
	v8 =	vadd.f32 v9, v8;
	_ =	sdelay $0x1  }
0xbc: {  	v8 =	vsub.f32 v8, v10;
	_ =	sdelay $0x1  }
0xbd: {  	v8 =	vmul.f32 v8, v12;
	_ =	sdelay $0x1  }
0xbe: {  	v8 =	vadd.f32 v8, v10;
	_ =	sdelay $0x1  }
0xbf: {  	[tilespmem:s19+$0x18000] =	vst v8  }
0xc0: {  	v13 =	vld [tilespmem:s15+$0xFFFFFFF0]  }
0xc1: {  	v17 =	vld [tilespmem:s15+$0x0]  }
0xc2: {  	v16 =	vld [tilespmem:s15+$0x10];
	_ =	sdelay $0x2  }
0xc3: {  	v8 =	vperm.xlane v13, v6;
	v9 =	vperm.xlane v13, v7  }
.Ltmp2:
0xc4: {  	v14 =	vperm.xlane v13, v4;
	v10 =	vld [tilespmem:s15+$0xFFFFFFE0];
	v15 =	vperm.xlane v17, v6;
	(pc) =	sbr.rel @p0 .LBB2_6-.Ltmp2, $4  }
0xc5: {  	v12 =	vperm.xlane v17, v7;
	v19 =	vperm.xlane v16, v4  }
0xc6: {  	v20 =	vperm.xlane v17, v4;
	v11 =	vperm.xlane v16, v5  }
0xc7: {  	v18 =	vperm.xlane v16, v6;
	v16 =	vperm.xlane v16, v7  }
0xc8: {  	v13 =	vperm.xlane v13, v5;
	v17 =	vperm.xlane v17, v5;
	v19 =	vsel vm3, v20, v19  }
0xc9: {  	v14 =	vsel vm4, v14, v19;
	v15 =	vsel vm3, v15, v18;
	v18 =	vperm.xlane v10, v7  }
0xca: {  	v19 =	vperm.xlane v10, v5;
	v20 =	vperm.xlane v10, v6;
	v12 =	vsel vm3, v12, v16;
	s15 =	sshra.s32 s16, $0x2  }
0xcb: {  	v10 =	vperm.xlane v10, v4;
	v11 =	vsel vm3, v17, v11;
	v9 =	vsel vm4, v9, v12;
	v12 =	vld [tilespmem:s15+$0x14000]  }
0xcc: {  	v8 =	vsel vm4, v8, v15;
	v11 =	vsel vm4, v13, v11;
	v9 =	vsel vm5, v18, v9  }
0xcd: {  	v10 =	vsel vm5, v10, v14;
	v8 =	vsel vm5, v20, v8;
	v11 =	vsel vm5, v19, v11  }
0xce: {  	v9 =	vsub.f32 v9, v8;
	v11 =	vsub.f32 v11, v10;
	_ =	sdelay $0x1  }
0xcf: {  	v11 =	vmul.f32 v12, v11;
	v9 =	vmul.f32 v9, v12  }
0xd0: {  	v12 =	vld [tilespmem:s15+$0x16000]  }
0xd1: {  	v10 =	vadd.f32 v11, v10;
	v8 =	vadd.f32 v9, v8;
	_ =	sdelay $0x1  }
0xd2: {  	v8 =	vsub.f32 v8, v10;
	_ =	sdelay $0x1  }
0xd3: {  	v8 =	vmul.f32 v8, v12;
	_ =	sdelay $0x1  }
0xd4: {  	v8 =	vadd.f32 v8, v10;
	_ =	sdelay $0x1  }
0xd5: {  	s16 =	simm.s32 $0x0;
	s17 =	rddreg [dreg:$0x14];
	[tilespmem:s15+$0x18000] =	vst v8  }
0xd6: {  	[hbm4b:s17+s16] =	stream.linear.scatter [tilespmem:s9], [sflag:$0x5], $0x1000, $0x38;
	[tilespmem:$0x1A000] =	vst v63  }
0xd7: {  	_ =	swait.ge [sflag:s0], $0x1000  }
0xd8: {  	[sflag:s0] =	ssyncset.done $0x0  }
0xd9: {  	[sflag:s0] =	ssyncadd.s32 $0xFFFFF000  }
0xda: {  	_ =	swait.ge [sflag:s0], $0x1000  }
0xdb: {  	[sflag:s0] =	ssyncset.done $0x0  }
0xdc: {  	s18 =	rddreg [dreg:$0xa];
	[sflag:s0] =	ssyncadd.s32 $0xFFFFF000  }
0xdd: {  	[tilespmem:s1], [sflag:$0x2] =	stream.strided.gather [hbm4b:s18+s30], $0x1000, s31, s30, $0x38;
	[tilespmem:$0x1A000] =	vst v63  }
0xde: {  	s15 =	simm.s32 $0x0;
	s19 =	rddreg [dreg:$0xb]  }
0xdf: {  	[tilespmem:s2], [sflag:$0x2] =	stream.strided.gather [hbm4b:s19+s30], $0x1000, s31, s30, $0x38;
	[tilespmem:$0x1A000] =	vst v63  }
0xe0: {  	v8 =	vld [tilespmem:s15+$0x1000]  }
0xe1: {  	v9 =	vld [tilespmem:s15+$0x0];
	_ =	sdelay $0x4  }
0xe2: {  	v15 =	vmul.f32 $2.047000000e+03, v8;
	v8 =	vmul.f32 $2.047000000e+03, v9;
	_ =	sdelay $0x1  }
0xe3: {  	v9 =	vtrunc.f32 v15;
	v10 =	vtrunc.f32 v8  }
0xe4: {  	v9 =	vcvt.f32.s32 v9;
	v10 =	vcvt.f32.s32 v10;
	_ =	sdelay $0x1  }
0xe5: {  	vm6 =	vgt.s32 v9, $0x0;
	vm7 =	vgt.s32 v10, $0x0  }
0xe6: {  	v9 =	vnsel vm6, $0x0, v9;
	v10 =	vnsel vm7, $0x0, v10  }
0xe7: {  	v11 =	vmin.u32 v9, $0x7FE;
	v9 =	vmin.u32 v9, $0x7FF;
	v12 =	vmin.u32 v10, $0x7FE  }
0xe8: {  	v16 =	vmin.u32 v10, $0x7FF;
	v11 =	vshll.u32 v11, $0xB;
	v12 =	vadd.s32 $0x1, v12  }
0xe9: {  	v17 =	vcvt.s32.f32 v9;
	v10 =	vadd.s32 $0x800, v11;
	v11 =	vshll.u32 v9, $0xB  }
0xea: {  	v21 =	vcvt.s32.f32 v16;
	v13 =	vor.u32 v16, v10;
	v9 =	vor.u32 v16, v11  }
0xeb: {  	v10 =	vadd.s32 v12, v10;
	v20 =	vperm.xlane v13, v0;
	v14 =	vperm.xlane v9, v0  }
0xec: {  	v12 =	vadd.s32 v12, v11;
	v18 =	vperm.xlane v13, v1;
	v22 =	vperm.xlane v10, v0  }
0xed: {  	v17 =	vsub.f32 v15, v17;
	v11 =	vperm.xlane v12, v3;
	v15 =	vperm.xlane v9, v1  }
0xee: {  	s17 =	simm.s32 $0x4020;
	s16 =	simm.s32 $0x4020;
	s18 =	simm.s32 $0x40;
	v19 =	vperm.xlane v10, v1;
	v16 =	vperm.xlane v13, v3;
	v20 =	vsel vm0, v22, v20  }
.LBB2_8:
0xef: {  	p0 =	sne.s32 s18, $0x3FC0  }
0xf0: {  	v22 =	vperm.xlane v12, v0;
	v23 =	vperm.xlane v12, v1;
	s17 =	sadd.s32 $0x40, s17;
	s19 =	smov.u32 s18;
	s18 =	sadd.s32 $0x40, s18  }
0xf1: {  	v18 =	vsel vm0, v19, v18;
	v19 =	vperm.xlane v10, v3;
	v8 =	vsub.f32 v8, v21  }
0xf2: {  	v13 =	vperm.xlane v13, v2;
	[tilespmem:s15+$0x16000] =	vst v17;
	v17 =	vsel vm1, v20, v22;
	v18 =	vsel vm1, v18, v23  }
0xf3: {  	v10 =	vperm.xlane v10, v2;
	[tilespmem:s15+$0x14000] =	vst v8;
	v8 =	vsel vm2, v14, v17;
	v14 =	vsel vm2, v15, v18  }
0xf4: {  	v15 =	vsel vm0, v19, v16;
	[tilespmem:s16+$0xFFFFFFE0] =	vst v8;
	v8 =	vperm.xlane v12, v2;
	v12 =	vperm.xlane v9, v3  }
0xf5: {  	v10 =	vsel vm0, v10, v13;
	v9 =	vperm.xlane v9, v2;
	v11 =	vsel vm1, v15, v11;
	[tilespmem:s16+$0xFFFFFFF0] =	vst v14  }
0xf6: {  	v8 =	vsel vm1, v10, v8;
	v10 =	vsel vm2, v12, v11  }
0xf7: {  	v8 =	vsel vm2, v9, v8;
	[tilespmem:s16+$0x10] =	vst v10  }
0xf8: {  	s15 =	sshra.s32 s19, $0x2;
	[tilespmem:s16+$0x0] =	vst v8;
	s16 =	smov.u32 s17  }
0xf9: {  	v8 =	vld [tilespmem:s15+$0x1000]  }
0xfa: {  	v9 =	vld [tilespmem:s15+$0x0];
	_ =	sdelay $0x3  }
0xfb: {  	v11 =	vmul.f32 $2.047000000e+03, v8  }
0xfc: {  	v8 =	vmul.f32 $2.047000000e+03, v9  }
0xfd: {  	v9 =	vtrunc.f32 v11  }
0xfe: {  	v10 =	vtrunc.f32 v8;
	v9 =	vcvt.f32.s32 v9  }
0xff: {  	v10 =	vcvt.f32.s32 v10  }
0x100: {  	vm6 =	vgt.s32 v9, $0x0  }
0x101: {  	vm7 =	vgt.s32 v10, $0x0;
	v9 =	vnsel vm6, $0x0, v9  }
0x102: {  	v10 =	vnsel vm7, $0x0, v10;
	v12 =	vmin.u32 v9, $0x7FF;
	v9 =	vmin.u32 v9, $0x7FE  }
0x103: {  	v16 =	vmin.u32 v10, $0x7FF;
	v10 =	vmin.u32 v10, $0x7FE;
	v9 =	vshll.u32 v9, $0xB  }
0x104: {  	v15 =	vshll.u32 v12, $0xB;
	v14 =	vadd.s32 $0x1, v10;
	v9 =	vadd.s32 $0x800, v9  }
0x105: {  	v17 =	vcvt.s32.f32 v12;
	v13 =	vor.u32 v16, v9;
	v10 =	vadd.s32 v14, v9  }
.Ltmp3:
0x106: {  	v9 =	vor.u32 v16, v15;
	v12 =	vadd.s32 v14, v15;
	v20 =	vperm.xlane v13, v0;
	(pc) =	sbr.rel @p0 .LBB2_8-.Ltmp3, $4  }
0x107: {  	v17 =	vsub.f32 v11, v17;
	v14 =	vperm.xlane v9, v0;
	v18 =	vperm.xlane v13, v1  }
0x108: {  	v22 =	vperm.xlane v10, v0;
	v11 =	vperm.xlane v12, v3  }
0x109: {  	v15 =	vperm.xlane v9, v1;
	v19 =	vperm.xlane v10, v1  }
0x10a: {  	v21 =	vcvt.s32.f32 v16;
	v16 =	vperm.xlane v13, v3;
	v20 =	vsel vm0, v22, v20  }
0x10b: {  	v22 =	vperm.xlane v12, v0  }
0x10c: {  	v23 =	vperm.xlane v12, v1;
	v18 =	vsel vm0, v19, v18;
	v19 =	vperm.xlane v10, v3  }
0x10d: {  	v13 =	vperm.xlane v13, v2;
	v10 =	vperm.xlane v10, v2  }
0x10e: {  	v8 =	vsub.f32 v8, v21;
	v20 =	vsel vm1, v20, v22  }
0x10f: {  	[tilespmem:s15+$0x16000] =	vst v17;
	v18 =	vsel vm1, v18, v23;
	v16 =	vsel vm0, v19, v16;
	v10 =	vsel vm0, v10, v13  }
0x110: {  	v14 =	vsel vm2, v14, v20;
	[tilespmem:s15+$0x14000] =	vst v8;
	v8 =	vperm.xlane v12, v2;
	v12 =	vperm.xlane v9, v3  }
0x111: {  	v15 =	vsel vm2, v15, v18;
	v9 =	vperm.xlane v9, v2;
	v11 =	vsel vm1, v16, v11;
	[tilespmem:s16+$0xFFFFFFE0] =	vst v14  }
0x112: {  	[tilespmem:s16+$0xFFFFFFF0] =	vst v15;
	v8 =	vsel vm1, v10, v8;
	v10 =	vsel vm2, v12, v11  }
0x113: {  	v8 =	vsel vm2, v9, v8;
	[tilespmem:s16+$0x10] =	vst v10  }
0x114: {  	[tilespmem:s16+$0x0] =	vst v8  }
0x115: {  	_ =	swait.ge [sflag:s10], $0x4000  }
0x116: {  	[sflag:s10] =	ssyncset.done $0x0  }
0x117: {  	s15 =	simm.s32 $0x10020;
	[sflag:s10] =	ssyncadd.s32 $0xFFFFC000  }
0x118: {  	[tilespmem:s4], [sflag:$0x3] =	stream.indirect.gather [hbm4b:s28+s3], $0x1, s3, s3, $0xb8;
	[tilespmem:$0x1A000] =	vst v63  }
0x119: {  	v13 =	vld [tilespmem:s15+$0xFFFFFFF0]  }
0x11a: {  	v10 =	vld [tilespmem:s15+$0x10];
	_ =	sdelay $0x1  }
0x11b: {  	v17 =	vld [tilespmem:s15+$0x0];
	_ =	sdelay $0x1  }
0x11c: {  	v8 =	vperm.xlane v13, v6;
	v9 =	vperm.xlane v13, v7  }
0x11d: {  	v19 =	vperm.xlane v10, v4;
	v11 =	vperm.xlane v10, v5  }
0x11e: {  	v18 =	vperm.xlane v10, v6;
	v16 =	vperm.xlane v10, v7;
	v10 =	vld [tilespmem:s15+$0xFFFFFFE0]  }
0x11f: {  	v14 =	vperm.xlane v13, v4;
	v20 =	vperm.xlane v17, v4  }
0x120: {  	v15 =	vperm.xlane v17, v6;
	v12 =	vperm.xlane v17, v7  }
0x121: {  	s17 =	simm.s32 $0x40;
	s16 =	simm.s32 $0x0;
	v13 =	vperm.xlane v13, v5;
	v17 =	vperm.xlane v17, v5;
	v19 =	vsel vm3, v20, v19  }
.LBB2_10:
0x122: {  	p0 =	sne.s32 s17, $0x3FC0  }
0x123: {  	v14 =	vsel vm4, v14, v19;
	v15 =	vsel vm3, v15, v18;
	v18 =	vperm.xlane v10, v7;
	s15 =	sadd.s32 $0x40, s15;
	s18 =	smov.u32 s17;
	s17 =	sadd.s32 $0x40, s17  }
0x124: {  	v19 =	vperm.xlane v10, v5;
	v20 =	vperm.xlane v10, v6;
	v12 =	vsel vm3, v12, v16;
	s19 =	sshra.s32 s16, $0x2;
	s16 =	smov.u32 s18  }
0x125: {  	v10 =	vperm.xlane v10, v4;
	v11 =	vsel vm3, v17, v11;
	v9 =	vsel vm4, v9, v12;
	v12 =	vld [tilespmem:s19+$0x15000]  }
0x126: {  	v8 =	vsel vm4, v8, v15;
	v11 =	vsel vm4, v13, v11;
	v9 =	vsel vm5, v18, v9  }
0x127: {  	v10 =	vsel vm5, v10, v14;
	v8 =	vsel vm5, v20, v8;
	v11 =	vsel vm5, v19, v11  }
0x128: {  	v9 =	vsub.f32 v9, v8;
	v11 =	vsub.f32 v11, v10;
	_ =	sdelay $0x1  }
0x129: {  	v11 =	vmul.f32 v12, v11;
	v9 =	vmul.f32 v9, v12  }
0x12a: {  	v12 =	vld [tilespmem:s19+$0x17000]  }
0x12b: {  	v10 =	vadd.f32 v11, v10;
	v8 =	vadd.f32 v9, v8;
	_ =	sdelay $0x1  }
0x12c: {  	v8 =	vsub.f32 v8, v10;
	_ =	sdelay $0x1  }
0x12d: {  	v8 =	vmul.f32 v8, v12;
	_ =	sdelay $0x1  }
0x12e: {  	v8 =	vadd.f32 v8, v10;
	_ =	sdelay $0x1  }
0x12f: {  	[tilespmem:s19+$0x19000] =	vst v8  }
0x130: {  	v13 =	vld [tilespmem:s15+$0xFFFFFFF0]  }
0x131: {  	v17 =	vld [tilespmem:s15+$0x0]  }
0x132: {  	v16 =	vld [tilespmem:s15+$0x10];
	_ =	sdelay $0x2  }
0x133: {  	v8 =	vperm.xlane v13, v6;
	v9 =	vperm.xlane v13, v7  }
.Ltmp4:
0x134: {  	v14 =	vperm.xlane v13, v4;
	v10 =	vld [tilespmem:s15+$0xFFFFFFE0];
	v15 =	vperm.xlane v17, v6;
	(pc) =	sbr.rel @p0 .LBB2_10-.Ltmp4, $4  }
0x135: {  	v12 =	vperm.xlane v17, v7;
	v19 =	vperm.xlane v16, v4  }
0x136: {  	v20 =	vperm.xlane v17, v4;
	v11 =	vperm.xlane v16, v5  }
0x137: {  	v18 =	vperm.xlane v16, v6;
	v16 =	vperm.xlane v16, v7  }
0x138: {  	v13 =	vperm.xlane v13, v5;
	v17 =	vperm.xlane v17, v5;
	v19 =	vsel vm3, v20, v19  }
0x139: {  	v14 =	vsel vm4, v14, v19;
	v15 =	vsel vm3, v15, v18;
	v18 =	vperm.xlane v10, v7  }
0x13a: {  	v19 =	vperm.xlane v10, v5;
	v20 =	vperm.xlane v10, v6;
	v12 =	vsel vm3, v12, v16;
	s15 =	sshra.s32 s16, $0x2  }
0x13b: {  	v10 =	vperm.xlane v10, v4;
	v11 =	vsel vm3, v17, v11;
	v9 =	vsel vm4, v9, v12;
	v12 =	vld [tilespmem:s15+$0x15000]  }
0x13c: {  	v8 =	vsel vm4, v8, v15;
	v11 =	vsel vm4, v13, v11;
	v9 =	vsel vm5, v18, v9  }
0x13d: {  	v10 =	vsel vm5, v10, v14;
	v8 =	vsel vm5, v20, v8;
	v11 =	vsel vm5, v19, v11  }
0x13e: {  	v9 =	vsub.f32 v9, v8;
	v11 =	vsub.f32 v11, v10;
	_ =	sdelay $0x1  }
0x13f: {  	v11 =	vmul.f32 v12, v11;
	v9 =	vmul.f32 v9, v12  }
0x140: {  	v12 =	vld [tilespmem:s15+$0x17000]  }
0x141: {  	v10 =	vadd.f32 v11, v10;
	v8 =	vadd.f32 v9, v8;
	_ =	sdelay $0x1  }
0x142: {  	v8 =	vsub.f32 v8, v10;
	_ =	sdelay $0x1  }
0x143: {  	v8 =	vmul.f32 v8, v12;
	_ =	sdelay $0x1  }
0x144: {  	v8 =	vadd.f32 v8, v10;
	_ =	sdelay $0x1  }
0x145: {  	s19 =	simm.s32 $0x0;
	s17 =	rddreg [dreg:$0x15];
	[tilespmem:s15+$0x19000] =	vst v8  }
0x146: {  	[hbm4b:s17+s19] =	stream.linear.scatter [tilespmem:s11], [sflag:$0x6], $0x1000, $0x38;
	[tilespmem:$0x1A000] =	vst v63  }
0x147: {  	_ =	swait.ge [sflag:s5], $0x1000  }
0x148: {  	[sflag:s5] =	ssyncset.done $0x0  }
0x149: {  	[sflag:s5] =	ssyncadd.s32 $0xFFFFF000  }
0x14a: {  	_ =	swait.ge [sflag:s5], $0x1000  }
0x14b: {  	[sflag:s5] =	ssyncset.done $0x0  }
0x14c: {  	s18 =	rddreg [dreg:$0xc];
	[sflag:s5] =	ssyncadd.s32 $0xFFFFF000  }
0x14d: {  	[tilespmem:s19], [sflag:$0x1] =	stream.strided.gather [hbm4b:s18+s30], $0x1000, s31, s30, $0x38;
	[tilespmem:$0x1A000] =	vst v63  }
0x14e: {  	s15 =	simm.s32 $0x0;
	s19 =	rddreg [dreg:$0xd]  }
0x14f: {  	[tilespmem:s24], [sflag:$0x1] =	stream.strided.gather [hbm4b:s19+s30], $0x1000, s31, s30, $0x38;
	[tilespmem:$0x1A000] =	vst v63  }
0x150: {  	v8 =	vld [tilespmem:s15+$0x3000]  }
0x151: {  	v9 =	vld [tilespmem:s15+$0x2000];
	_ =	sdelay $0x4  }
0x152: {  	v15 =	vmul.f32 $2.047000000e+03, v8;
	v8 =	vmul.f32 $2.047000000e+03, v9;
	_ =	sdelay $0x1  }
0x153: {  	v9 =	vtrunc.f32 v15;
	v10 =	vtrunc.f32 v8  }
0x154: {  	v9 =	vcvt.f32.s32 v9;
	v10 =	vcvt.f32.s32 v10;
	_ =	sdelay $0x1  }
0x155: {  	vm6 =	vgt.s32 v9, $0x0;
	vm7 =	vgt.s32 v10, $0x0  }
0x156: {  	v9 =	vnsel vm6, $0x0, v9;
	v10 =	vnsel vm7, $0x0, v10  }
0x157: {  	v11 =	vmin.u32 v9, $0x7FE;
	v9 =	vmin.u32 v9, $0x7FF;
	v12 =	vmin.u32 v10, $0x7FE  }
0x158: {  	v16 =	vmin.u32 v10, $0x7FF;
	v11 =	vshll.u32 v11, $0xB;
	v12 =	vadd.s32 $0x1, v12  }
0x159: {  	v17 =	vcvt.s32.f32 v9;
	v10 =	vadd.s32 $0x800, v11;
	v11 =	vshll.u32 v9, $0xB  }
0x15a: {  	v21 =	vcvt.s32.f32 v16;
	v13 =	vor.u32 v16, v10;
	v9 =	vor.u32 v16, v11  }
0x15b: {  	v10 =	vadd.s32 v12, v10;
	v20 =	vperm.xlane v13, v0;
	v14 =	vperm.xlane v9, v0  }
0x15c: {  	v12 =	vadd.s32 v12, v11;
	v18 =	vperm.xlane v13, v1;
	v22 =	vperm.xlane v10, v0  }
0x15d: {  	v17 =	vsub.f32 v15, v17;
	v11 =	vperm.xlane v12, v3;
	v15 =	vperm.xlane v9, v1  }
0x15e: {  	s16 =	simm.s32 $0x8020;
	s17 =	simm.s32 $0x8020;
	s18 =	simm.s32 $0x40;
	v19 =	vperm.xlane v10, v1;
	v16 =	vperm.xlane v13, v3;
	v20 =	vsel vm0, v22, v20  }
.LBB2_12:
0x15f: {  	p0 =	sne.s32 s18, $0x3FC0  }
0x160: {  	v22 =	vperm.xlane v12, v0;
	v23 =	vperm.xlane v12, v1;
	s17 =	sadd.s32 $0x40, s17;
	s19 =	smov.u32 s18;
	s18 =	sadd.s32 $0x40, s18  }
0x161: {  	v18 =	vsel vm0, v19, v18;
	v19 =	vperm.xlane v10, v3;
	v8 =	vsub.f32 v8, v21  }
0x162: {  	v13 =	vperm.xlane v13, v2;
	[tilespmem:s15+$0x17000] =	vst v17;
	v17 =	vsel vm1, v20, v22;
	v18 =	vsel vm1, v18, v23  }
0x163: {  	v10 =	vperm.xlane v10, v2;
	[tilespmem:s15+$0x15000] =	vst v8;
	v8 =	vsel vm2, v14, v17;
	v14 =	vsel vm2, v15, v18  }
0x164: {  	v15 =	vsel vm0, v19, v16;
	[tilespmem:s16+$0xFFFFFFE0] =	vst v8;
	v8 =	vperm.xlane v12, v2;
	v12 =	vperm.xlane v9, v3  }
0x165: {  	v10 =	vsel vm0, v10, v13;
	v9 =	vperm.xlane v9, v2;
	v11 =	vsel vm1, v15, v11;
	[tilespmem:s16+$0xFFFFFFF0] =	vst v14  }
0x166: {  	v8 =	vsel vm1, v10, v8;
	v10 =	vsel vm2, v12, v11  }
0x167: {  	v8 =	vsel vm2, v9, v8;
	[tilespmem:s16+$0x10] =	vst v10  }
0x168: {  	s15 =	sshra.s32 s19, $0x2;
	[tilespmem:s16+$0x0] =	vst v8;
	s16 =	smov.u32 s17  }
0x169: {  	v8 =	vld [tilespmem:s15+$0x3000]  }
0x16a: {  	v9 =	vld [tilespmem:s15+$0x2000];
	_ =	sdelay $0x3  }
0x16b: {  	v11 =	vmul.f32 $2.047000000e+03, v8  }
0x16c: {  	v8 =	vmul.f32 $2.047000000e+03, v9  }
0x16d: {  	v9 =	vtrunc.f32 v11  }
0x16e: {  	v10 =	vtrunc.f32 v8;
	v9 =	vcvt.f32.s32 v9  }
0x16f: {  	v10 =	vcvt.f32.s32 v10  }
0x170: {  	vm6 =	vgt.s32 v9, $0x0  }
0x171: {  	vm7 =	vgt.s32 v10, $0x0;
	v9 =	vnsel vm6, $0x0, v9  }
0x172: {  	v10 =	vnsel vm7, $0x0, v10;
	v12 =	vmin.u32 v9, $0x7FF;
	v9 =	vmin.u32 v9, $0x7FE  }
0x173: {  	v16 =	vmin.u32 v10, $0x7FF;
	v10 =	vmin.u32 v10, $0x7FE;
	v9 =	vshll.u32 v9, $0xB  }
0x174: {  	v15 =	vshll.u32 v12, $0xB;
	v14 =	vadd.s32 $0x1, v10;
	v9 =	vadd.s32 $0x800, v9  }
0x175: {  	v17 =	vcvt.s32.f32 v12;
	v13 =	vor.u32 v16, v9;
	v10 =	vadd.s32 v14, v9  }
.Ltmp5:
0x176: {  	v9 =	vor.u32 v16, v15;
	v12 =	vadd.s32 v14, v15;
	v20 =	vperm.xlane v13, v0;
	(pc) =	sbr.rel @p0 .LBB2_12-.Ltmp5, $4  }
0x177: {  	v17 =	vsub.f32 v11, v17;
	v14 =	vperm.xlane v9, v0;
	v18 =	vperm.xlane v13, v1  }
0x178: {  	v22 =	vperm.xlane v10, v0;
	v11 =	vperm.xlane v12, v3  }
0x179: {  	v15 =	vperm.xlane v9, v1;
	v19 =	vperm.xlane v10, v1  }
0x17a: {  	v21 =	vcvt.s32.f32 v16;
	v16 =	vperm.xlane v13, v3;
	v20 =	vsel vm0, v22, v20  }
0x17b: {  	v22 =	vperm.xlane v12, v0  }
0x17c: {  	v23 =	vperm.xlane v12, v1;
	v18 =	vsel vm0, v19, v18;
	v19 =	vperm.xlane v10, v3  }
0x17d: {  	v13 =	vperm.xlane v13, v2;
	v10 =	vperm.xlane v10, v2  }
0x17e: {  	v8 =	vsub.f32 v8, v21;
	v20 =	vsel vm1, v20, v22  }
0x17f: {  	[tilespmem:s15+$0x17000] =	vst v17;
	v18 =	vsel vm1, v18, v23;
	v16 =	vsel vm0, v19, v16;
	v10 =	vsel vm0, v10, v13  }
0x180: {  	v14 =	vsel vm2, v14, v20;
	[tilespmem:s15+$0x15000] =	vst v8;
	v8 =	vperm.xlane v12, v2;
	v12 =	vperm.xlane v9, v3  }
0x181: {  	v15 =	vsel vm2, v15, v18;
	v9 =	vperm.xlane v9, v2;
	v11 =	vsel vm1, v16, v11;
	[tilespmem:s16+$0xFFFFFFE0] =	vst v14  }
0x182: {  	[tilespmem:s16+$0xFFFFFFF0] =	vst v15;
	v8 =	vsel vm1, v10, v8;
	v10 =	vsel vm2, v12, v11  }
0x183: {  	v8 =	vsel vm2, v9, v8;
	[tilespmem:s16+$0x10] =	vst v10  }
0x184: {  	[tilespmem:s16+$0x0] =	vst v8  }
0x185: {  	_ =	swait.ge [sflag:s6], $0x4000  }
0x186: {  	[sflag:s6] =	ssyncset.done $0x0  }
0x187: {  	[sflag:s6] =	ssyncadd.s32 $0xFFFFC000  }
0x188: {  	[tilespmem:s8], [sflag:$0x4] =	stream.indirect.gather [hbm4b:s28+s3], $0x1, s7, s3, $0xb8;
	[tilespmem:$0x1A000] =	vst v63  }
0x189: {  	_ =	swait.ge [sflag:s12], $0x1000  }
0x18a: {  	[sflag:s12] =	ssyncset.done $0x0  }
0x18b: {  	s15 =	simm.s32 $0xC020;
	[sflag:s12] =	ssyncadd.s32 $0xFFFFF000  }
0x18c: {  	v13 =	vld [tilespmem:s15+$0xFFFFFFF0]  }
0x18d: {  	v10 =	vld [tilespmem:s15+$0x10];
	_ =	sdelay $0x1  }
0x18e: {  	v17 =	vld [tilespmem:s15+$0x0];
	_ =	sdelay $0x1  }
0x18f: {  	v8 =	vperm.xlane v13, v6;
	v9 =	vperm.xlane v13, v7  }
0x190: {  	v19 =	vperm.xlane v10, v4;
	v11 =	vperm.xlane v10, v5  }
0x191: {  	v18 =	vperm.xlane v10, v6;
	v16 =	vperm.xlane v10, v7;
	v10 =	vld [tilespmem:s15+$0xFFFFFFE0]  }
0x192: {  	v14 =	vperm.xlane v13, v4;
	v20 =	vperm.xlane v17, v4  }
0x193: {  	v15 =	vperm.xlane v17, v6;
	v12 =	vperm.xlane v17, v7  }
0x194: {  	s17 =	simm.s32 $0x40;
	s16 =	simm.s32 $0x0;
	v13 =	vperm.xlane v13, v5;
	v17 =	vperm.xlane v17, v5;
	v19 =	vsel vm3, v20, v19  }
.LBB2_14:
0x195: {  	p0 =	sne.s32 s17, $0x3FC0  }
0x196: {  	v14 =	vsel vm4, v14, v19;
	v15 =	vsel vm3, v15, v18;
	v18 =	vperm.xlane v10, v7;
	s15 =	sadd.s32 $0x40, s15;
	s18 =	smov.u32 s17;
	s17 =	sadd.s32 $0x40, s17  }
0x197: {  	v19 =	vperm.xlane v10, v5;
	v20 =	vperm.xlane v10, v6;
	v12 =	vsel vm3, v12, v16;
	s19 =	sshra.s32 s16, $0x2;
	s16 =	smov.u32 s18  }
0x198: {  	v10 =	vperm.xlane v10, v4;
	v11 =	vsel vm3, v17, v11;
	v9 =	vsel vm4, v9, v12;
	v12 =	vld [tilespmem:s19+$0x14000]  }
0x199: {  	v8 =	vsel vm4, v8, v15;
	v11 =	vsel vm4, v13, v11;
	v9 =	vsel vm5, v18, v9  }
0x19a: {  	v10 =	vsel vm5, v10, v14;
	v8 =	vsel vm5, v20, v8;
	v11 =	vsel vm5, v19, v11  }
0x19b: {  	v9 =	vsub.f32 v9, v8;
	v11 =	vsub.f32 v11, v10;
	_ =	sdelay $0x1  }
0x19c: {  	v11 =	vmul.f32 v12, v11;
	v9 =	vmul.f32 v9, v12  }
0x19d: {  	v12 =	vld [tilespmem:s19+$0x16000]  }
0x19e: {  	v10 =	vadd.f32 v11, v10;
	v8 =	vadd.f32 v9, v8;
	_ =	sdelay $0x1  }
0x19f: {  	v8 =	vsub.f32 v8, v10;
	_ =	sdelay $0x1  }
0x1a0: {  	v8 =	vmul.f32 v8, v12;
	_ =	sdelay $0x1  }
0x1a1: {  	v8 =	vadd.f32 v8, v10;
	_ =	sdelay $0x1  }
0x1a2: {  	[tilespmem:s19+$0x18000] =	vst v8  }
0x1a3: {  	v13 =	vld [tilespmem:s15+$0xFFFFFFF0]  }
0x1a4: {  	v17 =	vld [tilespmem:s15+$0x0]  }
0x1a5: {  	v16 =	vld [tilespmem:s15+$0x10];
	_ =	sdelay $0x2  }
0x1a6: {  	v8 =	vperm.xlane v13, v6;
	v9 =	vperm.xlane v13, v7  }
.Ltmp6:
0x1a7: {  	v14 =	vperm.xlane v13, v4;
	v10 =	vld [tilespmem:s15+$0xFFFFFFE0];
	v15 =	vperm.xlane v17, v6;
	(pc) =	sbr.rel @p0 .LBB2_14-.Ltmp6, $4  }
0x1a8: {  	v12 =	vperm.xlane v17, v7;
	v19 =	vperm.xlane v16, v4  }
0x1a9: {  	v20 =	vperm.xlane v17, v4;
	v11 =	vperm.xlane v16, v5  }
0x1aa: {  	v18 =	vperm.xlane v16, v6;
	v16 =	vperm.xlane v16, v7  }
0x1ab: {  	v13 =	vperm.xlane v13, v5;
	v17 =	vperm.xlane v17, v5;
	v19 =	vsel vm3, v20, v19  }
0x1ac: {  	v14 =	vsel vm4, v14, v19;
	v15 =	vsel vm3, v15, v18;
	v18 =	vperm.xlane v10, v7  }
0x1ad: {  	v19 =	vperm.xlane v10, v5;
	v20 =	vperm.xlane v10, v6;
	v12 =	vsel vm3, v12, v16;
	s15 =	sshra.s32 s16, $0x2  }
0x1ae: {  	v10 =	vperm.xlane v10, v4;
	v11 =	vsel vm3, v17, v11;
	v9 =	vsel vm4, v9, v12;
	v12 =	vld [tilespmem:s15+$0x14000]  }
0x1af: {  	v8 =	vsel vm4, v8, v15;
	v11 =	vsel vm4, v13, v11;
	v9 =	vsel vm5, v18, v9  }
0x1b0: {  	v10 =	vsel vm5, v10, v14;
	v8 =	vsel vm5, v20, v8;
	v11 =	vsel vm5, v19, v11  }
0x1b1: {  	v9 =	vsub.f32 v9, v8;
	v11 =	vsub.f32 v11, v10;
	_ =	sdelay $0x1  }
0x1b2: {  	v11 =	vmul.f32 v12, v11;
	v9 =	vmul.f32 v9, v12  }
0x1b3: {  	v12 =	vld [tilespmem:s15+$0x16000]  }
0x1b4: {  	v10 =	vadd.f32 v11, v10;
	v8 =	vadd.f32 v9, v8;
	_ =	sdelay $0x1  }
0x1b5: {  	v8 =	vsub.f32 v8, v10;
	_ =	sdelay $0x1  }
0x1b6: {  	v8 =	vmul.f32 v8, v12;
	_ =	sdelay $0x1  }
0x1b7: {  	v8 =	vadd.f32 v8, v10;
	_ =	sdelay $0x1  }
0x1b8: {  	s17 =	simm.s32 $0x0;
	[tilespmem:s15+$0x18000] =	vst v8  }
0x1b9: {  	[hbm4b:s20+s17] =	stream.linear.scatter [tilespmem:s9], [sflag:$0x5], $0x1000, $0x38;
	[tilespmem:$0x1A000] =	vst v63  }
0x1ba: {  	_ =	swait.ge [sflag:s0], $0x1000  }
0x1bb: {  	[sflag:s0] =	ssyncset.done $0x0  }
0x1bc: {  	[sflag:s0] =	ssyncadd.s32 $0xFFFFF000  }
0x1bd: {  	_ =	swait.ge [sflag:s0], $0x1000  }
0x1be: {  	[sflag:s0] =	ssyncset.done $0x0  }
0x1bf: {  	s18 =	rddreg [dreg:$0xe];
	[sflag:s0] =	ssyncadd.s32 $0xFFFFF000  }
0x1c0: {  	[tilespmem:s1], [sflag:$0x2] =	stream.strided.gather [hbm4b:s18+s30], $0x1000, s31, s30, $0x38;
	[tilespmem:$0x1A000] =	vst v63  }
0x1c1: {  	s15 =	simm.s32 $0x0;
	s19 =	rddreg [dreg:$0xf]  }
0x1c2: {  	[tilespmem:s2], [sflag:$0x2] =	stream.strided.gather [hbm4b:s19+s30], $0x1000, s31, s30, $0x38;
	[tilespmem:$0x1A000] =	vst v63  }
0x1c3: {  	v8 =	vld [tilespmem:s15+$0x1000]  }
0x1c4: {  	v9 =	vld [tilespmem:s15+$0x0];
	_ =	sdelay $0x4  }
0x1c5: {  	v15 =	vmul.f32 $2.047000000e+03, v8;
	v8 =	vmul.f32 $2.047000000e+03, v9;
	_ =	sdelay $0x1  }
0x1c6: {  	v9 =	vtrunc.f32 v15;
	v10 =	vtrunc.f32 v8  }
0x1c7: {  	v9 =	vcvt.f32.s32 v9;
	v10 =	vcvt.f32.s32 v10;
	_ =	sdelay $0x1  }
0x1c8: {  	vm6 =	vgt.s32 v9, $0x0;
	vm7 =	vgt.s32 v10, $0x0  }
0x1c9: {  	v9 =	vnsel vm6, $0x0, v9;
	v10 =	vnsel vm7, $0x0, v10  }
0x1ca: {  	v11 =	vmin.u32 v9, $0x7FE;
	v9 =	vmin.u32 v9, $0x7FF;
	v12 =	vmin.u32 v10, $0x7FE  }
0x1cb: {  	v16 =	vmin.u32 v10, $0x7FF;
	v11 =	vshll.u32 v11, $0xB;
	v12 =	vadd.s32 $0x1, v12  }
0x1cc: {  	v17 =	vcvt.s32.f32 v9;
	v10 =	vadd.s32 $0x800, v11;
	v11 =	vshll.u32 v9, $0xB  }
0x1cd: {  	v21 =	vcvt.s32.f32 v16;
	v13 =	vor.u32 v16, v10;
	v9 =	vor.u32 v16, v11  }
0x1ce: {  	v10 =	vadd.s32 v12, v10;
	v20 =	vperm.xlane v13, v0;
	v14 =	vperm.xlane v9, v0  }
0x1cf: {  	v12 =	vadd.s32 v12, v11;
	v18 =	vperm.xlane v13, v1;
	v22 =	vperm.xlane v10, v0  }
0x1d0: {  	v17 =	vsub.f32 v15, v17;
	v11 =	vperm.xlane v12, v3;
	v15 =	vperm.xlane v9, v1  }
0x1d1: {  	s16 =	simm.s32 $0x4020;
	s17 =	simm.s32 $0x4020;
	s18 =	simm.s32 $0x40;
	v19 =	vperm.xlane v10, v1;
	v16 =	vperm.xlane v13, v3;
	v20 =	vsel vm0, v22, v20  }
.LBB2_16:
0x1d2: {  	p0 =	sne.s32 s18, $0x3FC0  }
0x1d3: {  	v22 =	vperm.xlane v12, v0;
	v23 =	vperm.xlane v12, v1;
	s17 =	sadd.s32 $0x40, s17;
	s19 =	smov.u32 s18;
	s18 =	sadd.s32 $0x40, s18  }
0x1d4: {  	v18 =	vsel vm0, v19, v18;
	v19 =	vperm.xlane v10, v3;
	v8 =	vsub.f32 v8, v21  }
0x1d5: {  	v13 =	vperm.xlane v13, v2;
	[tilespmem:s15+$0x16000] =	vst v17;
	v17 =	vsel vm1, v20, v22;
	v18 =	vsel vm1, v18, v23  }
0x1d6: {  	v10 =	vperm.xlane v10, v2;
	[tilespmem:s15+$0x14000] =	vst v8;
	v8 =	vsel vm2, v14, v17;
	v14 =	vsel vm2, v15, v18  }
0x1d7: {  	v15 =	vsel vm0, v19, v16;
	[tilespmem:s16+$0xFFFFFFE0] =	vst v8;
	v8 =	vperm.xlane v12, v2;
	v12 =	vperm.xlane v9, v3  }
0x1d8: {  	v10 =	vsel vm0, v10, v13;
	v9 =	vperm.xlane v9, v2;
	v11 =	vsel vm1, v15, v11;
	[tilespmem:s16+$0xFFFFFFF0] =	vst v14  }
0x1d9: {  	v8 =	vsel vm1, v10, v8;
	v10 =	vsel vm2, v12, v11  }
0x1da: {  	v8 =	vsel vm2, v9, v8;
	[tilespmem:s16+$0x10] =	vst v10  }
0x1db: {  	s15 =	sshra.s32 s19, $0x2;
	[tilespmem:s16+$0x0] =	vst v8;
	s16 =	smov.u32 s17  }
0x1dc: {  	v8 =	vld [tilespmem:s15+$0x1000]  }
0x1dd: {  	v9 =	vld [tilespmem:s15+$0x0];
	_ =	sdelay $0x3  }
0x1de: {  	v11 =	vmul.f32 $2.047000000e+03, v8  }
0x1df: {  	v8 =	vmul.f32 $2.047000000e+03, v9  }
0x1e0: {  	v9 =	vtrunc.f32 v11  }
0x1e1: {  	v10 =	vtrunc.f32 v8;
	v9 =	vcvt.f32.s32 v9  }
0x1e2: {  	v10 =	vcvt.f32.s32 v10  }
0x1e3: {  	vm6 =	vgt.s32 v9, $0x0  }
0x1e4: {  	vm7 =	vgt.s32 v10, $0x0;
	v9 =	vnsel vm6, $0x0, v9  }
0x1e5: {  	v10 =	vnsel vm7, $0x0, v10;
	v12 =	vmin.u32 v9, $0x7FF;
	v9 =	vmin.u32 v9, $0x7FE  }
0x1e6: {  	v16 =	vmin.u32 v10, $0x7FF;
	v10 =	vmin.u32 v10, $0x7FE;
	v9 =	vshll.u32 v9, $0xB  }
0x1e7: {  	v15 =	vshll.u32 v12, $0xB;
	v14 =	vadd.s32 $0x1, v10;
	v9 =	vadd.s32 $0x800, v9  }
0x1e8: {  	v17 =	vcvt.s32.f32 v12;
	v13 =	vor.u32 v16, v9;
	v10 =	vadd.s32 v14, v9  }
.Ltmp7:
0x1e9: {  	v9 =	vor.u32 v16, v15;
	v12 =	vadd.s32 v14, v15;
	v20 =	vperm.xlane v13, v0;
	(pc) =	sbr.rel @p0 .LBB2_16-.Ltmp7, $4  }
0x1ea: {  	v17 =	vsub.f32 v11, v17;
	v14 =	vperm.xlane v9, v0;
	v18 =	vperm.xlane v13, v1  }
0x1eb: {  	v22 =	vperm.xlane v10, v0;
	v11 =	vperm.xlane v12, v3  }
0x1ec: {  	v15 =	vperm.xlane v9, v1;
	v19 =	vperm.xlane v10, v1  }
0x1ed: {  	v21 =	vcvt.s32.f32 v16;
	v16 =	vperm.xlane v13, v3;
	v20 =	vsel vm0, v22, v20  }
0x1ee: {  	v22 =	vperm.xlane v12, v0  }
0x1ef: {  	v23 =	vperm.xlane v12, v1;
	v18 =	vsel vm0, v19, v18;
	v19 =	vperm.xlane v10, v3  }
0x1f0: {  	v13 =	vperm.xlane v13, v2;
	v10 =	vperm.xlane v10, v2  }
0x1f1: {  	v8 =	vsub.f32 v8, v21;
	v20 =	vsel vm1, v20, v22  }
0x1f2: {  	[tilespmem:s15+$0x16000] =	vst v17;
	v18 =	vsel vm1, v18, v23;
	v16 =	vsel vm0, v19, v16;
	v10 =	vsel vm0, v10, v13  }
0x1f3: {  	v14 =	vsel vm2, v14, v20;
	[tilespmem:s15+$0x14000] =	vst v8;
	v8 =	vperm.xlane v12, v2;
	v12 =	vperm.xlane v9, v3  }
0x1f4: {  	v15 =	vsel vm2, v15, v18;
	v9 =	vperm.xlane v9, v2;
	v11 =	vsel vm1, v16, v11;
	[tilespmem:s16+$0xFFFFFFE0] =	vst v14  }
0x1f5: {  	[tilespmem:s16+$0xFFFFFFF0] =	vst v15;
	v8 =	vsel vm1, v10, v8;
	v10 =	vsel vm2, v12, v11  }
0x1f6: {  	v8 =	vsel vm2, v9, v8;
	[tilespmem:s16+$0x10] =	vst v10  }
0x1f7: {  	[tilespmem:s16+$0x0] =	vst v8  }
0x1f8: {  	_ =	swait.ge [sflag:s10], $0x4000  }
0x1f9: {  	[sflag:s10] =	ssyncset.done $0x0  }
0x1fa: {  	[sflag:s10] =	ssyncadd.s32 $0xFFFFC000  }
0x1fb: {  	[tilespmem:s4], [sflag:$0x3] =	stream.indirect.gather [hbm4b:s28+s3], $0x1, s3, s3, $0xb8;
	[tilespmem:$0x1A000] =	vst v63  }
0x1fc: {  	_ =	swait.ge [sflag:s13], $0x1000  }
0x1fd: {  	[sflag:s13] =	ssyncset.done $0x0  }
0x1fe: {  	s15 =	simm.s32 $0x10020;
	[sflag:s13] =	ssyncadd.s32 $0xFFFFF000  }
0x1ff: {  	v13 =	vld [tilespmem:s15+$0xFFFFFFF0]  }
0x200: {  	v10 =	vld [tilespmem:s15+$0x10];
	_ =	sdelay $0x1  }
0x201: {  	v17 =	vld [tilespmem:s15+$0x0];
	_ =	sdelay $0x1  }
0x202: {  	v8 =	vperm.xlane v13, v6;
	v9 =	vperm.xlane v13, v7  }
0x203: {  	v19 =	vperm.xlane v10, v4;
	v11 =	vperm.xlane v10, v5  }
0x204: {  	v18 =	vperm.xlane v10, v6;
	v16 =	vperm.xlane v10, v7;
	v10 =	vld [tilespmem:s15+$0xFFFFFFE0]  }
0x205: {  	v14 =	vperm.xlane v13, v4;
	v20 =	vperm.xlane v17, v4  }
0x206: {  	v15 =	vperm.xlane v17, v6;
	v12 =	vperm.xlane v17, v7  }
0x207: {  	s17 =	simm.s32 $0x40;
	s16 =	simm.s32 $0x0;
	v13 =	vperm.xlane v13, v5;
	v17 =	vperm.xlane v17, v5;
	v19 =	vsel vm3, v20, v19  }
.LBB2_18:
0x208: {  	p0 =	sne.s32 s17, $0x3FC0  }
0x209: {  	v14 =	vsel vm4, v14, v19;
	v15 =	vsel vm3, v15, v18;
	v18 =	vperm.xlane v10, v7;
	s15 =	sadd.s32 $0x40, s15;
	s18 =	smov.u32 s17;
	s17 =	sadd.s32 $0x40, s17  }
0x20a: {  	v19 =	vperm.xlane v10, v5;
	v20 =	vperm.xlane v10, v6;
	v12 =	vsel vm3, v12, v16;
	s19 =	sshra.s32 s16, $0x2;
	s16 =	smov.u32 s18  }
0x20b: {  	v10 =	vperm.xlane v10, v4;
	v11 =	vsel vm3, v17, v11;
	v9 =	vsel vm4, v9, v12;
	v12 =	vld [tilespmem:s19+$0x15000]  }
0x20c: {  	v8 =	vsel vm4, v8, v15;
	v11 =	vsel vm4, v13, v11;
	v9 =	vsel vm5, v18, v9  }
0x20d: {  	v10 =	vsel vm5, v10, v14;
	v8 =	vsel vm5, v20, v8;
	v11 =	vsel vm5, v19, v11  }
0x20e: {  	v9 =	vsub.f32 v9, v8;
	v11 =	vsub.f32 v11, v10;
	_ =	sdelay $0x1  }
0x20f: {  	v11 =	vmul.f32 v12, v11;
	v9 =	vmul.f32 v9, v12  }
0x210: {  	v12 =	vld [tilespmem:s19+$0x17000]  }
0x211: {  	v10 =	vadd.f32 v11, v10;
	v8 =	vadd.f32 v9, v8;
	_ =	sdelay $0x1  }
0x212: {  	v8 =	vsub.f32 v8, v10;
	_ =	sdelay $0x1  }
0x213: {  	v8 =	vmul.f32 v8, v12;
	_ =	sdelay $0x1  }
0x214: {  	v8 =	vadd.f32 v8, v10;
	_ =	sdelay $0x1  }
0x215: {  	[tilespmem:s19+$0x19000] =	vst v8  }
0x216: {  	v13 =	vld [tilespmem:s15+$0xFFFFFFF0]  }
0x217: {  	v17 =	vld [tilespmem:s15+$0x0]  }
0x218: {  	v16 =	vld [tilespmem:s15+$0x10];
	_ =	sdelay $0x2  }
0x219: {  	v8 =	vperm.xlane v13, v6;
	v9 =	vperm.xlane v13, v7  }
.Ltmp8:
0x21a: {  	v14 =	vperm.xlane v13, v4;
	v10 =	vld [tilespmem:s15+$0xFFFFFFE0];
	v15 =	vperm.xlane v17, v6;
	(pc) =	sbr.rel @p0 .LBB2_18-.Ltmp8, $4  }
0x21b: {  	v12 =	vperm.xlane v17, v7;
	v19 =	vperm.xlane v16, v4  }
0x21c: {  	v20 =	vperm.xlane v17, v4;
	v11 =	vperm.xlane v16, v5  }
0x21d: {  	v18 =	vperm.xlane v16, v6;
	v16 =	vperm.xlane v16, v7  }
0x21e: {  	v13 =	vperm.xlane v13, v5;
	v17 =	vperm.xlane v17, v5;
	v19 =	vsel vm3, v20, v19  }
0x21f: {  	v14 =	vsel vm4, v14, v19;
	v15 =	vsel vm3, v15, v18;
	v18 =	vperm.xlane v10, v7  }
0x220: {  	v19 =	vperm.xlane v10, v5;
	v20 =	vperm.xlane v10, v6;
	v12 =	vsel vm3, v12, v16;
	s15 =	sshra.s32 s16, $0x2  }
0x221: {  	v10 =	vperm.xlane v10, v4;
	v11 =	vsel vm3, v17, v11;
	v9 =	vsel vm4, v9, v12;
	v12 =	vld [tilespmem:s15+$0x15000]  }
0x222: {  	v8 =	vsel vm4, v8, v15;
	v11 =	vsel vm4, v13, v11;
	v9 =	vsel vm5, v18, v9  }
0x223: {  	v10 =	vsel vm5, v10, v14;
	v8 =	vsel vm5, v20, v8;
	v11 =	vsel vm5, v19, v11  }
0x224: {  	v9 =	vsub.f32 v9, v8;
	v11 =	vsub.f32 v11, v10;
	_ =	sdelay $0x1  }
0x225: {  	v11 =	vmul.f32 v12, v11;
	v9 =	vmul.f32 v9, v12  }
0x226: {  	v12 =	vld [tilespmem:s15+$0x17000]  }
0x227: {  	v10 =	vadd.f32 v11, v10;
	v8 =	vadd.f32 v9, v8;
	_ =	sdelay $0x1  }
0x228: {  	v8 =	vsub.f32 v8, v10;
	_ =	sdelay $0x1  }
0x229: {  	v8 =	vmul.f32 v8, v12;
	_ =	sdelay $0x1  }
0x22a: {  	v8 =	vadd.f32 v8, v10;
	_ =	sdelay $0x1  }
0x22b: {  	s17 =	simm.s32 $0x0;
	[tilespmem:s15+$0x19000] =	vst v8  }
0x22c: {  	[hbm4b:s21+s17] =	stream.linear.scatter [tilespmem:s11], [sflag:$0x6], $0x1000, $0x38;
	[tilespmem:$0x1A000] =	vst v63  }
0x22d: {  	_ =	swait.ge [sflag:s5], $0x1000  }
0x22e: {  	[sflag:s5] =	ssyncset.done $0x0  }
0x22f: {  	[sflag:s5] =	ssyncadd.s32 $0xFFFFF000  }
0x230: {  	_ =	swait.ge [sflag:s5], $0x1000  }
0x231: {  	[sflag:s5] =	ssyncset.done $0x0  }
0x232: {  	s18 =	rddreg [dreg:$0x10];
	[sflag:s5] =	ssyncadd.s32 $0xFFFFF000  }
0x233: {  	[tilespmem:s17], [sflag:$0x1] =	stream.strided.gather [hbm4b:s18+s30], $0x1000, s31, s30, $0x38;
	[tilespmem:$0x1A000] =	vst v63  }
0x234: {  	s15 =	simm.s32 $0x0;
	s19 =	rddreg [dreg:$0x11]  }
0x235: {  	[tilespmem:s24], [sflag:$0x1] =	stream.strided.gather [hbm4b:s19+s30], $0x1000, s31, s30, $0x38;
	[tilespmem:$0x1A000] =	vst v63  }
0x236: {  	v8 =	vld [tilespmem:s15+$0x3000]  }
0x237: {  	v9 =	vld [tilespmem:s15+$0x2000];
	_ =	sdelay $0x4  }
0x238: {  	v15 =	vmul.f32 $2.047000000e+03, v8;
	v8 =	vmul.f32 $2.047000000e+03, v9;
	_ =	sdelay $0x1  }
0x239: {  	v9 =	vtrunc.f32 v15;
	v10 =	vtrunc.f32 v8  }
0x23a: {  	v9 =	vcvt.f32.s32 v9;
	v10 =	vcvt.f32.s32 v10;
	_ =	sdelay $0x1  }
0x23b: {  	vm6 =	vgt.s32 v9, $0x0;
	vm7 =	vgt.s32 v10, $0x0  }
0x23c: {  	v9 =	vnsel vm6, $0x0, v9;
	v10 =	vnsel vm7, $0x0, v10  }
0x23d: {  	v11 =	vmin.u32 v9, $0x7FE;
	v9 =	vmin.u32 v9, $0x7FF;
	v12 =	vmin.u32 v10, $0x7FE  }
0x23e: {  	v16 =	vmin.u32 v10, $0x7FF;
	v11 =	vshll.u32 v11, $0xB;
	v12 =	vadd.s32 $0x1, v12  }
0x23f: {  	v17 =	vcvt.s32.f32 v9;
	v10 =	vadd.s32 $0x800, v11;
	v11 =	vshll.u32 v9, $0xB  }
0x240: {  	v21 =	vcvt.s32.f32 v16;
	v13 =	vor.u32 v16, v10;
	v9 =	vor.u32 v16, v11  }
0x241: {  	v10 =	vadd.s32 v12, v10;
	v20 =	vperm.xlane v13, v0;
	v14 =	vperm.xlane v9, v0  }
0x242: {  	v12 =	vadd.s32 v12, v11;
	v18 =	vperm.xlane v13, v1;
	v22 =	vperm.xlane v10, v0  }
0x243: {  	v17 =	vsub.f32 v15, v17;
	v11 =	vperm.xlane v12, v3;
	v15 =	vperm.xlane v9, v1  }
0x244: {  	s16 =	simm.s32 $0x8020;
	s17 =	simm.s32 $0x8020;
	s18 =	simm.s32 $0x40;
	v19 =	vperm.xlane v10, v1;
	v16 =	vperm.xlane v13, v3;
	v20 =	vsel vm0, v22, v20  }
.LBB2_20:
0x245: {  	p0 =	sne.s32 s18, $0x3FC0  }
0x246: {  	v22 =	vperm.xlane v12, v0;
	v23 =	vperm.xlane v12, v1;
	s17 =	sadd.s32 $0x40, s17;
	s19 =	smov.u32 s18;
	s18 =	sadd.s32 $0x40, s18  }
0x247: {  	v18 =	vsel vm0, v19, v18;
	v19 =	vperm.xlane v10, v3;
	v8 =	vsub.f32 v8, v21  }
0x248: {  	v13 =	vperm.xlane v13, v2;
	[tilespmem:s15+$0x17000] =	vst v17;
	v17 =	vsel vm1, v20, v22;
	v18 =	vsel vm1, v18, v23  }
0x249: {  	v10 =	vperm.xlane v10, v2;
	[tilespmem:s15+$0x15000] =	vst v8;
	v8 =	vsel vm2, v14, v17;
	v14 =	vsel vm2, v15, v18  }
0x24a: {  	v15 =	vsel vm0, v19, v16;
	[tilespmem:s16+$0xFFFFFFE0] =	vst v8;
	v8 =	vperm.xlane v12, v2;
	v12 =	vperm.xlane v9, v3  }
0x24b: {  	v10 =	vsel vm0, v10, v13;
	v9 =	vperm.xlane v9, v2;
	v11 =	vsel vm1, v15, v11;
	[tilespmem:s16+$0xFFFFFFF0] =	vst v14  }
0x24c: {  	v8 =	vsel vm1, v10, v8;
	v10 =	vsel vm2, v12, v11  }
0x24d: {  	v8 =	vsel vm2, v9, v8;
	[tilespmem:s16+$0x10] =	vst v10  }
0x24e: {  	s15 =	sshra.s32 s19, $0x2;
	[tilespmem:s16+$0x0] =	vst v8;
	s16 =	smov.u32 s17  }
0x24f: {  	v8 =	vld [tilespmem:s15+$0x3000]  }
0x250: {  	v9 =	vld [tilespmem:s15+$0x2000];
	_ =	sdelay $0x3  }
0x251: {  	v11 =	vmul.f32 $2.047000000e+03, v8  }
0x252: {  	v8 =	vmul.f32 $2.047000000e+03, v9  }
0x253: {  	v9 =	vtrunc.f32 v11  }
0x254: {  	v10 =	vtrunc.f32 v8;
	v9 =	vcvt.f32.s32 v9  }
0x255: {  	v10 =	vcvt.f32.s32 v10  }
0x256: {  	vm6 =	vgt.s32 v9, $0x0  }
0x257: {  	vm7 =	vgt.s32 v10, $0x0;
	v9 =	vnsel vm6, $0x0, v9  }
0x258: {  	v10 =	vnsel vm7, $0x0, v10;
	v12 =	vmin.u32 v9, $0x7FF;
	v9 =	vmin.u32 v9, $0x7FE  }
0x259: {  	v16 =	vmin.u32 v10, $0x7FF;
	v10 =	vmin.u32 v10, $0x7FE;
	v9 =	vshll.u32 v9, $0xB  }
0x25a: {  	v15 =	vshll.u32 v12, $0xB;
	v14 =	vadd.s32 $0x1, v10;
	v9 =	vadd.s32 $0x800, v9  }
0x25b: {  	v17 =	vcvt.s32.f32 v12;
	v13 =	vor.u32 v16, v9;
	v10 =	vadd.s32 v14, v9  }
.Ltmp9:
0x25c: {  	v9 =	vor.u32 v16, v15;
	v12 =	vadd.s32 v14, v15;
	v20 =	vperm.xlane v13, v0;
	(pc) =	sbr.rel @p0 .LBB2_20-.Ltmp9, $4  }
0x25d: {  	v17 =	vsub.f32 v11, v17;
	v14 =	vperm.xlane v9, v0;
	v18 =	vperm.xlane v13, v1  }
0x25e: {  	v22 =	vperm.xlane v10, v0;
	v11 =	vperm.xlane v12, v3  }
0x25f: {  	v15 =	vperm.xlane v9, v1;
	v19 =	vperm.xlane v10, v1  }
0x260: {  	v21 =	vcvt.s32.f32 v16;
	v16 =	vperm.xlane v13, v3;
	v20 =	vsel vm0, v22, v20  }
0x261: {  	v22 =	vperm.xlane v12, v0  }
0x262: {  	v23 =	vperm.xlane v12, v1;
	v18 =	vsel vm0, v19, v18;
	v19 =	vperm.xlane v10, v3  }
0x263: {  	v13 =	vperm.xlane v13, v2;
	v10 =	vperm.xlane v10, v2  }
0x264: {  	v8 =	vsub.f32 v8, v21;
	v20 =	vsel vm1, v20, v22  }
0x265: {  	[tilespmem:s15+$0x17000] =	vst v17;
	v18 =	vsel vm1, v18, v23;
	v16 =	vsel vm0, v19, v16;
	v10 =	vsel vm0, v10, v13  }
0x266: {  	v14 =	vsel vm2, v14, v20;
	[tilespmem:s15+$0x15000] =	vst v8;
	v8 =	vperm.xlane v12, v2;
	v12 =	vperm.xlane v9, v3  }
0x267: {  	v15 =	vsel vm2, v15, v18;
	v9 =	vperm.xlane v9, v2;
	v11 =	vsel vm1, v16, v11;
	[tilespmem:s16+$0xFFFFFFE0] =	vst v14  }
0x268: {  	[tilespmem:s16+$0xFFFFFFF0] =	vst v15;
	v8 =	vsel vm1, v10, v8;
	v10 =	vsel vm2, v12, v11  }
0x269: {  	v8 =	vsel vm2, v9, v8;
	[tilespmem:s16+$0x10] =	vst v10  }
0x26a: {  	[tilespmem:s16+$0x0] =	vst v8  }
0x26b: {  	_ =	swait.ge [sflag:s6], $0x4000  }
0x26c: {  	[sflag:s6] =	ssyncset.done $0x0  }
0x26d: {  	[sflag:s6] =	ssyncadd.s32 $0xFFFFC000  }
0x26e: {  	[tilespmem:s8], [sflag:$0x4] =	stream.indirect.gather [hbm4b:s28+s3], $0x1, s7, s3, $0xb8;
	[tilespmem:$0x1A000] =	vst v63  }
0x26f: {  	_ =	swait.ge [sflag:s12], $0x1000  }
0x270: {  	[sflag:s12] =	ssyncset.done $0x0  }
0x271: {  	s15 =	simm.s32 $0xC020;
	[sflag:s12] =	ssyncadd.s32 $0xFFFFF000  }
0x272: {  	v13 =	vld [tilespmem:s15+$0xFFFFFFF0]  }
0x273: {  	v10 =	vld [tilespmem:s15+$0x10];
	_ =	sdelay $0x1  }
0x274: {  	v17 =	vld [tilespmem:s15+$0x0];
	_ =	sdelay $0x1  }
0x275: {  	v8 =	vperm.xlane v13, v6;
	v9 =	vperm.xlane v13, v7  }
0x276: {  	v19 =	vperm.xlane v10, v4;
	v11 =	vperm.xlane v10, v5  }
0x277: {  	v18 =	vperm.xlane v10, v6;
	v16 =	vperm.xlane v10, v7;
	v10 =	vld [tilespmem:s15+$0xFFFFFFE0]  }
0x278: {  	v14 =	vperm.xlane v13, v4;
	v20 =	vperm.xlane v17, v4  }
0x279: {  	v15 =	vperm.xlane v17, v6;
	v12 =	vperm.xlane v17, v7  }
0x27a: {  	s17 =	simm.s32 $0x40;
	s16 =	simm.s32 $0x0;
	v13 =	vperm.xlane v13, v5;
	v17 =	vperm.xlane v17, v5;
	v19 =	vsel vm3, v20, v19  }
.LBB2_22:
0x27b: {  	p0 =	sne.s32 s17, $0x3FC0  }
0x27c: {  	v14 =	vsel vm4, v14, v19;
	v15 =	vsel vm3, v15, v18;
	v18 =	vperm.xlane v10, v7;
	s15 =	sadd.s32 $0x40, s15;
	s18 =	smov.u32 s17;
	s17 =	sadd.s32 $0x40, s17  }
0x27d: {  	v19 =	vperm.xlane v10, v5;
	v20 =	vperm.xlane v10, v6;
	v12 =	vsel vm3, v12, v16;
	s19 =	sshra.s32 s16, $0x2;
	s16 =	smov.u32 s18  }
0x27e: {  	v10 =	vperm.xlane v10, v4;
	v11 =	vsel vm3, v17, v11;
	v9 =	vsel vm4, v9, v12;
	v12 =	vld [tilespmem:s19+$0x14000]  }
0x27f: {  	v8 =	vsel vm4, v8, v15;
	v11 =	vsel vm4, v13, v11;
	v9 =	vsel vm5, v18, v9  }
0x280: {  	v10 =	vsel vm5, v10, v14;
	v8 =	vsel vm5, v20, v8;
	v11 =	vsel vm5, v19, v11  }
0x281: {  	v9 =	vsub.f32 v9, v8;
	v11 =	vsub.f32 v11, v10;
	_ =	sdelay $0x1  }
0x282: {  	v11 =	vmul.f32 v12, v11;
	v9 =	vmul.f32 v9, v12  }
0x283: {  	v12 =	vld [tilespmem:s19+$0x16000]  }
0x284: {  	v10 =	vadd.f32 v11, v10;
	v8 =	vadd.f32 v9, v8;
	_ =	sdelay $0x1  }
0x285: {  	v8 =	vsub.f32 v8, v10;
	_ =	sdelay $0x1  }
0x286: {  	v8 =	vmul.f32 v8, v12;
	_ =	sdelay $0x1  }
0x287: {  	v8 =	vadd.f32 v8, v10;
	_ =	sdelay $0x1  }
0x288: {  	[tilespmem:s19+$0x18000] =	vst v8  }
0x289: {  	v13 =	vld [tilespmem:s15+$0xFFFFFFF0]  }
0x28a: {  	v17 =	vld [tilespmem:s15+$0x0]  }
0x28b: {  	v16 =	vld [tilespmem:s15+$0x10];
	_ =	sdelay $0x2  }
0x28c: {  	v8 =	vperm.xlane v13, v6;
	v9 =	vperm.xlane v13, v7  }
.Ltmp10:
0x28d: {  	v14 =	vperm.xlane v13, v4;
	v10 =	vld [tilespmem:s15+$0xFFFFFFE0];
	v15 =	vperm.xlane v17, v6;
	(pc) =	sbr.rel @p0 .LBB2_22-.Ltmp10, $4  }
0x28e: {  	v12 =	vperm.xlane v17, v7;
	v19 =	vperm.xlane v16, v4  }
0x28f: {  	v20 =	vperm.xlane v17, v4;
	v11 =	vperm.xlane v16, v5  }
0x290: {  	v18 =	vperm.xlane v16, v6;
	v16 =	vperm.xlane v16, v7  }
0x291: {  	v13 =	vperm.xlane v13, v5;
	v17 =	vperm.xlane v17, v5;
	v19 =	vsel vm3, v20, v19  }
0x292: {  	v14 =	vsel vm4, v14, v19;
	v15 =	vsel vm3, v15, v18;
	v18 =	vperm.xlane v10, v7  }
0x293: {  	v19 =	vperm.xlane v10, v5;
	v20 =	vperm.xlane v10, v6;
	v12 =	vsel vm3, v12, v16;
	s15 =	sshra.s32 s16, $0x2  }
0x294: {  	v10 =	vperm.xlane v10, v4;
	v11 =	vsel vm3, v17, v11;
	v9 =	vsel vm4, v9, v12;
	v12 =	vld [tilespmem:s15+$0x14000]  }
0x295: {  	v8 =	vsel vm4, v8, v15;
	v11 =	vsel vm4, v13, v11;
	v9 =	vsel vm5, v18, v9  }
0x296: {  	v10 =	vsel vm5, v10, v14;
	v8 =	vsel vm5, v20, v8;
	v11 =	vsel vm5, v19, v11  }
0x297: {  	v9 =	vsub.f32 v9, v8;
	v11 =	vsub.f32 v11, v10;
	_ =	sdelay $0x1  }
0x298: {  	v11 =	vmul.f32 v12, v11;
	v9 =	vmul.f32 v9, v12  }
0x299: {  	v12 =	vld [tilespmem:s15+$0x16000]  }
0x29a: {  	v10 =	vadd.f32 v11, v10;
	v8 =	vadd.f32 v9, v8;
	_ =	sdelay $0x1  }
0x29b: {  	v8 =	vsub.f32 v8, v10;
	_ =	sdelay $0x1  }
0x29c: {  	v8 =	vmul.f32 v8, v12;
	_ =	sdelay $0x1  }
0x29d: {  	v8 =	vadd.f32 v8, v10;
	_ =	sdelay $0x1  }
0x29e: {  	s17 =	simm.s32 $0x0;
	[tilespmem:s15+$0x18000] =	vst v8  }
0x29f: {  	[hbm4b:s22+s17] =	stream.linear.scatter [tilespmem:s9], [sflag:$0x5], $0x1000, $0x38;
	[tilespmem:$0x1A000] =	vst v63  }
0x2a0: {  	_ =	swait.ge [sflag:s0], $0x1000  }
0x2a1: {  	[sflag:s0] =	ssyncset.done $0x0  }
0x2a2: {  	[sflag:s0] =	ssyncadd.s32 $0xFFFFF000  }
0x2a3: {  	_ =	swait.ge [sflag:s0], $0x1000  }
0x2a4: {  	[sflag:s0] =	ssyncset.done $0x0  }
0x2a5: {  	s18 =	rddreg [dreg:$0x12];
	[sflag:s0] =	ssyncadd.s32 $0xFFFFF000  }
0x2a6: {  	[tilespmem:s1], [sflag:$0x2] =	stream.strided.gather [hbm4b:s18+s30], $0x1000, s31, s30, $0x38;
	[tilespmem:$0x1A000] =	vst v63  }
0x2a7: {  	s15 =	simm.s32 $0x0;
	s19 =	rddreg [dreg:$0x13]  }
0x2a8: {  	[tilespmem:s2], [sflag:$0x2] =	stream.strided.gather [hbm4b:s19+s30], $0x1000, s31, s30, $0x38;
	[tilespmem:$0x1A000] =	vst v63  }
0x2a9: {  	v8 =	vld [tilespmem:s15+$0x1000]  }
0x2aa: {  	v9 =	vld [tilespmem:s15+$0x0];
	_ =	sdelay $0x4  }
0x2ab: {  	v15 =	vmul.f32 $2.047000000e+03, v8;
	v8 =	vmul.f32 $2.047000000e+03, v9;
	_ =	sdelay $0x1  }
0x2ac: {  	v9 =	vtrunc.f32 v15;
	v10 =	vtrunc.f32 v8  }
0x2ad: {  	v9 =	vcvt.f32.s32 v9;
	v10 =	vcvt.f32.s32 v10;
	_ =	sdelay $0x1  }
0x2ae: {  	vm6 =	vgt.s32 v9, $0x0;
	vm7 =	vgt.s32 v10, $0x0  }
0x2af: {  	v9 =	vnsel vm6, $0x0, v9;
	v10 =	vnsel vm7, $0x0, v10  }
0x2b0: {  	v11 =	vmin.u32 v9, $0x7FE;
	v9 =	vmin.u32 v9, $0x7FF;
	v12 =	vmin.u32 v10, $0x7FE  }
0x2b1: {  	v16 =	vmin.u32 v10, $0x7FF;
	v11 =	vshll.u32 v11, $0xB;
	v12 =	vadd.s32 $0x1, v12  }
0x2b2: {  	v17 =	vcvt.s32.f32 v9;
	v10 =	vadd.s32 $0x800, v11;
	v11 =	vshll.u32 v9, $0xB  }
0x2b3: {  	v21 =	vcvt.s32.f32 v16;
	v13 =	vor.u32 v16, v10;
	v9 =	vor.u32 v16, v11  }
0x2b4: {  	v10 =	vadd.s32 v12, v10;
	v20 =	vperm.xlane v13, v0;
	v14 =	vperm.xlane v9, v0  }
0x2b5: {  	v12 =	vadd.s32 v12, v11;
	v18 =	vperm.xlane v13, v1;
	v22 =	vperm.xlane v10, v0  }
0x2b6: {  	v17 =	vsub.f32 v15, v17;
	v11 =	vperm.xlane v12, v3;
	v15 =	vperm.xlane v9, v1  }
0x2b7: {  	s16 =	simm.s32 $0x4020;
	s17 =	simm.s32 $0x4020;
	s18 =	simm.s32 $0x40;
	v19 =	vperm.xlane v10, v1;
	v16 =	vperm.xlane v13, v3;
	v20 =	vsel vm0, v22, v20  }
.LBB2_24:
0x2b8: {  	p0 =	sne.s32 s18, $0x3FC0  }
0x2b9: {  	v22 =	vperm.xlane v12, v0;
	v23 =	vperm.xlane v12, v1;
	s17 =	sadd.s32 $0x40, s17;
	s19 =	smov.u32 s18;
	s18 =	sadd.s32 $0x40, s18  }
0x2ba: {  	v18 =	vsel vm0, v19, v18;
	v19 =	vperm.xlane v10, v3;
	v8 =	vsub.f32 v8, v21  }
0x2bb: {  	v13 =	vperm.xlane v13, v2;
	[tilespmem:s15+$0x16000] =	vst v17;
	v17 =	vsel vm1, v20, v22;
	v18 =	vsel vm1, v18, v23  }
0x2bc: {  	v10 =	vperm.xlane v10, v2;
	[tilespmem:s15+$0x14000] =	vst v8;
	v8 =	vsel vm2, v14, v17;
	v14 =	vsel vm2, v15, v18  }
0x2bd: {  	v15 =	vsel vm0, v19, v16;
	[tilespmem:s16+$0xFFFFFFE0] =	vst v8;
	v8 =	vperm.xlane v12, v2;
	v12 =	vperm.xlane v9, v3  }
0x2be: {  	v10 =	vsel vm0, v10, v13;
	v9 =	vperm.xlane v9, v2;
	v11 =	vsel vm1, v15, v11;
	[tilespmem:s16+$0xFFFFFFF0] =	vst v14  }
0x2bf: {  	v8 =	vsel vm1, v10, v8;
	v10 =	vsel vm2, v12, v11  }
0x2c0: {  	v8 =	vsel vm2, v9, v8;
	[tilespmem:s16+$0x10] =	vst v10  }
0x2c1: {  	s15 =	sshra.s32 s19, $0x2;
	[tilespmem:s16+$0x0] =	vst v8;
	s16 =	smov.u32 s17  }
0x2c2: {  	v8 =	vld [tilespmem:s15+$0x1000]  }
0x2c3: {  	v9 =	vld [tilespmem:s15+$0x0];
	_ =	sdelay $0x3  }
0x2c4: {  	v11 =	vmul.f32 $2.047000000e+03, v8  }
0x2c5: {  	v8 =	vmul.f32 $2.047000000e+03, v9  }
0x2c6: {  	v9 =	vtrunc.f32 v11  }
0x2c7: {  	v10 =	vtrunc.f32 v8;
	v9 =	vcvt.f32.s32 v9  }
0x2c8: {  	v10 =	vcvt.f32.s32 v10  }
0x2c9: {  	vm6 =	vgt.s32 v9, $0x0  }
0x2ca: {  	vm7 =	vgt.s32 v10, $0x0;
	v9 =	vnsel vm6, $0x0, v9  }
0x2cb: {  	v10 =	vnsel vm7, $0x0, v10;
	v12 =	vmin.u32 v9, $0x7FF;
	v9 =	vmin.u32 v9, $0x7FE  }
0x2cc: {  	v16 =	vmin.u32 v10, $0x7FF;
	v10 =	vmin.u32 v10, $0x7FE;
	v9 =	vshll.u32 v9, $0xB  }
0x2cd: {  	v15 =	vshll.u32 v12, $0xB;
	v14 =	vadd.s32 $0x1, v10;
	v9 =	vadd.s32 $0x800, v9  }
0x2ce: {  	v17 =	vcvt.s32.f32 v12;
	v13 =	vor.u32 v16, v9;
	v10 =	vadd.s32 v14, v9  }
.Ltmp11:
0x2cf: {  	v9 =	vor.u32 v16, v15;
	v12 =	vadd.s32 v14, v15;
	v20 =	vperm.xlane v13, v0;
	(pc) =	sbr.rel @p0 .LBB2_24-.Ltmp11, $4  }
0x2d0: {  	v17 =	vsub.f32 v11, v17;
	v14 =	vperm.xlane v9, v0;
	v18 =	vperm.xlane v13, v1  }
0x2d1: {  	v22 =	vperm.xlane v10, v0;
	v11 =	vperm.xlane v12, v3  }
0x2d2: {  	v15 =	vperm.xlane v9, v1;
	v19 =	vperm.xlane v10, v1  }
0x2d3: {  	v21 =	vcvt.s32.f32 v16;
	v16 =	vperm.xlane v13, v3;
	v20 =	vsel vm0, v22, v20  }
0x2d4: {  	v22 =	vperm.xlane v12, v0  }
0x2d5: {  	v23 =	vperm.xlane v12, v1;
	v18 =	vsel vm0, v19, v18;
	v19 =	vperm.xlane v10, v3  }
0x2d6: {  	v13 =	vperm.xlane v13, v2;
	v10 =	vperm.xlane v10, v2  }
0x2d7: {  	v8 =	vsub.f32 v8, v21;
	v20 =	vsel vm1, v20, v22  }
0x2d8: {  	[tilespmem:s15+$0x16000] =	vst v17;
	v18 =	vsel vm1, v18, v23;
	v16 =	vsel vm0, v19, v16;
	v10 =	vsel vm0, v10, v13  }
0x2d9: {  	v14 =	vsel vm2, v14, v20;
	[tilespmem:s15+$0x14000] =	vst v8;
	v8 =	vperm.xlane v12, v2;
	v12 =	vperm.xlane v9, v3  }
0x2da: {  	v15 =	vsel vm2, v15, v18;
	v9 =	vperm.xlane v9, v2;
	v11 =	vsel vm1, v16, v11;
	[tilespmem:s16+$0xFFFFFFE0] =	vst v14  }
0x2db: {  	[tilespmem:s16+$0xFFFFFFF0] =	vst v15;
	v8 =	vsel vm1, v10, v8;
	v10 =	vsel vm2, v12, v11  }
0x2dc: {  	v8 =	vsel vm2, v9, v8;
	[tilespmem:s16+$0x10] =	vst v10  }
0x2dd: {  	[tilespmem:s16+$0x0] =	vst v8  }
0x2de: {  	_ =	swait.ge [sflag:s10], $0x4000  }
0x2df: {  	[sflag:s10] =	ssyncset.done $0x0  }
0x2e0: {  	[sflag:s10] =	ssyncadd.s32 $0xFFFFC000  }
0x2e1: {  	[tilespmem:s4], [sflag:$0x3] =	stream.indirect.gather [hbm4b:s28+s3], $0x1, s3, s3, $0xb8;
	[tilespmem:$0x1A000] =	vst v63  }
0x2e2: {  	_ =	swait.ge [sflag:s13], $0x1000  }
0x2e3: {  	[sflag:s13] =	ssyncset.done $0x0  }
0x2e4: {  	s15 =	simm.s32 $0x10020;
	[sflag:s13] =	ssyncadd.s32 $0xFFFFF000  }
0x2e5: {  	v13 =	vld [tilespmem:s15+$0xFFFFFFF0]  }
0x2e6: {  	v10 =	vld [tilespmem:s15+$0x10];
	_ =	sdelay $0x1  }
0x2e7: {  	v17 =	vld [tilespmem:s15+$0x0];
	_ =	sdelay $0x1  }
0x2e8: {  	v8 =	vperm.xlane v13, v6;
	v9 =	vperm.xlane v13, v7  }
0x2e9: {  	v19 =	vperm.xlane v10, v4;
	v11 =	vperm.xlane v10, v5  }
0x2ea: {  	v18 =	vperm.xlane v10, v6;
	v16 =	vperm.xlane v10, v7;
	v10 =	vld [tilespmem:s15+$0xFFFFFFE0]  }
0x2eb: {  	v14 =	vperm.xlane v13, v4;
	v20 =	vperm.xlane v17, v4  }
0x2ec: {  	v15 =	vperm.xlane v17, v6;
	v12 =	vperm.xlane v17, v7  }
0x2ed: {  	s17 =	simm.s32 $0x40;
	s16 =	simm.s32 $0x0;
	v13 =	vperm.xlane v13, v5;
	v17 =	vperm.xlane v17, v5;
	v19 =	vsel vm3, v20, v19  }
.LBB2_26:
0x2ee: {  	p0 =	sne.s32 s17, $0x3FC0  }
0x2ef: {  	v14 =	vsel vm4, v14, v19;
	v15 =	vsel vm3, v15, v18;
	v18 =	vperm.xlane v10, v7;
	s15 =	sadd.s32 $0x40, s15;
	s18 =	smov.u32 s17;
	s17 =	sadd.s32 $0x40, s17  }
0x2f0: {  	v19 =	vperm.xlane v10, v5;
	v20 =	vperm.xlane v10, v6;
	v12 =	vsel vm3, v12, v16;
	s19 =	sshra.s32 s16, $0x2;
	s16 =	smov.u32 s18  }
0x2f1: {  	v10 =	vperm.xlane v10, v4;
	v11 =	vsel vm3, v17, v11;
	v9 =	vsel vm4, v9, v12;
	v12 =	vld [tilespmem:s19+$0x15000]  }
0x2f2: {  	v8 =	vsel vm4, v8, v15;
	v11 =	vsel vm4, v13, v11;
	v9 =	vsel vm5, v18, v9  }
0x2f3: {  	v10 =	vsel vm5, v10, v14;
	v8 =	vsel vm5, v20, v8;
	v11 =	vsel vm5, v19, v11  }
0x2f4: {  	v9 =	vsub.f32 v9, v8;
	v11 =	vsub.f32 v11, v10;
	_ =	sdelay $0x1  }
0x2f5: {  	v11 =	vmul.f32 v12, v11;
	v9 =	vmul.f32 v9, v12  }
0x2f6: {  	v12 =	vld [tilespmem:s19+$0x17000]  }
0x2f7: {  	v10 =	vadd.f32 v11, v10;
	v8 =	vadd.f32 v9, v8;
	_ =	sdelay $0x1  }
0x2f8: {  	v8 =	vsub.f32 v8, v10;
	_ =	sdelay $0x1  }
0x2f9: {  	v8 =	vmul.f32 v8, v12;
	_ =	sdelay $0x1  }
0x2fa: {  	v8 =	vadd.f32 v8, v10;
	_ =	sdelay $0x1  }
0x2fb: {  	[tilespmem:s19+$0x19000] =	vst v8  }
0x2fc: {  	v13 =	vld [tilespmem:s15+$0xFFFFFFF0]  }
0x2fd: {  	v17 =	vld [tilespmem:s15+$0x0]  }
0x2fe: {  	v16 =	vld [tilespmem:s15+$0x10];
	_ =	sdelay $0x2  }
0x2ff: {  	v8 =	vperm.xlane v13, v6;
	v9 =	vperm.xlane v13, v7  }
.Ltmp12:
0x300: {  	v14 =	vperm.xlane v13, v4;
	v10 =	vld [tilespmem:s15+$0xFFFFFFE0];
	v15 =	vperm.xlane v17, v6;
	(pc) =	sbr.rel @p0 .LBB2_26-.Ltmp12, $4  }
0x301: {  	v12 =	vperm.xlane v17, v7;
	v19 =	vperm.xlane v16, v4  }
0x302: {  	v20 =	vperm.xlane v17, v4;
	v11 =	vperm.xlane v16, v5  }
0x303: {  	v18 =	vperm.xlane v16, v6;
	v16 =	vperm.xlane v16, v7  }
0x304: {  	v13 =	vperm.xlane v13, v5;
	v17 =	vperm.xlane v17, v5;
	v19 =	vsel vm3, v20, v19  }
0x305: {  	v14 =	vsel vm4, v14, v19;
	v15 =	vsel vm3, v15, v18;
	v18 =	vperm.xlane v10, v7  }
0x306: {  	v19 =	vperm.xlane v10, v5;
	v20 =	vperm.xlane v10, v6;
	v12 =	vsel vm3, v12, v16;
	s15 =	sshra.s32 s16, $0x2  }
0x307: {  	v10 =	vperm.xlane v10, v4;
	v11 =	vsel vm3, v17, v11;
	v9 =	vsel vm4, v9, v12;
	v12 =	vld [tilespmem:s15+$0x15000]  }
0x308: {  	v8 =	vsel vm4, v8, v15;
	v11 =	vsel vm4, v13, v11;
	v9 =	vsel vm5, v18, v9  }
0x309: {  	v10 =	vsel vm5, v10, v14;
	v8 =	vsel vm5, v20, v8;
	v11 =	vsel vm5, v19, v11  }
0x30a: {  	v9 =	vsub.f32 v9, v8;
	v11 =	vsub.f32 v11, v10;
	_ =	sdelay $0x1  }
0x30b: {  	v11 =	vmul.f32 v12, v11;
	v9 =	vmul.f32 v9, v12  }
0x30c: {  	v12 =	vld [tilespmem:s15+$0x17000]  }
0x30d: {  	v10 =	vadd.f32 v11, v10;
	v8 =	vadd.f32 v9, v8;
	_ =	sdelay $0x1  }
0x30e: {  	v8 =	vsub.f32 v8, v10;
	_ =	sdelay $0x1  }
0x30f: {  	v8 =	vmul.f32 v8, v12;
	_ =	sdelay $0x1  }
0x310: {  	v8 =	vadd.f32 v8, v10;
	_ =	sdelay $0x1  }
0x311: {  	s19 =	simm.s32 $0x0;
	[tilespmem:s15+$0x19000] =	vst v8  }
0x312: {  	[hbm4b:s23+s19] =	stream.linear.scatter [tilespmem:s11], [sflag:$0x6], $0x1000, $0x38;
	[tilespmem:$0x1A000] =	vst v63  }
0x313: {  	_ =	swait.ge [sflag:s5], $0x1000  }
0x314: {  	[sflag:s5] =	ssyncset.done $0x0  }
0x315: {  	[sflag:s5] =	ssyncadd.s32 $0xFFFFF000  }
0x316: {  	_ =	swait.ge [sflag:s5], $0x1000  }
0x317: {  	[sflag:s5] =	ssyncset.done $0x0  }
0x318: {  	s15 =	simm.s32 $0x0;
	[sflag:s5] =	ssyncadd.s32 $0xFFFFF000  }
0x319: {  	v8 =	vld [tilespmem:s15+$0x3000]  }
0x31a: {  	v9 =	vld [tilespmem:s15+$0x2000];
	_ =	sdelay $0x4  }
0x31b: {  	v15 =	vmul.f32 $2.047000000e+03, v8;
	v8 =	vmul.f32 $2.047000000e+03, v9;
	_ =	sdelay $0x1  }
0x31c: {  	v9 =	vtrunc.f32 v15;
	v10 =	vtrunc.f32 v8  }
0x31d: {  	v9 =	vcvt.f32.s32 v9;
	v10 =	vcvt.f32.s32 v10;
	_ =	sdelay $0x1  }
0x31e: {  	vm6 =	vgt.s32 v9, $0x0;
	vm7 =	vgt.s32 v10, $0x0  }
0x31f: {  	v9 =	vnsel vm6, $0x0, v9;
	v10 =	vnsel vm7, $0x0, v10  }
0x320: {  	v11 =	vmin.u32 v9, $0x7FE;
	v9 =	vmin.u32 v9, $0x7FF;
	v12 =	vmin.u32 v10, $0x7FE  }
0x321: {  	v16 =	vmin.u32 v10, $0x7FF;
	v11 =	vshll.u32 v11, $0xB;
	v12 =	vadd.s32 $0x1, v12  }
0x322: {  	v17 =	vcvt.s32.f32 v9;
	v10 =	vadd.s32 $0x800, v11;
	v11 =	vshll.u32 v9, $0xB  }
0x323: {  	v21 =	vcvt.s32.f32 v16;
	v13 =	vor.u32 v16, v10;
	v9 =	vor.u32 v16, v11  }
0x324: {  	v10 =	vadd.s32 v12, v10;
	v20 =	vperm.xlane v13, v0;
	v14 =	vperm.xlane v9, v0  }
0x325: {  	v12 =	vadd.s32 v12, v11;
	v18 =	vperm.xlane v13, v1;
	v22 =	vperm.xlane v10, v0  }
0x326: {  	v17 =	vsub.f32 v15, v17;
	v11 =	vperm.xlane v12, v3;
	v15 =	vperm.xlane v9, v1  }
0x327: {  	s17 =	simm.s32 $0x8020;
	s18 =	simm.s32 $0x40;
	s16 =	simm.s32 $0x8020;
	v19 =	vperm.xlane v10, v1;
	v16 =	vperm.xlane v13, v3;
	v20 =	vsel vm0, v22, v20  }
.LBB2_28:
0x328: {  	p0 =	sne.s32 s18, $0x3FC0  }
0x329: {  	v22 =	vperm.xlane v12, v0;
	v23 =	vperm.xlane v12, v1;
	s17 =	sadd.s32 $0x40, s17;
	s19 =	smov.u32 s18;
	s18 =	sadd.s32 $0x40, s18  }
0x32a: {  	v18 =	vsel vm0, v19, v18;
	v19 =	vperm.xlane v10, v3;
	v8 =	vsub.f32 v8, v21  }
0x32b: {  	v13 =	vperm.xlane v13, v2;
	[tilespmem:s15+$0x17000] =	vst v17;
	v17 =	vsel vm1, v20, v22;
	v18 =	vsel vm1, v18, v23  }
0x32c: {  	v10 =	vperm.xlane v10, v2;
	[tilespmem:s15+$0x15000] =	vst v8;
	v8 =	vsel vm2, v14, v17;
	v14 =	vsel vm2, v15, v18  }
0x32d: {  	v15 =	vsel vm0, v19, v16;
	[tilespmem:s16+$0xFFFFFFE0] =	vst v8;
	v8 =	vperm.xlane v12, v2;
	v12 =	vperm.xlane v9, v3  }
0x32e: {  	v10 =	vsel vm0, v10, v13;
	v9 =	vperm.xlane v9, v2;
	v11 =	vsel vm1, v15, v11;
	[tilespmem:s16+$0xFFFFFFF0] =	vst v14  }
0x32f: {  	v8 =	vsel vm1, v10, v8;
	v10 =	vsel vm2, v12, v11  }
0x330: {  	v8 =	vsel vm2, v9, v8;
	[tilespmem:s16+$0x10] =	vst v10  }
0x331: {  	s15 =	sshra.s32 s19, $0x2;
	[tilespmem:s16+$0x0] =	vst v8;
	s16 =	smov.u32 s17  }
0x332: {  	v8 =	vld [tilespmem:s15+$0x3000]  }
0x333: {  	v9 =	vld [tilespmem:s15+$0x2000];
	_ =	sdelay $0x3  }
0x334: {  	v11 =	vmul.f32 $2.047000000e+03, v8  }
0x335: {  	v8 =	vmul.f32 $2.047000000e+03, v9  }
0x336: {  	v9 =	vtrunc.f32 v11  }
0x337: {  	v10 =	vtrunc.f32 v8;
	v9 =	vcvt.f32.s32 v9  }
0x338: {  	v10 =	vcvt.f32.s32 v10  }
0x339: {  	vm6 =	vgt.s32 v9, $0x0  }
0x33a: {  	vm7 =	vgt.s32 v10, $0x0;
	v9 =	vnsel vm6, $0x0, v9  }
0x33b: {  	v10 =	vnsel vm7, $0x0, v10;
	v12 =	vmin.u32 v9, $0x7FF;
	v9 =	vmin.u32 v9, $0x7FE  }
0x33c: {  	v16 =	vmin.u32 v10, $0x7FF;
	v10 =	vmin.u32 v10, $0x7FE;
	v9 =	vshll.u32 v9, $0xB  }
0x33d: {  	v15 =	vshll.u32 v12, $0xB;
	v14 =	vadd.s32 $0x1, v10;
	v9 =	vadd.s32 $0x800, v9  }
0x33e: {  	v17 =	vcvt.s32.f32 v12;
	v13 =	vor.u32 v16, v9;
	v10 =	vadd.s32 v14, v9  }
.Ltmp13:
0x33f: {  	v9 =	vor.u32 v16, v15;
	v12 =	vadd.s32 v14, v15;
	v20 =	vperm.xlane v13, v0;
	(pc) =	sbr.rel @p0 .LBB2_28-.Ltmp13, $4  }
0x340: {  	v17 =	vsub.f32 v11, v17;
	v14 =	vperm.xlane v9, v0;
	v18 =	vperm.xlane v13, v1  }
0x341: {  	v22 =	vperm.xlane v10, v0;
	v11 =	vperm.xlane v12, v3  }
0x342: {  	v15 =	vperm.xlane v9, v1;
	v19 =	vperm.xlane v10, v1  }
0x343: {  	v21 =	vcvt.s32.f32 v16;
	v16 =	vperm.xlane v13, v3;
	v20 =	vsel vm0, v22, v20  }
0x344: {  	v22 =	vperm.xlane v12, v0  }
0x345: {  	v23 =	vperm.xlane v12, v1;
	v18 =	vsel vm0, v19, v18;
	v19 =	vperm.xlane v10, v3  }
0x346: {  	v13 =	vperm.xlane v13, v2;
	v10 =	vperm.xlane v10, v2  }
0x347: {  	v8 =	vsub.f32 v8, v21;
	v20 =	vsel vm1, v20, v22  }
0x348: {  	[tilespmem:s15+$0x17000] =	vst v17;
	v18 =	vsel vm1, v18, v23;
	v16 =	vsel vm0, v19, v16;
	v10 =	vsel vm0, v10, v13  }
0x349: {  	v14 =	vsel vm2, v14, v20;
	[tilespmem:s15+$0x15000] =	vst v8;
	v8 =	vperm.xlane v12, v2;
	v12 =	vperm.xlane v9, v3  }
0x34a: {  	v15 =	vsel vm2, v15, v18;
	v9 =	vperm.xlane v9, v2;
	v11 =	vsel vm1, v16, v11;
	[tilespmem:s16+$0xFFFFFFE0] =	vst v14  }
0x34b: {  	[tilespmem:s16+$0xFFFFFFF0] =	vst v15;
	v8 =	vsel vm1, v10, v8;
	v10 =	vsel vm2, v12, v11  }
0x34c: {  	v8 =	vsel vm2, v9, v8;
	[tilespmem:s16+$0x10] =	vst v10  }
0x34d: {  	[tilespmem:s16+$0x0] =	vst v8  }
0x34e: {  	_ =	swait.ge [sflag:s6], $0x4000  }
0x34f: {  	[sflag:s6] =	ssyncset.done $0x0  }
0x350: {  	[sflag:s6] =	ssyncadd.s32 $0xFFFFC000  }
0x351: {  	[tilespmem:s8], [sflag:$0x4] =	stream.indirect.gather [hbm4b:s28+s3], $0x1, s7, s3, $0xb8;
	[tilespmem:$0x1A000] =	vst v63  }
0x352: {  	_ =	swait.ge [sflag:s12], $0x1000  }
0x353: {  	[sflag:s12] =	ssyncset.done $0x0  }
0x354: {  	s15 =	simm.s32 $0xC020;
	[sflag:s12] =	ssyncadd.s32 $0xFFFFF000  }
0x355: {  	v13 =	vld [tilespmem:s15+$0xFFFFFFF0]  }
0x356: {  	v10 =	vld [tilespmem:s15+$0x10];
	_ =	sdelay $0x1  }
0x357: {  	v17 =	vld [tilespmem:s15+$0x0];
	_ =	sdelay $0x1  }
0x358: {  	v8 =	vperm.xlane v13, v6;
	v9 =	vperm.xlane v13, v7  }
0x359: {  	v19 =	vperm.xlane v10, v4;
	v11 =	vperm.xlane v10, v5  }
0x35a: {  	v18 =	vperm.xlane v10, v6;
	v16 =	vperm.xlane v10, v7;
	v10 =	vld [tilespmem:s15+$0xFFFFFFE0]  }
0x35b: {  	v14 =	vperm.xlane v13, v4;
	v20 =	vperm.xlane v17, v4  }
0x35c: {  	v15 =	vperm.xlane v17, v6;
	v12 =	vperm.xlane v17, v7  }
0x35d: {  	s17 =	simm.s32 $0x40;
	s16 =	simm.s32 $0x0;
	v13 =	vperm.xlane v13, v5;
	v17 =	vperm.xlane v17, v5;
	v19 =	vsel vm3, v20, v19  }
.LBB2_30:
0x35e: {  	p0 =	sne.s32 s17, $0x3FC0  }
0x35f: {  	v14 =	vsel vm4, v14, v19;
	v15 =	vsel vm3, v15, v18;
	v18 =	vperm.xlane v10, v7;
	s15 =	sadd.s32 $0x40, s15;
	s18 =	smov.u32 s17;
	s17 =	sadd.s32 $0x40, s17  }
0x360: {  	v19 =	vperm.xlane v10, v5;
	v20 =	vperm.xlane v10, v6;
	v12 =	vsel vm3, v12, v16;
	s19 =	sshra.s32 s16, $0x2;
	s16 =	smov.u32 s18  }
0x361: {  	v10 =	vperm.xlane v10, v4;
	v11 =	vsel vm3, v17, v11;
	v9 =	vsel vm4, v9, v12;
	v12 =	vld [tilespmem:s19+$0x14000]  }
0x362: {  	v8 =	vsel vm4, v8, v15;
	v11 =	vsel vm4, v13, v11;
	v9 =	vsel vm5, v18, v9  }
0x363: {  	v10 =	vsel vm5, v10, v14;
	v8 =	vsel vm5, v20, v8;
	v11 =	vsel vm5, v19, v11  }
0x364: {  	v9 =	vsub.f32 v9, v8;
	v11 =	vsub.f32 v11, v10;
	_ =	sdelay $0x1  }
0x365: {  	v11 =	vmul.f32 v12, v11;
	v9 =	vmul.f32 v9, v12  }
0x366: {  	v12 =	vld [tilespmem:s19+$0x16000]  }
0x367: {  	v10 =	vadd.f32 v11, v10;
	v8 =	vadd.f32 v9, v8;
	_ =	sdelay $0x1  }
0x368: {  	v8 =	vsub.f32 v8, v10;
	_ =	sdelay $0x1  }
0x369: {  	v8 =	vmul.f32 v8, v12;
	_ =	sdelay $0x1  }
0x36a: {  	v8 =	vadd.f32 v8, v10;
	_ =	sdelay $0x1  }
0x36b: {  	[tilespmem:s19+$0x18000] =	vst v8  }
0x36c: {  	v13 =	vld [tilespmem:s15+$0xFFFFFFF0]  }
0x36d: {  	v17 =	vld [tilespmem:s15+$0x0]  }
0x36e: {  	v16 =	vld [tilespmem:s15+$0x10];
	_ =	sdelay $0x2  }
0x36f: {  	v8 =	vperm.xlane v13, v6;
	v9 =	vperm.xlane v13, v7  }
.Ltmp14:
0x370: {  	v14 =	vperm.xlane v13, v4;
	v10 =	vld [tilespmem:s15+$0xFFFFFFE0];
	v15 =	vperm.xlane v17, v6;
	(pc) =	sbr.rel @p0 .LBB2_30-.Ltmp14, $4  }
0x371: {  	v12 =	vperm.xlane v17, v7;
	v19 =	vperm.xlane v16, v4  }
0x372: {  	v20 =	vperm.xlane v17, v4;
	v11 =	vperm.xlane v16, v5  }
0x373: {  	v18 =	vperm.xlane v16, v6;
	v16 =	vperm.xlane v16, v7  }
0x374: {  	v13 =	vperm.xlane v13, v5;
	v17 =	vperm.xlane v17, v5;
	v19 =	vsel vm3, v20, v19  }
0x375: {  	v14 =	vsel vm4, v14, v19;
	v15 =	vsel vm3, v15, v18;
	v18 =	vperm.xlane v10, v7  }
0x376: {  	v19 =	vperm.xlane v10, v5;
	v20 =	vperm.xlane v10, v6;
	v12 =	vsel vm3, v12, v16;
	s15 =	sshra.s32 s16, $0x2  }
0x377: {  	v10 =	vperm.xlane v10, v4;
	v11 =	vsel vm3, v17, v11;
	v9 =	vsel vm4, v9, v12;
	v12 =	vld [tilespmem:s15+$0x14000]  }
0x378: {  	v8 =	vsel vm4, v8, v15;
	v11 =	vsel vm4, v13, v11;
	v9 =	vsel vm5, v18, v9  }
0x379: {  	v10 =	vsel vm5, v10, v14;
	v8 =	vsel vm5, v20, v8;
	v11 =	vsel vm5, v19, v11  }
0x37a: {  	v9 =	vsub.f32 v9, v8;
	v11 =	vsub.f32 v11, v10;
	_ =	sdelay $0x1  }
0x37b: {  	v11 =	vmul.f32 v12, v11;
	v9 =	vmul.f32 v9, v12  }
0x37c: {  	v12 =	vld [tilespmem:s15+$0x16000]  }
0x37d: {  	v10 =	vadd.f32 v11, v10;
	v8 =	vadd.f32 v9, v8;
	_ =	sdelay $0x1  }
0x37e: {  	v8 =	vsub.f32 v8, v10;
	_ =	sdelay $0x1  }
0x37f: {  	v8 =	vmul.f32 v8, v12;
	_ =	sdelay $0x1  }
0x380: {  	v8 =	vadd.f32 v8, v10;
	_ =	sdelay $0x1  }
0x381: {  	[tilespmem:s15+$0x18000] =	vst v8;
	s15 =	simm.s32 $0x0  }
0x382: {  	[hbm4b:s25+s15] =	stream.linear.scatter [tilespmem:s9], [sflag:$0x5], $0x1000, $0x38;
	[tilespmem:$0x1A000] =	vst v63  }
0x383: {  	_ =	swait.ge [sflag:s10], $0x4000  }
0x384: {  	[sflag:s10] =	ssyncset.done $0x0  }
0x385: {  	[sflag:s10] =	ssyncadd.s32 $0xFFFFC000  }
0x386: {  	_ =	swait.ge [sflag:s13], $0x1000  }
0x387: {  	[sflag:s13] =	ssyncset.done $0x0  }
0x388: {  	s16 =	simm.s32 $0x10020;
	[sflag:s13] =	ssyncadd.s32 $0xFFFFF000  }
0x389: {  	v13 =	vld [tilespmem:s16+$0xFFFFFFF0]  }
0x38a: {  	v10 =	vld [tilespmem:s16+$0x10];
	_ =	sdelay $0x1  }
0x38b: {  	v17 =	vld [tilespmem:s16+$0x0];
	_ =	sdelay $0x1  }
0x38c: {  	v8 =	vperm.xlane v13, v6;
	v9 =	vperm.xlane v13, v7  }
0x38d: {  	v19 =	vperm.xlane v10, v4;
	v11 =	vperm.xlane v10, v5  }
0x38e: {  	v18 =	vperm.xlane v10, v6;
	v16 =	vperm.xlane v10, v7;
	v10 =	vld [tilespmem:s16+$0xFFFFFFE0]  }
0x38f: {  	v14 =	vperm.xlane v13, v4;
	v20 =	vperm.xlane v17, v4  }
0x390: {  	v15 =	vperm.xlane v17, v6;
	v12 =	vperm.xlane v17, v7  }
0x391: {  	s17 =	simm.s32 $0x40;
	v13 =	vperm.xlane v13, v5;
	v17 =	vperm.xlane v17, v5;
	v19 =	vsel vm3, v20, v19  }
.LBB2_32:
0x392: {  	p0 =	sne.s32 s17, $0x3FC0  }
0x393: {  	v14 =	vsel vm4, v14, v19;
	v15 =	vsel vm3, v15, v18;
	v18 =	vperm.xlane v10, v7;
	s16 =	sadd.s32 $0x40, s16;
	s18 =	smov.u32 s17;
	s17 =	sadd.s32 $0x40, s17  }
0x394: {  	v19 =	vperm.xlane v10, v5;
	v20 =	vperm.xlane v10, v6;
	v12 =	vsel vm3, v12, v16;
	s19 =	sshra.s32 s15, $0x2;
	s15 =	smov.u32 s18  }
0x395: {  	v10 =	vperm.xlane v10, v4;
	v11 =	vsel vm3, v17, v11;
	v9 =	vsel vm4, v9, v12;
	v12 =	vld [tilespmem:s19+$0x15000]  }
0x396: {  	v8 =	vsel vm4, v8, v15;
	v11 =	vsel vm4, v13, v11;
	v9 =	vsel vm5, v18, v9  }
0x397: {  	v10 =	vsel vm5, v10, v14;
	v8 =	vsel vm5, v20, v8;
	v11 =	vsel vm5, v19, v11  }
0x398: {  	v9 =	vsub.f32 v9, v8;
	v11 =	vsub.f32 v11, v10;
	_ =	sdelay $0x1  }
0x399: {  	v11 =	vmul.f32 v12, v11;
	v9 =	vmul.f32 v9, v12  }
0x39a: {  	v12 =	vld [tilespmem:s19+$0x17000]  }
0x39b: {  	v10 =	vadd.f32 v11, v10;
	v8 =	vadd.f32 v9, v8;
	_ =	sdelay $0x1  }
0x39c: {  	v8 =	vsub.f32 v8, v10;
	_ =	sdelay $0x1  }
0x39d: {  	v8 =	vmul.f32 v8, v12;
	_ =	sdelay $0x1  }
0x39e: {  	v8 =	vadd.f32 v8, v10;
	_ =	sdelay $0x1  }
0x39f: {  	[tilespmem:s19+$0x19000] =	vst v8  }
0x3a0: {  	v13 =	vld [tilespmem:s16+$0xFFFFFFF0]  }
0x3a1: {  	v17 =	vld [tilespmem:s16+$0x0]  }
0x3a2: {  	v16 =	vld [tilespmem:s16+$0x10];
	_ =	sdelay $0x2  }
0x3a3: {  	v8 =	vperm.xlane v13, v6;
	v9 =	vperm.xlane v13, v7  }
.Ltmp15:
0x3a4: {  	v14 =	vperm.xlane v13, v4;
	v10 =	vld [tilespmem:s16+$0xFFFFFFE0];
	v15 =	vperm.xlane v17, v6;
	(pc) =	sbr.rel @p0 .LBB2_32-.Ltmp15, $4  }
0x3a5: {  	v12 =	vperm.xlane v17, v7;
	v19 =	vperm.xlane v16, v4  }
0x3a6: {  	v20 =	vperm.xlane v17, v4;
	v11 =	vperm.xlane v16, v5  }
0x3a7: {  	v18 =	vperm.xlane v16, v6;
	v16 =	vperm.xlane v16, v7  }
0x3a8: {  	v13 =	vperm.xlane v13, v5;
	v17 =	vperm.xlane v17, v5;
	v19 =	vsel vm3, v20, v19  }
0x3a9: {  	v14 =	vsel vm4, v14, v19;
	v15 =	vsel vm3, v15, v18;
	v59 =	vperm.xlane v10, v7  }
0x3aa: {  	v60 =	vperm.xlane v10, v5;
	v20 =	vperm.xlane v10, v6;
	v12 =	vsel vm3, v12, v16;
	s15 =	sshra.s32 s15, $0x2  }
0x3ab: {  	v61 =	vperm.xlane v10, v4;
	v11 =	vsel vm3, v17, v11;
	v9 =	vsel vm4, v9, v12;
	v62 =	vld [tilespmem:s15+$0x15000]  }
0x3ac: {  	v8 =	vsel vm4, v8, v15;
	v11 =	vsel vm4, v13, v11;
	v9 =	vsel vm5, v59, v9  }
0x3ad: {  	v10 =	vsel vm5, v61, v14;
	v8 =	vsel vm5, v20, v8;
	v11 =	vsel vm5, v60, v11  }
0x3ae: {  	v9 =	vsub.f32 v9, v8;
	v11 =	vsub.f32 v11, v10;
	_ =	sdelay $0x1  }
0x3af: {  	v11 =	vmul.f32 v62, v11;
	v9 =	vmul.f32 v9, v62  }
0x3b0: {  	v63 =	vld [tilespmem:s15+$0x17000]  }
0x3b1: {  	v10 =	vadd.f32 v11, v10;
	v8 =	vadd.f32 v9, v8;
	_ =	sdelay $0x1  }
0x3b2: {  	v8 =	vsub.f32 v8, v10;
	_ =	sdelay $0x1  }
0x3b3: {  	v8 =	vmul.f32 v8, v63;
	_ =	sdelay $0x1  }
0x3b4: {  	v8 =	vadd.f32 v8, v10;
	_ =	sdelay $0x1  }
0x3b5: {  	s16 =	simm.s32 $0x0;
	s14 =	sadd.s32 $0x1, s14;
	[tilespmem:s15+$0x19000] =	vst v8  }
0x3b6: {  	[hbm4b:s26+s16] =	stream.linear.scatter [tilespmem:s11], [sflag:$0x6], $0x1000, $0x38;
	[tilespmem:$0x1A000] =	vst v63  }
0x3b7: {  	p0 =	sne.s32 s14, s29;
	_ =	swait.ge [sflag:s13], $0x1000  }
.Ltmp16:
0x3b8: {  	[sflag:s13] =	ssyncset.done $0x0;
	(pc) =	sbr.rel @p0 .LBB2_1-.Ltmp16, $4  }
0x3b9: {  	[sflag:s13] =	ssyncadd.s32 $0xFFFFF000  }
0x3ba: {  	_ =	swait.ge [sflag:s12], $0x1000  }
0x3bb: {  	[sflag:s12] =	ssyncset.done $0x0  }
0x3bc: {  	[sflag:s12] =	ssyncadd.s32 $0xFFFFF000  }
0x3bd: {  	_ =	sfence.sel $0x180000  }
0x3be: {  	[bflag:$0x0] =	sbarrier.arrive $0xFFFF  }
0x3bf: {  	_ =	strace $0x90000047  }
0x3c0: {  	s0 =	stileid.u32;
	[bflag:$0x2] =	sbarrier.arrive $0xFFFF  }
0x3c1: {  	p0 =	sne.s32 s0, $0x0;
	s0 =	rddreg [dreg:$0x3]  }
0x3c2: {  	s0 =	sadd.s32 @!p0 $0x100000, s0  }
0x3c3: {  	[sflag:s0] =	ssyncadd.tile.s32 @!p0 $0x1;
	_ =	shalt  }
.Lfunc_end2:
_tile_overlayer_lowered:
.L_overlay_start_2:
0x3c4: {  	(tag) =	ssettag $0x2  }
0x3c5: {  	s0 =	rddreg [dreg:$0x0];
	s2 =	stileid.u32  }
0x3c6: {  	s1 =	rddreg [dreg:$0x1];
	p0 =	sne.s32 s2, $0x0  }
0x3c7: {  	s3 =	rddreg [dreg:$0x2];
	[bflag:$0x3] =	sbarrier.arrive $0xFFFF;
	s2 =	simm.s32 @!p0 $0x1C07  }
0x3c8: {  	[timem:s3], [sflag:s2] =	dma.local @!p0 [hbm:s0], s1  }
0x3c9: {  	s0 =	simm.s32 @!p0 $0x7  }
0x3ca: {  	_ =	swait.ge @!p0 [sflag:s0], s1  }
0x3cb: {  	s1 =	ssub.s32 @!p0 $0x0, s1;
	[sflag:s0] =	ssyncset.done @!p0 $0x0  }
0x3cc: {  	[sflag:s0] =	ssyncadd.s32 @!p0 s1  }
0x3cd: {  	[bflag:$0x3] =	sbarrier.arrive $0xFFFF  }
0x3ce: {  	_ =	shalt  }

</sc_bundles>
